<compile_context>
chip_gen: v7x
topology: tpu7x:2x2x1
jax: 0.10.2.dev20260603
libtpu: 0.0.44.dev20260713+nightly
codegen_flags: <defaults>
</compile_context>

<pallas_src>
import functools

import numpy as np

import jax
import jax.numpy as jnp
from jax import lax
from jax.experimental import pallas as pl
from jax.experimental.pallas import tpu as pltpu
from jax.experimental.pallas import tpu_sc as plsc

N_ROWS = 1000
D_OUT = 1001
D_PAD = 1024
B_TOTAL = 4096 * 20


def _fuse_body(emb_ref, w_ref, b_ref, t_ref):
    t = lax.dot_general(
        emb_ref[...], w_ref[...],
        (((1,), (1,)), ((), ())),
        preferred_element_type=jnp.float32,
    ) + b_ref[...]
    u = lax.bitcast_convert_type(t, jnp.uint32) + jnp.uint32(0x8000)
    lo = u[:, : D_PAD // 2] >> 16
    hi = u[:, D_PAD // 2 :] & jnp.uint32(0xFFFF0000)
    t_ref[...] = lax.bitcast_convert_type(lo | hi, jnp.float32)


def _fuse_table(emb, W, b):
    W_pad = jnp.pad(W, ((0, D_PAD - D_OUT), (0, 0)))
    b_pad = jnp.pad(b, (0, D_PAD - D_OUT)).reshape(1, D_PAD)
    return pl.pallas_call(
        _fuse_body,
        out_shape=jax.ShapeDtypeStruct((N_ROWS, D_PAD // 2), jnp.float32),
    )(emb, W_pad, b_pad)


def _make_gather(B, D, chunk):
    info = plsc.get_sparse_core_info()
    nc, ns = info.num_cores, info.num_subcores
    nw = nc * ns
    b_per_w = B // nw
    n_chunks = b_per_w // chunk
    assert b_per_w % chunk == 0 and chunk % 8 == 0

    mesh = plsc.VectorSubcoreMesh(core_axis_name="c", subcore_axis_name="s")

    assert n_chunks % 2 == 0

    @functools.partial(
        pl.kernel,
        out_type=jax.ShapeDtypeStruct((B, D), jnp.float32),
        mesh=mesh,
        scratch_types=[
            pltpu.VMEM((n_chunks, chunk), jnp.int32),
            pltpu.VMEM((chunk, D), jnp.float32),
            pltpu.VMEM((chunk, D), jnp.float32),
            pltpu.SemaphoreType.DMA,
            pltpu.SemaphoreType.DMA,
        ],
    )
    def gather_kernel(table_hbm, idx_hbm, out_hbm, idx_v, rows0, rows1, g0, g1):
        wid = lax.axis_index("s") * nc + lax.axis_index("c")
        base = wid * b_per_w
        pltpu.sync_copy(idx_hbm.at[pl.ds(wid * n_chunks, n_chunks)], idx_v)

        pltpu.async_copy(table_hbm.at[idx_v.at[0]], rows0, g0)
        pltpu.async_copy(table_hbm.at[idx_v.at[1]], rows1, g1)

        def pair_body(k, carry):
            i = 2 * k

            def do_half(i, rows, sem):
                pltpu.make_async_copy(
                    table_hbm.at[idx_v.at[i]], rows, sem
                ).wait()
                pltpu.sync_copy(
                    rows, out_hbm.at[pl.ds(base + i * chunk, chunk)]
                )

                @pl.when(i + 2 < n_chunks)
                def _():
                    pltpu.async_copy(
                        table_hbm.at[idx_v.at[i + 2]], rows, sem
                    )

            do_half(i, rows0, g0)
            do_half(i + 1, rows1, g1)
            return carry

        lax.fori_loop(0, n_chunks // 2, pair_body, 0)

    return gather_kernel


_CHUNK = 40
_N_ITEMS = 4096
_T_STEPS = 20
_NBLK = 128
_SLABS = 4

_B_SLAB = B_TOTAL // _SLABS
_gather = _make_gather(_B_SLAB, D_PAD // 2, _CHUNK)


def _transpose_body(in_ref, out_ref):
    half = D_PAD // 2
    x = in_ref[...].reshape(_NBLK, _T_STEPS, half)
    for j in range(_T_STEPS):
        y = lax.bitcast_convert_type(x[:, j, :].T, jnp.uint32)
        lo = lax.bitcast_convert_type(y << 16, jnp.float32)
        hi = lax.bitcast_convert_type(y & jnp.uint32(0xFFFF0000), jnp.float32)
        out_ref[j, pl.ds(0, half)] = lo
        out_ref[j, pl.ds(half, D_OUT - half)] = hi[: D_OUT - half]


def _transpose_alias_body(in_ref, acc_ref, out_ref):
    del acc_ref
    _transpose_body(in_ref, out_ref)


def _transpose_pack(flat_slab, slab, acc):
    grid = _N_ITEMS // _SLABS // _NBLK
    out_shape = jax.ShapeDtypeStruct((_T_STEPS, D_OUT, _N_ITEMS), jnp.float32)
    out_spec = pl.BlockSpec(
        (_T_STEPS, D_OUT, _NBLK), lambda g, s=slab, n=grid: (0, 0, s * n + g)
    )
    in_spec = pl.BlockSpec((_NBLK * _T_STEPS, D_PAD // 2), lambda g: (g, 0))
    params = pltpu.CompilerParams(vmem_limit_bytes=100 * 1024 * 1024)
    if acc is None:
        return pl.pallas_call(
            _transpose_body,
            grid=(grid,),
            in_specs=[in_spec],
            out_specs=out_spec,
            out_shape=out_shape,
            compiler_params=params,
        )(flat_slab)
    return pl.pallas_call(
        _transpose_alias_body,
        grid=(grid,),
        in_specs=[in_spec, pl.BlockSpec(memory_space=pl.ANY)],
        out_specs=out_spec,
        out_shape=out_shape,
        input_output_aliases={1: 0},
        compiler_params=params,
    )(flat_slab, acc)


def kernel(x, emb, W, b):
    table = _fuse_table(emb, W, b)
    idx = x.reshape(_SLABS, _B_SLAB // _CHUNK, _CHUNK).astype(jnp.int32)
    acc = None
    for s in range(_SLABS):
        flat = _gather(table, idx[s])
        acc = _transpose_pack(flat, s, acc)
    return jnp.transpose(acc, (2, 0, 1))

# --- scband reference (transcript-rebuilt; emitter-appended) ---
"""Pipeline reference for scband-policy-82635170775286 (READ-ONLY COPY).

The authoritative reference and input builder live on the scoring server;
editing this copy changes nothing except your own understanding.
"""

import jax, jax.numpy as jnp
import numpy as np

N_STATES = 1000


def setup_inputs(seed: int = 0) -> dict:
    key = jax.random.key(seed)
    k1, k2, k3 = jax.random.split(key, 3)
    # forward arg per input_specs: int64 indices in [0, n_states)
    x = jax.random.randint(k1, (4096, 20), 0, N_STATES)
    # learned parameters sized per init_kwargs
    # torch.nn.Embedding(n_states, n_states) -> table [n_states, n_states], N(0,1) init
    emb = jax.random.normal(k2, (N_STATES, N_STATES), dtype=jnp.float32)
    # torch.nn.Linear(n_states, n_states + 1) -> W [n_states+1, n_states], b [n_states+1]
    bound = 1.0 / np.sqrt(N_STATES)
    W = jax.random.uniform(k3, (N_STATES + 1, N_STATES), dtype=jnp.float32, minval=-bound, maxval=bound)
    b = jnp.zeros((N_STATES + 1,), dtype=jnp.float32)
    return {"x": x, "emb": emb, "W": W, "b": b}


def reference(x, emb, W, b):
    # x = self.embedding(x)  -> row gather from the embedding table
    h = jnp.take(emb, x, axis=0)  # [4096, 20, N_STATES]
    # x = self.linear(x)     -> affine map to n_states + 1 logits
    out = h @ W.T + b  # [4096, 20, N_STATES + 1]
    return out

if __name__ == "__main__":
    import jax
    _d = setup_inputs()
    print(jax.jit(kernel)(*tuple(_d.values())))

</pallas_src>

<mosaic_0001>
#map = affine_map<(d0, d1) -> (0, 0)>
module attributes {stable_mosaic.version = 14 : i64} {
  func.func @gather_kernel(%arg0: i32, %arg1: i32, %arg2: memref<1000x512xf32, #tpu.memory_space<hbm>>, %arg3: memref<512x40xi32, #tpu.memory_space<hbm>>, %arg4: memref<20480x512xf32, #tpu.memory_space<hbm>>, %arg5: memref<16x40xi32, #tpu.memory_space<vmem>>, %arg6: memref<40x512xf32, #tpu.memory_space<vmem>>, %arg7: memref<40x512xf32, #tpu.memory_space<vmem>>, %arg8: memref<!tpu.dma_semaphore, #tpu.memory_space<semaphore_mem>>, %arg9: memref<!tpu.dma_semaphore, #tpu.memory_space<semaphore_mem>>) attributes {dimension_semantics = [#tpu.dimension_semantics<core_parallel>, #tpu.dimension_semantics<subcore_parallel>], iteration_bounds = array<i64: 2, 16>, scalar_prefetch = 0 : i64, scratch_operands = 5 : i64, tpu.core_type = #tpu.core_type<sc_vector_subcore>, window_params = [{transform_indices = #map}, {transform_indices = #map}, {transform_indices = #map}]} {
    %mul3A = arith.constant 2 : i32
    %mul3A_0 = arith.muli %arg1, %mul3A : i32
    %add3A = arith.addi %mul3A_0, %arg0 : i32
    %mul3A_1 = arith.constant 640 : i32
    %mul3A_2 = arith.muli %add3A, %mul3A_1 : i32
    %mul3A_3 = arith.constant 16 : i32
    %mul3A_4 = arith.muli %add3A, %mul3A_3 : i32
    "tpu.region"() ({
      %run_scoped3A = tpu.sem_alloc : memref<!tpu.dma_semaphore, #tpu.memory_space<semaphore_mem>>
      %dma_start3A_23 = arith.constant 0 : i32
      %dma_start3A_24 = tpu.memref_slice %arg3[%mul3A_4, %dma_start3A_23] : memref<512x40xi32, #tpu.memory_space<hbm>> -> memref<16x40xi32, #tpu.memory_space<hbm>>
      %dma_start3A_25 = arith.constant 0 : i32
      %dma_start3A_26 = tpu.memref_slice %arg3[%mul3A_4, %dma_start3A_25] : memref<512x40xi32, #tpu.memory_space<hbm>> -> memref<16x40xi32, #tpu.memory_space<hbm>>
      tpu.enqueue_dma source(%dma_start3A_26 : memref<16x40xi32, #tpu.memory_space<hbm>>) target(%arg5 : memref<16x40xi32, #tpu.memory_space<vmem>>) target_semaphore(%run_scoped3A : memref<!tpu.dma_semaphore, #tpu.memory_space<semaphore_mem>>)
      %dma_wait3A = arith.constant 0 : i32
      %dma_wait3A_27 = tpu.memref_slice %arg3[%mul3A_4, %dma_wait3A] : memref<512x40xi32, #tpu.memory_space<hbm>> -> memref<16x40xi32, #tpu.memory_space<hbm>>
      %dma_wait3A_28 = arith.constant 0 : i32
      %dma_wait3A_29 = tpu.memref_slice %arg3[%mul3A_4, %dma_wait3A_28] : memref<512x40xi32, #tpu.memory_space<hbm>> -> memref<16x40xi32, #tpu.memory_space<hbm>>
      tpu.wait_dma2 semaphore(%run_scoped3A : memref<!tpu.dma_semaphore, #tpu.memory_space<semaphore_mem>>) src(%dma_wait3A_29 : memref<16x40xi32, #tpu.memory_space<hbm>>) dst(%arg5 : memref<16x40xi32, #tpu.memory_space<vmem>>)
      tpu.yield
    }) : () -> ()
    %dma_start3A = arith.constant 0 : i32
    %dma_start3A_5 = arith.constant 0 : i32
    %dma_start3A_6 = tpu.memref_slice %arg5[%dma_start3A, %dma_start3A_5] : memref<16x40xi32, #tpu.memory_space<vmem>> -> memref<1x40xi32, #tpu.memory_space<vmem>>
    %dma_start3A_7 = tpu.memref_squeeze %dma_start3A_6 : memref<1x40xi32, #tpu.memory_space<vmem>> -> memref<40xi32, #tpu.memory_space<vmem>>
    %dma_start3A_8 = arith.constant 0 : i32
    %dma_start3A_9 = arith.constant 0 : i32
    %dma_start3A_10 = tpu.memref_slice %arg2[%dma_start3A_8, %dma_start3A_9] : memref<1000x512xf32, #tpu.memory_space<hbm>> -> memref<1000x512xf32, #tpu.memory_space<hbm>>
    tpu.enqueue_indirect_dma source(%dma_start3A_10 : memref<1000x512xf32, #tpu.memory_space<hbm>>) target(%arg6 : memref<40x512xf32, #tpu.memory_space<vmem>>) offsets(%dma_start3A_7 : memref<40xi32, #tpu.memory_space<vmem>>) semaphore(%arg8 : memref<!tpu.dma_semaphore, #tpu.memory_space<semaphore_mem>>)
    %dma_start3A_11 = arith.constant 1 : i32
    %dma_start3A_12 = arith.constant 0 : i32
    %dma_start3A_13 = tpu.memref_slice %arg5[%dma_start3A_11, %dma_start3A_12] : memref<16x40xi32, #tpu.memory_space<vmem>> -> memref<1x40xi32, #tpu.memory_space<vmem>>
    %dma_start3A_14 = tpu.memref_squeeze %dma_start3A_13 : memref<1x40xi32, #tpu.memory_space<vmem>> -> memref<40xi32, #tpu.memory_space<vmem>>
    %dma_start3A_15 = arith.constant 0 : i32
    %dma_start3A_16 = arith.constant 0 : i32
    %dma_start3A_17 = tpu.memref_slice %arg2[%dma_start3A_15, %dma_start3A_16] : memref<1000x512xf32, #tpu.memory_space<hbm>> -> memref<1000x512xf32, #tpu.memory_space<hbm>>
    tpu.enqueue_indirect_dma source(%dma_start3A_17 : memref<1000x512xf32, #tpu.memory_space<hbm>>) target(%arg7 : memref<40x512xf32, #tpu.memory_space<vmem>>) offsets(%dma_start3A_14 : memref<40xi32, #tpu.memory_space<vmem>>) semaphore(%arg9 : memref<!tpu.dma_semaphore, #tpu.memory_space<semaphore_mem>>)
    %scan3A = arith.constant 0 : i32
    %scan3A_18 = arith.constant 0 : i32
    %scan3A_19 = arith.constant 8 : i32
    %scan3A_20 = arith.addi %scan3A_18, %scan3A_19 : i32
    %scan3A_21 = arith.constant 1 : i32
    scf.for %scan3A_23 = %scan3A_18 to %scan3A_20 step %scan3A_21  : i32 {
      %mul3A_24 = arith.constant 2 : i32
      %mul3A_25 = arith.muli %mul3A_24, %scan3A_23 : i32
      %dma_wait3A = arith.constant 0 : i32
      %dma_wait3A_26 = tpu.memref_slice %arg5[%mul3A_25, %dma_wait3A] : memref<16x40xi32, #tpu.memory_space<vmem>> -> memref<1x40xi32, #tpu.memory_space<vmem>>
      %dma_wait3A_27 = tpu.memref_squeeze %dma_wait3A_26 : memref<1x40xi32, #tpu.memory_space<vmem>> -> memref<40xi32, #tpu.memory_space<vmem>>
      %dma_wait3A_28 = arith.constant 0 : i32
      %dma_wait3A_29 = arith.constant 0 : i32
      %dma_wait3A_30 = tpu.memref_slice %arg2[%dma_wait3A_28, %dma_wait3A_29] : memref<1000x512xf32, #tpu.memory_space<hbm>> -> memref<1000x512xf32, #tpu.memory_space<hbm>>
      tpu.wait_indirect_dma semaphore(%arg8 : memref<!tpu.dma_semaphore, #tpu.memory_space<semaphore_mem>>) src(%dma_wait3A_30 : memref<1000x512xf32, #tpu.memory_space<hbm>>) dst(%arg6 : memref<40x512xf32, #tpu.memory_space<vmem>>)
      %mul3A_31 = arith.constant 40 : i32
      %mul3A_32 = arith.muli %mul3A_25, %mul3A_31 : i32
      %add3A_33 = arith.addi %mul3A_2, %mul3A_32 : i32
      "tpu.region"() ({
        %run_scoped3A = tpu.sem_alloc : memref<!tpu.dma_semaphore, #tpu.memory_space<semaphore_mem>>
        %dma_start3A_56 = arith.constant 0 : i32
        %dma_start3A_57 = tpu.memref_slice %arg4[%add3A_33, %dma_start3A_56] : memref<20480x512xf32, #tpu.memory_space<hbm>> -> memref<40x512xf32, #tpu.memory_space<hbm>>
        %dma_start3A_58 = arith.constant 0 : i32
        %dma_start3A_59 = tpu.memref_slice %arg4[%add3A_33, %dma_start3A_58] : memref<20480x512xf32, #tpu.memory_space<hbm>> -> memref<40x512xf32, #tpu.memory_space<hbm>>
        tpu.enqueue_dma source(%arg6 : memref<40x512xf32, #tpu.memory_space<vmem>>) target(%dma_start3A_59 : memref<40x512xf32, #tpu.memory_space<hbm>>) target_semaphore(%run_scoped3A : memref<!tpu.dma_semaphore, #tpu.memory_space<semaphore_mem>>)
        %dma_wait3A_60 = arith.constant 0 : i32
        %dma_wait3A_61 = tpu.memref_slice %arg4[%add3A_33, %dma_wait3A_60] : memref<20480x512xf32, #tpu.memory_space<hbm>> -> memref<40x512xf32, #tpu.memory_space<hbm>>
        %dma_wait3A_62 = arith.constant 0 : i32
        %dma_wait3A_63 = tpu.memref_slice %arg4[%add3A_33, %dma_wait3A_62] : memref<20480x512xf32, #tpu.memory_space<hbm>> -> memref<40x512xf32, #tpu.memory_space<hbm>>
        tpu.wait_dma2 semaphore(%run_scoped3A : memref<!tpu.dma_semaphore, #tpu.memory_space<semaphore_mem>>) src(%arg6 : memref<40x512xf32, #tpu.memory_space<vmem>>) dst(%dma_wait3A_63 : memref<40x512xf32, #tpu.memory_space<hbm>>)
        tpu.yield
      }) : () -> ()
      %add3A_34 = arith.constant 2 : i32
      %add3A_35 = arith.addi %mul3A_25, %add3A_34 : i32
      %lt3A = arith.constant 16 : i32
      %lt3A_36 = arith.cmpi slt, %add3A_35, %lt3A : i32
      %convert_element_type3A = arith.extui %lt3A_36 : i1 to i32
      %cond3A = arith.constant 0 : i32
      %cond3A_37 = arith.cmpi ne, %convert_element_type3A, %cond3A : i32
      scf.if %cond3A_37 {
        %add3A_56 = arith.constant 2 : i32
        %add3A_57 = arith.addi %mul3A_25, %add3A_56 : i32
        %dma_start3A_58 = arith.constant 0 : i32
        %dma_start3A_59 = tpu.memref_slice %arg5[%add3A_57, %dma_start3A_58] : memref<16x40xi32, #tpu.memory_space<vmem>> -> memref<1x40xi32, #tpu.memory_space<vmem>>
        %dma_start3A_60 = tpu.memref_squeeze %dma_start3A_59 : memref<1x40xi32, #tpu.memory_space<vmem>> -> memref<40xi32, #tpu.memory_space<vmem>>
        %dma_start3A_61 = arith.constant 0 : i32
        %dma_start3A_62 = arith.constant 0 : i32
        %dma_start3A_63 = tpu.memref_slice %arg2[%dma_start3A_61, %dma_start3A_62] : memref<1000x512xf32, #tpu.memory_space<hbm>> -> memref<1000x512xf32, #tpu.memory_space<hbm>>
        tpu.enqueue_indirect_dma source(%dma_start3A_63 : memref<1000x512xf32, #tpu.memory_space<hbm>>) target(%arg6 : memref<40x512xf32, #tpu.memory_space<vmem>>) offsets(%dma_start3A_60 : memref<40xi32, #tpu.memory_space<vmem>>) semaphore(%arg8 : memref<!tpu.dma_semaphore, #tpu.memory_space<semaphore_mem>>)
      } else {
      }
      %add3A_38 = arith.constant 1 : i32
      %add3A_39 = arith.addi %mul3A_25, %add3A_38 : i32
      %dma_wait3A_40 = arith.constant 0 : i32
      %dma_wait3A_41 = tpu.memref_slice %arg5[%add3A_39, %dma_wait3A_40] : memref<16x40xi32, #tpu.memory_space<vmem>> -> memref<1x40xi32, #tpu.memory_space<vmem>>
      %dma_wait3A_42 = tpu.memref_squeeze %dma_wait3A_41 : memref<1x40xi32, #tpu.memory_space<vmem>> -> memref<40xi32, #tpu.memory_space<vmem>>
      %dma_wait3A_43 = arith.constant 0 : i32
      %dma_wait3A_44 = arith.constant 0 : i32
      %dma_wait3A_45 = tpu.memref_slice %arg2[%dma_wait3A_43, %dma_wait3A_44] : memref<1000x512xf32, #tpu.memory_space<hbm>> -> memref<1000x512xf32, #tpu.memory_space<hbm>>
      tpu.wait_indirect_dma semaphore(%arg9 : memref<!tpu.dma_semaphore, #tpu.memory_space<semaphore_mem>>) src(%dma_wait3A_45 : memref<1000x512xf32, #tpu.memory_space<hbm>>) dst(%arg7 : memref<40x512xf32, #tpu.memory_space<vmem>>)
      %mul3A_46 = arith.constant 40 : i32
      %mul3A_47 = arith.muli %add3A_39, %mul3A_46 : i32
      %add3A_48 = arith.addi %mul3A_2, %mul3A_47 : i32
      "tpu.region"() ({
        %run_scoped3A = tpu.sem_alloc : memref<!tpu.dma_semaphore, #tpu.memory_space<semaphore_mem>>
        %dma_start3A_56 = arith.constant 0 : i32
        %dma_start3A_57 = tpu.memref_slice %arg4[%add3A_48, %dma_start3A_56] : memref<20480x512xf32, #tpu.memory_space<hbm>> -> memref<40x512xf32, #tpu.memory_space<hbm>>
        %dma_start3A_58 = arith.constant 0 : i32
        %dma_start3A_59 = tpu.memref_slice %arg4[%add3A_48, %dma_start3A_58] : memref<20480x512xf32, #tpu.memory_space<hbm>> -> memref<40x512xf32, #tpu.memory_space<hbm>>
        tpu.enqueue_dma source(%arg7 : memref<40x512xf32, #tpu.memory_space<vmem>>) target(%dma_start3A_59 : memref<40x512xf32, #tpu.memory_space<hbm>>) target_semaphore(%run_scoped3A : memref<!tpu.dma_semaphore, #tpu.memory_space<semaphore_mem>>)
        %dma_wait3A_60 = arith.constant 0 : i32
        %dma_wait3A_61 = tpu.memref_slice %arg4[%add3A_48, %dma_wait3A_60] : memref<20480x512xf32, #tpu.memory_space<hbm>> -> memref<40x512xf32, #tpu.memory_space<hbm>>
        %dma_wait3A_62 = arith.constant 0 : i32
        %dma_wait3A_63 = tpu.memref_slice %arg4[%add3A_48, %dma_wait3A_62] : memref<20480x512xf32, #tpu.memory_space<hbm>> -> memref<40x512xf32, #tpu.memory_space<hbm>>
        tpu.wait_dma2 semaphore(%run_scoped3A : memref<!tpu.dma_semaphore, #tpu.memory_space<semaphore_mem>>) src(%arg7 : memref<40x512xf32, #tpu.memory_space<vmem>>) dst(%dma_wait3A_63 : memref<40x512xf32, #tpu.memory_space<hbm>>)
        tpu.yield
      }) : () -> ()
      %add3A_49 = arith.constant 2 : i32
      %add3A_50 = arith.addi %add3A_39, %add3A_49 : i32
      %lt3A_51 = arith.constant 16 : i32
      %lt3A_52 = arith.cmpi slt, %add3A_50, %lt3A_51 : i32
      %convert_element_type3A_53 = arith.extui %lt3A_52 : i1 to i32
      %cond3A_54 = arith.constant 0 : i32
      %cond3A_55 = arith.cmpi ne, %convert_element_type3A_53, %cond3A_54 : i32
      scf.if %cond3A_55 {
        %add3A_56 = arith.constant 2 : i32
        %add3A_57 = arith.addi %add3A_39, %add3A_56 : i32
        %dma_start3A_58 = arith.constant 0 : i32
        %dma_start3A_59 = tpu.memref_slice %arg5[%add3A_57, %dma_start3A_58] : memref<16x40xi32, #tpu.memory_space<vmem>> -> memref<1x40xi32, #tpu.memory_space<vmem>>
        %dma_start3A_60 = tpu.memref_squeeze %dma_start3A_59 : memref<1x40xi32, #tpu.memory_space<vmem>> -> memref<40xi32, #tpu.memory_space<vmem>>
        %dma_start3A_61 = arith.constant 0 : i32
        %dma_start3A_62 = arith.constant 0 : i32
        %dma_start3A_63 = tpu.memref_slice %arg2[%dma_start3A_61, %dma_start3A_62] : memref<1000x512xf32, #tpu.memory_space<hbm>> -> memref<1000x512xf32, #tpu.memory_space<hbm>>
        tpu.enqueue_indirect_dma source(%dma_start3A_63 : memref<1000x512xf32, #tpu.memory_space<hbm>>) target(%arg7 : memref<40x512xf32, #tpu.memory_space<vmem>>) offsets(%dma_start3A_60 : memref<40xi32, #tpu.memory_space<vmem>>) semaphore(%arg9 : memref<!tpu.dma_semaphore, #tpu.memory_space<semaphore_mem>>)
      } else {
      }
    }
    %scan3A_22 = arith.constant 8 : i32
    return
  }
}

#map = affine_map<(d0, d1) -> (0, 0)>
module attributes {stable_mosaic.version = 14 : i64} {
  func.func @gather_kernel(%arg0: i32, %arg1: i32, %arg2: memref<1000x512xf32, #tpu.memory_space<hbm>>, %arg3: memref<512x40xi32, #tpu.memory_space<hbm>>, %arg4: memref<20480x512xf32, #tpu.memory_space<hbm>>, %arg5: memref<16x40xi32, #tpu.memory_space<vmem>>, %arg6: memref<40x512xf32, #tpu.memory_space<vmem>>, %arg7: memref<40x512xf32, #tpu.memory_space<vmem>>, %arg8: memref<!tpu.dma_semaphore, #tpu.memory_space<semaphore_mem>>, %arg9: memref<!tpu.dma_semaphore, #tpu.memory_space<semaphore_mem>>) attributes {dimension_semantics = [#tpu.dimension_semantics<core_parallel>, #tpu.dimension_semantics<subcore_parallel>], iteration_bounds = array<i64: 2, 16>, scalar_prefetch = 0 : i64, scratch_operands = 5 : i64, tpu.core_type = #tpu.core_type<sc_vector_subcore>, window_params = [{transform_indices = #map}, {transform_indices = #map}, {transform_indices = #map}]} {
    %mul3A = arith.constant 2 : i32
    %mul3A_0 = arith.muli %arg1, %mul3A : i32
    %add3A = arith.addi %mul3A_0, %arg0 : i32
    %mul3A_1 = arith.constant 640 : i32
    %mul3A_2 = arith.muli %add3A, %mul3A_1 : i32
    %mul3A_3 = arith.constant 16 : i32
    %mul3A_4 = arith.muli %add3A, %mul3A_3 : i32
    "tpu.region"() ({
      %run_scoped3A = tpu.sem_alloc : memref<!tpu.dma_semaphore, #tpu.memory_space<semaphore_mem>>
      %dma_start3A_23 = arith.constant 0 : i32
      %dma_start3A_24 = tpu.memref_slice %arg3[%mul3A_4, %dma_start3A_23] : memref<512x40xi32, #tpu.memory_space<hbm>> -> memref<16x40xi32, #tpu.memory_space<hbm>>
      %dma_start3A_25 = arith.constant 0 : i32
      %dma_start3A_26 = tpu.memref_slice %arg3[%mul3A_4, %dma_start3A_25] : memref<512x40xi32, #tpu.memory_space<hbm>> -> memref<16x40xi32, #tpu.memory_space<hbm>>
      tpu.enqueue_dma source(%dma_start3A_26 : memref<16x40xi32, #tpu.memory_space<hbm>>) target(%arg5 : memref<16x40xi32, #tpu.memory_space<vmem>>) target_semaphore(%run_scoped3A : memref<!tpu.dma_semaphore, #tpu.memory_space<semaphore_mem>>)
      %dma_wait3A = arith.constant 0 : i32
      %dma_wait3A_27 = tpu.memref_slice %arg3[%mul3A_4, %dma_wait3A] : memref<512x40xi32, #tpu.memory_space<hbm>> -> memref<16x40xi32, #tpu.memory_space<hbm>>
      %dma_wait3A_28 = arith.constant 0 : i32
      %dma_wait3A_29 = tpu.memref_slice %arg3[%mul3A_4, %dma_wait3A_28] : memref<512x40xi32, #tpu.memory_space<hbm>> -> memref<16x40xi32, #tpu.memory_space<hbm>>
      tpu.wait_dma2 semaphore(%run_scoped3A : memref<!tpu.dma_semaphore, #tpu.memory_space<semaphore_mem>>) src(%dma_wait3A_29 : memref<16x40xi32, #tpu.memory_space<hbm>>) dst(%arg5 : memref<16x40xi32, #tpu.memory_space<vmem>>)
      tpu.yield
    }) : () -> ()
    %dma_start3A = arith.constant 0 : i32
    %dma_start3A_5 = arith.constant 0 : i32
    %dma_start3A_6 = tpu.memref_slice %arg5[%dma_start3A, %dma_start3A_5] : memref<16x40xi32, #tpu.memory_space<vmem>> -> memref<1x40xi32, #tpu.memory_space<vmem>>
    %dma_start3A_7 = tpu.memref_squeeze %dma_start3A_6 : memref<1x40xi32, #tpu.memory_space<vmem>> -> memref<40xi32, #tpu.memory_space<vmem>>
    %dma_start3A_8 = arith.constant 0 : i32
    %dma_start3A_9 = arith.constant 0 : i32
    %dma_start3A_10 = tpu.memref_slice %arg2[%dma_start3A_8, %dma_start3A_9] : memref<1000x512xf32, #tpu.memory_space<hbm>> -> memref<1000x512xf32, #tpu.memory_space<hbm>>
    tpu.enqueue_indirect_dma source(%dma_start3A_10 : memref<1000x512xf32, #tpu.memory_space<hbm>>) target(%arg6 : memref<40x512xf32, #tpu.memory_space<vmem>>) offsets(%dma_start3A_7 : memref<40xi32, #tpu.memory_space<vmem>>) semaphore(%arg8 : memref<!tpu.dma_semaphore, #tpu.memory_space<semaphore_mem>>)
    %dma_start3A_11 = arith.constant 1 : i32
    %dma_start3A_12 = arith.constant 0 : i32
    %dma_start3A_13 = tpu.memref_slice %arg5[%dma_start3A_11, %dma_start3A_12] : memref<16x40xi32, #tpu.memory_space<vmem>> -> memref<1x40xi32, #tpu.memory_space<vmem>>
    %dma_start3A_14 = tpu.memref_squeeze %dma_start3A_13 : memref<1x40xi32, #tpu.memory_space<vmem>> -> memref<40xi32, #tpu.memory_space<vmem>>
    %dma_start3A_15 = arith.constant 0 : i32
    %dma_start3A_16 = arith.constant 0 : i32
    %dma_start3A_17 = tpu.memref_slice %arg2[%dma_start3A_15, %dma_start3A_16] : memref<1000x512xf32, #tpu.memory_space<hbm>> -> memref<1000x512xf32, #tpu.memory_space<hbm>>
    tpu.enqueue_indirect_dma source(%dma_start3A_17 : memref<1000x512xf32, #tpu.memory_space<hbm>>) target(%arg7 : memref<40x512xf32, #tpu.memory_space<vmem>>) offsets(%dma_start3A_14 : memref<40xi32, #tpu.memory_space<vmem>>) semaphore(%arg9 : memref<!tpu.dma_semaphore, #tpu.memory_space<semaphore_mem>>)
    %scan3A = arith.constant 0 : i32
    %scan3A_18 = arith.constant 0 : i32
    %scan3A_19 = arith.constant 8 : i32
    %scan3A_20 = arith.addi %scan3A_18, %scan3A_19 : i32
    %scan3A_21 = arith.constant 1 : i32
    scf.for %scan3A_23 = %scan3A_18 to %scan3A_20 step %scan3A_21  : i32 {
      %mul3A_24 = arith.constant 2 : i32
      %mul3A_25 = arith.muli %mul3A_24, %scan3A_23 : i32
      %dma_wait3A = arith.constant 0 : i32
      %dma_wait3A_26 = tpu.memref_slice %arg5[%mul3A_25, %dma_wait3A] : memref<16x40xi32, #tpu.memory_space<vmem>> -> memref<1x40xi32, #tpu.memory_space<vmem>>
      %dma_wait3A_27 = tpu.memref_squeeze %dma_wait3A_26 : memref<1x40xi32, #tpu.memory_space<vmem>> -> memref<40xi32, #tpu.memory_space<vmem>>
      %dma_wait3A_28 = arith.constant 0 : i32
      %dma_wait3A_29 = arith.constant 0 : i32
      %dma_wait3A_30 = tpu.memref_slice %arg2[%dma_wait3A_28, %dma_wait3A_29] : memref<1000x512xf32, #tpu.memory_space<hbm>> -> memref<1000x512xf32, #tpu.memory_space<hbm>>
      tpu.wait_indirect_dma semaphore(%arg8 : memref<!tpu.dma_semaphore, #tpu.memory_space<semaphore_mem>>) src(%dma_wait3A_30 : memref<1000x512xf32, #tpu.memory_space<hbm>>) dst(%arg6 : memref<40x512xf32, #tpu.memory_space<vmem>>)
      %mul3A_31 = arith.constant 40 : i32
      %mul3A_32 = arith.muli %mul3A_25, %mul3A_31 : i32
      %add3A_33 = arith.addi %mul3A_2, %mul3A_32 : i32
      "tpu.region"() ({
        %run_scoped3A = tpu.sem_alloc : memref<!tpu.dma_semaphore, #tpu.memory_space<semaphore_mem>>
        %dma_start3A_56 = arith.constant 0 : i32
        %dma_start3A_57 = tpu.memref_slice %arg4[%add3A_33, %dma_start3A_56] : memref<20480x512xf32, #tpu.memory_space<hbm>> -> memref<40x512xf32, #tpu.memory_space<hbm>>
        %dma_start3A_58 = arith.constant 0 : i32
        %dma_start3A_59 = tpu.memref_slice %arg4[%add3A_33, %dma_start3A_58] : memref<20480x512xf32, #tpu.memory_space<hbm>> -> memref<40x512xf32, #tpu.memory_space<hbm>>
        tpu.enqueue_dma source(%arg6 : memref<40x512xf32, #tpu.memory_space<vmem>>) target(%dma_start3A_59 : memref<40x512xf32, #tpu.memory_space<hbm>>) target_semaphore(%run_scoped3A : memref<!tpu.dma_semaphore, #tpu.memory_space<semaphore_mem>>)
        %dma_wait3A_60 = arith.constant 0 : i32
        %dma_wait3A_61 = tpu.memref_slice %arg4[%add3A_33, %dma_wait3A_60] : memref<20480x512xf32, #tpu.memory_space<hbm>> -> memref<40x512xf32, #tpu.memory_space<hbm>>
        %dma_wait3A_62 = arith.constant 0 : i32
        %dma_wait3A_63 = tpu.memref_slice %arg4[%add3A_33, %dma_wait3A_62] : memref<20480x512xf32, #tpu.memory_space<hbm>> -> memref<40x512xf32, #tpu.memory_space<hbm>>
        tpu.wait_dma2 semaphore(%run_scoped3A : memref<!tpu.dma_semaphore, #tpu.memory_space<semaphore_mem>>) src(%arg6 : memref<40x512xf32, #tpu.memory_space<vmem>>) dst(%dma_wait3A_63 : memref<40x512xf32, #tpu.memory_space<hbm>>)
        tpu.yield
      }) : () -> ()
      %add3A_34 = arith.constant 2 : i32
      %add3A_35 = arith.addi %mul3A_25, %add3A_34 : i32
      %lt3A = arith.constant 16 : i32
      %lt3A_36 = arith.cmpi slt, %add3A_35, %lt3A : i32
      %convert_element_type3A = arith.extui %lt3A_36 : i1 to i32
      %cond3A = arith.constant 0 : i32
      %cond3A_37 = arith.cmpi ne, %convert_element_type3A, %cond3A : i32
      scf.if %cond3A_37 {
        %add3A_56 = arith.constant 2 : i32
        %add3A_57 = arith.addi %mul3A_25, %add3A_56 : i32
        %dma_start3A_58 = arith.constant 0 : i32
        %dma_start3A_59 = tpu.memref_slice %arg5[%add3A_57, %dma_start3A_58] : memref<16x40xi32, #tpu.memory_space<vmem>> -> memref<1x40xi32, #tpu.memory_space<vmem>>
        %dma_start3A_60 = tpu.memref_squeeze %dma_start3A_59 : memref<1x40xi32, #tpu.memory_space<vmem>> -> memref<40xi32, #tpu.memory_space<vmem>>
        %dma_start3A_61 = arith.constant 0 : i32
        %dma_start3A_62 = arith.constant 0 : i32
        %dma_start3A_63 = tpu.memref_slice %arg2[%dma_start3A_61, %dma_start3A_62] : memref<1000x512xf32, #tpu.memory_space<hbm>> -> memref<1000x512xf32, #tpu.memory_space<hbm>>
        tpu.enqueue_indirect_dma source(%dma_start3A_63 : memref<1000x512xf32, #tpu.memory_space<hbm>>) target(%arg6 : memref<40x512xf32, #tpu.memory_space<vmem>>) offsets(%dma_start3A_60 : memref<40xi32, #tpu.memory_space<vmem>>) semaphore(%arg8 : memref<!tpu.dma_semaphore, #tpu.memory_space<semaphore_mem>>)
      } else {
      }
      %add3A_38 = arith.constant 1 : i32
      %add3A_39 = arith.addi %mul3A_25, %add3A_38 : i32
      %dma_wait3A_40 = arith.constant 0 : i32
      %dma_wait3A_41 = tpu.memref_slice %arg5[%add3A_39, %dma_wait3A_40] : memref<16x40xi32, #tpu.memory_space<vmem>> -> memref<1x40xi32, #tpu.memory_space<vmem>>
      %dma_wait3A_42 = tpu.memref_squeeze %dma_wait3A_41 : memref<1x40xi32, #tpu.memory_space<vmem>> -> memref<40xi32, #tpu.memory_space<vmem>>
      %dma_wait3A_43 = arith.constant 0 : i32
      %dma_wait3A_44 = arith.constant 0 : i32
      %dma_wait3A_45 = tpu.memref_slice %arg2[%dma_wait3A_43, %dma_wait3A_44] : memref<1000x512xf32, #tpu.memory_space<hbm>> -> memref<1000x512xf32, #tpu.memory_space<hbm>>
      tpu.wait_indirect_dma semaphore(%arg9 : memref<!tpu.dma_semaphore, #tpu.memory_space<semaphore_mem>>) src(%dma_wait3A_45 : memref<1000x512xf32, #tpu.memory_space<hbm>>) dst(%arg7 : memref<40x512xf32, #tpu.memory_space<vmem>>)
      %mul3A_46 = arith.constant 40 : i32
      %mul3A_47 = arith.muli %add3A_39, %mul3A_46 : i32
      %add3A_48 = arith.addi %mul3A_2, %mul3A_47 : i32
      "tpu.region"() ({
        %run_scoped3A = tpu.sem_alloc : memref<!tpu.dma_semaphore, #tpu.memory_space<semaphore_mem>>
        %dma_start3A_56 = arith.constant 0 : i32
        %dma_start3A_57 = tpu.memref_slice %arg4[%add3A_48, %dma_start3A_56] : memref<20480x512xf32, #tpu.memory_space<hbm>> -> memref<40x512xf32, #tpu.memory_space<hbm>>
        %dma_start3A_58 = arith.constant 0 : i32
        %dma_start3A_59 = tpu.memref_slice %arg4[%add3A_48, %dma_start3A_58] : memref<20480x512xf32, #tpu.memory_space<hbm>> -> memref<40x512xf32, #tpu.memory_space<hbm>>
        tpu.enqueue_dma source(%arg7 : memref<40x512xf32, #tpu.memory_space<vmem>>) target(%dma_start3A_59 : memref<40x512xf32, #tpu.memory_space<hbm>>) target_semaphore(%run_scoped3A : memref<!tpu.dma_semaphore, #tpu.memory_space<semaphore_mem>>)
        %dma_wait3A_60 = arith.constant 0 : i32
        %dma_wait3A_61 = tpu.memref_slice %arg4[%add3A_48, %dma_wait3A_60] : memref<20480x512xf32, #tpu.memory_space<hbm>> -> memref<40x512xf32, #tpu.memory_space<hbm>>
        %dma_wait3A_62 = arith.constant 0 : i32
        %dma_wait3A_63 = tpu.memref_slice %arg4[%add3A_48, %dma_wait3A_62] : memref<20480x512xf32, #tpu.memory_space<hbm>> -> memref<40x512xf32, #tpu.memory_space<hbm>>
        tpu.wait_dma2 semaphore(%run_scoped3A : memref<!tpu.dma_semaphore, #tpu.memory_space<semaphore_mem>>) src(%arg7 : memref<40x512xf32, #tpu.memory_space<vmem>>) dst(%dma_wait3A_63 : memref<40x512xf32, #tpu.memory_space<hbm>>)
        tpu.yield
      }) : () -> ()
      %add3A_49 = arith.constant 2 : i32
      %add3A_50 = arith.addi %add3A_39, %add3A_49 : i32
      %lt3A_51 = arith.constant 16 : i32
      %lt3A_52 = arith.cmpi slt, %add3A_50, %lt3A_51 : i32
      %convert_element_type3A_53 = arith.extui %lt3A_52 : i1 to i32
      %cond3A_54 = arith.constant 0 : i32
      %cond3A_55 = arith.cmpi ne, %convert_element_type3A_53, %cond3A_54 : i32
      scf.if %cond3A_55 {
        %add3A_56 = arith.constant 2 : i32
        %add3A_57 = arith.addi %add3A_39, %add3A_56 : i32
        %dma_start3A_58 = arith.constant 0 : i32
        %dma_start3A_59 = tpu.memref_slice %arg5[%add3A_57, %dma_start3A_58] : memref<16x40xi32, #tpu.memory_space<vmem>> -> memref<1x40xi32, #tpu.memory_space<vmem>>
        %dma_start3A_60 = tpu.memref_squeeze %dma_start3A_59 : memref<1x40xi32, #tpu.memory_space<vmem>> -> memref<40xi32, #tpu.memory_space<vmem>>
        %dma_start3A_61 = arith.constant 0 : i32
        %dma_start3A_62 = arith.constant 0 : i32
        %dma_start3A_63 = tpu.memref_slice %arg2[%dma_start3A_61, %dma_start3A_62] : memref<1000x512xf32, #tpu.memory_space<hbm>> -> memref<1000x512xf32, #tpu.memory_space<hbm>>
        tpu.enqueue_indirect_dma source(%dma_start3A_63 : memref<1000x512xf32, #tpu.memory_space<hbm>>) target(%arg7 : memref<40x512xf32, #tpu.memory_space<vmem>>) offsets(%dma_start3A_60 : memref<40xi32, #tpu.memory_space<vmem>>) semaphore(%arg9 : memref<!tpu.dma_semaphore, #tpu.memory_space<semaphore_mem>>)
      } else {
      }
    }
    %scan3A_22 = arith.constant 8 : i32
    return
  }
}

#map = affine_map<(d0, d1) -> (0, 0)>
module attributes {stable_mosaic.version = 14 : i64} {
  func.func @gather_kernel(%arg0: i32, %arg1: i32, %arg2: memref<1000x512xf32, #tpu.memory_space<hbm>>, %arg3: memref<512x40xi32, #tpu.memory_space<hbm>>, %arg4: memref<20480x512xf32, #tpu.memory_space<hbm>>, %arg5: memref<16x40xi32, #tpu.memory_space<vmem>>, %arg6: memref<40x512xf32, #tpu.memory_space<vmem>>, %arg7: memref<40x512xf32, #tpu.memory_space<vmem>>, %arg8: memref<!tpu.dma_semaphore, #tpu.memory_space<semaphore_mem>>, %arg9: memref<!tpu.dma_semaphore, #tpu.memory_space<semaphore_mem>>) attributes {dimension_semantics = [#tpu.dimension_semantics<core_parallel>, #tpu.dimension_semantics<subcore_parallel>], iteration_bounds = array<i64: 2, 16>, scalar_prefetch = 0 : i64, scratch_operands = 5 : i64, tpu.core_type = #tpu.core_type<sc_vector_subcore>, window_params = [{transform_indices = #map}, {transform_indices = #map}, {transform_indices = #map}]} {
    %mul3A = arith.constant 2 : i32
    %mul3A_0 = arith.muli %arg1, %mul3A : i32
    %add3A = arith.addi %mul3A_0, %arg0 : i32
    %mul3A_1 = arith.constant 640 : i32
    %mul3A_2 = arith.muli %add3A, %mul3A_1 : i32
    %mul3A_3 = arith.constant 16 : i32
    %mul3A_4 = arith.muli %add3A, %mul3A_3 : i32
    "tpu.region"() ({
      %run_scoped3A = tpu.sem_alloc : memref<!tpu.dma_semaphore, #tpu.memory_space<semaphore_mem>>
      %dma_start3A_23 = arith.constant 0 : i32
      %dma_start3A_24 = tpu.memref_slice %arg3[%mul3A_4, %dma_start3A_23] : memref<512x40xi32, #tpu.memory_space<hbm>> -> memref<16x40xi32, #tpu.memory_space<hbm>>
      %dma_start3A_25 = arith.constant 0 : i32
      %dma_start3A_26 = tpu.memref_slice %arg3[%mul3A_4, %dma_start3A_25] : memref<512x40xi32, #tpu.memory_space<hbm>> -> memref<16x40xi32, #tpu.memory_space<hbm>>
      tpu.enqueue_dma source(%dma_start3A_26 : memref<16x40xi32, #tpu.memory_space<hbm>>) target(%arg5 : memref<16x40xi32, #tpu.memory_space<vmem>>) target_semaphore(%run_scoped3A : memref<!tpu.dma_semaphore, #tpu.memory_space<semaphore_mem>>)
      %dma_wait3A = arith.constant 0 : i32
      %dma_wait3A_27 = tpu.memref_slice %arg3[%mul3A_4, %dma_wait3A] : memref<512x40xi32, #tpu.memory_space<hbm>> -> memref<16x40xi32, #tpu.memory_space<hbm>>
      %dma_wait3A_28 = arith.constant 0 : i32
      %dma_wait3A_29 = tpu.memref_slice %arg3[%mul3A_4, %dma_wait3A_28] : memref<512x40xi32, #tpu.memory_space<hbm>> -> memref<16x40xi32, #tpu.memory_space<hbm>>
      tpu.wait_dma2 semaphore(%run_scoped3A : memref<!tpu.dma_semaphore, #tpu.memory_space<semaphore_mem>>) src(%dma_wait3A_29 : memref<16x40xi32, #tpu.memory_space<hbm>>) dst(%arg5 : memref<16x40xi32, #tpu.memory_space<vmem>>)
      tpu.yield
    }) : () -> ()
    %dma_start3A = arith.constant 0 : i32
    %dma_start3A_5 = arith.constant 0 : i32
    %dma_start3A_6 = tpu.memref_slice %arg5[%dma_start3A, %dma_start3A_5] : memref<16x40xi32, #tpu.memory_space<vmem>> -> memref<1x40xi32, #tpu.memory_space<vmem>>
    %dma_start3A_7 = tpu.memref_squeeze %dma_start3A_6 : memref<1x40xi32, #tpu.memory_space<vmem>> -> memref<40xi32, #tpu.memory_space<vmem>>
    %dma_start3A_8 = arith.constant 0 : i32
    %dma_start3A_9 = arith.constant 0 : i32
    %dma_start3A_10 = tpu.memref_slice %arg2[%dma_start3A_8, %dma_start3A_9] : memref<1000x512xf32, #tpu.memory_space<hbm>> -> memref<1000x512xf32, #tpu.memory_space<hbm>>
    tpu.enqueue_indirect_dma source(%dma_start3A_10 : memref<1000x512xf32, #tpu.memory_space<hbm>>) target(%arg6 : memref<40x512xf32, #tpu.memory_space<vmem>>) offsets(%dma_start3A_7 : memref<40xi32, #tpu.memory_space<vmem>>) semaphore(%arg8 : memref<!tpu.dma_semaphore, #tpu.memory_space<semaphore_mem>>)
    %dma_start3A_11 = arith.constant 1 : i32
    %dma_start3A_12 = arith.constant 0 : i32
    %dma_start3A_13 = tpu.memref_slice %arg5[%dma_start3A_11, %dma_start3A_12] : memref<16x40xi32, #tpu.memory_space<vmem>> -> memref<1x40xi32, #tpu.memory_space<vmem>>
    %dma_start3A_14 = tpu.memref_squeeze %dma_start3A_13 : memref<1x40xi32, #tpu.memory_space<vmem>> -> memref<40xi32, #tpu.memory_space<vmem>>
    %dma_start3A_15 = arith.constant 0 : i32
    %dma_start3A_16 = arith.constant 0 : i32
    %dma_start3A_17 = tpu.memref_slice %arg2[%dma_start3A_15, %dma_start3A_16] : memref<1000x512xf32, #tpu.memory_space<hbm>> -> memref<1000x512xf32, #tpu.memory_space<hbm>>
    tpu.enqueue_indirect_dma source(%dma_start3A_17 : memref<1000x512xf32, #tpu.memory_space<hbm>>) target(%arg7 : memref<40x512xf32, #tpu.memory_space<vmem>>) offsets(%dma_start3A_14 : memref<40xi32, #tpu.memory_space<vmem>>) semaphore(%arg9 : memref<!tpu.dma_semaphore, #tpu.memory_space<semaphore_mem>>)
    %scan3A = arith.constant 0 : i32
    %scan3A_18 = arith.constant 0 : i32
    %scan3A_19 = arith.constant 8 : i32
    %scan3A_20 = arith.addi %scan3A_18, %scan3A_19 : i32
    %scan3A_21 = arith.constant 1 : i32
    scf.for %scan3A_23 = %scan3A_18 to %scan3A_20 step %scan3A_21  : i32 {
      %mul3A_24 = arith.constant 2 : i32
      %mul3A_25 = arith.muli %mul3A_24, %scan3A_23 : i32
      %dma_wait3A = arith.constant 0 : i32
      %dma_wait3A_26 = tpu.memref_slice %arg5[%mul3A_25, %dma_wait3A] : memref<16x40xi32, #tpu.memory_space<vmem>> -> memref<1x40xi32, #tpu.memory_space<vmem>>
      %dma_wait3A_27 = tpu.memref_squeeze %dma_wait3A_26 : memref<1x40xi32, #tpu.memory_space<vmem>> -> memref<40xi32, #tpu.memory_space<vmem>>
      %dma_wait3A_28 = arith.constant 0 : i32
      %dma_wait3A_29 = arith.constant 0 : i32
      %dma_wait3A_30 = tpu.memref_slice %arg2[%dma_wait3A_28, %dma_wait3A_29] : memref<1000x512xf32, #tpu.memory_space<hbm>> -> memref<1000x512xf32, #tpu.memory_space<hbm>>
      tpu.wait_indirect_dma semaphore(%arg8 : memref<!tpu.dma_semaphore, #tpu.memory_space<semaphore_mem>>) src(%dma_wait3A_30 : memref<1000x512xf32, #tpu.memory_space<hbm>>) dst(%arg6 : memref<40x512xf32, #tpu.memory_space<vmem>>)
      %mul3A_31 = arith.constant 40 : i32
      %mul3A_32 = arith.muli %mul3A_25, %mul3A_31 : i32
      %add3A_33 = arith.addi %mul3A_2, %mul3A_32 : i32
      "tpu.region"() ({
        %run_scoped3A = tpu.sem_alloc : memref<!tpu.dma_semaphore, #tpu.memory_space<semaphore_mem>>
        %dma_start3A_56 = arith.constant 0 : i32
        %dma_start3A_57 = tpu.memref_slice %arg4[%add3A_33, %dma_start3A_56] : memref<20480x512xf32, #tpu.memory_space<hbm>> -> memref<40x512xf32, #tpu.memory_space<hbm>>
        %dma_start3A_58 = arith.constant 0 : i32
        %dma_start3A_59 = tpu.memref_slice %arg4[%add3A_33, %dma_start3A_58] : memref<20480x512xf32, #tpu.memory_space<hbm>> -> memref<40x512xf32, #tpu.memory_space<hbm>>
        tpu.enqueue_dma source(%arg6 : memref<40x512xf32, #tpu.memory_space<vmem>>) target(%dma_start3A_59 : memref<40x512xf32, #tpu.memory_space<hbm>>) target_semaphore(%run_scoped3A : memref<!tpu.dma_semaphore, #tpu.memory_space<semaphore_mem>>)
        %dma_wait3A_60 = arith.constant 0 : i32
        %dma_wait3A_61 = tpu.memref_slice %arg4[%add3A_33, %dma_wait3A_60] : memref<20480x512xf32, #tpu.memory_space<hbm>> -> memref<40x512xf32, #tpu.memory_space<hbm>>
        %dma_wait3A_62 = arith.constant 0 : i32
        %dma_wait3A_63 = tpu.memref_slice %arg4[%add3A_33, %dma_wait3A_62] : memref<20480x512xf32, #tpu.memory_space<hbm>> -> memref<40x512xf32, #tpu.memory_space<hbm>>
        tpu.wait_dma2 semaphore(%run_scoped3A : memref<!tpu.dma_semaphore, #tpu.memory_space<semaphore_mem>>) src(%arg6 : memref<40x512xf32, #tpu.memory_space<vmem>>) dst(%dma_wait3A_63 : memref<40x512xf32, #tpu.memory_space<hbm>>)
        tpu.yield
      }) : () -> ()
      %add3A_34 = arith.constant 2 : i32
      %add3A_35 = arith.addi %mul3A_25, %add3A_34 : i32
      %lt3A = arith.constant 16 : i32
      %lt3A_36 = arith.cmpi slt, %add3A_35, %lt3A : i32
      %convert_element_type3A = arith.extui %lt3A_36 : i1 to i32
      %cond3A = arith.constant 0 : i32
      %cond3A_37 = arith.cmpi ne, %convert_element_type3A, %cond3A : i32
      scf.if %cond3A_37 {
        %add3A_56 = arith.constant 2 : i32
        %add3A_57 = arith.addi %mul3A_25, %add3A_56 : i32
        %dma_start3A_58 = arith.constant 0 : i32
        %dma_start3A_59 = tpu.memref_slice %arg5[%add3A_57, %dma_start3A_58] : memref<16x40xi32, #tpu.memory_space<vmem>> -> memref<1x40xi32, #tpu.memory_space<vmem>>
        %dma_start3A_60 = tpu.memref_squeeze %dma_start3A_59 : memref<1x40xi32, #tpu.memory_space<vmem>> -> memref<40xi32, #tpu.memory_space<vmem>>
        %dma_start3A_61 = arith.constant 0 : i32
        %dma_start3A_62 = arith.constant 0 : i32
        %dma_start3A_63 = tpu.memref_slice %arg2[%dma_start3A_61, %dma_start3A_62] : memref<1000x512xf32, #tpu.memory_space<hbm>> -> memref<1000x512xf32, #tpu.memory_space<hbm>>
        tpu.enqueue_indirect_dma source(%dma_start3A_63 : memref<1000x512xf32, #tpu.memory_space<hbm>>) target(%arg6 : memref<40x512xf32, #tpu.memory_space<vmem>>) offsets(%dma_start3A_60 : memref<40xi32, #tpu.memory_space<vmem>>) semaphore(%arg8 : memref<!tpu.dma_semaphore, #tpu.memory_space<semaphore_mem>>)
      } else {
      }
      %add3A_38 = arith.constant 1 : i32
      %add3A_39 = arith.addi %mul3A_25, %add3A_38 : i32
      %dma_wait3A_40 = arith.constant 0 : i32
      %dma_wait3A_41 = tpu.memref_slice %arg5[%add3A_39, %dma_wait3A_40] : memref<16x40xi32, #tpu.memory_space<vmem>> -> memref<1x40xi32, #tpu.memory_space<vmem>>
      %dma_wait3A_42 = tpu.memref_squeeze %dma_wait3A_41 : memref<1x40xi32, #tpu.memory_space<vmem>> -> memref<40xi32, #tpu.memory_space<vmem>>
      %dma_wait3A_43 = arith.constant 0 : i32
      %dma_wait3A_44 = arith.constant 0 : i32
      %dma_wait3A_45 = tpu.memref_slice %arg2[%dma_wait3A_43, %dma_wait3A_44] : memref<1000x512xf32, #tpu.memory_space<hbm>> -> memref<1000x512xf32, #tpu.memory_space<hbm>>
      tpu.wait_indirect_dma semaphore(%arg9 : memref<!tpu.dma_semaphore, #tpu.memory_space<semaphore_mem>>) src(%dma_wait3A_45 : memref<1000x512xf32, #tpu.memory_space<hbm>>) dst(%arg7 : memref<40x512xf32, #tpu.memory_space<vmem>>)
      %mul3A_46 = arith.constant 40 : i32
      %mul3A_47 = arith.muli %add3A_39, %mul3A_46 : i32
      %add3A_48 = arith.addi %mul3A_2, %mul3A_47 : i32
      "tpu.region"() ({
        %run_scoped3A = tpu.sem_alloc : memref<!tpu.dma_semaphore, #tpu.memory_space<semaphore_mem>>
        %dma_start3A_56 = arith.constant 0 : i32
        %dma_start3A_57 = tpu.memref_slice %arg4[%add3A_48, %dma_start3A_56] : memref<20480x512xf32, #tpu.memory_space<hbm>> -> memref<40x512xf32, #tpu.memory_space<hbm>>
        %dma_start3A_58 = arith.constant 0 : i32
        %dma_start3A_59 = tpu.memref_slice %arg4[%add3A_48, %dma_start3A_58] : memref<20480x512xf32, #tpu.memory_space<hbm>> -> memref<40x512xf32, #tpu.memory_space<hbm>>
        tpu.enqueue_dma source(%arg7 : memref<40x512xf32, #tpu.memory_space<vmem>>) target(%dma_start3A_59 : memref<40x512xf32, #tpu.memory_space<hbm>>) target_semaphore(%run_scoped3A : memref<!tpu.dma_semaphore, #tpu.memory_space<semaphore_mem>>)
        %dma_wait3A_60 = arith.constant 0 : i32
        %dma_wait3A_61 = tpu.memref_slice %arg4[%add3A_48, %dma_wait3A_60] : memref<20480x512xf32, #tpu.memory_space<hbm>> -> memref<40x512xf32, #tpu.memory_space<hbm>>
        %dma_wait3A_62 = arith.constant 0 : i32
        %dma_wait3A_63 = tpu.memref_slice %arg4[%add3A_48, %dma_wait3A_62] : memref<20480x512xf32, #tpu.memory_space<hbm>> -> memref<40x512xf32, #tpu.memory_space<hbm>>
        tpu.wait_dma2 semaphore(%run_scoped3A : memref<!tpu.dma_semaphore, #tpu.memory_space<semaphore_mem>>) src(%arg7 : memref<40x512xf32, #tpu.memory_space<vmem>>) dst(%dma_wait3A_63 : memref<40x512xf32, #tpu.memory_space<hbm>>)
        tpu.yield
      }) : () -> ()
      %add3A_49 = arith.constant 2 : i32
      %add3A_50 = arith.addi %add3A_39, %add3A_49 : i32
      %lt3A_51 = arith.constant 16 : i32
      %lt3A_52 = arith.cmpi slt, %add3A_50, %lt3A_51 : i32
      %convert_element_type3A_53 = arith.extui %lt3A_52 : i1 to i32
      %cond3A_54 = arith.constant 0 : i32
      %cond3A_55 = arith.cmpi ne, %convert_element_type3A_53, %cond3A_54 : i32
      scf.if %cond3A_55 {
        %add3A_56 = arith.constant 2 : i32
        %add3A_57 = arith.addi %add3A_39, %add3A_56 : i32
        %dma_start3A_58 = arith.constant 0 : i32
        %dma_start3A_59 = tpu.memref_slice %arg5[%add3A_57, %dma_start3A_58] : memref<16x40xi32, #tpu.memory_space<vmem>> -> memref<1x40xi32, #tpu.memory_space<vmem>>
        %dma_start3A_60 = tpu.memref_squeeze %dma_start3A_59 : memref<1x40xi32, #tpu.memory_space<vmem>> -> memref<40xi32, #tpu.memory_space<vmem>>
        %dma_start3A_61 = arith.constant 0 : i32
        %dma_start3A_62 = arith.constant 0 : i32
        %dma_start3A_63 = tpu.memref_slice %arg2[%dma_start3A_61, %dma_start3A_62] : memref<1000x512xf32, #tpu.memory_space<hbm>> -> memref<1000x512xf32, #tpu.memory_space<hbm>>
        tpu.enqueue_indirect_dma source(%dma_start3A_63 : memref<1000x512xf32, #tpu.memory_space<hbm>>) target(%arg7 : memref<40x512xf32, #tpu.memory_space<vmem>>) offsets(%dma_start3A_60 : memref<40xi32, #tpu.memory_space<vmem>>) semaphore(%arg9 : memref<!tpu.dma_semaphore, #tpu.memory_space<semaphore_mem>>)
      } else {
      }
    }
    %scan3A_22 = arith.constant 8 : i32
    return
  }
}

#map = affine_map<(d0, d1) -> (0, 0)>
module attributes {stable_mosaic.version = 14 : i64} {
  func.func @gather_kernel(%arg0: i32, %arg1: i32, %arg2: memref<1000x512xf32, #tpu.memory_space<hbm>>, %arg3: memref<512x40xi32, #tpu.memory_space<hbm>>, %arg4: memref<20480x512xf32, #tpu.memory_space<hbm>>, %arg5: memref<16x40xi32, #tpu.memory_space<vmem>>, %arg6: memref<40x512xf32, #tpu.memory_space<vmem>>, %arg7: memref<40x512xf32, #tpu.memory_space<vmem>>, %arg8: memref<!tpu.dma_semaphore, #tpu.memory_space<semaphore_mem>>, %arg9: memref<!tpu.dma_semaphore, #tpu.memory_space<semaphore_mem>>) attributes {dimension_semantics = [#tpu.dimension_semantics<core_parallel>, #tpu.dimension_semantics<subcore_parallel>], iteration_bounds = array<i64: 2, 16>, scalar_prefetch = 0 : i64, scratch_operands = 5 : i64, tpu.core_type = #tpu.core_type<sc_vector_subcore>, window_params = [{transform_indices = #map}, {transform_indices = #map}, {transform_indices = #map}]} {
    %mul3A = arith.constant 2 : i32
    %mul3A_0 = arith.muli %arg1, %mul3A : i32
    %add3A = arith.addi %mul3A_0, %arg0 : i32
    %mul3A_1 = arith.constant 640 : i32
    %mul3A_2 = arith.muli %add3A, %mul3A_1 : i32
    %mul3A_3 = arith.constant 16 : i32
    %mul3A_4 = arith.muli %add3A, %mul3A_3 : i32
    "tpu.region"() ({
      %run_scoped3A = tpu.sem_alloc : memref<!tpu.dma_semaphore, #tpu.memory_space<semaphore_mem>>
      %dma_start3A_23 = arith.constant 0 : i32
      %dma_start3A_24 = tpu.memref_slice %arg3[%mul3A_4, %dma_start3A_23] : memref<512x40xi32, #tpu.memory_space<hbm>> -> memref<16x40xi32, #tpu.memory_space<hbm>>
      %dma_start3A_25 = arith.constant 0 : i32
      %dma_start3A_26 = tpu.memref_slice %arg3[%mul3A_4, %dma_start3A_25] : memref<512x40xi32, #tpu.memory_space<hbm>> -> memref<16x40xi32, #tpu.memory_space<hbm>>
      tpu.enqueue_dma source(%dma_start3A_26 : memref<16x40xi32, #tpu.memory_space<hbm>>) target(%arg5 : memref<16x40xi32, #tpu.memory_space<vmem>>) target_semaphore(%run_scoped3A : memref<!tpu.dma_semaphore, #tpu.memory_space<semaphore_mem>>)
      %dma_wait3A = arith.constant 0 : i32
      %dma_wait3A_27 = tpu.memref_slice %arg3[%mul3A_4, %dma_wait3A] : memref<512x40xi32, #tpu.memory_space<hbm>> -> memref<16x40xi32, #tpu.memory_space<hbm>>
      %dma_wait3A_28 = arith.constant 0 : i32
      %dma_wait3A_29 = tpu.memref_slice %arg3[%mul3A_4, %dma_wait3A_28] : memref<512x40xi32, #tpu.memory_space<hbm>> -> memref<16x40xi32, #tpu.memory_space<hbm>>
      tpu.wait_dma2 semaphore(%run_scoped3A : memref<!tpu.dma_semaphore, #tpu.memory_space<semaphore_mem>>) src(%dma_wait3A_29 : memref<16x40xi32, #tpu.memory_space<hbm>>) dst(%arg5 : memref<16x40xi32, #tpu.memory_space<vmem>>)
      tpu.yield
    }) : () -> ()
    %dma_start3A = arith.constant 0 : i32
    %dma_start3A_5 = arith.constant 0 : i32
    %dma_start3A_6 = tpu.memref_slice %arg5[%dma_start3A, %dma_start3A_5] : memref<16x40xi32, #tpu.memory_space<vmem>> -> memref<1x40xi32, #tpu.memory_space<vmem>>
    %dma_start3A_7 = tpu.memref_squeeze %dma_start3A_6 : memref<1x40xi32, #tpu.memory_space<vmem>> -> memref<40xi32, #tpu.memory_space<vmem>>
    %dma_start3A_8 = arith.constant 0 : i32
    %dma_start3A_9 = arith.constant 0 : i32
    %dma_start3A_10 = tpu.memref_slice %arg2[%dma_start3A_8, %dma_start3A_9] : memref<1000x512xf32, #tpu.memory_space<hbm>> -> memref<1000x512xf32, #tpu.memory_space<hbm>>
    tpu.enqueue_indirect_dma source(%dma_start3A_10 : memref<1000x512xf32, #tpu.memory_space<hbm>>) target(%arg6 : memref<40x512xf32, #tpu.memory_space<vmem>>) offsets(%dma_start3A_7 : memref<40xi32, #tpu.memory_space<vmem>>) semaphore(%arg8 : memref<!tpu.dma_semaphore, #tpu.memory_space<semaphore_mem>>)
    %dma_start3A_11 = arith.constant 1 : i32
    %dma_start3A_12 = arith.constant 0 : i32
    %dma_start3A_13 = tpu.memref_slice %arg5[%dma_start3A_11, %dma_start3A_12] : memref<16x40xi32, #tpu.memory_space<vmem>> -> memref<1x40xi32, #tpu.memory_space<vmem>>
    %dma_start3A_14 = tpu.memref_squeeze %dma_start3A_13 : memref<1x40xi32, #tpu.memory_space<vmem>> -> memref<40xi32, #tpu.memory_space<vmem>>
    %dma_start3A_15 = arith.constant 0 : i32
    %dma_start3A_16 = arith.constant 0 : i32
    %dma_start3A_17 = tpu.memref_slice %arg2[%dma_start3A_15, %dma_start3A_16] : memref<1000x512xf32, #tpu.memory_space<hbm>> -> memref<1000x512xf32, #tpu.memory_space<hbm>>
    tpu.enqueue_indirect_dma source(%dma_start3A_17 : memref<1000x512xf32, #tpu.memory_space<hbm>>) target(%arg7 : memref<40x512xf32, #tpu.memory_space<vmem>>) offsets(%dma_start3A_14 : memref<40xi32, #tpu.memory_space<vmem>>) semaphore(%arg9 : memref<!tpu.dma_semaphore, #tpu.memory_space<semaphore_mem>>)
    %scan3A = arith.constant 0 : i32
    %scan3A_18 = arith.constant 0 : i32
    %scan3A_19 = arith.constant 8 : i32
    %scan3A_20 = arith.addi %scan3A_18, %scan3A_19 : i32
    %scan3A_21 = arith.constant 1 : i32
    scf.for %scan3A_23 = %scan3A_18 to %scan3A_20 step %scan3A_21  : i32 {
      %mul3A_24 = arith.constant 2 : i32
      %mul3A_25 = arith.muli %mul3A_24, %scan3A_23 : i32
      %dma_wait3A = arith.constant 0 : i32
      %dma_wait3A_26 = tpu.memref_slice %arg5[%mul3A_25, %dma_wait3A] : memref<16x40xi32, #tpu.memory_space<vmem>> -> memref<1x40xi32, #tpu.memory_space<vmem>>
      %dma_wait3A_27 = tpu.memref_squeeze %dma_wait3A_26 : memref<1x40xi32, #tpu.memory_space<vmem>> -> memref<40xi32, #tpu.memory_space<vmem>>
      %dma_wait3A_28 = arith.constant 0 : i32
      %dma_wait3A_29 = arith.constant 0 : i32
      %dma_wait3A_30 = tpu.memref_slice %arg2[%dma_wait3A_28, %dma_wait3A_29] : memref<1000x512xf32, #tpu.memory_space<hbm>> -> memref<1000x512xf32, #tpu.memory_space<hbm>>
      tpu.wait_indirect_dma semaphore(%arg8 : memref<!tpu.dma_semaphore, #tpu.memory_space<semaphore_mem>>) src(%dma_wait3A_30 : memref<1000x512xf32, #tpu.memory_space<hbm>>) dst(%arg6 : memref<40x512xf32, #tpu.memory_space<vmem>>)
      %mul3A_31 = arith.constant 40 : i32
      %mul3A_32 = arith.muli %mul3A_25, %mul3A_31 : i32
      %add3A_33 = arith.addi %mul3A_2, %mul3A_32 : i32
      "tpu.region"() ({
        %run_scoped3A = tpu.sem_alloc : memref<!tpu.dma_semaphore, #tpu.memory_space<semaphore_mem>>
        %dma_start3A_56 = arith.constant 0 : i32
        %dma_start3A_57 = tpu.memref_slice %arg4[%add3A_33, %dma_start3A_56] : memref<20480x512xf32, #tpu.memory_space<hbm>> -> memref<40x512xf32, #tpu.memory_space<hbm>>
        %dma_start3A_58 = arith.constant 0 : i32
        %dma_start3A_59 = tpu.memref_slice %arg4[%add3A_33, %dma_start3A_58] : memref<20480x512xf32, #tpu.memory_space<hbm>> -> memref<40x512xf32, #tpu.memory_space<hbm>>
        tpu.enqueue_dma source(%arg6 : memref<40x512xf32, #tpu.memory_space<vmem>>) target(%dma_start3A_59 : memref<40x512xf32, #tpu.memory_space<hbm>>) target_semaphore(%run_scoped3A : memref<!tpu.dma_semaphore, #tpu.memory_space<semaphore_mem>>)
        %dma_wait3A_60 = arith.constant 0 : i32
        %dma_wait3A_61 = tpu.memref_slice %arg4[%add3A_33, %dma_wait3A_60] : memref<20480x512xf32, #tpu.memory_space<hbm>> -> memref<40x512xf32, #tpu.memory_space<hbm>>
        %dma_wait3A_62 = arith.constant 0 : i32
        %dma_wait3A_63 = tpu.memref_slice %arg4[%add3A_33, %dma_wait3A_62] : memref<20480x512xf32, #tpu.memory_space<hbm>> -> memref<40x512xf32, #tpu.memory_space<hbm>>
        tpu.wait_dma2 semaphore(%run_scoped3A : memref<!tpu.dma_semaphore, #tpu.memory_space<semaphore_mem>>) src(%arg6 : memref<40x512xf32, #tpu.memory_space<vmem>>) dst(%dma_wait3A_63 : memref<40x512xf32, #tpu.memory_space<hbm>>)
        tpu.yield
      }) : () -> ()
      %add3A_34 = arith.constant 2 : i32
      %add3A_35 = arith.addi %mul3A_25, %add3A_34 : i32
      %lt3A = arith.constant 16 : i32
      %lt3A_36 = arith.cmpi slt, %add3A_35, %lt3A : i32
      %convert_element_type3A = arith.extui %lt3A_36 : i1 to i32
      %cond3A = arith.constant 0 : i32
      %cond3A_37 = arith.cmpi ne, %convert_element_type3A, %cond3A : i32
      scf.if %cond3A_37 {
        %add3A_56 = arith.constant 2 : i32
        %add3A_57 = arith.addi %mul3A_25, %add3A_56 : i32
        %dma_start3A_58 = arith.constant 0 : i32
        %dma_start3A_59 = tpu.memref_slice %arg5[%add3A_57, %dma_start3A_58] : memref<16x40xi32, #tpu.memory_space<vmem>> -> memref<1x40xi32, #tpu.memory_space<vmem>>
        %dma_start3A_60 = tpu.memref_squeeze %dma_start3A_59 : memref<1x40xi32, #tpu.memory_space<vmem>> -> memref<40xi32, #tpu.memory_space<vmem>>
        %dma_start3A_61 = arith.constant 0 : i32
        %dma_start3A_62 = arith.constant 0 : i32
        %dma_start3A_63 = tpu.memref_slice %arg2[%dma_start3A_61, %dma_start3A_62] : memref<1000x512xf32, #tpu.memory_space<hbm>> -> memref<1000x512xf32, #tpu.memory_space<hbm>>
        tpu.enqueue_indirect_dma source(%dma_start3A_63 : memref<1000x512xf32, #tpu.memory_space<hbm>>) target(%arg6 : memref<40x512xf32, #tpu.memory_space<vmem>>) offsets(%dma_start3A_60 : memref<40xi32, #tpu.memory_space<vmem>>) semaphore(%arg8 : memref<!tpu.dma_semaphore, #tpu.memory_space<semaphore_mem>>)
      } else {
      }
      %add3A_38 = arith.constant 1 : i32
      %add3A_39 = arith.addi %mul3A_25, %add3A_38 : i32
      %dma_wait3A_40 = arith.constant 0 : i32
      %dma_wait3A_41 = tpu.memref_slice %arg5[%add3A_39, %dma_wait3A_40] : memref<16x40xi32, #tpu.memory_space<vmem>> -> memref<1x40xi32, #tpu.memory_space<vmem>>
      %dma_wait3A_42 = tpu.memref_squeeze %dma_wait3A_41 : memref<1x40xi32, #tpu.memory_space<vmem>> -> memref<40xi32, #tpu.memory_space<vmem>>
      %dma_wait3A_43 = arith.constant 0 : i32
      %dma_wait3A_44 = arith.constant 0 : i32
      %dma_wait3A_45 = tpu.memref_slice %arg2[%dma_wait3A_43, %dma_wait3A_44] : memref<1000x512xf32, #tpu.memory_space<hbm>> -> memref<1000x512xf32, #tpu.memory_space<hbm>>
      tpu.wait_indirect_dma semaphore(%arg9 : memref<!tpu.dma_semaphore, #tpu.memory_space<semaphore_mem>>) src(%dma_wait3A_45 : memref<1000x512xf32, #tpu.memory_space<hbm>>) dst(%arg7 : memref<40x512xf32, #tpu.memory_space<vmem>>)
      %mul3A_46 = arith.constant 40 : i32
      %mul3A_47 = arith.muli %add3A_39, %mul3A_46 : i32
      %add3A_48 = arith.addi %mul3A_2, %mul3A_47 : i32
      "tpu.region"() ({
        %run_scoped3A = tpu.sem_alloc : memref<!tpu.dma_semaphore, #tpu.memory_space<semaphore_mem>>
        %dma_start3A_56 = arith.constant 0 : i32
        %dma_start3A_57 = tpu.memref_slice %arg4[%add3A_48, %dma_start3A_56] : memref<20480x512xf32, #tpu.memory_space<hbm>> -> memref<40x512xf32, #tpu.memory_space<hbm>>
        %dma_start3A_58 = arith.constant 0 : i32
        %dma_start3A_59 = tpu.memref_slice %arg4[%add3A_48, %dma_start3A_58] : memref<20480x512xf32, #tpu.memory_space<hbm>> -> memref<40x512xf32, #tpu.memory_space<hbm>>
        tpu.enqueue_dma source(%arg7 : memref<40x512xf32, #tpu.memory_space<vmem>>) target(%dma_start3A_59 : memref<40x512xf32, #tpu.memory_space<hbm>>) target_semaphore(%run_scoped3A : memref<!tpu.dma_semaphore, #tpu.memory_space<semaphore_mem>>)
        %dma_wait3A_60 = arith.constant 0 : i32
        %dma_wait3A_61 = tpu.memref_slice %arg4[%add3A_48, %dma_wait3A_60] : memref<20480x512xf32, #tpu.memory_space<hbm>> -> memref<40x512xf32, #tpu.memory_space<hbm>>
        %dma_wait3A_62 = arith.constant 0 : i32
        %dma_wait3A_63 = tpu.memref_slice %arg4[%add3A_48, %dma_wait3A_62] : memref<20480x512xf32, #tpu.memory_space<hbm>> -> memref<40x512xf32, #tpu.memory_space<hbm>>
        tpu.wait_dma2 semaphore(%run_scoped3A : memref<!tpu.dma_semaphore, #tpu.memory_space<semaphore_mem>>) src(%arg7 : memref<40x512xf32, #tpu.memory_space<vmem>>) dst(%dma_wait3A_63 : memref<40x512xf32, #tpu.memory_space<hbm>>)
        tpu.yield
      }) : () -> ()
      %add3A_49 = arith.constant 2 : i32
      %add3A_50 = arith.addi %add3A_39, %add3A_49 : i32
      %lt3A_51 = arith.constant 16 : i32
      %lt3A_52 = arith.cmpi slt, %add3A_50, %lt3A_51 : i32
      %convert_element_type3A_53 = arith.extui %lt3A_52 : i1 to i32
      %cond3A_54 = arith.constant 0 : i32
      %cond3A_55 = arith.cmpi ne, %convert_element_type3A_53, %cond3A_54 : i32
      scf.if %cond3A_55 {
        %add3A_56 = arith.constant 2 : i32
        %add3A_57 = arith.addi %add3A_39, %add3A_56 : i32
        %dma_start3A_58 = arith.constant 0 : i32
        %dma_start3A_59 = tpu.memref_slice %arg5[%add3A_57, %dma_start3A_58] : memref<16x40xi32, #tpu.memory_space<vmem>> -> memref<1x40xi32, #tpu.memory_space<vmem>>
        %dma_start3A_60 = tpu.memref_squeeze %dma_start3A_59 : memref<1x40xi32, #tpu.memory_space<vmem>> -> memref<40xi32, #tpu.memory_space<vmem>>
        %dma_start3A_61 = arith.constant 0 : i32
        %dma_start3A_62 = arith.constant 0 : i32
        %dma_start3A_63 = tpu.memref_slice %arg2[%dma_start3A_61, %dma_start3A_62] : memref<1000x512xf32, #tpu.memory_space<hbm>> -> memref<1000x512xf32, #tpu.memory_space<hbm>>
        tpu.enqueue_indirect_dma source(%dma_start3A_63 : memref<1000x512xf32, #tpu.memory_space<hbm>>) target(%arg7 : memref<40x512xf32, #tpu.memory_space<vmem>>) offsets(%dma_start3A_60 : memref<40xi32, #tpu.memory_space<vmem>>) semaphore(%arg9 : memref<!tpu.dma_semaphore, #tpu.memory_space<semaphore_mem>>)
      } else {
      }
    }
    %scan3A_22 = arith.constant 8 : i32
    return
  }
}

module attributes {stable_mosaic.version = 14 : i64} {
  func.func @_fuse_body(%arg0: memref<1000x1000xf32, #tpu.memory_space<vmem>>, %arg1: memref<1024x1000xf32, #tpu.memory_space<vmem>>, %arg2: memref<1x1024xf32, #tpu.memory_space<vmem>>, %arg3: memref<1000x512xf32, #tpu.memory_space<vmem>>) attributes {dimension_semantics = [], scalar_prefetch = 0 : i64, scratch_operands = 0 : i64, tpu.core_type = #tpu.core_type<tc>} {
    %get3A = arith.constant 0 : index
    %get3A_0 = arith.constant 0 : index
    %get3A_1 = vector.load %arg0[%get3A, %get3A_0] : memref<1000x1000xf32, #tpu.memory_space<vmem>>, vector<1000x1000xf32>
    %get3A_2 = arith.constant 0 : index
    %get3A_3 = arith.constant 0 : index
    %get3A_4 = vector.load %arg1[%get3A_2, %get3A_3] : memref<1024x1000xf32, #tpu.memory_space<vmem>>, vector<1024x1000xf32>
    %dot_general3A = arith.constant dense<0.000000e+00> : vector<1000x1024xf32>
    %dot_general3A_5 = tpu.matmul %get3A_1, %get3A_4, %dot_general3A {dimension_numbers = #tpu.dot_dimension_numbers<[1], [1], [0], [0], [0, 0, 1, 0], [], []>, transpose_lhs_hint = false} : vector<1000x1000xf32>, vector<1024x1000xf32>, vector<1000x1024xf32> -> vector<1000x1024xf32>
    %get3A_6 = arith.constant 0 : index
    %get3A_7 = arith.constant 0 : index
    %get3A_8 = vector.load %arg2[%get3A_6, %get3A_7] : memref<1x1024xf32, #tpu.memory_space<vmem>>, vector<1x1024xf32>
    %add3A = vector.broadcast %get3A_8 : vector<1x1024xf32> to vector<1000x1024xf32>
    %add3A_9 = arith.addf %dot_general3A_5, %add3A : vector<1000x1024xf32>
    %bitcast_convert_type3A = tpu.bitcast %add3A_9 : vector<1000x1024xf32> -> vector<1000x1024xi32>
    %add3A_10 = arith.constant 32768 : i32
    %add3A_11 = vector.broadcast %add3A_10 : i32 to vector<1000x1024xi32>
    %add3A_12 = arith.addi %bitcast_convert_type3A, %add3A_11 : vector<1000x1024xi32>
    %slice3A = vector.extract_strided_slice %add3A_12 {offsets = [0, 0], sizes = [1000, 512], strides = [1, 1]} : vector<1000x1024xi32> to vector<1000x512xi32>
    %shift_right_logical3A = arith.constant 16 : i32
    %shift_right_logical3A_13 = vector.broadcast %shift_right_logical3A : i32 to vector<1000x512xi32>
    %shift_right_logical3A_14 = arith.shrui %slice3A, %shift_right_logical3A_13 : vector<1000x512xi32>
    %slice3A_15 = vector.extract_strided_slice %add3A_12 {offsets = [0, 512], sizes = [1000, 512], strides = [1, 1]} : vector<1000x1024xi32> to vector<1000x512xi32>
    %and3A = arith.constant -65536 : i32
    %and3A_16 = vector.broadcast %and3A : i32 to vector<1000x512xi32>
    %and3A_17 = arith.andi %slice3A_15, %and3A_16 : vector<1000x512xi32>
    %or3A = arith.ori %shift_right_logical3A_14, %and3A_17 : vector<1000x512xi32>
    %bitcast_convert_type3A_18 = tpu.bitcast %or3A : vector<1000x512xi32> -> vector<1000x512xf32>
    %swap3A = arith.constant 0 : index
    %swap3A_19 = arith.constant 0 : index
    %swap3A_20 = vector.load %arg3[%swap3A, %swap3A_19] : memref<1000x512xf32, #tpu.memory_space<vmem>>, vector<1000x512xf32>
    tpu.vector_store %arg3[%swap3A, %swap3A_19], %bitcast_convert_type3A_18 {strides = array<i32>} : memref<1000x512xf32, #tpu.memory_space<vmem>>, vector<1000x512xf32>,
    return
  }
}

module attributes {stable_mosaic.version = 14 : i64} {
  func.func @_transpose_body(%arg0: i32, %arg1: memref<2560x512xf32, #tpu.memory_space<vmem>>, %arg2: memref<20x1001x128xf32, #tpu.memory_space<vmem>>) attributes {dimension_semantics = [#tpu.dimension_semantics<arbitrary>], iteration_bounds = array<i64: 8>, scalar_prefetch = 0 : i64, scratch_operands = 0 : i64, tpu.core_type = #tpu.core_type<tc>, window_params = [{transform_indices = @transform_0, window_bounds = array<i64: 2560, 512>}, {transform_indices = @transform_1, window_bounds = array<i64: 20, 1001, 128>}]} {
    %get3A = arith.constant 0 : index
    %get3A_0 = arith.constant 0 : index
    %get3A_1 = vector.load %arg1[%get3A, %get3A_0] : memref<2560x512xf32, #tpu.memory_space<vmem>>, vector<2560x512xf32>
    %reshape3A = vector.shape_cast %get3A_1 : vector<2560x512xf32> to vector<128x20x512xf32>
    %slice3A = vector.extract_strided_slice %reshape3A {offsets = [0, 0, 0], sizes = [128, 1, 512], strides = [1, 1, 1]} : vector<128x20x512xf32> to vector<128x1x512xf32>
    %squeeze3A = vector.shape_cast %slice3A : vector<128x1x512xf32> to vector<128x512xf32>
    %transpose3A = tpu.transpose %squeeze3A, [1, 0] : vector<128x512xf32> -> vector<512x128xf32>
    %bitcast_convert_type3A = tpu.bitcast %transpose3A : vector<512x128xf32> -> vector<512x128xi32>
    %shift_left3A = arith.constant 16 : i32
    %shift_left3A_2 = vector.broadcast %shift_left3A : i32 to vector<512x128xi32>
    %shift_left3A_3 = arith.shli %bitcast_convert_type3A, %shift_left3A_2 : vector<512x128xi32>
    %bitcast_convert_type3A_4 = tpu.bitcast %shift_left3A_3 : vector<512x128xi32> -> vector<512x128xf32>
    %and3A = arith.constant -65536 : i32
    %and3A_5 = vector.broadcast %and3A : i32 to vector<512x128xi32>
    %and3A_6 = arith.andi %bitcast_convert_type3A, %and3A_5 : vector<512x128xi32>
    %bitcast_convert_type3A_7 = tpu.bitcast %and3A_6 : vector<512x128xi32> -> vector<512x128xf32>
    %swap3A = arith.constant 0 : index
    %swap3A_8 = arith.constant 0 : index
    %swap3A_9 = arith.constant 0 : index
    %swap3A_10 = vector.load %arg2[%swap3A, %swap3A_8, %swap3A_9] : memref<20x1001x128xf32, #tpu.memory_space<vmem>>, vector<1x512x128xf32>
    %swap3A_11 = vector.shape_cast %swap3A_10 : vector<1x512x128xf32> to vector<512x128xf32>
    %swap3A_12 = vector.shape_cast %bitcast_convert_type3A_4 : vector<512x128xf32> to vector<1x512x128xf32>
    tpu.vector_store %arg2[%swap3A, %swap3A_8, %swap3A_9], %swap3A_12 {strides = array<i32>} : memref<20x1001x128xf32, #tpu.memory_space<vmem>>, vector<1x512x128xf32>,
    %slice3A_13 = vector.extract_strided_slice %bitcast_convert_type3A_7 {offsets = [0, 0], sizes = [489, 128], strides = [1, 1]} : vector<512x128xf32> to vector<489x128xf32>
    %swap3A_14 = arith.constant 0 : index
    %swap3A_15 = arith.constant 512 : index
    %swap3A_16 = arith.constant 0 : index
    %swap3A_17 = vector.load %arg2[%swap3A_14, %swap3A_15, %swap3A_16] : memref<20x1001x128xf32, #tpu.memory_space<vmem>>, vector<1x489x128xf32>
    %swap3A_18 = vector.shape_cast %swap3A_17 : vector<1x489x128xf32> to vector<489x128xf32>
    %swap3A_19 = vector.shape_cast %slice3A_13 : vector<489x128xf32> to vector<1x489x128xf32>
    tpu.vector_store %arg2[%swap3A_14, %swap3A_15, %swap3A_16], %swap3A_19 {strides = array<i32>} : memref<20x1001x128xf32, #tpu.memory_space<vmem>>, vector<1x489x128xf32>,
    %slice3A_20 = vector.extract_strided_slice %reshape3A {offsets = [0, 1, 0], sizes = [128, 1, 512], strides = [1, 1, 1]} : vector<128x20x512xf32> to vector<128x1x512xf32>
    %squeeze3A_21 = vector.shape_cast %slice3A_20 : vector<128x1x512xf32> to vector<128x512xf32>
    %transpose3A_22 = tpu.transpose %squeeze3A_21, [1, 0] : vector<128x512xf32> -> vector<512x128xf32>
    %bitcast_convert_type3A_23 = tpu.bitcast %transpose3A_22 : vector<512x128xf32> -> vector<512x128xi32>
    %shift_left3A_24 = arith.constant 16 : i32
    %shift_left3A_25 = vector.broadcast %shift_left3A_24 : i32 to vector<512x128xi32>
    %shift_left3A_26 = arith.shli %bitcast_convert_type3A_23, %shift_left3A_25 : vector<512x128xi32>
    %bitcast_convert_type3A_27 = tpu.bitcast %shift_left3A_26 : vector<512x128xi32> -> vector<512x128xf32>
    %and3A_28 = arith.constant -65536 : i32
    %and3A_29 = vector.broadcast %and3A_28 : i32 to vector<512x128xi32>
    %and3A_30 = arith.andi %bitcast_convert_type3A_23, %and3A_29 : vector<512x128xi32>
    %bitcast_convert_type3A_31 = tpu.bitcast %and3A_30 : vector<512x128xi32> -> vector<512x128xf32>
    %swap3A_32 = arith.constant 1 : index
    %swap3A_33 = arith.constant 0 : index
    %swap3A_34 = arith.constant 0 : index
    %swap3A_35 = vector.load %arg2[%swap3A_32, %swap3A_33, %swap3A_34] : memref<20x1001x128xf32, #tpu.memory_space<vmem>>, vector<1x512x128xf32>
    %swap3A_36 = vector.shape_cast %swap3A_35 : vector<1x512x128xf32> to vector<512x128xf32>
    %swap3A_37 = vector.shape_cast %bitcast_convert_type3A_27 : vector<512x128xf32> to vector<1x512x128xf32>
    tpu.vector_store %arg2[%swap3A_32, %swap3A_33, %swap3A_34], %swap3A_37 {strides = array<i32>} : memref<20x1001x128xf32, #tpu.memory_space<vmem>>, vector<1x512x128xf32>,
    %slice3A_38 = vector.extract_strided_slice %bitcast_convert_type3A_31 {offsets = [0, 0], sizes = [489, 128], strides = [1, 1]} : vector<512x128xf32> to vector<489x128xf32>
    %swap3A_39 = arith.constant 1 : index
    %swap3A_40 = arith.constant 512 : index
    %swap3A_41 = arith.constant 0 : index
    %swap3A_42 = vector.load %arg2[%swap3A_39, %swap3A_40, %swap3A_41] : memref<20x1001x128xf32, #tpu.memory_space<vmem>>, vector<1x489x128xf32>
    %swap3A_43 = vector.shape_cast %swap3A_42 : vector<1x489x128xf32> to vector<489x128xf32>
    %swap3A_44 = vector.shape_cast %slice3A_38 : vector<489x128xf32> to vector<1x489x128xf32>
    tpu.vector_store %arg2[%swap3A_39, %swap3A_40, %swap3A_41], %swap3A_44 {strides = array<i32>} : memref<20x1001x128xf32, #tpu.memory_space<vmem>>, vector<1x489x128xf32>,
    %slice3A_45 = vector.extract_strided_slice %reshape3A {offsets = [0, 2, 0], sizes = [128, 1, 512], strides = [1, 1, 1]} : vector<128x20x512xf32> to vector<128x1x512xf32>
    %squeeze3A_46 = vector.shape_cast %slice3A_45 : vector<128x1x512xf32> to vector<128x512xf32>
    %transpose3A_47 = tpu.transpose %squeeze3A_46, [1, 0] : vector<128x512xf32> -> vector<512x128xf32>
    %bitcast_convert_type3A_48 = tpu.bitcast %transpose3A_47 : vector<512x128xf32> -> vector<512x128xi32>
    %shift_left3A_49 = arith.constant 16 : i32
    %shift_left3A_50 = vector.broadcast %shift_left3A_49 : i32 to vector<512x128xi32>
    %shift_left3A_51 = arith.shli %bitcast_convert_type3A_48, %shift_left3A_50 : vector<512x128xi32>
    %bitcast_convert_type3A_52 = tpu.bitcast %shift_left3A_51 : vector<512x128xi32> -> vector<512x128xf32>
    %and3A_53 = arith.constant -65536 : i32
    %and3A_54 = vector.broadcast %and3A_53 : i32 to vector<512x128xi32>
    %and3A_55 = arith.andi %bitcast_convert_type3A_48, %and3A_54 : vector<512x128xi32>
    %bitcast_convert_type3A_56 = tpu.bitcast %and3A_55 : vector<512x128xi32> -> vector<512x128xf32>
    %swap3A_57 = arith.constant 2 : index
    %swap3A_58 = arith.constant 0 : index
    %swap3A_59 = arith.constant 0 : index
    %swap3A_60 = vector.load %arg2[%swap3A_57, %swap3A_58, %swap3A_59] : memref<20x1001x128xf32, #tpu.memory_space<vmem>>, vector<1x512x128xf32>
    %swap3A_61 = vector.shape_cast %swap3A_60 : vector<1x512x128xf32> to vector<512x128xf32>
    %swap3A_62 = vector.shape_cast %bitcast_convert_type3A_52 : vector<512x128xf32> to vector<1x512x128xf32>
    tpu.vector_store %arg2[%swap3A_57, %swap3A_58, %swap3A_59], %swap3A_62 {strides = array<i32>} : memref<20x1001x128xf32, #tpu.memory_space<vmem>>, vector<1x512x128xf32>,
    %slice3A_63 = vector.extract_strided_slice %bitcast_convert_type3A_56 {offsets = [0, 0], sizes = [489, 128], strides = [1, 1]} : vector<512x128xf32> to vector<489x128xf32>
    %swap3A_64 = arith.constant 2 : index
    %swap3A_65 = arith.constant 512 : index
    %swap3A_66 = arith.constant 0 : index
    %swap3A_67 = vector.load %arg2[%swap3A_64, %swap3A_65, %swap3A_66] : memref<20x1001x128xf32, #tpu.memory_space<vmem>>, vector<1x489x128xf32>
    %swap3A_68 = vector.shape_cast %swap3A_67 : vector<1x489x128xf32> to vector<489x128xf32>
    %swap3A_69 = vector.shape_cast %slice3A_63 : vector<489x128xf32> to vector<1x489x128xf32>
    tpu.vector_store %arg2[%swap3A_64, %swap3A_65, %swap3A_66], %swap3A_69 {strides = array<i32>} : memref<20x1001x128xf32, #tpu.memory_space<vmem>>, vector<1x489x128xf32>,
    %slice3A_70 = vector.extract_strided_slice %reshape3A {offsets = [0, 3, 0], sizes = [128, 1, 512], strides = [1, 1, 1]} : vector<128x20x512xf32> to vector<128x1x512xf32>
    %squeeze3A_71 = vector.shape_cast %slice3A_70 : vector<128x1x512xf32> to vector<128x512xf32>
    %transpose3A_72 = tpu.transpose %squeeze3A_71, [1, 0] : vector<128x512xf32> -> vector<512x128xf32>
    %bitcast_convert_type3A_73 = tpu.bitcast %transpose3A_72 : vector<512x128xf32> -> vector<512x128xi32>
    %shift_left3A_74 = arith.constant 16 : i32
    %shift_left3A_75 = vector.broadcast %shift_left3A_74 : i32 to vector<512x128xi32>
    %shift_left3A_76 = arith.shli %bitcast_convert_type3A_73, %shift_left3A_75 : vector<512x128xi32>
    %bitcast_convert_type3A_77 = tpu.bitcast %shift_left3A_76 : vector<512x128xi32> -> vector<512x128xf32>
    %and3A_78 = arith.constant -65536 : i32
    %and3A_79 = vector.broadcast %and3A_78 : i32 to vector<512x128xi32>
    %and3A_80 = arith.andi %bitcast_convert_type3A_73, %and3A_79 : vector<512x128xi32>
    %bitcast_convert_type3A_81 = tpu.bitcast %and3A_80 : vector<512x128xi32> -> vector<512x128xf32>
    %swap3A_82 = arith.constant 3 : index
    %swap3A_83 = arith.constant 0 : index
    %swap3A_84 = arith.constant 0 : index
    %swap3A_85 = vector.load %arg2[%swap3A_82, %swap3A_83, %swap3A_84] : memref<20x1001x128xf32, #tpu.memory_space<vmem>>, vector<1x512x128xf32>
    %swap3A_86 = vector.shape_cast %swap3A_85 : vector<1x512x128xf32> to vector<512x128xf32>
    %swap3A_87 = vector.shape_cast %bitcast_convert_type3A_77 : vector<512x128xf32> to vector<1x512x128xf32>
    tpu.vector_store %arg2[%swap3A_82, %swap3A_83, %swap3A_84], %swap3A_87 {strides = array<i32>} : memref<20x1001x128xf32, #tpu.memory_space<vmem>>, vector<1x512x128xf32>,
    %slice3A_88 = vector.extract_strided_slice %bitcast_convert_type3A_81 {offsets = [0, 0], sizes = [489, 128], strides = [1, 1]} : vector<512x128xf32> to vector<489x128xf32>
    %swap3A_89 = arith.constant 3 : index
    %swap3A_90 = arith.constant 512 : index
    %swap3A_91 = arith.constant 0 : index
    %swap3A_92 = vector.load %arg2[%swap3A_89, %swap3A_90, %swap3A_91] : memref<20x1001x128xf32, #tpu.memory_space<vmem>>, vector<1x489x128xf32>
    %swap3A_93 = vector.shape_cast %swap3A_92 : vector<1x489x128xf32> to vector<489x128xf32>
    %swap3A_94 = vector.shape_cast %slice3A_88 : vector<489x128xf32> to vector<1x489x128xf32>
    tpu.vector_store %arg2[%swap3A_89, %swap3A_90, %swap3A_91], %swap3A_94 {strides = array<i32>} : memref<20x1001x128xf32, #tpu.memory_space<vmem>>, vector<1x489x128xf32>,
    %slice3A_95 = vector.extract_strided_slice %reshape3A {offsets = [0, 4, 0], sizes = [128, 1, 512], strides = [1, 1, 1]} : vector<128x20x512xf32> to vector<128x1x512xf32>
    %squeeze3A_96 = vector.shape_cast %slice3A_95 : vector<128x1x512xf32> to vector<128x512xf32>
    %transpose3A_97 = tpu.transpose %squeeze3A_96, [1, 0] : vector<128x512xf32> -> vector<512x128xf32>
    %bitcast_convert_type3A_98 = tpu.bitcast %transpose3A_97 : vector<512x128xf32> -> vector<512x128xi32>
    %shift_left3A_99 = arith.constant 16 : i32
    %shift_left3A_100 = vector.broadcast %shift_left3A_99 : i32 to vector<512x128xi32>
    %shift_left3A_101 = arith.shli %bitcast_convert_type3A_98, %shift_left3A_100 : vector<512x128xi32>
    %bitcast_convert_type3A_102 = tpu.bitcast %shift_left3A_101 : vector<512x128xi32> -> vector<512x128xf32>
    %and3A_103 = arith.constant -65536 : i32
    %and3A_104 = vector.broadcast %and3A_103 : i32 to vector<512x128xi32>
    %and3A_105 = arith.andi %bitcast_convert_type3A_98, %and3A_104 : vector<512x128xi32>
    %bitcast_convert_type3A_106 = tpu.bitcast %and3A_105 : vector<512x128xi32> -> vector<512x128xf32>
    %swap3A_107 = arith.constant 4 : index
    %swap3A_108 = arith.constant 0 : index
    %swap3A_109 = arith.constant 0 : index
    %swap3A_110 = vector.load %arg2[%swap3A_107, %swap3A_108, %swap3A_109] : memref<20x1001x128xf32, #tpu.memory_space<vmem>>, vector<1x512x128xf32>
    %swap3A_111 = vector.shape_cast %swap3A_110 : vector<1x512x128xf32> to vector<512x128xf32>
    %swap3A_112 = vector.shape_cast %bitcast_convert_type3A_102 : vector<512x128xf32> to vector<1x512x128xf32>
    tpu.vector_store %arg2[%swap3A_107, %swap3A_108, %swap3A_109], %swap3A_112 {strides = array<i32>} : memref<20x1001x128xf32, #tpu.memory_space<vmem>>, vector<1x512x128xf32>,
    %slice3A_113 = vector.extract_strided_slice %bitcast_convert_type3A_106 {offsets = [0, 0], sizes = [489, 128], strides = [1, 1]} : vector<512x128xf32> to vector<489x128xf32>
    %swap3A_114 = arith.constant 4 : index
    %swap3A_115 = arith.constant 512 : index
    %swap3A_116 = arith.constant 0 : index
    %swap3A_117 = vector.load %arg2[%swap3A_114, %swap3A_115, %swap3A_116] : memref<20x1001x128xf32, #tpu.memory_space<vmem>>, vector<1x489x128xf32>
    %swap3A_118 = vector.shape_cast %swap3A_117 : vector<1x489x128xf32> to vector<489x128xf32>
    %swap3A_119 = vector.shape_cast %slice3A_113 : vector<489x128xf32> to vector<1x489x128xf32>
    tpu.vector_store %arg2[%swap3A_114, %swap3A_115, %swap3A_116], %swap3A_119 {strides = array<i32>} : memref<20x1001x128xf32, #tpu.memory_space<vmem>>, vector<1x489x128xf32>,
    %slice3A_120 = vector.extract_strided_slice %reshape3A {offsets = [0, 5, 0], sizes = [128, 1, 512], strides = [1, 1, 1]} : vector<128x20x512xf32> to vector<128x1x512xf32>
    %squeeze3A_121 = vector.shape_cast %slice3A_120 : vector<128x1x512xf32> to vector<128x512xf32>
    %transpose3A_122 = tpu.transpose %squeeze3A_121, [1, 0] : vector<128x512xf32> -> vector<512x128xf32>
    %bitcast_convert_type3A_123 = tpu.bitcast %transpose3A_122 : vector<512x128xf32> -> vector<512x128xi32>
    %shift_left3A_124 = arith.constant 16 : i32
    %shift_left3A_125 = vector.broadcast %shift_left3A_124 : i32 to vector<512x128xi32>
    %shift_left3A_126 = arith.shli %bitcast_convert_type3A_123, %shift_left3A_125 : vector<512x128xi32>
    %bitcast_convert_type3A_127 = tpu.bitcast %shift_left3A_126 : vector<512x128xi32> -> vector<512x128xf32>
    %and3A_128 = arith.constant -65536 : i32
    %and3A_129 = vector.broadcast %and3A_128 : i32 to vector<512x128xi32>
    %and3A_130 = arith.andi %bitcast_convert_type3A_123, %and3A_129 : vector<512x128xi32>
    %bitcast_convert_type3A_131 = tpu.bitcast %and3A_130 : vector<512x128xi32> -> vector<512x128xf32>
    %swap3A_132 = arith.constant 5 : index
    %swap3A_133 = arith.constant 0 : index
    %swap3A_134 = arith.constant 0 : index
    %swap3A_135 = vector.load %arg2[%swap3A_132, %swap3A_133, %swap3A_134] : memref<20x1001x128xf32, #tpu.memory_space<vmem>>, vector<1x512x128xf32>
    %swap3A_136 = vector.shape_cast %swap3A_135 : vector<1x512x128xf32> to vector<512x128xf32>
    %swap3A_137 = vector.shape_cast %bitcast_convert_type3A_127 : vector<512x128xf32> to vector<1x512x128xf32>
    tpu.vector_store %arg2[%swap3A_132, %swap3A_133, %swap3A_134], %swap3A_137 {strides = array<i32>} : memref<20x1001x128xf32, #tpu.memory_space<vmem>>, vector<1x512x128xf32>,
    %slice3A_138 = vector.extract_strided_slice %bitcast_convert_type3A_131 {offsets = [0, 0], sizes = [489, 128], strides = [1, 1]} : vector<512x128xf32> to vector<489x128xf32>
    %swap3A_139 = arith.constant 5 : index
    %swap3A_140 = arith.constant 512 : index
    %swap3A_141 = arith.constant 0 : index
    %swap3A_142 = vector.load %arg2[%swap3A_139, %swap3A_140, %swap3A_141] : memref<20x1001x128xf32, #tpu.memory_space<vmem>>, vector<1x489x128xf32>
    %swap3A_143 = vector.shape_cast %swap3A_142 : vector<1x489x128xf32> to vector<489x128xf32>
    %swap3A_144 = vector.shape_cast %slice3A_138 : vector<489x128xf32> to vector<1x489x128xf32>
    tpu.vector_store %arg2[%swap3A_139, %swap3A_140, %swap3A_141], %swap3A_144 {strides = array<i32>} : memref<20x1001x128xf32, #tpu.memory_space<vmem>>, vector<1x489x128xf32>,
    %slice3A_145 = vector.extract_strided_slice %reshape3A {offsets = [0, 6, 0], sizes = [128, 1, 512], strides = [1, 1, 1]} : vector<128x20x512xf32> to vector<128x1x512xf32>
    %squeeze3A_146 = vector.shape_cast %slice3A_145 : vector<128x1x512xf32> to vector<128x512xf32>
    %transpose3A_147 = tpu.transpose %squeeze3A_146, [1, 0] : vector<128x512xf32> -> vector<512x128xf32>
    %bitcast_convert_type3A_148 = tpu.bitcast %transpose3A_147 : vector<512x128xf32> -> vector<512x128xi32>
    %shift_left3A_149 = arith.constant 16 : i32
    %shift_left3A_150 = vector.broadcast %shift_left3A_149 : i32 to vector<512x128xi32>
    %shift_left3A_151 = arith.shli %bitcast_convert_type3A_148, %shift_left3A_150 : vector<512x128xi32>
    %bitcast_convert_type3A_152 = tpu.bitcast %shift_left3A_151 : vector<512x128xi32> -> vector<512x128xf32>
    %and3A_153 = arith.constant -65536 : i32
    %and3A_154 = vector.broadcast %and3A_153 : i32 to vector<512x128xi32>
    %and3A_155 = arith.andi %bitcast_convert_type3A_148, %and3A_154 : vector<512x128xi32>
    %bitcast_convert_type3A_156 = tpu.bitcast %and3A_155 : vector<512x128xi32> -> vector<512x128xf32>
    %swap3A_157 = arith.constant 6 : index
    %swap3A_158 = arith.constant 0 : index
    %swap3A_159 = arith.constant 0 : index
    %swap3A_160 = vector.load %arg2[%swap3A_157, %swap3A_158, %swap3A_159] : memref<20x1001x128xf32, #tpu.memory_space<vmem>>, vector<1x512x128xf32>
    %swap3A_161 = vector.shape_cast %swap3A_160 : vector<1x512x128xf32> to vector<512x128xf32>
    %swap3A_162 = vector.shape_cast %bitcast_convert_type3A_152 : vector<512x128xf32> to vector<1x512x128xf32>
    tpu.vector_store %arg2[%swap3A_157, %swap3A_158, %swap3A_159], %swap3A_162 {strides = array<i32>} : memref<20x1001x128xf32, #tpu.memory_space<vmem>>, vector<1x512x128xf32>,
    %slice3A_163 = vector.extract_strided_slice %bitcast_convert_type3A_156 {offsets = [0, 0], sizes = [489, 128], strides = [1, 1]} : vector<512x128xf32> to vector<489x128xf32>
    %swap3A_164 = arith.constant 6 : index
    %swap3A_165 = arith.constant 512 : index
    %swap3A_166 = arith.constant 0 : index
    %swap3A_167 = vector.load %arg2[%swap3A_164, %swap3A_165, %swap3A_166] : memref<20x1001x128xf32, #tpu.memory_space<vmem>>, vector<1x489x128xf32>
    %swap3A_168 = vector.shape_cast %swap3A_167 : vector<1x489x128xf32> to vector<489x128xf32>
    %swap3A_169 = vector.shape_cast %slice3A_163 : vector<489x128xf32> to vector<1x489x128xf32>
    tpu.vector_store %arg2[%swap3A_164, %swap3A_165, %swap3A_166], %swap3A_169 {strides = array<i32>} : memref<20x1001x128xf32, #tpu.memory_space<vmem>>, vector<1x489x128xf32>,
    %slice3A_170 = vector.extract_strided_slice %reshape3A {offsets = [0, 7, 0], sizes = [128, 1, 512], strides = [1, 1, 1]} : vector<128x20x512xf32> to vector<128x1x512xf32>
    %squeeze3A_171 = vector.shape_cast %slice3A_170 : vector<128x1x512xf32> to vector<128x512xf32>
    %transpose3A_172 = tpu.transpose %squeeze3A_171, [1, 0] : vector<128x512xf32> -> vector<512x128xf32>
    %bitcast_convert_type3A_173 = tpu.bitcast %transpose3A_172 : vector<512x128xf32> -> vector<512x128xi32>
    %shift_left3A_174 = arith.constant 16 : i32
    %shift_left3A_175 = vector.broadcast %shift_left3A_174 : i32 to vector<512x128xi32>
    %shift_left3A_176 = arith.shli %bitcast_convert_type3A_173, %shift_left3A_175 : vector<512x128xi32>
    %bitcast_convert_type3A_177 = tpu.bitcast %shift_left3A_176 : vector<512x128xi32> -> vector<512x128xf32>
    %and3A_178 = arith.constant -65536 : i32
    %and3A_179 = vector.broadcast %and3A_178 : i32 to vector<512x128xi32>
    %and3A_180 = arith.andi %bitcast_convert_type3A_173, %and3A_179 : vector<512x128xi32>
    %bitcast_convert_type3A_181 = tpu.bitcast %and3A_180 : vector<512x128xi32> -> vector<512x128xf32>
    %swap3A_182 = arith.constant 7 : index
    %swap3A_183 = arith.constant 0 : index
    %swap3A_184 = arith.constant 0 : index
    %swap3A_185 = vector.load %arg2[%swap3A_182, %swap3A_183, %swap3A_184] : memref<20x1001x128xf32, #tpu.memory_space<vmem>>, vector<1x512x128xf32>
    %swap3A_186 = vector.shape_cast %swap3A_185 : vector<1x512x128xf32> to vector<512x128xf32>
    %swap3A_187 = vector.shape_cast %bitcast_convert_type3A_177 : vector<512x128xf32> to vector<1x512x128xf32>
    tpu.vector_store %arg2[%swap3A_182, %swap3A_183, %swap3A_184], %swap3A_187 {strides = array<i32>} : memref<20x1001x128xf32, #tpu.memory_space<vmem>>, vector<1x512x128xf32>,
    %slice3A_188 = vector.extract_strided_slice %bitcast_convert_type3A_181 {offsets = [0, 0], sizes = [489, 128], strides = [1, 1]} : vector<512x128xf32> to vector<489x128xf32>
    %swap3A_189 = arith.constant 7 : index
    %swap3A_190 = arith.constant 512 : index
    %swap3A_191 = arith.constant 0 : index
    %swap3A_192 = vector.load %arg2[%swap3A_189, %swap3A_190, %swap3A_191] : memref<20x1001x128xf32, #tpu.memory_space<vmem>>, vector<1x489x128xf32>
    %swap3A_193 = vector.shape_cast %swap3A_192 : vector<1x489x128xf32> to vector<489x128xf32>
    %swap3A_194 = vector.shape_cast %slice3A_188 : vector<489x128xf32> to vector<1x489x128xf32>
    tpu.vector_store %arg2[%swap3A_189, %swap3A_190, %swap3A_191], %swap3A_194 {strides = array<i32>} : memref<20x1001x128xf32, #tpu.memory_space<vmem>>, vector<1x489x128xf32>,
    %slice3A_195 = vector.extract_strided_slice %reshape3A {offsets = [0, 8, 0], sizes = [128, 1, 512], strides = [1, 1, 1]} : vector<128x20x512xf32> to vector<128x1x512xf32>
    %squeeze3A_196 = vector.shape_cast %slice3A_195 : vector<128x1x512xf32> to vector<128x512xf32>
    %transpose3A_197 = tpu.transpose %squeeze3A_196, [1, 0] : vector<128x512xf32> -> vector<512x128xf32>
    %bitcast_convert_type3A_198 = tpu.bitcast %transpose3A_197 : vector<512x128xf32> -> vector<512x128xi32>
    %shift_left3A_199 = arith.constant 16 : i32
    %shift_left3A_200 = vector.broadcast %shift_left3A_199 : i32 to vector<512x128xi32>
    %shift_left3A_201 = arith.shli %bitcast_convert_type3A_198, %shift_left3A_200 : vector<512x128xi32>
    %bitcast_convert_type3A_202 = tpu.bitcast %shift_left3A_201 : vector<512x128xi32> -> vector<512x128xf32>
    %and3A_203 = arith.constant -65536 : i32
    %and3A_204 = vector.broadcast %and3A_203 : i32 to vector<512x128xi32>
    %and3A_205 = arith.andi %bitcast_convert_type3A_198, %and3A_204 : vector<512x128xi32>
    %bitcast_convert_type3A_206 = tpu.bitcast %and3A_205 : vector<512x128xi32> -> vector<512x128xf32>
    %swap3A_207 = arith.constant 8 : index
    %swap3A_208 = arith.constant 0 : index
    %swap3A_209 = arith.constant 0 : index
    %swap3A_210 = vector.load %arg2[%swap3A_207, %swap3A_208, %swap3A_209] : memref<20x1001x128xf32, #tpu.memory_space<vmem>>, vector<1x512x128xf32>
    %swap3A_211 = vector.shape_cast %swap3A_210 : vector<1x512x128xf32> to vector<512x128xf32>
    %swap3A_212 = vector.shape_cast %bitcast_convert_type3A_202 : vector<512x128xf32> to vector<1x512x128xf32>
    tpu.vector_store %arg2[%swap3A_207, %swap3A_208, %swap3A_209], %swap3A_212 {strides = array<i32>} : memref<20x1001x128xf32, #tpu.memory_space<vmem>>, vector<1x512x128xf32>,
    %slice3A_213 = vector.extract_strided_slice %bitcast_convert_type3A_206 {offsets = [0, 0], sizes = [489, 128], strides = [1, 1]} : vector<512x128xf32> to vector<489x128xf32>
    %swap3A_214 = arith.constant 8 : index
    %swap3A_215 = arith.constant 512 : index
    %swap3A_216 = arith.constant 0 : index
    %swap3A_217 = vector.load %arg2[%swap3A_214, %swap3A_215, %swap3A_216] : memref<20x1001x128xf32, #tpu.memory_space<vmem>>, vector<1x489x128xf32>
    %swap3A_218 = vector.shape_cast %swap3A_217 : vector<1x489x128xf32> to vector<489x128xf32>
    %swap3A_219 = vector.shape_cast %slice3A_213 : vector<489x128xf32> to vector<1x489x128xf32>
    tpu.vector_store %arg2[%swap3A_214, %swap3A_215, %swap3A_216], %swap3A_219 {strides = array<i32>} : memref<20x1001x128xf32, #tpu.memory_space<vmem>>, vector<1x489x128xf32>,
    %slice3A_220 = vector.extract_strided_slice %reshape3A {offsets = [0, 9, 0], sizes = [128, 1, 512], strides = [1, 1, 1]} : vector<128x20x512xf32> to vector<128x1x512xf32>
    %squeeze3A_221 = vector.shape_cast %slice3A_220 : vector<128x1x512xf32> to vector<128x512xf32>
    %transpose3A_222 = tpu.transpose %squeeze3A_221, [1, 0] : vector<128x512xf32> -> vector<512x128xf32>
    %bitcast_convert_type3A_223 = tpu.bitcast %transpose3A_222 : vector<512x128xf32> -> vector<512x128xi32>
    %shift_left3A_224 = arith.constant 16 : i32
    %shift_left3A_225 = vector.broadcast %shift_left3A_224 : i32 to vector<512x128xi32>
    %shift_left3A_226 = arith.shli %bitcast_convert_type3A_223, %shift_left3A_225 : vector<512x128xi32>
    %bitcast_convert_type3A_227 = tpu.bitcast %shift_left3A_226 : vector<512x128xi32> -> vector<512x128xf32>
    %and3A_228 = arith.constant -65536 : i32
    %and3A_229 = vector.broadcast %and3A_228 : i32 to vector<512x128xi32>
    %and3A_230 = arith.andi %bitcast_convert_type3A_223, %and3A_229 : vector<512x128xi32>
    %bitcast_convert_type3A_231 = tpu.bitcast %and3A_230 : vector<512x128xi32> -> vector<512x128xf32>
    %swap3A_232 = arith.constant 9 : index
    %swap3A_233 = arith.constant 0 : index
    %swap3A_234 = arith.constant 0 : index
    %swap3A_235 = vector.load %arg2[%swap3A_232, %swap3A_233, %swap3A_234] : memref<20x1001x128xf32, #tpu.memory_space<vmem>>, vector<1x512x128xf32>
    %swap3A_236 = vector.shape_cast %swap3A_235 : vector<1x512x128xf32> to vector<512x128xf32>
    %swap3A_237 = vector.shape_cast %bitcast_convert_type3A_227 : vector<512x128xf32> to vector<1x512x128xf32>
    tpu.vector_store %arg2[%swap3A_232, %swap3A_233, %swap3A_234], %swap3A_237 {strides = array<i32>} : memref<20x1001x128xf32, #tpu.memory_space<vmem>>, vector<1x512x128xf32>,
    %slice3A_238 = vector.extract_strided_slice %bitcast_convert_type3A_231 {offsets = [0, 0], sizes = [489, 128], strides = [1, 1]} : vector<512x128xf32> to vector<489x128xf32>
    %swap3A_239 = arith.constant 9 : index
    %swap3A_240 = arith.constant 512 : index
    %swap3A_241 = arith.constant 0 : index
    %swap3A_242 = vector.load %arg2[%swap3A_239, %swap3A_240, %swap3A_241] : memref<20x1001x128xf32, #tpu.memory_space<vmem>>, vector<1x489x128xf32>
    %swap3A_243 = vector.shape_cast %swap3A_242 : vector<1x489x128xf32> to vector<489x128xf32>
    %swap3A_244 = vector.shape_cast %slice3A_238 : vector<489x128xf32> to vector<1x489x128xf32>
    tpu.vector_store %arg2[%swap3A_239, %swap3A_240, %swap3A_241], %swap3A_244 {strides = array<i32>} : memref<20x1001x128xf32, #tpu.memory_space<vmem>>, vector<1x489x128xf32>,
    %slice3A_245 = vector.extract_strided_slice %reshape3A {offsets = [0, 10, 0], sizes = [128, 1, 512], strides = [1, 1, 1]} : vector<128x20x512xf32> to vector<128x1x512xf32>
    %squeeze3A_246 = vector.shape_cast %slice3A_245 : vector<128x1x512xf32> to vector<128x512xf32>
    %transpose3A_247 = tpu.transpose %squeeze3A_246, [1, 0] : vector<128x512xf32> -> vector<512x128xf32>
    %bitcast_convert_type3A_248 = tpu.bitcast %transpose3A_247 : vector<512x128xf32> -> vector<512x128xi32>
    %shift_left3A_249 = arith.constant 16 : i32
    %shift_left3A_250 = vector.broadcast %shift_left3A_249 : i32 to vector<512x128xi32>
    %shift_left3A_251 = arith.shli %bitcast_convert_type3A_248, %shift_left3A_250 : vector<512x128xi32>
    %bitcast_convert_type3A_252 = tpu.bitcast %shift_left3A_251 : vector<512x128xi32> -> vector<512x128xf32>
    %and3A_253 = arith.constant -65536 : i32
    %and3A_254 = vector.broadcast %and3A_253 : i32 to vector<512x128xi32>
    %and3A_255 = arith.andi %bitcast_convert_type3A_248, %and3A_254 : vector<512x128xi32>
    %bitcast_convert_type3A_256 = tpu.bitcast %and3A_255 : vector<512x128xi32> -> vector<512x128xf32>
    %swap3A_257 = arith.constant 10 : index
    %swap3A_258 = arith.constant 0 : index
    %swap3A_259 = arith.constant 0 : index
    %swap3A_260 = vector.load %arg2[%swap3A_257, %swap3A_258, %swap3A_259] : memref<20x1001x128xf32, #tpu.memory_space<vmem>>, vector<1x512x128xf32>
    %swap3A_261 = vector.shape_cast %swap3A_260 : vector<1x512x128xf32> to vector<512x128xf32>
    %swap3A_262 = vector.shape_cast %bitcast_convert_type3A_252 : vector<512x128xf32> to vector<1x512x128xf32>
    tpu.vector_store %arg2[%swap3A_257, %swap3A_258, %swap3A_259], %swap3A_262 {strides = array<i32>} : memref<20x1001x128xf32, #tpu.memory_space<vmem>>, vector<1x512x128xf32>,
    %slice3A_263 = vector.extract_strided_slice %bitcast_convert_type3A_256 {offsets = [0, 0], sizes = [489, 128], strides = [1, 1]} : vector<512x128xf32> to vector<489x128xf32>
    %swap3A_264 = arith.constant 10 : index
    %swap3A_265 = arith.constant 512 : index
    %swap3A_266 = arith.constant 0 : index
    %swap3A_267 = vector.load %arg2[%swap3A_264, %swap3A_265, %swap3A_266] : memref<20x1001x128xf32, #tpu.memory_space<vmem>>, vector<1x489x128xf32>
    %swap3A_268 = vector.shape_cast %swap3A_267 : vector<1x489x128xf32> to vector<489x128xf32>
    %swap3A_269 = vector.shape_cast %slice3A_263 : vector<489x128xf32> to vector<1x489x128xf32>
    tpu.vector_store %arg2[%swap3A_264, %swap3A_265, %swap3A_266], %swap3A_269 {strides = array<i32>} : memref<20x1001x128xf32, #tpu.memory_space<vmem>>, vector<1x489x128xf32>,
    %slice3A_270 = vector.extract_strided_slice %reshape3A {offsets = [0, 11, 0], sizes = [128, 1, 512], strides = [1, 1, 1]} : vector<128x20x512xf32> to vector<128x1x512xf32>
    %squeeze3A_271 = vector.shape_cast %slice3A_270 : vector<128x1x512xf32> to vector<128x512xf32>
    %transpose3A_272 = tpu.transpose %squeeze3A_271, [1, 0] : vector<128x512xf32> -> vector<512x128xf32>
    %bitcast_convert_type3A_273 = tpu.bitcast %transpose3A_272 : vector<512x128xf32> -> vector<512x128xi32>
    %shift_left3A_274 = arith.constant 16 : i32
    %shift_left3A_275 = vector.broadcast %shift_left3A_274 : i32 to vector<512x128xi32>
    %shift_left3A_276 = arith.shli %bitcast_convert_type3A_273, %shift_left3A_275 : vector<512x128xi32>
    %bitcast_convert_type3A_277 = tpu.bitcast %shift_left3A_276 : vector<512x128xi32> -> vector<512x128xf32>
    %and3A_278 = arith.constant -65536 : i32
    %and3A_279 = vector.broadcast %and3A_278 : i32 to vector<512x128xi32>
    %and3A_280 = arith.andi %bitcast_convert_type3A_273, %and3A_279 : vector<512x128xi32>
    %bitcast_convert_type3A_281 = tpu.bitcast %and3A_280 : vector<512x128xi32> -> vector<512x128xf32>
    %swap3A_282 = arith.constant 11 : index
    %swap3A_283 = arith.constant 0 : index
    %swap3A_284 = arith.constant 0 : index
    %swap3A_285 = vector.load %arg2[%swap3A_282, %swap3A_283, %swap3A_284] : memref<20x1001x128xf32, #tpu.memory_space<vmem>>, vector<1x512x128xf32>
    %swap3A_286 = vector.shape_cast %swap3A_285 : vector<1x512x128xf32> to vector<512x128xf32>
    %swap3A_287 = vector.shape_cast %bitcast_convert_type3A_277 : vector<512x128xf32> to vector<1x512x128xf32>
    tpu.vector_store %arg2[%swap3A_282, %swap3A_283, %swap3A_284], %swap3A_287 {strides = array<i32>} : memref<20x1001x128xf32, #tpu.memory_space<vmem>>, vector<1x512x128xf32>,
    %slice3A_288 = vector.extract_strided_slice %bitcast_convert_type3A_281 {offsets = [0, 0], sizes = [489, 128], strides = [1, 1]} : vector<512x128xf32> to vector<489x128xf32>
    %swap3A_289 = arith.constant 11 : index
    %swap3A_290 = arith.constant 512 : index
    %swap3A_291 = arith.constant 0 : index
    %swap3A_292 = vector.load %arg2[%swap3A_289, %swap3A_290, %swap3A_291] : memref<20x1001x128xf32, #tpu.memory_space<vmem>>, vector<1x489x128xf32>
    %swap3A_293 = vector.shape_cast %swap3A_292 : vector<1x489x128xf32> to vector<489x128xf32>
    %swap3A_294 = vector.shape_cast %slice3A_288 : vector<489x128xf32> to vector<1x489x128xf32>
    tpu.vector_store %arg2[%swap3A_289, %swap3A_290, %swap3A_291], %swap3A_294 {strides = array<i32>} : memref<20x1001x128xf32, #tpu.memory_space<vmem>>, vector<1x489x128xf32>,
    %slice3A_295 = vector.extract_strided_slice %reshape3A {offsets = [0, 12, 0], sizes = [128, 1, 512], strides = [1, 1, 1]} : vector<128x20x512xf32> to vector<128x1x512xf32>
    %squeeze3A_296 = vector.shape_cast %slice3A_295 : vector<128x1x512xf32> to vector<128x512xf32>
    %transpose3A_297 = tpu.transpose %squeeze3A_296, [1, 0] : vector<128x512xf32> -> vector<512x128xf32>
    %bitcast_convert_type3A_298 = tpu.bitcast %transpose3A_297 : vector<512x128xf32> -> vector<512x128xi32>
    %shift_left3A_299 = arith.constant 16 : i32
    %shift_left3A_300 = vector.broadcast %shift_left3A_299 : i32 to vector<512x128xi32>
    %shift_left3A_301 = arith.shli %bitcast_convert_type3A_298, %shift_left3A_300 : vector<512x128xi32>
    %bitcast_convert_type3A_302 = tpu.bitcast %shift_left3A_301 : vector<512x128xi32> -> vector<512x128xf32>
    %and3A_303 = arith.constant -65536 : i32
    %and3A_304 = vector.broadcast %and3A_303 : i32 to vector<512x128xi32>
    %and3A_305 = arith.andi %bitcast_convert_type3A_298, %and3A_304 : vector<512x128xi32>
    %bitcast_convert_type3A_306 = tpu.bitcast %and3A_305 : vector<512x128xi32> -> vector<512x128xf32>
    %swap3A_307 = arith.constant 12 : index
    %swap3A_308 = arith.constant 0 : index
    %swap3A_309 = arith.constant 0 : index
    %swap3A_310 = vector.load %arg2[%swap3A_307, %swap3A_308, %swap3A_309] : memref<20x1001x128xf32, #tpu.memory_space<vmem>>, vector<1x512x128xf32>
    %swap3A_311 = vector.shape_cast %swap3A_310 : vector<1x512x128xf32> to vector<512x128xf32>
    %swap3A_312 = vector.shape_cast %bitcast_convert_type3A_302 : vector<512x128xf32> to vector<1x512x128xf32>
    tpu.vector_store %arg2[%swap3A_307, %swap3A_308, %swap3A_309], %swap3A_312 {strides = array<i32>} : memref<20x1001x128xf32, #tpu.memory_space<vmem>>, vector<1x512x128xf32>,
    %slice3A_313 = vector.extract_strided_slice %bitcast_convert_type3A_306 {offsets = [0, 0], sizes = [489, 128], strides = [1, 1]} : vector<512x128xf32> to vector<489x128xf32>
    %swap3A_314 = arith.constant 12 : index
    %swap3A_315 = arith.constant 512 : index
    %swap3A_316 = arith.constant 0 : index
    %swap3A_317 = vector.load %arg2[%swap3A_314, %swap3A_315, %swap3A_316] : memref<20x1001x128xf32, #tpu.memory_space<vmem>>, vector<1x489x128xf32>
    %swap3A_318 = vector.shape_cast %swap3A_317 : vector<1x489x128xf32> to vector<489x128xf32>
    %swap3A_319 = vector.shape_cast %slice3A_313 : vector<489x128xf32> to vector<1x489x128xf32>
    tpu.vector_store %arg2[%swap3A_314, %swap3A_315, %swap3A_316], %swap3A_319 {strides = array<i32>} : memref<20x1001x128xf32, #tpu.memory_space<vmem>>, vector<1x489x128xf32>,
    %slice3A_320 = vector.extract_strided_slice %reshape3A {offsets = [0, 13, 0], sizes = [128, 1, 512], strides = [1, 1, 1]} : vector<128x20x512xf32> to vector<128x1x512xf32>
    %squeeze3A_321 = vector.shape_cast %slice3A_320 : vector<128x1x512xf32> to vector<128x512xf32>
    %transpose3A_322 = tpu.transpose %squeeze3A_321, [1, 0] : vector<128x512xf32> -> vector<512x128xf32>
    %bitcast_convert_type3A_323 = tpu.bitcast %transpose3A_322 : vector<512x128xf32> -> vector<512x128xi32>
    %shift_left3A_324 = arith.constant 16 : i32
    %shift_left3A_325 = vector.broadcast %shift_left3A_324 : i32 to vector<512x128xi32>
    %shift_left3A_326 = arith.shli %bitcast_convert_type3A_323, %shift_left3A_325 : vector<512x128xi32>
    %bitcast_convert_type3A_327 = tpu.bitcast %shift_left3A_326 : vector<512x128xi32> -> vector<512x128xf32>
    %and3A_328 = arith.constant -65536 : i32
    %and3A_329 = vector.broadcast %and3A_328 : i32 to vector<512x128xi32>
    %and3A_330 = arith.andi %bitcast_convert_type3A_323, %and3A_329 : vector<512x128xi32>
    %bitcast_convert_type3A_331 = tpu.bitcast %and3A_330 : vector<512x128xi32> -> vector<512x128xf32>
    %swap3A_332 = arith.constant 13 : index
    %swap3A_333 = arith.constant 0 : index
    %swap3A_334 = arith.constant 0 : index
    %swap3A_335 = vector.load %arg2[%swap3A_332, %swap3A_333, %swap3A_334] : memref<20x1001x128xf32, #tpu.memory_space<vmem>>, vector<1x512x128xf32>
    %swap3A_336 = vector.shape_cast %swap3A_335 : vector<1x512x128xf32> to vector<512x128xf32>
    %swap3A_337 = vector.shape_cast %bitcast_convert_type3A_327 : vector<512x128xf32> to vector<1x512x128xf32>
    tpu.vector_store %arg2[%swap3A_332, %swap3A_333, %swap3A_334], %swap3A_337 {strides = array<i32>} : memref<20x1001x128xf32, #tpu.memory_space<vmem>>, vector<1x512x128xf32>,
    %slice3A_338 = vector.extract_strided_slice %bitcast_convert_type3A_331 {offsets = [0, 0], sizes = [489, 128], strides = [1, 1]} : vector<512x128xf32> to vector<489x128xf32>
    %swap3A_339 = arith.constant 13 : index
    %swap3A_340 = arith.constant 512 : index
    %swap3A_341 = arith.constant 0 : index
    %swap3A_342 = vector.load %arg2[%swap3A_339, %swap3A_340, %swap3A_341] : memref<20x1001x128xf32, #tpu.memory_space<vmem>>, vector<1x489x128xf32>
    %swap3A_343 = vector.shape_cast %swap3A_342 : vector<1x489x128xf32> to vector<489x128xf32>
    %swap3A_344 = vector.shape_cast %slice3A_338 : vector<489x128xf32> to vector<1x489x128xf32>
    tpu.vector_store %arg2[%swap3A_339, %swap3A_340, %swap3A_341], %swap3A_344 {strides = array<i32>} : memref<20x1001x128xf32, #tpu.memory_space<vmem>>, vector<1x489x128xf32>,
    %slice3A_345 = vector.extract_strided_slice %reshape3A {offsets = [0, 14, 0], sizes = [128, 1, 512], strides = [1, 1, 1]} : vector<128x20x512xf32> to vector<128x1x512xf32>
    %squeeze3A_346 = vector.shape_cast %slice3A_345 : vector<128x1x512xf32> to vector<128x512xf32>
    %transpose3A_347 = tpu.transpose %squeeze3A_346, [1, 0] : vector<128x512xf32> -> vector<512x128xf32>
    %bitcast_convert_type3A_348 = tpu.bitcast %transpose3A_347 : vector<512x128xf32> -> vector<512x128xi32>
    %shift_left3A_349 = arith.constant 16 : i32
    %shift_left3A_350 = vector.broadcast %shift_left3A_349 : i32 to vector<512x128xi32>
    %shift_left3A_351 = arith.shli %bitcast_convert_type3A_348, %shift_left3A_350 : vector<512x128xi32>
    %bitcast_convert_type3A_352 = tpu.bitcast %shift_left3A_351 : vector<512x128xi32> -> vector<512x128xf32>
    %and3A_353 = arith.constant -65536 : i32
    %and3A_354 = vector.broadcast %and3A_353 : i32 to vector<512x128xi32>
    %and3A_355 = arith.andi %bitcast_convert_type3A_348, %and3A_354 : vector<512x128xi32>
    %bitcast_convert_type3A_356 = tpu.bitcast %and3A_355 : vector<512x128xi32> -> vector<512x128xf32>
    %swap3A_357 = arith.constant 14 : index
    %swap3A_358 = arith.constant 0 : index
    %swap3A_359 = arith.constant 0 : index
    %swap3A_360 = vector.load %arg2[%swap3A_357, %swap3A_358, %swap3A_359] : memref<20x1001x128xf32, #tpu.memory_space<vmem>>, vector<1x512x128xf32>
    %swap3A_361 = vector.shape_cast %swap3A_360 : vector<1x512x128xf32> to vector<512x128xf32>
    %swap3A_362 = vector.shape_cast %bitcast_convert_type3A_352 : vector<512x128xf32> to vector<1x512x128xf32>
    tpu.vector_store %arg2[%swap3A_357, %swap3A_358, %swap3A_359], %swap3A_362 {strides = array<i32>} : memref<20x1001x128xf32, #tpu.memory_space<vmem>>, vector<1x512x128xf32>,
    %slice3A_363 = vector.extract_strided_slice %bitcast_convert_type3A_356 {offsets = [0, 0], sizes = [489, 128], strides = [1, 1]} : vector<512x128xf32> to vector<489x128xf32>
    %swap3A_364 = arith.constant 14 : index
    %swap3A_365 = arith.constant 512 : index
    %swap3A_366 = arith.constant 0 : index
    %swap3A_367 = vector.load %arg2[%swap3A_364, %swap3A_365, %swap3A_366] : memref<20x1001x128xf32, #tpu.memory_space<vmem>>, vector<1x489x128xf32>
    %swap3A_368 = vector.shape_cast %swap3A_367 : vector<1x489x128xf32> to vector<489x128xf32>
    %swap3A_369 = vector.shape_cast %slice3A_363 : vector<489x128xf32> to vector<1x489x128xf32>
    tpu.vector_store %arg2[%swap3A_364, %swap3A_365, %swap3A_366], %swap3A_369 {strides = array<i32>} : memref<20x1001x128xf32, #tpu.memory_space<vmem>>, vector<1x489x128xf32>,
    %slice3A_370 = vector.extract_strided_slice %reshape3A {offsets = [0, 15, 0], sizes = [128, 1, 512], strides = [1, 1, 1]} : vector<128x20x512xf32> to vector<128x1x512xf32>
    %squeeze3A_371 = vector.shape_cast %slice3A_370 : vector<128x1x512xf32> to vector<128x512xf32>
    %transpose3A_372 = tpu.transpose %squeeze3A_371, [1, 0] : vector<128x512xf32> -> vector<512x128xf32>
    %bitcast_convert_type3A_373 = tpu.bitcast %transpose3A_372 : vector<512x128xf32> -> vector<512x128xi32>
    %shift_left3A_374 = arith.constant 16 : i32
    %shift_left3A_375 = vector.broadcast %shift_left3A_374 : i32 to vector<512x128xi32>
    %shift_left3A_376 = arith.shli %bitcast_convert_type3A_373, %shift_left3A_375 : vector<512x128xi32>
    %bitcast_convert_type3A_377 = tpu.bitcast %shift_left3A_376 : vector<512x128xi32> -> vector<512x128xf32>
    %and3A_378 = arith.constant -65536 : i32
    %and3A_379 = vector.broadcast %and3A_378 : i32 to vector<512x128xi32>
    %and3A_380 = arith.andi %bitcast_convert_type3A_373, %and3A_379 : vector<512x128xi32>
    %bitcast_convert_type3A_381 = tpu.bitcast %and3A_380 : vector<512x128xi32> -> vector<512x128xf32>
    %swap3A_382 = arith.constant 15 : index
    %swap3A_383 = arith.constant 0 : index
    %swap3A_384 = arith.constant 0 : index
    %swap3A_385 = vector.load %arg2[%swap3A_382, %swap3A_383, %swap3A_384] : memref<20x1001x128xf32, #tpu.memory_space<vmem>>, vector<1x512x128xf32>
    %swap3A_386 = vector.shape_cast %swap3A_385 : vector<1x512x128xf32> to vector<512x128xf32>
    %swap3A_387 = vector.shape_cast %bitcast_convert_type3A_377 : vector<512x128xf32> to vector<1x512x128xf32>
    tpu.vector_store %arg2[%swap3A_382, %swap3A_383, %swap3A_384], %swap3A_387 {strides = array<i32>} : memref<20x1001x128xf32, #tpu.memory_space<vmem>>, vector<1x512x128xf32>,
    %slice3A_388 = vector.extract_strided_slice %bitcast_convert_type3A_381 {offsets = [0, 0], sizes = [489, 128], strides = [1, 1]} : vector<512x128xf32> to vector<489x128xf32>
    %swap3A_389 = arith.constant 15 : index
    %swap3A_390 = arith.constant 512 : index
    %swap3A_391 = arith.constant 0 : index
    %swap3A_392 = vector.load %arg2[%swap3A_389, %swap3A_390, %swap3A_391] : memref<20x1001x128xf32, #tpu.memory_space<vmem>>, vector<1x489x128xf32>
    %swap3A_393 = vector.shape_cast %swap3A_392 : vector<1x489x128xf32> to vector<489x128xf32>
    %swap3A_394 = vector.shape_cast %slice3A_388 : vector<489x128xf32> to vector<1x489x128xf32>
    tpu.vector_store %arg2[%swap3A_389, %swap3A_390, %swap3A_391], %swap3A_394 {strides = array<i32>} : memref<20x1001x128xf32, #tpu.memory_space<vmem>>, vector<1x489x128xf32>,
    %slice3A_395 = vector.extract_strided_slice %reshape3A {offsets = [0, 16, 0], sizes = [128, 1, 512], strides = [1, 1, 1]} : vector<128x20x512xf32> to vector<128x1x512xf32>
    %squeeze3A_396 = vector.shape_cast %slice3A_395 : vector<128x1x512xf32> to vector<128x512xf32>
    %transpose3A_397 = tpu.transpose %squeeze3A_396, [1, 0] : vector<128x512xf32> -> vector<512x128xf32>
    %bitcast_convert_type3A_398 = tpu.bitcast %transpose3A_397 : vector<512x128xf32> -> vector<512x128xi32>
    %shift_left3A_399 = arith.constant 16 : i32
    %shift_left3A_400 = vector.broadcast %shift_left3A_399 : i32 to vector<512x128xi32>
    %shift_left3A_401 = arith.shli %bitcast_convert_type3A_398, %shift_left3A_400 : vector<512x128xi32>
    %bitcast_convert_type3A_402 = tpu.bitcast %shift_left3A_401 : vector<512x128xi32> -> vector<512x128xf32>
    %and3A_403 = arith.constant -65536 : i32
    %and3A_404 = vector.broadcast %and3A_403 : i32 to vector<512x128xi32>
    %and3A_405 = arith.andi %bitcast_convert_type3A_398, %and3A_404 : vector<512x128xi32>
    %bitcast_convert_type3A_406 = tpu.bitcast %and3A_405 : vector<512x128xi32> -> vector<512x128xf32>
    %swap3A_407 = arith.constant 16 : index
    %swap3A_408 = arith.constant 0 : index
    %swap3A_409 = arith.constant 0 : index
    %swap3A_410 = vector.load %arg2[%swap3A_407, %swap3A_408, %swap3A_409] : memref<20x1001x128xf32, #tpu.memory_space<vmem>>, vector<1x512x128xf32>
    %swap3A_411 = vector.shape_cast %swap3A_410 : vector<1x512x128xf32> to vector<512x128xf32>
    %swap3A_412 = vector.shape_cast %bitcast_convert_type3A_402 : vector<512x128xf32> to vector<1x512x128xf32>
    tpu.vector_store %arg2[%swap3A_407, %swap3A_408, %swap3A_409], %swap3A_412 {strides = array<i32>} : memref<20x1001x128xf32, #tpu.memory_space<vmem>>, vector<1x512x128xf32>,
    %slice3A_413 = vector.extract_strided_slice %bitcast_convert_type3A_406 {offsets = [0, 0], sizes = [489, 128], strides = [1, 1]} : vector<512x128xf32> to vector<489x128xf32>
    %swap3A_414 = arith.constant 16 : index
    %swap3A_415 = arith.constant 512 : index
    %swap3A_416 = arith.constant 0 : index
    %swap3A_417 = vector.load %arg2[%swap3A_414, %swap3A_415, %swap3A_416] : memref<20x1001x128xf32, #tpu.memory_space<vmem>>, vector<1x489x128xf32>
    %swap3A_418 = vector.shape_cast %swap3A_417 : vector<1x489x128xf32> to vector<489x128xf32>
    %swap3A_419 = vector.shape_cast %slice3A_413 : vector<489x128xf32> to vector<1x489x128xf32>
    tpu.vector_store %arg2[%swap3A_414, %swap3A_415, %swap3A_416], %swap3A_419 {strides = array<i32>} : memref<20x1001x128xf32, #tpu.memory_space<vmem>>, vector<1x489x128xf32>,
    %slice3A_420 = vector.extract_strided_slice %reshape3A {offsets = [0, 17, 0], sizes = [128, 1, 512], strides = [1, 1, 1]} : vector<128x20x512xf32> to vector<128x1x512xf32>
    %squeeze3A_421 = vector.shape_cast %slice3A_420 : vector<128x1x512xf32> to vector<128x512xf32>
    %transpose3A_422 = tpu.transpose %squeeze3A_421, [1, 0] : vector<128x512xf32> -> vector<512x128xf32>
    %bitcast_convert_type3A_423 = tpu.bitcast %transpose3A_422 : vector<512x128xf32> -> vector<512x128xi32>
    %shift_left3A_424 = arith.constant 16 : i32
    %shift_left3A_425 = vector.broadcast %shift_left3A_424 : i32 to vector<512x128xi32>
    %shift_left3A_426 = arith.shli %bitcast_convert_type3A_423, %shift_left3A_425 : vector<512x128xi32>
    %bitcast_convert_type3A_427 = tpu.bitcast %shift_left3A_426 : vector<512x128xi32> -> vector<512x128xf32>
    %and3A_428 = arith.constant -65536 : i32
    %and3A_429 = vector.broadcast %and3A_428 : i32 to vector<512x128xi32>
    %and3A_430 = arith.andi %bitcast_convert_type3A_423, %and3A_429 : vector<512x128xi32>
    %bitcast_convert_type3A_431 = tpu.bitcast %and3A_430 : vector<512x128xi32> -> vector<512x128xf32>
    %swap3A_432 = arith.constant 17 : index
    %swap3A_433 = arith.constant 0 : index
    %swap3A_434 = arith.constant 0 : index
    %swap3A_435 = vector.load %arg2[%swap3A_432, %swap3A_433, %swap3A_434] : memref<20x1001x128xf32, #tpu.memory_space<vmem>>, vector<1x512x128xf32>
    %swap3A_436 = vector.shape_cast %swap3A_435 : vector<1x512x128xf32> to vector<512x128xf32>
    %swap3A_437 = vector.shape_cast %bitcast_convert_type3A_427 : vector<512x128xf32> to vector<1x512x128xf32>
    tpu.vector_store %arg2[%swap3A_432, %swap3A_433, %swap3A_434], %swap3A_437 {strides = array<i32>} : memref<20x1001x128xf32, #tpu.memory_space<vmem>>, vector<1x512x128xf32>,
    %slice3A_438 = vector.extract_strided_slice %bitcast_convert_type3A_431 {offsets = [0, 0], sizes = [489, 128], strides = [1, 1]} : vector<512x128xf32> to vector<489x128xf32>
    %swap3A_439 = arith.constant 17 : index
    %swap3A_440 = arith.constant 512 : index
    %swap3A_441 = arith.constant 0 : index
    %swap3A_442 = vector.load %arg2[%swap3A_439, %swap3A_440, %swap3A_441] : memref<20x1001x128xf32, #tpu.memory_space<vmem>>, vector<1x489x128xf32>
    %swap3A_443 = vector.shape_cast %swap3A_442 : vector<1x489x128xf32> to vector<489x128xf32>
    %swap3A_444 = vector.shape_cast %slice3A_438 : vector<489x128xf32> to vector<1x489x128xf32>
    tpu.vector_store %arg2[%swap3A_439, %swap3A_440, %swap3A_441], %swap3A_444 {strides = array<i32>} : memref<20x1001x128xf32, #tpu.memory_space<vmem>>, vector<1x489x128xf32>,
    %slice3A_445 = vector.extract_strided_slice %reshape3A {offsets = [0, 18, 0], sizes = [128, 1, 512], strides = [1, 1, 1]} : vector<128x20x512xf32> to vector<128x1x512xf32>
    %squeeze3A_446 = vector.shape_cast %slice3A_445 : vector<128x1x512xf32> to vector<128x512xf32>
    %transpose3A_447 = tpu.transpose %squeeze3A_446, [1, 0] : vector<128x512xf32> -> vector<512x128xf32>
    %bitcast_convert_type3A_448 = tpu.bitcast %transpose3A_447 : vector<512x128xf32> -> vector<512x128xi32>
    %shift_left3A_449 = arith.constant 16 : i32
    %shift_left3A_450 = vector.broadcast %shift_left3A_449 : i32 to vector<512x128xi32>
    %shift_left3A_451 = arith.shli %bitcast_convert_type3A_448, %shift_left3A_450 : vector<512x128xi32>
    %bitcast_convert_type3A_452 = tpu.bitcast %shift_left3A_451 : vector<512x128xi32> -> vector<512x128xf32>
    %and3A_453 = arith.constant -65536 : i32
    %and3A_454 = vector.broadcast %and3A_453 : i32 to vector<512x128xi32>
    %and3A_455 = arith.andi %bitcast_convert_type3A_448, %and3A_454 : vector<512x128xi32>
    %bitcast_convert_type3A_456 = tpu.bitcast %and3A_455 : vector<512x128xi32> -> vector<512x128xf32>
    %swap3A_457 = arith.constant 18 : index
    %swap3A_458 = arith.constant 0 : index
    %swap3A_459 = arith.constant 0 : index
    %swap3A_460 = vector.load %arg2[%swap3A_457, %swap3A_458, %swap3A_459] : memref<20x1001x128xf32, #tpu.memory_space<vmem>>, vector<1x512x128xf32>
    %swap3A_461 = vector.shape_cast %swap3A_460 : vector<1x512x128xf32> to vector<512x128xf32>
    %swap3A_462 = vector.shape_cast %bitcast_convert_type3A_452 : vector<512x128xf32> to vector<1x512x128xf32>
    tpu.vector_store %arg2[%swap3A_457, %swap3A_458, %swap3A_459], %swap3A_462 {strides = array<i32>} : memref<20x1001x128xf32, #tpu.memory_space<vmem>>, vector<1x512x128xf32>,
    %slice3A_463 = vector.extract_strided_slice %bitcast_convert_type3A_456 {offsets = [0, 0], sizes = [489, 128], strides = [1, 1]} : vector<512x128xf32> to vector<489x128xf32>
    %swap3A_464 = arith.constant 18 : index
    %swap3A_465 = arith.constant 512 : index
    %swap3A_466 = arith.constant 0 : index
    %swap3A_467 = vector.load %arg2[%swap3A_464, %swap3A_465, %swap3A_466] : memref<20x1001x128xf32, #tpu.memory_space<vmem>>, vector<1x489x128xf32>
    %swap3A_468 = vector.shape_cast %swap3A_467 : vector<1x489x128xf32> to vector<489x128xf32>
    %swap3A_469 = vector.shape_cast %slice3A_463 : vector<489x128xf32> to vector<1x489x128xf32>
    tpu.vector_store %arg2[%swap3A_464, %swap3A_465, %swap3A_466], %swap3A_469 {strides = array<i32>} : memref<20x1001x128xf32, #tpu.memory_space<vmem>>, vector<1x489x128xf32>,
    %slice3A_470 = vector.extract_strided_slice %reshape3A {offsets = [0, 19, 0], sizes = [128, 1, 512], strides = [1, 1, 1]} : vector<128x20x512xf32> to vector<128x1x512xf32>
    %squeeze3A_471 = vector.shape_cast %slice3A_470 : vector<128x1x512xf32> to vector<128x512xf32>
    %transpose3A_472 = tpu.transpose %squeeze3A_471, [1, 0] : vector<128x512xf32> -> vector<512x128xf32>
    %bitcast_convert_type3A_473 = tpu.bitcast %transpose3A_472 : vector<512x128xf32> -> vector<512x128xi32>
    %shift_left3A_474 = arith.constant 16 : i32
    %shift_left3A_475 = vector.broadcast %shift_left3A_474 : i32 to vector<512x128xi32>
    %shift_left3A_476 = arith.shli %bitcast_convert_type3A_473, %shift_left3A_475 : vector<512x128xi32>
    %bitcast_convert_type3A_477 = tpu.bitcast %shift_left3A_476 : vector<512x128xi32> -> vector<512x128xf32>
    %and3A_478 = arith.constant -65536 : i32
    %and3A_479 = vector.broadcast %and3A_478 : i32 to vector<512x128xi32>
    %and3A_480 = arith.andi %bitcast_convert_type3A_473, %and3A_479 : vector<512x128xi32>
    %bitcast_convert_type3A_481 = tpu.bitcast %and3A_480 : vector<512x128xi32> -> vector<512x128xf32>
    %swap3A_482 = arith.constant 19 : index
    %swap3A_483 = arith.constant 0 : index
    %swap3A_484 = arith.constant 0 : index
    %swap3A_485 = vector.load %arg2[%swap3A_482, %swap3A_483, %swap3A_484] : memref<20x1001x128xf32, #tpu.memory_space<vmem>>, vector<1x512x128xf32>
    %swap3A_486 = vector.shape_cast %swap3A_485 : vector<1x512x128xf32> to vector<512x128xf32>
    %swap3A_487 = vector.shape_cast %bitcast_convert_type3A_477 : vector<512x128xf32> to vector<1x512x128xf32>
    tpu.vector_store %arg2[%swap3A_482, %swap3A_483, %swap3A_484], %swap3A_487 {strides = array<i32>} : memref<20x1001x128xf32, #tpu.memory_space<vmem>>, vector<1x512x128xf32>,
    %slice3A_488 = vector.extract_strided_slice %bitcast_convert_type3A_481 {offsets = [0, 0], sizes = [489, 128], strides = [1, 1]} : vector<512x128xf32> to vector<489x128xf32>
    %swap3A_489 = arith.constant 19 : index
    %swap3A_490 = arith.constant 512 : index
    %swap3A_491 = arith.constant 0 : index
    %swap3A_492 = vector.load %arg2[%swap3A_489, %swap3A_490, %swap3A_491] : memref<20x1001x128xf32, #tpu.memory_space<vmem>>, vector<1x489x128xf32>
    %swap3A_493 = vector.shape_cast %swap3A_492 : vector<1x489x128xf32> to vector<489x128xf32>
    %swap3A_494 = vector.shape_cast %slice3A_488 : vector<489x128xf32> to vector<1x489x128xf32>
    tpu.vector_store %arg2[%swap3A_489, %swap3A_490, %swap3A_491], %swap3A_494 {strides = array<i32>} : memref<20x1001x128xf32, #tpu.memory_space<vmem>>, vector<1x489x128xf32>,
    return
  }
  func.func @transform_0(%arg0: i32) -> (i32, i32) {
    %c0_i32 = arith.constant 0 : i32
    %c0_i32_0 = arith.constant 0 : i32
    return %arg0, %c0_i32 : i32, i32
  }
  func.func @transform_1(%arg0: i32) -> (i32, i32, i32) {
    %add3A = arith.constant 0 : i32
    %add3A_0 = arith.addi %add3A, %arg0 : i32
    %c0_i32 = arith.constant 0 : i32
    %c0_i32_1 = arith.constant 0 : i32
    %c0_i32_2 = arith.constant 0 : i32
    return %c0_i32, %c0_i32_1, %add3A_0 : i32, i32, i32
  }
}

module attributes {stable_mosaic.version = 14 : i64} {
  func.func @_transpose_alias_body(%arg0: i32, %arg1: memref<2560x512xf32, #tpu.memory_space<vmem>>, %arg2: memref<20x1001x4096xf32, #tpu.memory_space<any>>, %arg3: memref<20x1001x128xf32, #tpu.memory_space<vmem>>) attributes {dimension_semantics = [#tpu.dimension_semantics<arbitrary>], iteration_bounds = array<i64: 8>, scalar_prefetch = 0 : i64, scratch_operands = 0 : i64, tpu.core_type = #tpu.core_type<tc>, window_params = [{transform_indices = @transform_0, window_bounds = array<i64: 2560, 512>}, {}, {transform_indices = @transform_2, window_bounds = array<i64: 20, 1001, 128>}]} {
    %get3A = arith.constant 0 : index
    %get3A_0 = arith.constant 0 : index
    %get3A_1 = vector.load %arg1[%get3A, %get3A_0] : memref<2560x512xf32, #tpu.memory_space<vmem>>, vector<2560x512xf32>
    %reshape3A = vector.shape_cast %get3A_1 : vector<2560x512xf32> to vector<128x20x512xf32>
    %slice3A = vector.extract_strided_slice %reshape3A {offsets = [0, 0, 0], sizes = [128, 1, 512], strides = [1, 1, 1]} : vector<128x20x512xf32> to vector<128x1x512xf32>
    %squeeze3A = vector.shape_cast %slice3A : vector<128x1x512xf32> to vector<128x512xf32>
    %transpose3A = tpu.transpose %squeeze3A, [1, 0] : vector<128x512xf32> -> vector<512x128xf32>
    %bitcast_convert_type3A = tpu.bitcast %transpose3A : vector<512x128xf32> -> vector<512x128xi32>
    %shift_left3A = arith.constant 16 : i32
    %shift_left3A_2 = vector.broadcast %shift_left3A : i32 to vector<512x128xi32>
    %shift_left3A_3 = arith.shli %bitcast_convert_type3A, %shift_left3A_2 : vector<512x128xi32>
    %bitcast_convert_type3A_4 = tpu.bitcast %shift_left3A_3 : vector<512x128xi32> -> vector<512x128xf32>
    %and3A = arith.constant -65536 : i32
    %and3A_5 = vector.broadcast %and3A : i32 to vector<512x128xi32>
    %and3A_6 = arith.andi %bitcast_convert_type3A, %and3A_5 : vector<512x128xi32>
    %bitcast_convert_type3A_7 = tpu.bitcast %and3A_6 : vector<512x128xi32> -> vector<512x128xf32>
    %swap3A = arith.constant 0 : index
    %swap3A_8 = arith.constant 0 : index
    %swap3A_9 = arith.constant 0 : index
    %swap3A_10 = vector.load %arg3[%swap3A, %swap3A_8, %swap3A_9] : memref<20x1001x128xf32, #tpu.memory_space<vmem>>, vector<1x512x128xf32>
    %swap3A_11 = vector.shape_cast %swap3A_10 : vector<1x512x128xf32> to vector<512x128xf32>
    %swap3A_12 = vector.shape_cast %bitcast_convert_type3A_4 : vector<512x128xf32> to vector<1x512x128xf32>
    tpu.vector_store %arg3[%swap3A, %swap3A_8, %swap3A_9], %swap3A_12 {strides = array<i32>} : memref<20x1001x128xf32, #tpu.memory_space<vmem>>, vector<1x512x128xf32>,
    %slice3A_13 = vector.extract_strided_slice %bitcast_convert_type3A_7 {offsets = [0, 0], sizes = [489, 128], strides = [1, 1]} : vector<512x128xf32> to vector<489x128xf32>
    %swap3A_14 = arith.constant 0 : index
    %swap3A_15 = arith.constant 512 : index
    %swap3A_16 = arith.constant 0 : index
    %swap3A_17 = vector.load %arg3[%swap3A_14, %swap3A_15, %swap3A_16] : memref<20x1001x128xf32, #tpu.memory_space<vmem>>, vector<1x489x128xf32>
    %swap3A_18 = vector.shape_cast %swap3A_17 : vector<1x489x128xf32> to vector<489x128xf32>
    %swap3A_19 = vector.shape_cast %slice3A_13 : vector<489x128xf32> to vector<1x489x128xf32>
    tpu.vector_store %arg3[%swap3A_14, %swap3A_15, %swap3A_16], %swap3A_19 {strides = array<i32>} : memref<20x1001x128xf32, #tpu.memory_space<vmem>>, vector<1x489x128xf32>,
    %slice3A_20 = vector.extract_strided_slice %reshape3A {offsets = [0, 1, 0], sizes = [128, 1, 512], strides = [1, 1, 1]} : vector<128x20x512xf32> to vector<128x1x512xf32>
    %squeeze3A_21 = vector.shape_cast %slice3A_20 : vector<128x1x512xf32> to vector<128x512xf32>
    %transpose3A_22 = tpu.transpose %squeeze3A_21, [1, 0] : vector<128x512xf32> -> vector<512x128xf32>
    %bitcast_convert_type3A_23 = tpu.bitcast %transpose3A_22 : vector<512x128xf32> -> vector<512x128xi32>
    %shift_left3A_24 = arith.constant 16 : i32
    %shift_left3A_25 = vector.broadcast %shift_left3A_24 : i32 to vector<512x128xi32>
    %shift_left3A_26 = arith.shli %bitcast_convert_type3A_23, %shift_left3A_25 : vector<512x128xi32>
    %bitcast_convert_type3A_27 = tpu.bitcast %shift_left3A_26 : vector<512x128xi32> -> vector<512x128xf32>
    %and3A_28 = arith.constant -65536 : i32
    %and3A_29 = vector.broadcast %and3A_28 : i32 to vector<512x128xi32>
    %and3A_30 = arith.andi %bitcast_convert_type3A_23, %and3A_29 : vector<512x128xi32>
    %bitcast_convert_type3A_31 = tpu.bitcast %and3A_30 : vector<512x128xi32> -> vector<512x128xf32>
    %swap3A_32 = arith.constant 1 : index
    %swap3A_33 = arith.constant 0 : index
    %swap3A_34 = arith.constant 0 : index
    %swap3A_35 = vector.load %arg3[%swap3A_32, %swap3A_33, %swap3A_34] : memref<20x1001x128xf32, #tpu.memory_space<vmem>>, vector<1x512x128xf32>
    %swap3A_36 = vector.shape_cast %swap3A_35 : vector<1x512x128xf32> to vector<512x128xf32>
    %swap3A_37 = vector.shape_cast %bitcast_convert_type3A_27 : vector<512x128xf32> to vector<1x512x128xf32>
    tpu.vector_store %arg3[%swap3A_32, %swap3A_33, %swap3A_34], %swap3A_37 {strides = array<i32>} : memref<20x1001x128xf32, #tpu.memory_space<vmem>>, vector<1x512x128xf32>,
    %slice3A_38 = vector.extract_strided_slice %bitcast_convert_type3A_31 {offsets = [0, 0], sizes = [489, 128], strides = [1, 1]} : vector<512x128xf32> to vector<489x128xf32>
    %swap3A_39 = arith.constant 1 : index
    %swap3A_40 = arith.constant 512 : index
    %swap3A_41 = arith.constant 0 : index
    %swap3A_42 = vector.load %arg3[%swap3A_39, %swap3A_40, %swap3A_41] : memref<20x1001x128xf32, #tpu.memory_space<vmem>>, vector<1x489x128xf32>
    %swap3A_43 = vector.shape_cast %swap3A_42 : vector<1x489x128xf32> to vector<489x128xf32>
    %swap3A_44 = vector.shape_cast %slice3A_38 : vector<489x128xf32> to vector<1x489x128xf32>
    tpu.vector_store %arg3[%swap3A_39, %swap3A_40, %swap3A_41], %swap3A_44 {strides = array<i32>} : memref<20x1001x128xf32, #tpu.memory_space<vmem>>, vector<1x489x128xf32>,
    %slice3A_45 = vector.extract_strided_slice %reshape3A {offsets = [0, 2, 0], sizes = [128, 1, 512], strides = [1, 1, 1]} : vector<128x20x512xf32> to vector<128x1x512xf32>
    %squeeze3A_46 = vector.shape_cast %slice3A_45 : vector<128x1x512xf32> to vector<128x512xf32>
    %transpose3A_47 = tpu.transpose %squeeze3A_46, [1, 0] : vector<128x512xf32> -> vector<512x128xf32>
    %bitcast_convert_type3A_48 = tpu.bitcast %transpose3A_47 : vector<512x128xf32> -> vector<512x128xi32>
    %shift_left3A_49 = arith.constant 16 : i32
    %shift_left3A_50 = vector.broadcast %shift_left3A_49 : i32 to vector<512x128xi32>
    %shift_left3A_51 = arith.shli %bitcast_convert_type3A_48, %shift_left3A_50 : vector<512x128xi32>
    %bitcast_convert_type3A_52 = tpu.bitcast %shift_left3A_51 : vector<512x128xi32> -> vector<512x128xf32>
    %and3A_53 = arith.constant -65536 : i32
    %and3A_54 = vector.broadcast %and3A_53 : i32 to vector<512x128xi32>
    %and3A_55 = arith.andi %bitcast_convert_type3A_48, %and3A_54 : vector<512x128xi32>
    %bitcast_convert_type3A_56 = tpu.bitcast %and3A_55 : vector<512x128xi32> -> vector<512x128xf32>
    %swap3A_57 = arith.constant 2 : index
    %swap3A_58 = arith.constant 0 : index
    %swap3A_59 = arith.constant 0 : index
    %swap3A_60 = vector.load %arg3[%swap3A_57, %swap3A_58, %swap3A_59] : memref<20x1001x128xf32, #tpu.memory_space<vmem>>, vector<1x512x128xf32>
    %swap3A_61 = vector.shape_cast %swap3A_60 : vector<1x512x128xf32> to vector<512x128xf32>
    %swap3A_62 = vector.shape_cast %bitcast_convert_type3A_52 : vector<512x128xf32> to vector<1x512x128xf32>
    tpu.vector_store %arg3[%swap3A_57, %swap3A_58, %swap3A_59], %swap3A_62 {strides = array<i32>} : memref<20x1001x128xf32, #tpu.memory_space<vmem>>, vector<1x512x128xf32>,
    %slice3A_63 = vector.extract_strided_slice %bitcast_convert_type3A_56 {offsets = [0, 0], sizes = [489, 128], strides = [1, 1]} : vector<512x128xf32> to vector<489x128xf32>
    %swap3A_64 = arith.constant 2 : index
    %swap3A_65 = arith.constant 512 : index
    %swap3A_66 = arith.constant 0 : index
    %swap3A_67 = vector.load %arg3[%swap3A_64, %swap3A_65, %swap3A_66] : memref<20x1001x128xf32, #tpu.memory_space<vmem>>, vector<1x489x128xf32>
    %swap3A_68 = vector.shape_cast %swap3A_67 : vector<1x489x128xf32> to vector<489x128xf32>
    %swap3A_69 = vector.shape_cast %slice3A_63 : vector<489x128xf32> to vector<1x489x128xf32>
    tpu.vector_store %arg3[%swap3A_64, %swap3A_65, %swap3A_66], %swap3A_69 {strides = array<i32>} : memref<20x1001x128xf32, #tpu.memory_space<vmem>>, vector<1x489x128xf32>,
    %slice3A_70 = vector.extract_strided_slice %reshape3A {offsets = [0, 3, 0], sizes = [128, 1, 512], strides = [1, 1, 1]} : vector<128x20x512xf32> to vector<128x1x512xf32>
    %squeeze3A_71 = vector.shape_cast %slice3A_70 : vector<128x1x512xf32> to vector<128x512xf32>
    %transpose3A_72 = tpu.transpose %squeeze3A_71, [1, 0] : vector<128x512xf32> -> vector<512x128xf32>
    %bitcast_convert_type3A_73 = tpu.bitcast %transpose3A_72 : vector<512x128xf32> -> vector<512x128xi32>
    %shift_left3A_74 = arith.constant 16 : i32
    %shift_left3A_75 = vector.broadcast %shift_left3A_74 : i32 to vector<512x128xi32>
    %shift_left3A_76 = arith.shli %bitcast_convert_type3A_73, %shift_left3A_75 : vector<512x128xi32>
    %bitcast_convert_type3A_77 = tpu.bitcast %shift_left3A_76 : vector<512x128xi32> -> vector<512x128xf32>
    %and3A_78 = arith.constant -65536 : i32
    %and3A_79 = vector.broadcast %and3A_78 : i32 to vector<512x128xi32>
    %and3A_80 = arith.andi %bitcast_convert_type3A_73, %and3A_79 : vector<512x128xi32>
    %bitcast_convert_type3A_81 = tpu.bitcast %and3A_80 : vector<512x128xi32> -> vector<512x128xf32>
    %swap3A_82 = arith.constant 3 : index
    %swap3A_83 = arith.constant 0 : index
    %swap3A_84 = arith.constant 0 : index
    %swap3A_85 = vector.load %arg3[%swap3A_82, %swap3A_83, %swap3A_84] : memref<20x1001x128xf32, #tpu.memory_space<vmem>>, vector<1x512x128xf32>
    %swap3A_86 = vector.shape_cast %swap3A_85 : vector<1x512x128xf32> to vector<512x128xf32>
    %swap3A_87 = vector.shape_cast %bitcast_convert_type3A_77 : vector<512x128xf32> to vector<1x512x128xf32>
    tpu.vector_store %arg3[%swap3A_82, %swap3A_83, %swap3A_84], %swap3A_87 {strides = array<i32>} : memref<20x1001x128xf32, #tpu.memory_space<vmem>>, vector<1x512x128xf32>,
    %slice3A_88 = vector.extract_strided_slice %bitcast_convert_type3A_81 {offsets = [0, 0], sizes = [489, 128], strides = [1, 1]} : vector<512x128xf32> to vector<489x128xf32>
    %swap3A_89 = arith.constant 3 : index
    %swap3A_90 = arith.constant 512 : index
    %swap3A_91 = arith.constant 0 : index
    %swap3A_92 = vector.load %arg3[%swap3A_89, %swap3A_90, %swap3A_91] : memref<20x1001x128xf32, #tpu.memory_space<vmem>>, vector<1x489x128xf32>
    %swap3A_93 = vector.shape_cast %swap3A_92 : vector<1x489x128xf32> to vector<489x128xf32>
    %swap3A_94 = vector.shape_cast %slice3A_88 : vector<489x128xf32> to vector<1x489x128xf32>
    tpu.vector_store %arg3[%swap3A_89, %swap3A_90, %swap3A_91], %swap3A_94 {strides = array<i32>} : memref<20x1001x128xf32, #tpu.memory_space<vmem>>, vector<1x489x128xf32>,
    %slice3A_95 = vector.extract_strided_slice %reshape3A {offsets = [0, 4, 0], sizes = [128, 1, 512], strides = [1, 1, 1]} : vector<128x20x512xf32> to vector<128x1x512xf32>
    %squeeze3A_96 = vector.shape_cast %slice3A_95 : vector<128x1x512xf32> to vector<128x512xf32>
    %transpose3A_97 = tpu.transpose %squeeze3A_96, [1, 0] : vector<128x512xf32> -> vector<512x128xf32>
    %bitcast_convert_type3A_98 = tpu.bitcast %transpose3A_97 : vector<512x128xf32> -> vector<512x128xi32>
    %shift_left3A_99 = arith.constant 16 : i32
    %shift_left3A_100 = vector.broadcast %shift_left3A_99 : i32 to vector<512x128xi32>
    %shift_left3A_101 = arith.shli %bitcast_convert_type3A_98, %shift_left3A_100 : vector<512x128xi32>
    %bitcast_convert_type3A_102 = tpu.bitcast %shift_left3A_101 : vector<512x128xi32> -> vector<512x128xf32>
    %and3A_103 = arith.constant -65536 : i32
    %and3A_104 = vector.broadcast %and3A_103 : i32 to vector<512x128xi32>
    %and3A_105 = arith.andi %bitcast_convert_type3A_98, %and3A_104 : vector<512x128xi32>
    %bitcast_convert_type3A_106 = tpu.bitcast %and3A_105 : vector<512x128xi32> -> vector<512x128xf32>
    %swap3A_107 = arith.constant 4 : index
    %swap3A_108 = arith.constant 0 : index
    %swap3A_109 = arith.constant 0 : index
    %swap3A_110 = vector.load %arg3[%swap3A_107, %swap3A_108, %swap3A_109] : memref<20x1001x128xf32, #tpu.memory_space<vmem>>, vector<1x512x128xf32>
    %swap3A_111 = vector.shape_cast %swap3A_110 : vector<1x512x128xf32> to vector<512x128xf32>
    %swap3A_112 = vector.shape_cast %bitcast_convert_type3A_102 : vector<512x128xf32> to vector<1x512x128xf32>
    tpu.vector_store %arg3[%swap3A_107, %swap3A_108, %swap3A_109], %swap3A_112 {strides = array<i32>} : memref<20x1001x128xf32, #tpu.memory_space<vmem>>, vector<1x512x128xf32>,
    %slice3A_113 = vector.extract_strided_slice %bitcast_convert_type3A_106 {offsets = [0, 0], sizes = [489, 128], strides = [1, 1]} : vector<512x128xf32> to vector<489x128xf32>
    %swap3A_114 = arith.constant 4 : index
    %swap3A_115 = arith.constant 512 : index
    %swap3A_116 = arith.constant 0 : index
    %swap3A_117 = vector.load %arg3[%swap3A_114, %swap3A_115, %swap3A_116] : memref<20x1001x128xf32, #tpu.memory_space<vmem>>, vector<1x489x128xf32>
    %swap3A_118 = vector.shape_cast %swap3A_117 : vector<1x489x128xf32> to vector<489x128xf32>
    %swap3A_119 = vector.shape_cast %slice3A_113 : vector<489x128xf32> to vector<1x489x128xf32>
    tpu.vector_store %arg3[%swap3A_114, %swap3A_115, %swap3A_116], %swap3A_119 {strides = array<i32>} : memref<20x1001x128xf32, #tpu.memory_space<vmem>>, vector<1x489x128xf32>,
    %slice3A_120 = vector.extract_strided_slice %reshape3A {offsets = [0, 5, 0], sizes = [128, 1, 512], strides = [1, 1, 1]} : vector<128x20x512xf32> to vector<128x1x512xf32>
    %squeeze3A_121 = vector.shape_cast %slice3A_120 : vector<128x1x512xf32> to vector<128x512xf32>
    %transpose3A_122 = tpu.transpose %squeeze3A_121, [1, 0] : vector<128x512xf32> -> vector<512x128xf32>
    %bitcast_convert_type3A_123 = tpu.bitcast %transpose3A_122 : vector<512x128xf32> -> vector<512x128xi32>
    %shift_left3A_124 = arith.constant 16 : i32
    %shift_left3A_125 = vector.broadcast %shift_left3A_124 : i32 to vector<512x128xi32>
    %shift_left3A_126 = arith.shli %bitcast_convert_type3A_123, %shift_left3A_125 : vector<512x128xi32>
    %bitcast_convert_type3A_127 = tpu.bitcast %shift_left3A_126 : vector<512x128xi32> -> vector<512x128xf32>
    %and3A_128 = arith.constant -65536 : i32
    %and3A_129 = vector.broadcast %and3A_128 : i32 to vector<512x128xi32>
    %and3A_130 = arith.andi %bitcast_convert_type3A_123, %and3A_129 : vector<512x128xi32>
    %bitcast_convert_type3A_131 = tpu.bitcast %and3A_130 : vector<512x128xi32> -> vector<512x128xf32>
    %swap3A_132 = arith.constant 5 : index
    %swap3A_133 = arith.constant 0 : index
    %swap3A_134 = arith.constant 0 : index
    %swap3A_135 = vector.load %arg3[%swap3A_132, %swap3A_133, %swap3A_134] : memref<20x1001x128xf32, #tpu.memory_space<vmem>>, vector<1x512x128xf32>
    %swap3A_136 = vector.shape_cast %swap3A_135 : vector<1x512x128xf32> to vector<512x128xf32>
    %swap3A_137 = vector.shape_cast %bitcast_convert_type3A_127 : vector<512x128xf32> to vector<1x512x128xf32>
    tpu.vector_store %arg3[%swap3A_132, %swap3A_133, %swap3A_134], %swap3A_137 {strides = array<i32>} : memref<20x1001x128xf32, #tpu.memory_space<vmem>>, vector<1x512x128xf32>,
    %slice3A_138 = vector.extract_strided_slice %bitcast_convert_type3A_131 {offsets = [0, 0], sizes = [489, 128], strides = [1, 1]} : vector<512x128xf32> to vector<489x128xf32>
    %swap3A_139 = arith.constant 5 : index
    %swap3A_140 = arith.constant 512 : index
    %swap3A_141 = arith.constant 0 : index
    %swap3A_142 = vector.load %arg3[%swap3A_139, %swap3A_140, %swap3A_141] : memref<20x1001x128xf32, #tpu.memory_space<vmem>>, vector<1x489x128xf32>
    %swap3A_143 = vector.shape_cast %swap3A_142 : vector<1x489x128xf32> to vector<489x128xf32>
    %swap3A_144 = vector.shape_cast %slice3A_138 : vector<489x128xf32> to vector<1x489x128xf32>
    tpu.vector_store %arg3[%swap3A_139, %swap3A_140, %swap3A_141], %swap3A_144 {strides = array<i32>} : memref<20x1001x128xf32, #tpu.memory_space<vmem>>, vector<1x489x128xf32>,
    %slice3A_145 = vector.extract_strided_slice %reshape3A {offsets = [0, 6, 0], sizes = [128, 1, 512], strides = [1, 1, 1]} : vector<128x20x512xf32> to vector<128x1x512xf32>
    %squeeze3A_146 = vector.shape_cast %slice3A_145 : vector<128x1x512xf32> to vector<128x512xf32>
    %transpose3A_147 = tpu.transpose %squeeze3A_146, [1, 0] : vector<128x512xf32> -> vector<512x128xf32>
    %bitcast_convert_type3A_148 = tpu.bitcast %transpose3A_147 : vector<512x128xf32> -> vector<512x128xi32>
    %shift_left3A_149 = arith.constant 16 : i32
    %shift_left3A_150 = vector.broadcast %shift_left3A_149 : i32 to vector<512x128xi32>
    %shift_left3A_151 = arith.shli %bitcast_convert_type3A_148, %shift_left3A_150 : vector<512x128xi32>
    %bitcast_convert_type3A_152 = tpu.bitcast %shift_left3A_151 : vector<512x128xi32> -> vector<512x128xf32>
    %and3A_153 = arith.constant -65536 : i32
    %and3A_154 = vector.broadcast %and3A_153 : i32 to vector<512x128xi32>
    %and3A_155 = arith.andi %bitcast_convert_type3A_148, %and3A_154 : vector<512x128xi32>
    %bitcast_convert_type3A_156 = tpu.bitcast %and3A_155 : vector<512x128xi32> -> vector<512x128xf32>
    %swap3A_157 = arith.constant 6 : index
    %swap3A_158 = arith.constant 0 : index
    %swap3A_159 = arith.constant 0 : index
    %swap3A_160 = vector.load %arg3[%swap3A_157, %swap3A_158, %swap3A_159] : memref<20x1001x128xf32, #tpu.memory_space<vmem>>, vector<1x512x128xf32>
    %swap3A_161 = vector.shape_cast %swap3A_160 : vector<1x512x128xf32> to vector<512x128xf32>
    %swap3A_162 = vector.shape_cast %bitcast_convert_type3A_152 : vector<512x128xf32> to vector<1x512x128xf32>
    tpu.vector_store %arg3[%swap3A_157, %swap3A_158, %swap3A_159], %swap3A_162 {strides = array<i32>} : memref<20x1001x128xf32, #tpu.memory_space<vmem>>, vector<1x512x128xf32>,
    %slice3A_163 = vector.extract_strided_slice %bitcast_convert_type3A_156 {offsets = [0, 0], sizes = [489, 128], strides = [1, 1]} : vector<512x128xf32> to vector<489x128xf32>
    %swap3A_164 = arith.constant 6 : index
    %swap3A_165 = arith.constant 512 : index
    %swap3A_166 = arith.constant 0 : index
    %swap3A_167 = vector.load %arg3[%swap3A_164, %swap3A_165, %swap3A_166] : memref<20x1001x128xf32, #tpu.memory_space<vmem>>, vector<1x489x128xf32>
    %swap3A_168 = vector.shape_cast %swap3A_167 : vector<1x489x128xf32> to vector<489x128xf32>
    %swap3A_169 = vector.shape_cast %slice3A_163 : vector<489x128xf32> to vector<1x489x128xf32>
    tpu.vector_store %arg3[%swap3A_164, %swap3A_165, %swap3A_166], %swap3A_169 {strides = array<i32>} : memref<20x1001x128xf32, #tpu.memory_space<vmem>>, vector<1x489x128xf32>,
    %slice3A_170 = vector.extract_strided_slice %reshape3A {offsets = [0, 7, 0], sizes = [128, 1, 512], strides = [1, 1, 1]} : vector<128x20x512xf32> to vector<128x1x512xf32>
    %squeeze3A_171 = vector.shape_cast %slice3A_170 : vector<128x1x512xf32> to vector<128x512xf32>
    %transpose3A_172 = tpu.transpose %squeeze3A_171, [1, 0] : vector<128x512xf32> -> vector<512x128xf32>
    %bitcast_convert_type3A_173 = tpu.bitcast %transpose3A_172 : vector<512x128xf32> -> vector<512x128xi32>
    %shift_left3A_174 = arith.constant 16 : i32
    %shift_left3A_175 = vector.broadcast %shift_left3A_174 : i32 to vector<512x128xi32>
    %shift_left3A_176 = arith.shli %bitcast_convert_type3A_173, %shift_left3A_175 : vector<512x128xi32>
    %bitcast_convert_type3A_177 = tpu.bitcast %shift_left3A_176 : vector<512x128xi32> -> vector<512x128xf32>
    %and3A_178 = arith.constant -65536 : i32
    %and3A_179 = vector.broadcast %and3A_178 : i32 to vector<512x128xi32>
    %and3A_180 = arith.andi %bitcast_convert_type3A_173, %and3A_179 : vector<512x128xi32>
    %bitcast_convert_type3A_181 = tpu.bitcast %and3A_180 : vector<512x128xi32> -> vector<512x128xf32>
    %swap3A_182 = arith.constant 7 : index
    %swap3A_183 = arith.constant 0 : index
    %swap3A_184 = arith.constant 0 : index
    %swap3A_185 = vector.load %arg3[%swap3A_182, %swap3A_183, %swap3A_184] : memref<20x1001x128xf32, #tpu.memory_space<vmem>>, vector<1x512x128xf32>
    %swap3A_186 = vector.shape_cast %swap3A_185 : vector<1x512x128xf32> to vector<512x128xf32>
    %swap3A_187 = vector.shape_cast %bitcast_convert_type3A_177 : vector<512x128xf32> to vector<1x512x128xf32>
    tpu.vector_store %arg3[%swap3A_182, %swap3A_183, %swap3A_184], %swap3A_187 {strides = array<i32>} : memref<20x1001x128xf32, #tpu.memory_space<vmem>>, vector<1x512x128xf32>,
    %slice3A_188 = vector.extract_strided_slice %bitcast_convert_type3A_181 {offsets = [0, 0], sizes = [489, 128], strides = [1, 1]} : vector<512x128xf32> to vector<489x128xf32>
    %swap3A_189 = arith.constant 7 : index
    %swap3A_190 = arith.constant 512 : index
    %swap3A_191 = arith.constant 0 : index
    %swap3A_192 = vector.load %arg3[%swap3A_189, %swap3A_190, %swap3A_191] : memref<20x1001x128xf32, #tpu.memory_space<vmem>>, vector<1x489x128xf32>
    %swap3A_193 = vector.shape_cast %swap3A_192 : vector<1x489x128xf32> to vector<489x128xf32>
    %swap3A_194 = vector.shape_cast %slice3A_188 : vector<489x128xf32> to vector<1x489x128xf32>
    tpu.vector_store %arg3[%swap3A_189, %swap3A_190, %swap3A_191], %swap3A_194 {strides = array<i32>} : memref<20x1001x128xf32, #tpu.memory_space<vmem>>, vector<1x489x128xf32>,
    %slice3A_195 = vector.extract_strided_slice %reshape3A {offsets = [0, 8, 0], sizes = [128, 1, 512], strides = [1, 1, 1]} : vector<128x20x512xf32> to vector<128x1x512xf32>
    %squeeze3A_196 = vector.shape_cast %slice3A_195 : vector<128x1x512xf32> to vector<128x512xf32>
    %transpose3A_197 = tpu.transpose %squeeze3A_196, [1, 0] : vector<128x512xf32> -> vector<512x128xf32>
    %bitcast_convert_type3A_198 = tpu.bitcast %transpose3A_197 : vector<512x128xf32> -> vector<512x128xi32>
    %shift_left3A_199 = arith.constant 16 : i32
    %shift_left3A_200 = vector.broadcast %shift_left3A_199 : i32 to vector<512x128xi32>
    %shift_left3A_201 = arith.shli %bitcast_convert_type3A_198, %shift_left3A_200 : vector<512x128xi32>
    %bitcast_convert_type3A_202 = tpu.bitcast %shift_left3A_201 : vector<512x128xi32> -> vector<512x128xf32>
    %and3A_203 = arith.constant -65536 : i32
    %and3A_204 = vector.broadcast %and3A_203 : i32 to vector<512x128xi32>
    %and3A_205 = arith.andi %bitcast_convert_type3A_198, %and3A_204 : vector<512x128xi32>
    %bitcast_convert_type3A_206 = tpu.bitcast %and3A_205 : vector<512x128xi32> -> vector<512x128xf32>
    %swap3A_207 = arith.constant 8 : index
    %swap3A_208 = arith.constant 0 : index
    %swap3A_209 = arith.constant 0 : index
    %swap3A_210 = vector.load %arg3[%swap3A_207, %swap3A_208, %swap3A_209] : memref<20x1001x128xf32, #tpu.memory_space<vmem>>, vector<1x512x128xf32>
    %swap3A_211 = vector.shape_cast %swap3A_210 : vector<1x512x128xf32> to vector<512x128xf32>
    %swap3A_212 = vector.shape_cast %bitcast_convert_type3A_202 : vector<512x128xf32> to vector<1x512x128xf32>
    tpu.vector_store %arg3[%swap3A_207, %swap3A_208, %swap3A_209], %swap3A_212 {strides = array<i32>} : memref<20x1001x128xf32, #tpu.memory_space<vmem>>, vector<1x512x128xf32>,
    %slice3A_213 = vector.extract_strided_slice %bitcast_convert_type3A_206 {offsets = [0, 0], sizes = [489, 128], strides = [1, 1]} : vector<512x128xf32> to vector<489x128xf32>
    %swap3A_214 = arith.constant 8 : index
    %swap3A_215 = arith.constant 512 : index
    %swap3A_216 = arith.constant 0 : index
    %swap3A_217 = vector.load %arg3[%swap3A_214, %swap3A_215, %swap3A_216] : memref<20x1001x128xf32, #tpu.memory_space<vmem>>, vector<1x489x128xf32>
    %swap3A_218 = vector.shape_cast %swap3A_217 : vector<1x489x128xf32> to vector<489x128xf32>
    %swap3A_219 = vector.shape_cast %slice3A_213 : vector<489x128xf32> to vector<1x489x128xf32>
    tpu.vector_store %arg3[%swap3A_214, %swap3A_215, %swap3A_216], %swap3A_219 {strides = array<i32>} : memref<20x1001x128xf32, #tpu.memory_space<vmem>>, vector<1x489x128xf32>,
    %slice3A_220 = vector.extract_strided_slice %reshape3A {offsets = [0, 9, 0], sizes = [128, 1, 512], strides = [1, 1, 1]} : vector<128x20x512xf32> to vector<128x1x512xf32>
    %squeeze3A_221 = vector.shape_cast %slice3A_220 : vector<128x1x512xf32> to vector<128x512xf32>
    %transpose3A_222 = tpu.transpose %squeeze3A_221, [1, 0] : vector<128x512xf32> -> vector<512x128xf32>
    %bitcast_convert_type3A_223 = tpu.bitcast %transpose3A_222 : vector<512x128xf32> -> vector<512x128xi32>
    %shift_left3A_224 = arith.constant 16 : i32
    %shift_left3A_225 = vector.broadcast %shift_left3A_224 : i32 to vector<512x128xi32>
    %shift_left3A_226 = arith.shli %bitcast_convert_type3A_223, %shift_left3A_225 : vector<512x128xi32>
    %bitcast_convert_type3A_227 = tpu.bitcast %shift_left3A_226 : vector<512x128xi32> -> vector<512x128xf32>
    %and3A_228 = arith.constant -65536 : i32
    %and3A_229 = vector.broadcast %and3A_228 : i32 to vector<512x128xi32>
    %and3A_230 = arith.andi %bitcast_convert_type3A_223, %and3A_229 : vector<512x128xi32>
    %bitcast_convert_type3A_231 = tpu.bitcast %and3A_230 : vector<512x128xi32> -> vector<512x128xf32>
    %swap3A_232 = arith.constant 9 : index
    %swap3A_233 = arith.constant 0 : index
    %swap3A_234 = arith.constant 0 : index
    %swap3A_235 = vector.load %arg3[%swap3A_232, %swap3A_233, %swap3A_234] : memref<20x1001x128xf32, #tpu.memory_space<vmem>>, vector<1x512x128xf32>
    %swap3A_236 = vector.shape_cast %swap3A_235 : vector<1x512x128xf32> to vector<512x128xf32>
    %swap3A_237 = vector.shape_cast %bitcast_convert_type3A_227 : vector<512x128xf32> to vector<1x512x128xf32>
    tpu.vector_store %arg3[%swap3A_232, %swap3A_233, %swap3A_234], %swap3A_237 {strides = array<i32>} : memref<20x1001x128xf32, #tpu.memory_space<vmem>>, vector<1x512x128xf32>,
    %slice3A_238 = vector.extract_strided_slice %bitcast_convert_type3A_231 {offsets = [0, 0], sizes = [489, 128], strides = [1, 1]} : vector<512x128xf32> to vector<489x128xf32>
    %swap3A_239 = arith.constant 9 : index
    %swap3A_240 = arith.constant 512 : index
    %swap3A_241 = arith.constant 0 : index
    %swap3A_242 = vector.load %arg3[%swap3A_239, %swap3A_240, %swap3A_241] : memref<20x1001x128xf32, #tpu.memory_space<vmem>>, vector<1x489x128xf32>
    %swap3A_243 = vector.shape_cast %swap3A_242 : vector<1x489x128xf32> to vector<489x128xf32>
    %swap3A_244 = vector.shape_cast %slice3A_238 : vector<489x128xf32> to vector<1x489x128xf32>
    tpu.vector_store %arg3[%swap3A_239, %swap3A_240, %swap3A_241], %swap3A_244 {strides = array<i32>} : memref<20x1001x128xf32, #tpu.memory_space<vmem>>, vector<1x489x128xf32>,
    %slice3A_245 = vector.extract_strided_slice %reshape3A {offsets = [0, 10, 0], sizes = [128, 1, 512], strides = [1, 1, 1]} : vector<128x20x512xf32> to vector<128x1x512xf32>
    %squeeze3A_246 = vector.shape_cast %slice3A_245 : vector<128x1x512xf32> to vector<128x512xf32>
    %transpose3A_247 = tpu.transpose %squeeze3A_246, [1, 0] : vector<128x512xf32> -> vector<512x128xf32>
    %bitcast_convert_type3A_248 = tpu.bitcast %transpose3A_247 : vector<512x128xf32> -> vector<512x128xi32>
    %shift_left3A_249 = arith.constant 16 : i32
    %shift_left3A_250 = vector.broadcast %shift_left3A_249 : i32 to vector<512x128xi32>
    %shift_left3A_251 = arith.shli %bitcast_convert_type3A_248, %shift_left3A_250 : vector<512x128xi32>
    %bitcast_convert_type3A_252 = tpu.bitcast %shift_left3A_251 : vector<512x128xi32> -> vector<512x128xf32>
    %and3A_253 = arith.constant -65536 : i32
    %and3A_254 = vector.broadcast %and3A_253 : i32 to vector<512x128xi32>
    %and3A_255 = arith.andi %bitcast_convert_type3A_248, %and3A_254 : vector<512x128xi32>
    %bitcast_convert_type3A_256 = tpu.bitcast %and3A_255 : vector<512x128xi32> -> vector<512x128xf32>
    %swap3A_257 = arith.constant 10 : index
    %swap3A_258 = arith.constant 0 : index
    %swap3A_259 = arith.constant 0 : index
    %swap3A_260 = vector.load %arg3[%swap3A_257, %swap3A_258, %swap3A_259] : memref<20x1001x128xf32, #tpu.memory_space<vmem>>, vector<1x512x128xf32>
    %swap3A_261 = vector.shape_cast %swap3A_260 : vector<1x512x128xf32> to vector<512x128xf32>
    %swap3A_262 = vector.shape_cast %bitcast_convert_type3A_252 : vector<512x128xf32> to vector<1x512x128xf32>
    tpu.vector_store %arg3[%swap3A_257, %swap3A_258, %swap3A_259], %swap3A_262 {strides = array<i32>} : memref<20x1001x128xf32, #tpu.memory_space<vmem>>, vector<1x512x128xf32>,
    %slice3A_263 = vector.extract_strided_slice %bitcast_convert_type3A_256 {offsets = [0, 0], sizes = [489, 128], strides = [1, 1]} : vector<512x128xf32> to vector<489x128xf32>
    %swap3A_264 = arith.constant 10 : index
    %swap3A_265 = arith.constant 512 : index
    %swap3A_266 = arith.constant 0 : index
    %swap3A_267 = vector.load %arg3[%swap3A_264, %swap3A_265, %swap3A_266] : memref<20x1001x128xf32, #tpu.memory_space<vmem>>, vector<1x489x128xf32>
    %swap3A_268 = vector.shape_cast %swap3A_267 : vector<1x489x128xf32> to vector<489x128xf32>
    %swap3A_269 = vector.shape_cast %slice3A_263 : vector<489x128xf32> to vector<1x489x128xf32>
    tpu.vector_store %arg3[%swap3A_264, %swap3A_265, %swap3A_266], %swap3A_269 {strides = array<i32>} : memref<20x1001x128xf32, #tpu.memory_space<vmem>>, vector<1x489x128xf32>,
    %slice3A_270 = vector.extract_strided_slice %reshape3A {offsets = [0, 11, 0], sizes = [128, 1, 512], strides = [1, 1, 1]} : vector<128x20x512xf32> to vector<128x1x512xf32>
    %squeeze3A_271 = vector.shape_cast %slice3A_270 : vector<128x1x512xf32> to vector<128x512xf32>
    %transpose3A_272 = tpu.transpose %squeeze3A_271, [1, 0] : vector<128x512xf32> -> vector<512x128xf32>
    %bitcast_convert_type3A_273 = tpu.bitcast %transpose3A_272 : vector<512x128xf32> -> vector<512x128xi32>
    %shift_left3A_274 = arith.constant 16 : i32
    %shift_left3A_275 = vector.broadcast %shift_left3A_274 : i32 to vector<512x128xi32>
    %shift_left3A_276 = arith.shli %bitcast_convert_type3A_273, %shift_left3A_275 : vector<512x128xi32>
    %bitcast_convert_type3A_277 = tpu.bitcast %shift_left3A_276 : vector<512x128xi32> -> vector<512x128xf32>
    %and3A_278 = arith.constant -65536 : i32
    %and3A_279 = vector.broadcast %and3A_278 : i32 to vector<512x128xi32>
    %and3A_280 = arith.andi %bitcast_convert_type3A_273, %and3A_279 : vector<512x128xi32>
    %bitcast_convert_type3A_281 = tpu.bitcast %and3A_280 : vector<512x128xi32> -> vector<512x128xf32>
    %swap3A_282 = arith.constant 11 : index
    %swap3A_283 = arith.constant 0 : index
    %swap3A_284 = arith.constant 0 : index
    %swap3A_285 = vector.load %arg3[%swap3A_282, %swap3A_283, %swap3A_284] : memref<20x1001x128xf32, #tpu.memory_space<vmem>>, vector<1x512x128xf32>
    %swap3A_286 = vector.shape_cast %swap3A_285 : vector<1x512x128xf32> to vector<512x128xf32>
    %swap3A_287 = vector.shape_cast %bitcast_convert_type3A_277 : vector<512x128xf32> to vector<1x512x128xf32>
    tpu.vector_store %arg3[%swap3A_282, %swap3A_283, %swap3A_284], %swap3A_287 {strides = array<i32>} : memref<20x1001x128xf32, #tpu.memory_space<vmem>>, vector<1x512x128xf32>,
    %slice3A_288 = vector.extract_strided_slice %bitcast_convert_type3A_281 {offsets = [0, 0], sizes = [489, 128], strides = [1, 1]} : vector<512x128xf32> to vector<489x128xf32>
    %swap3A_289 = arith.constant 11 : index
    %swap3A_290 = arith.constant 512 : index
    %swap3A_291 = arith.constant 0 : index
    %swap3A_292 = vector.load %arg3[%swap3A_289, %swap3A_290, %swap3A_291] : memref<20x1001x128xf32, #tpu.memory_space<vmem>>, vector<1x489x128xf32>
    %swap3A_293 = vector.shape_cast %swap3A_292 : vector<1x489x128xf32> to vector<489x128xf32>
    %swap3A_294 = vector.shape_cast %slice3A_288 : vector<489x128xf32> to vector<1x489x128xf32>
    tpu.vector_store %arg3[%swap3A_289, %swap3A_290, %swap3A_291], %swap3A_294 {strides = array<i32>} : memref<20x1001x128xf32, #tpu.memory_space<vmem>>, vector<1x489x128xf32>,
    %slice3A_295 = vector.extract_strided_slice %reshape3A {offsets = [0, 12, 0], sizes = [128, 1, 512], strides = [1, 1, 1]} : vector<128x20x512xf32> to vector<128x1x512xf32>
    %squeeze3A_296 = vector.shape_cast %slice3A_295 : vector<128x1x512xf32> to vector<128x512xf32>
    %transpose3A_297 = tpu.transpose %squeeze3A_296, [1, 0] : vector<128x512xf32> -> vector<512x128xf32>
    %bitcast_convert_type3A_298 = tpu.bitcast %transpose3A_297 : vector<512x128xf32> -> vector<512x128xi32>
    %shift_left3A_299 = arith.constant 16 : i32
    %shift_left3A_300 = vector.broadcast %shift_left3A_299 : i32 to vector<512x128xi32>
    %shift_left3A_301 = arith.shli %bitcast_convert_type3A_298, %shift_left3A_300 : vector<512x128xi32>
    %bitcast_convert_type3A_302 = tpu.bitcast %shift_left3A_301 : vector<512x128xi32> -> vector<512x128xf32>
    %and3A_303 = arith.constant -65536 : i32
    %and3A_304 = vector.broadcast %and3A_303 : i32 to vector<512x128xi32>
    %and3A_305 = arith.andi %bitcast_convert_type3A_298, %and3A_304 : vector<512x128xi32>
    %bitcast_convert_type3A_306 = tpu.bitcast %and3A_305 : vector<512x128xi32> -> vector<512x128xf32>
    %swap3A_307 = arith.constant 12 : index
    %swap3A_308 = arith.constant 0 : index
    %swap3A_309 = arith.constant 0 : index
    %swap3A_310 = vector.load %arg3[%swap3A_307, %swap3A_308, %swap3A_309] : memref<20x1001x128xf32, #tpu.memory_space<vmem>>, vector<1x512x128xf32>
    %swap3A_311 = vector.shape_cast %swap3A_310 : vector<1x512x128xf32> to vector<512x128xf32>
    %swap3A_312 = vector.shape_cast %bitcast_convert_type3A_302 : vector<512x128xf32> to vector<1x512x128xf32>
    tpu.vector_store %arg3[%swap3A_307, %swap3A_308, %swap3A_309], %swap3A_312 {strides = array<i32>} : memref<20x1001x128xf32, #tpu.memory_space<vmem>>, vector<1x512x128xf32>,
    %slice3A_313 = vector.extract_strided_slice %bitcast_convert_type3A_306 {offsets = [0, 0], sizes = [489, 128], strides = [1, 1]} : vector<512x128xf32> to vector<489x128xf32>
    %swap3A_314 = arith.constant 12 : index
    %swap3A_315 = arith.constant 512 : index
    %swap3A_316 = arith.constant 0 : index
    %swap3A_317 = vector.load %arg3[%swap3A_314, %swap3A_315, %swap3A_316] : memref<20x1001x128xf32, #tpu.memory_space<vmem>>, vector<1x489x128xf32>
    %swap3A_318 = vector.shape_cast %swap3A_317 : vector<1x489x128xf32> to vector<489x128xf32>
    %swap3A_319 = vector.shape_cast %slice3A_313 : vector<489x128xf32> to vector<1x489x128xf32>
    tpu.vector_store %arg3[%swap3A_314, %swap3A_315, %swap3A_316], %swap3A_319 {strides = array<i32>} : memref<20x1001x128xf32, #tpu.memory_space<vmem>>, vector<1x489x128xf32>,
    %slice3A_320 = vector.extract_strided_slice %reshape3A {offsets = [0, 13, 0], sizes = [128, 1, 512], strides = [1, 1, 1]} : vector<128x20x512xf32> to vector<128x1x512xf32>
    %squeeze3A_321 = vector.shape_cast %slice3A_320 : vector<128x1x512xf32> to vector<128x512xf32>
    %transpose3A_322 = tpu.transpose %squeeze3A_321, [1, 0] : vector<128x512xf32> -> vector<512x128xf32>
    %bitcast_convert_type3A_323 = tpu.bitcast %transpose3A_322 : vector<512x128xf32> -> vector<512x128xi32>
    %shift_left3A_324 = arith.constant 16 : i32
    %shift_left3A_325 = vector.broadcast %shift_left3A_324 : i32 to vector<512x128xi32>
    %shift_left3A_326 = arith.shli %bitcast_convert_type3A_323, %shift_left3A_325 : vector<512x128xi32>
    %bitcast_convert_type3A_327 = tpu.bitcast %shift_left3A_326 : vector<512x128xi32> -> vector<512x128xf32>
    %and3A_328 = arith.constant -65536 : i32
    %and3A_329 = vector.broadcast %and3A_328 : i32 to vector<512x128xi32>
    %and3A_330 = arith.andi %bitcast_convert_type3A_323, %and3A_329 : vector<512x128xi32>
    %bitcast_convert_type3A_331 = tpu.bitcast %and3A_330 : vector<512x128xi32> -> vector<512x128xf32>
    %swap3A_332 = arith.constant 13 : index
    %swap3A_333 = arith.constant 0 : index
    %swap3A_334 = arith.constant 0 : index
    %swap3A_335 = vector.load %arg3[%swap3A_332, %swap3A_333, %swap3A_334] : memref<20x1001x128xf32, #tpu.memory_space<vmem>>, vector<1x512x128xf32>
    %swap3A_336 = vector.shape_cast %swap3A_335 : vector<1x512x128xf32> to vector<512x128xf32>
    %swap3A_337 = vector.shape_cast %bitcast_convert_type3A_327 : vector<512x128xf32> to vector<1x512x128xf32>
    tpu.vector_store %arg3[%swap3A_332, %swap3A_333, %swap3A_334], %swap3A_337 {strides = array<i32>} : memref<20x1001x128xf32, #tpu.memory_space<vmem>>, vector<1x512x128xf32>,
    %slice3A_338 = vector.extract_strided_slice %bitcast_convert_type3A_331 {offsets = [0, 0], sizes = [489, 128], strides = [1, 1]} : vector<512x128xf32> to vector<489x128xf32>
    %swap3A_339 = arith.constant 13 : index
    %swap3A_340 = arith.constant 512 : index
    %swap3A_341 = arith.constant 0 : index
    %swap3A_342 = vector.load %arg3[%swap3A_339, %swap3A_340, %swap3A_341] : memref<20x1001x128xf32, #tpu.memory_space<vmem>>, vector<1x489x128xf32>
    %swap3A_343 = vector.shape_cast %swap3A_342 : vector<1x489x128xf32> to vector<489x128xf32>
    %swap3A_344 = vector.shape_cast %slice3A_338 : vector<489x128xf32> to vector<1x489x128xf32>
    tpu.vector_store %arg3[%swap3A_339, %swap3A_340, %swap3A_341], %swap3A_344 {strides = array<i32>} : memref<20x1001x128xf32, #tpu.memory_space<vmem>>, vector<1x489x128xf32>,
    %slice3A_345 = vector.extract_strided_slice %reshape3A {offsets = [0, 14, 0], sizes = [128, 1, 512], strides = [1, 1, 1]} : vector<128x20x512xf32> to vector<128x1x512xf32>
    %squeeze3A_346 = vector.shape_cast %slice3A_345 : vector<128x1x512xf32> to vector<128x512xf32>
    %transpose3A_347 = tpu.transpose %squeeze3A_346, [1, 0] : vector<128x512xf32> -> vector<512x128xf32>
    %bitcast_convert_type3A_348 = tpu.bitcast %transpose3A_347 : vector<512x128xf32> -> vector<512x128xi32>
    %shift_left3A_349 = arith.constant 16 : i32
    %shift_left3A_350 = vector.broadcast %shift_left3A_349 : i32 to vector<512x128xi32>
    %shift_left3A_351 = arith.shli %bitcast_convert_type3A_348, %shift_left3A_350 : vector<512x128xi32>
    %bitcast_convert_type3A_352 = tpu.bitcast %shift_left3A_351 : vector<512x128xi32> -> vector<512x128xf32>
    %and3A_353 = arith.constant -65536 : i32
    %and3A_354 = vector.broadcast %and3A_353 : i32 to vector<512x128xi32>
    %and3A_355 = arith.andi %bitcast_convert_type3A_348, %and3A_354 : vector<512x128xi32>
    %bitcast_convert_type3A_356 = tpu.bitcast %and3A_355 : vector<512x128xi32> -> vector<512x128xf32>
    %swap3A_357 = arith.constant 14 : index
    %swap3A_358 = arith.constant 0 : index
    %swap3A_359 = arith.constant 0 : index
    %swap3A_360 = vector.load %arg3[%swap3A_357, %swap3A_358, %swap3A_359] : memref<20x1001x128xf32, #tpu.memory_space<vmem>>, vector<1x512x128xf32>
    %swap3A_361 = vector.shape_cast %swap3A_360 : vector<1x512x128xf32> to vector<512x128xf32>
    %swap3A_362 = vector.shape_cast %bitcast_convert_type3A_352 : vector<512x128xf32> to vector<1x512x128xf32>
    tpu.vector_store %arg3[%swap3A_357, %swap3A_358, %swap3A_359], %swap3A_362 {strides = array<i32>} : memref<20x1001x128xf32, #tpu.memory_space<vmem>>, vector<1x512x128xf32>,
    %slice3A_363 = vector.extract_strided_slice %bitcast_convert_type3A_356 {offsets = [0, 0], sizes = [489, 128], strides = [1, 1]} : vector<512x128xf32> to vector<489x128xf32>
    %swap3A_364 = arith.constant 14 : index
    %swap3A_365 = arith.constant 512 : index
    %swap3A_366 = arith.constant 0 : index
    %swap3A_367 = vector.load %arg3[%swap3A_364, %swap3A_365, %swap3A_366] : memref<20x1001x128xf32, #tpu.memory_space<vmem>>, vector<1x489x128xf32>
    %swap3A_368 = vector.shape_cast %swap3A_367 : vector<1x489x128xf32> to vector<489x128xf32>
    %swap3A_369 = vector.shape_cast %slice3A_363 : vector<489x128xf32> to vector<1x489x128xf32>
    tpu.vector_store %arg3[%swap3A_364, %swap3A_365, %swap3A_366], %swap3A_369 {strides = array<i32>} : memref<20x1001x128xf32, #tpu.memory_space<vmem>>, vector<1x489x128xf32>,
    %slice3A_370 = vector.extract_strided_slice %reshape3A {offsets = [0, 15, 0], sizes = [128, 1, 512], strides = [1, 1, 1]} : vector<128x20x512xf32> to vector<128x1x512xf32>
    %squeeze3A_371 = vector.shape_cast %slice3A_370 : vector<128x1x512xf32> to vector<128x512xf32>
    %transpose3A_372 = tpu.transpose %squeeze3A_371, [1, 0] : vector<128x512xf32> -> vector<512x128xf32>
    %bitcast_convert_type3A_373 = tpu.bitcast %transpose3A_372 : vector<512x128xf32> -> vector<512x128xi32>
    %shift_left3A_374 = arith.constant 16 : i32
    %shift_left3A_375 = vector.broadcast %shift_left3A_374 : i32 to vector<512x128xi32>
    %shift_left3A_376 = arith.shli %bitcast_convert_type3A_373, %shift_left3A_375 : vector<512x128xi32>
    %bitcast_convert_type3A_377 = tpu.bitcast %shift_left3A_376 : vector<512x128xi32> -> vector<512x128xf32>
    %and3A_378 = arith.constant -65536 : i32
    %and3A_379 = vector.broadcast %and3A_378 : i32 to vector<512x128xi32>
    %and3A_380 = arith.andi %bitcast_convert_type3A_373, %and3A_379 : vector<512x128xi32>
    %bitcast_convert_type3A_381 = tpu.bitcast %and3A_380 : vector<512x128xi32> -> vector<512x128xf32>
    %swap3A_382 = arith.constant 15 : index
    %swap3A_383 = arith.constant 0 : index
    %swap3A_384 = arith.constant 0 : index
    %swap3A_385 = vector.load %arg3[%swap3A_382, %swap3A_383, %swap3A_384] : memref<20x1001x128xf32, #tpu.memory_space<vmem>>, vector<1x512x128xf32>
    %swap3A_386 = vector.shape_cast %swap3A_385 : vector<1x512x128xf32> to vector<512x128xf32>
    %swap3A_387 = vector.shape_cast %bitcast_convert_type3A_377 : vector<512x128xf32> to vector<1x512x128xf32>
    tpu.vector_store %arg3[%swap3A_382, %swap3A_383, %swap3A_384], %swap3A_387 {strides = array<i32>} : memref<20x1001x128xf32, #tpu.memory_space<vmem>>, vector<1x512x128xf32>,
    %slice3A_388 = vector.extract_strided_slice %bitcast_convert_type3A_381 {offsets = [0, 0], sizes = [489, 128], strides = [1, 1]} : vector<512x128xf32> to vector<489x128xf32>
    %swap3A_389 = arith.constant 15 : index
    %swap3A_390 = arith.constant 512 : index
    %swap3A_391 = arith.constant 0 : index
    %swap3A_392 = vector.load %arg3[%swap3A_389, %swap3A_390, %swap3A_391] : memref<20x1001x128xf32, #tpu.memory_space<vmem>>, vector<1x489x128xf32>
    %swap3A_393 = vector.shape_cast %swap3A_392 : vector<1x489x128xf32> to vector<489x128xf32>
    %swap3A_394 = vector.shape_cast %slice3A_388 : vector<489x128xf32> to vector<1x489x128xf32>
    tpu.vector_store %arg3[%swap3A_389, %swap3A_390, %swap3A_391], %swap3A_394 {strides = array<i32>} : memref<20x1001x128xf32, #tpu.memory_space<vmem>>, vector<1x489x128xf32>,
    %slice3A_395 = vector.extract_strided_slice %reshape3A {offsets = [0, 16, 0], sizes = [128, 1, 512], strides = [1, 1, 1]} : vector<128x20x512xf32> to vector<128x1x512xf32>
    %squeeze3A_396 = vector.shape_cast %slice3A_395 : vector<128x1x512xf32> to vector<128x512xf32>
    %transpose3A_397 = tpu.transpose %squeeze3A_396, [1, 0] : vector<128x512xf32> -> vector<512x128xf32>
    %bitcast_convert_type3A_398 = tpu.bitcast %transpose3A_397 : vector<512x128xf32> -> vector<512x128xi32>
    %shift_left3A_399 = arith.constant 16 : i32
    %shift_left3A_400 = vector.broadcast %shift_left3A_399 : i32 to vector<512x128xi32>
    %shift_left3A_401 = arith.shli %bitcast_convert_type3A_398, %shift_left3A_400 : vector<512x128xi32>
    %bitcast_convert_type3A_402 = tpu.bitcast %shift_left3A_401 : vector<512x128xi32> -> vector<512x128xf32>
    %and3A_403 = arith.constant -65536 : i32
    %and3A_404 = vector.broadcast %and3A_403 : i32 to vector<512x128xi32>
    %and3A_405 = arith.andi %bitcast_convert_type3A_398, %and3A_404 : vector<512x128xi32>
    %bitcast_convert_type3A_406 = tpu.bitcast %and3A_405 : vector<512x128xi32> -> vector<512x128xf32>
    %swap3A_407 = arith.constant 16 : index
    %swap3A_408 = arith.constant 0 : index
    %swap3A_409 = arith.constant 0 : index
    %swap3A_410 = vector.load %arg3[%swap3A_407, %swap3A_408, %swap3A_409] : memref<20x1001x128xf32, #tpu.memory_space<vmem>>, vector<1x512x128xf32>
    %swap3A_411 = vector.shape_cast %swap3A_410 : vector<1x512x128xf32> to vector<512x128xf32>
    %swap3A_412 = vector.shape_cast %bitcast_convert_type3A_402 : vector<512x128xf32> to vector<1x512x128xf32>
    tpu.vector_store %arg3[%swap3A_407, %swap3A_408, %swap3A_409], %swap3A_412 {strides = array<i32>} : memref<20x1001x128xf32, #tpu.memory_space<vmem>>, vector<1x512x128xf32>,
    %slice3A_413 = vector.extract_strided_slice %bitcast_convert_type3A_406 {offsets = [0, 0], sizes = [489, 128], strides = [1, 1]} : vector<512x128xf32> to vector<489x128xf32>
    %swap3A_414 = arith.constant 16 : index
    %swap3A_415 = arith.constant 512 : index
    %swap3A_416 = arith.constant 0 : index
    %swap3A_417 = vector.load %arg3[%swap3A_414, %swap3A_415, %swap3A_416] : memref<20x1001x128xf32, #tpu.memory_space<vmem>>, vector<1x489x128xf32>
    %swap3A_418 = vector.shape_cast %swap3A_417 : vector<1x489x128xf32> to vector<489x128xf32>
    %swap3A_419 = vector.shape_cast %slice3A_413 : vector<489x128xf32> to vector<1x489x128xf32>
    tpu.vector_store %arg3[%swap3A_414, %swap3A_415, %swap3A_416], %swap3A_419 {strides = array<i32>} : memref<20x1001x128xf32, #tpu.memory_space<vmem>>, vector<1x489x128xf32>,
    %slice3A_420 = vector.extract_strided_slice %reshape3A {offsets = [0, 17, 0], sizes = [128, 1, 512], strides = [1, 1, 1]} : vector<128x20x512xf32> to vector<128x1x512xf32>
    %squeeze3A_421 = vector.shape_cast %slice3A_420 : vector<128x1x512xf32> to vector<128x512xf32>
    %transpose3A_422 = tpu.transpose %squeeze3A_421, [1, 0] : vector<128x512xf32> -> vector<512x128xf32>
    %bitcast_convert_type3A_423 = tpu.bitcast %transpose3A_422 : vector<512x128xf32> -> vector<512x128xi32>
    %shift_left3A_424 = arith.constant 16 : i32
    %shift_left3A_425 = vector.broadcast %shift_left3A_424 : i32 to vector<512x128xi32>
    %shift_left3A_426 = arith.shli %bitcast_convert_type3A_423, %shift_left3A_425 : vector<512x128xi32>
    %bitcast_convert_type3A_427 = tpu.bitcast %shift_left3A_426 : vector<512x128xi32> -> vector<512x128xf32>
    %and3A_428 = arith.constant -65536 : i32
    %and3A_429 = vector.broadcast %and3A_428 : i32 to vector<512x128xi32>
    %and3A_430 = arith.andi %bitcast_convert_type3A_423, %and3A_429 : vector<512x128xi32>
    %bitcast_convert_type3A_431 = tpu.bitcast %and3A_430 : vector<512x128xi32> -> vector<512x128xf32>
    %swap3A_432 = arith.constant 17 : index
    %swap3A_433 = arith.constant 0 : index
    %swap3A_434 = arith.constant 0 : index
    %swap3A_435 = vector.load %arg3[%swap3A_432, %swap3A_433, %swap3A_434] : memref<20x1001x128xf32, #tpu.memory_space<vmem>>, vector<1x512x128xf32>
    %swap3A_436 = vector.shape_cast %swap3A_435 : vector<1x512x128xf32> to vector<512x128xf32>
    %swap3A_437 = vector.shape_cast %bitcast_convert_type3A_427 : vector<512x128xf32> to vector<1x512x128xf32>
    tpu.vector_store %arg3[%swap3A_432, %swap3A_433, %swap3A_434], %swap3A_437 {strides = array<i32>} : memref<20x1001x128xf32, #tpu.memory_space<vmem>>, vector<1x512x128xf32>,
    %slice3A_438 = vector.extract_strided_slice %bitcast_convert_type3A_431 {offsets = [0, 0], sizes = [489, 128], strides = [1, 1]} : vector<512x128xf32> to vector<489x128xf32>
    %swap3A_439 = arith.constant 17 : index
    %swap3A_440 = arith.constant 512 : index
    %swap3A_441 = arith.constant 0 : index
    %swap3A_442 = vector.load %arg3[%swap3A_439, %swap3A_440, %swap3A_441] : memref<20x1001x128xf32, #tpu.memory_space<vmem>>, vector<1x489x128xf32>
    %swap3A_443 = vector.shape_cast %swap3A_442 : vector<1x489x128xf32> to vector<489x128xf32>
    %swap3A_444 = vector.shape_cast %slice3A_438 : vector<489x128xf32> to vector<1x489x128xf32>
    tpu.vector_store %arg3[%swap3A_439, %swap3A_440, %swap3A_441], %swap3A_444 {strides = array<i32>} : memref<20x1001x128xf32, #tpu.memory_space<vmem>>, vector<1x489x128xf32>,
    %slice3A_445 = vector.extract_strided_slice %reshape3A {offsets = [0, 18, 0], sizes = [128, 1, 512], strides = [1, 1, 1]} : vector<128x20x512xf32> to vector<128x1x512xf32>
    %squeeze3A_446 = vector.shape_cast %slice3A_445 : vector<128x1x512xf32> to vector<128x512xf32>
    %transpose3A_447 = tpu.transpose %squeeze3A_446, [1, 0] : vector<128x512xf32> -> vector<512x128xf32>
    %bitcast_convert_type3A_448 = tpu.bitcast %transpose3A_447 : vector<512x128xf32> -> vector<512x128xi32>
    %shift_left3A_449 = arith.constant 16 : i32
    %shift_left3A_450 = vector.broadcast %shift_left3A_449 : i32 to vector<512x128xi32>
    %shift_left3A_451 = arith.shli %bitcast_convert_type3A_448, %shift_left3A_450 : vector<512x128xi32>
    %bitcast_convert_type3A_452 = tpu.bitcast %shift_left3A_451 : vector<512x128xi32> -> vector<512x128xf32>
    %and3A_453 = arith.constant -65536 : i32
    %and3A_454 = vector.broadcast %and3A_453 : i32 to vector<512x128xi32>
    %and3A_455 = arith.andi %bitcast_convert_type3A_448, %and3A_454 : vector<512x128xi32>
    %bitcast_convert_type3A_456 = tpu.bitcast %and3A_455 : vector<512x128xi32> -> vector<512x128xf32>
    %swap3A_457 = arith.constant 18 : index
    %swap3A_458 = arith.constant 0 : index
    %swap3A_459 = arith.constant 0 : index
    %swap3A_460 = vector.load %arg3[%swap3A_457, %swap3A_458, %swap3A_459] : memref<20x1001x128xf32, #tpu.memory_space<vmem>>, vector<1x512x128xf32>
    %swap3A_461 = vector.shape_cast %swap3A_460 : vector<1x512x128xf32> to vector<512x128xf32>
    %swap3A_462 = vector.shape_cast %bitcast_convert_type3A_452 : vector<512x128xf32> to vector<1x512x128xf32>
    tpu.vector_store %arg3[%swap3A_457, %swap3A_458, %swap3A_459], %swap3A_462 {strides = array<i32>} : memref<20x1001x128xf32, #tpu.memory_space<vmem>>, vector<1x512x128xf32>,
    %slice3A_463 = vector.extract_strided_slice %bitcast_convert_type3A_456 {offsets = [0, 0], sizes = [489, 128], strides = [1, 1]} : vector<512x128xf32> to vector<489x128xf32>
    %swap3A_464 = arith.constant 18 : index
    %swap3A_465 = arith.constant 512 : index
    %swap3A_466 = arith.constant 0 : index
    %swap3A_467 = vector.load %arg3[%swap3A_464, %swap3A_465, %swap3A_466] : memref<20x1001x128xf32, #tpu.memory_space<vmem>>, vector<1x489x128xf32>
    %swap3A_468 = vector.shape_cast %swap3A_467 : vector<1x489x128xf32> to vector<489x128xf32>
    %swap3A_469 = vector.shape_cast %slice3A_463 : vector<489x128xf32> to vector<1x489x128xf32>
    tpu.vector_store %arg3[%swap3A_464, %swap3A_465, %swap3A_466], %swap3A_469 {strides = array<i32>} : memref<20x1001x128xf32, #tpu.memory_space<vmem>>, vector<1x489x128xf32>,
    %slice3A_470 = vector.extract_strided_slice %reshape3A {offsets = [0, 19, 0], sizes = [128, 1, 512], strides = [1, 1, 1]} : vector<128x20x512xf32> to vector<128x1x512xf32>
    %squeeze3A_471 = vector.shape_cast %slice3A_470 : vector<128x1x512xf32> to vector<128x512xf32>
    %transpose3A_472 = tpu.transpose %squeeze3A_471, [1, 0] : vector<128x512xf32> -> vector<512x128xf32>
    %bitcast_convert_type3A_473 = tpu.bitcast %transpose3A_472 : vector<512x128xf32> -> vector<512x128xi32>
    %shift_left3A_474 = arith.constant 16 : i32
    %shift_left3A_475 = vector.broadcast %shift_left3A_474 : i32 to vector<512x128xi32>
    %shift_left3A_476 = arith.shli %bitcast_convert_type3A_473, %shift_left3A_475 : vector<512x128xi32>
    %bitcast_convert_type3A_477 = tpu.bitcast %shift_left3A_476 : vector<512x128xi32> -> vector<512x128xf32>
    %and3A_478 = arith.constant -65536 : i32
    %and3A_479 = vector.broadcast %and3A_478 : i32 to vector<512x128xi32>
    %and3A_480 = arith.andi %bitcast_convert_type3A_473, %and3A_479 : vector<512x128xi32>
    %bitcast_convert_type3A_481 = tpu.bitcast %and3A_480 : vector<512x128xi32> -> vector<512x128xf32>
    %swap3A_482 = arith.constant 19 : index
    %swap3A_483 = arith.constant 0 : index
    %swap3A_484 = arith.constant 0 : index
    %swap3A_485 = vector.load %arg3[%swap3A_482, %swap3A_483, %swap3A_484] : memref<20x1001x128xf32, #tpu.memory_space<vmem>>, vector<1x512x128xf32>
    %swap3A_486 = vector.shape_cast %swap3A_485 : vector<1x512x128xf32> to vector<512x128xf32>
    %swap3A_487 = vector.shape_cast %bitcast_convert_type3A_477 : vector<512x128xf32> to vector<1x512x128xf32>
    tpu.vector_store %arg3[%swap3A_482, %swap3A_483, %swap3A_484], %swap3A_487 {strides = array<i32>} : memref<20x1001x128xf32, #tpu.memory_space<vmem>>, vector<1x512x128xf32>,
    %slice3A_488 = vector.extract_strided_slice %bitcast_convert_type3A_481 {offsets = [0, 0], sizes = [489, 128], strides = [1, 1]} : vector<512x128xf32> to vector<489x128xf32>
    %swap3A_489 = arith.constant 19 : index
    %swap3A_490 = arith.constant 512 : index
    %swap3A_491 = arith.constant 0 : index
    %swap3A_492 = vector.load %arg3[%swap3A_489, %swap3A_490, %swap3A_491] : memref<20x1001x128xf32, #tpu.memory_space<vmem>>, vector<1x489x128xf32>
    %swap3A_493 = vector.shape_cast %swap3A_492 : vector<1x489x128xf32> to vector<489x128xf32>
    %swap3A_494 = vector.shape_cast %slice3A_488 : vector<489x128xf32> to vector<1x489x128xf32>
    tpu.vector_store %arg3[%swap3A_489, %swap3A_490, %swap3A_491], %swap3A_494 {strides = array<i32>} : memref<20x1001x128xf32, #tpu.memory_space<vmem>>, vector<1x489x128xf32>,
    return
  }
  func.func @transform_0(%arg0: i32) -> (i32, i32) {
    %c0_i32 = arith.constant 0 : i32
    %c0_i32_0 = arith.constant 0 : i32
    return %arg0, %c0_i32 : i32, i32
  }
  func.func @transform_2(%arg0: i32) -> (i32, i32, i32) {
    %add3A = arith.constant 8 : i32
    %add3A_0 = arith.addi %add3A, %arg0 : i32
    %c0_i32 = arith.constant 0 : i32
    %c0_i32_1 = arith.constant 0 : i32
    %c0_i32_2 = arith.constant 0 : i32
    return %c0_i32, %c0_i32_1, %add3A_0 : i32, i32, i32
  }
}

module attributes {stable_mosaic.version = 14 : i64} {
  func.func @_transpose_alias_body(%arg0: i32, %arg1: memref<2560x512xf32, #tpu.memory_space<vmem>>, %arg2: memref<20x1001x4096xf32, #tpu.memory_space<any>>, %arg3: memref<20x1001x128xf32, #tpu.memory_space<vmem>>) attributes {dimension_semantics = [#tpu.dimension_semantics<arbitrary>], iteration_bounds = array<i64: 8>, scalar_prefetch = 0 : i64, scratch_operands = 0 : i64, tpu.core_type = #tpu.core_type<tc>, window_params = [{transform_indices = @transform_0, window_bounds = array<i64: 2560, 512>}, {}, {transform_indices = @transform_2, window_bounds = array<i64: 20, 1001, 128>}]} {
    %get3A = arith.constant 0 : index
    %get3A_0 = arith.constant 0 : index
    %get3A_1 = vector.load %arg1[%get3A, %get3A_0] : memref<2560x512xf32, #tpu.memory_space<vmem>>, vector<2560x512xf32>
    %reshape3A = vector.shape_cast %get3A_1 : vector<2560x512xf32> to vector<128x20x512xf32>
    %slice3A = vector.extract_strided_slice %reshape3A {offsets = [0, 0, 0], sizes = [128, 1, 512], strides = [1, 1, 1]} : vector<128x20x512xf32> to vector<128x1x512xf32>
    %squeeze3A = vector.shape_cast %slice3A : vector<128x1x512xf32> to vector<128x512xf32>
    %transpose3A = tpu.transpose %squeeze3A, [1, 0] : vector<128x512xf32> -> vector<512x128xf32>
    %bitcast_convert_type3A = tpu.bitcast %transpose3A : vector<512x128xf32> -> vector<512x128xi32>
    %shift_left3A = arith.constant 16 : i32
    %shift_left3A_2 = vector.broadcast %shift_left3A : i32 to vector<512x128xi32>
    %shift_left3A_3 = arith.shli %bitcast_convert_type3A, %shift_left3A_2 : vector<512x128xi32>
    %bitcast_convert_type3A_4 = tpu.bitcast %shift_left3A_3 : vector<512x128xi32> -> vector<512x128xf32>
    %and3A = arith.constant -65536 : i32
    %and3A_5 = vector.broadcast %and3A : i32 to vector<512x128xi32>
    %and3A_6 = arith.andi %bitcast_convert_type3A, %and3A_5 : vector<512x128xi32>
    %bitcast_convert_type3A_7 = tpu.bitcast %and3A_6 : vector<512x128xi32> -> vector<512x128xf32>
    %swap3A = arith.constant 0 : index
    %swap3A_8 = arith.constant 0 : index
    %swap3A_9 = arith.constant 0 : index
    %swap3A_10 = vector.load %arg3[%swap3A, %swap3A_8, %swap3A_9] : memref<20x1001x128xf32, #tpu.memory_space<vmem>>, vector<1x512x128xf32>
    %swap3A_11 = vector.shape_cast %swap3A_10 : vector<1x512x128xf32> to vector<512x128xf32>
    %swap3A_12 = vector.shape_cast %bitcast_convert_type3A_4 : vector<512x128xf32> to vector<1x512x128xf32>
    tpu.vector_store %arg3[%swap3A, %swap3A_8, %swap3A_9], %swap3A_12 {strides = array<i32>} : memref<20x1001x128xf32, #tpu.memory_space<vmem>>, vector<1x512x128xf32>,
    %slice3A_13 = vector.extract_strided_slice %bitcast_convert_type3A_7 {offsets = [0, 0], sizes = [489, 128], strides = [1, 1]} : vector<512x128xf32> to vector<489x128xf32>
    %swap3A_14 = arith.constant 0 : index
    %swap3A_15 = arith.constant 512 : index
    %swap3A_16 = arith.constant 0 : index
    %swap3A_17 = vector.load %arg3[%swap3A_14, %swap3A_15, %swap3A_16] : memref<20x1001x128xf32, #tpu.memory_space<vmem>>, vector<1x489x128xf32>
    %swap3A_18 = vector.shape_cast %swap3A_17 : vector<1x489x128xf32> to vector<489x128xf32>
    %swap3A_19 = vector.shape_cast %slice3A_13 : vector<489x128xf32> to vector<1x489x128xf32>
    tpu.vector_store %arg3[%swap3A_14, %swap3A_15, %swap3A_16], %swap3A_19 {strides = array<i32>} : memref<20x1001x128xf32, #tpu.memory_space<vmem>>, vector<1x489x128xf32>,
    %slice3A_20 = vector.extract_strided_slice %reshape3A {offsets = [0, 1, 0], sizes = [128, 1, 512], strides = [1, 1, 1]} : vector<128x20x512xf32> to vector<128x1x512xf32>
    %squeeze3A_21 = vector.shape_cast %slice3A_20 : vector<128x1x512xf32> to vector<128x512xf32>
    %transpose3A_22 = tpu.transpose %squeeze3A_21, [1, 0] : vector<128x512xf32> -> vector<512x128xf32>
    %bitcast_convert_type3A_23 = tpu.bitcast %transpose3A_22 : vector<512x128xf32> -> vector<512x128xi32>
    %shift_left3A_24 = arith.constant 16 : i32
    %shift_left3A_25 = vector.broadcast %shift_left3A_24 : i32 to vector<512x128xi32>
    %shift_left3A_26 = arith.shli %bitcast_convert_type3A_23, %shift_left3A_25 : vector<512x128xi32>
    %bitcast_convert_type3A_27 = tpu.bitcast %shift_left3A_26 : vector<512x128xi32> -> vector<512x128xf32>
    %and3A_28 = arith.constant -65536 : i32
    %and3A_29 = vector.broadcast %and3A_28 : i32 to vector<512x128xi32>
    %and3A_30 = arith.andi %bitcast_convert_type3A_23, %and3A_29 : vector<512x128xi32>
    %bitcast_convert_type3A_31 = tpu.bitcast %and3A_30 : vector<512x128xi32> -> vector<512x128xf32>
    %swap3A_32 = arith.constant 1 : index
    %swap3A_33 = arith.constant 0 : index
    %swap3A_34 = arith.constant 0 : index
    %swap3A_35 = vector.load %arg3[%swap3A_32, %swap3A_33, %swap3A_34] : memref<20x1001x128xf32, #tpu.memory_space<vmem>>, vector<1x512x128xf32>
    %swap3A_36 = vector.shape_cast %swap3A_35 : vector<1x512x128xf32> to vector<512x128xf32>
    %swap3A_37 = vector.shape_cast %bitcast_convert_type3A_27 : vector<512x128xf32> to vector<1x512x128xf32>
    tpu.vector_store %arg3[%swap3A_32, %swap3A_33, %swap3A_34], %swap3A_37 {strides = array<i32>} : memref<20x1001x128xf32, #tpu.memory_space<vmem>>, vector<1x512x128xf32>,
    %slice3A_38 = vector.extract_strided_slice %bitcast_convert_type3A_31 {offsets = [0, 0], sizes = [489, 128], strides = [1, 1]} : vector<512x128xf32> to vector<489x128xf32>
    %swap3A_39 = arith.constant 1 : index
    %swap3A_40 = arith.constant 512 : index
    %swap3A_41 = arith.constant 0 : index
    %swap3A_42 = vector.load %arg3[%swap3A_39, %swap3A_40, %swap3A_41] : memref<20x1001x128xf32, #tpu.memory_space<vmem>>, vector<1x489x128xf32>
    %swap3A_43 = vector.shape_cast %swap3A_42 : vector<1x489x128xf32> to vector<489x128xf32>
    %swap3A_44 = vector.shape_cast %slice3A_38 : vector<489x128xf32> to vector<1x489x128xf32>
    tpu.vector_store %arg3[%swap3A_39, %swap3A_40, %swap3A_41], %swap3A_44 {strides = array<i32>} : memref<20x1001x128xf32, #tpu.memory_space<vmem>>, vector<1x489x128xf32>,
    %slice3A_45 = vector.extract_strided_slice %reshape3A {offsets = [0, 2, 0], sizes = [128, 1, 512], strides = [1, 1, 1]} : vector<128x20x512xf32> to vector<128x1x512xf32>
    %squeeze3A_46 = vector.shape_cast %slice3A_45 : vector<128x1x512xf32> to vector<128x512xf32>
    %transpose3A_47 = tpu.transpose %squeeze3A_46, [1, 0] : vector<128x512xf32> -> vector<512x128xf32>
    %bitcast_convert_type3A_48 = tpu.bitcast %transpose3A_47 : vector<512x128xf32> -> vector<512x128xi32>
    %shift_left3A_49 = arith.constant 16 : i32
    %shift_left3A_50 = vector.broadcast %shift_left3A_49 : i32 to vector<512x128xi32>
    %shift_left3A_51 = arith.shli %bitcast_convert_type3A_48, %shift_left3A_50 : vector<512x128xi32>
    %bitcast_convert_type3A_52 = tpu.bitcast %shift_left3A_51 : vector<512x128xi32> -> vector<512x128xf32>
    %and3A_53 = arith.constant -65536 : i32
    %and3A_54 = vector.broadcast %and3A_53 : i32 to vector<512x128xi32>
    %and3A_55 = arith.andi %bitcast_convert_type3A_48, %and3A_54 : vector<512x128xi32>
    %bitcast_convert_type3A_56 = tpu.bitcast %and3A_55 : vector<512x128xi32> -> vector<512x128xf32>
    %swap3A_57 = arith.constant 2 : index
    %swap3A_58 = arith.constant 0 : index
    %swap3A_59 = arith.constant 0 : index
    %swap3A_60 = vector.load %arg3[%swap3A_57, %swap3A_58, %swap3A_59] : memref<20x1001x128xf32, #tpu.memory_space<vmem>>, vector<1x512x128xf32>
    %swap3A_61 = vector.shape_cast %swap3A_60 : vector<1x512x128xf32> to vector<512x128xf32>
    %swap3A_62 = vector.shape_cast %bitcast_convert_type3A_52 : vector<512x128xf32> to vector<1x512x128xf32>
    tpu.vector_store %arg3[%swap3A_57, %swap3A_58, %swap3A_59], %swap3A_62 {strides = array<i32>} : memref<20x1001x128xf32, #tpu.memory_space<vmem>>, vector<1x512x128xf32>,
    %slice3A_63 = vector.extract_strided_slice %bitcast_convert_type3A_56 {offsets = [0, 0], sizes = [489, 128], strides = [1, 1]} : vector<512x128xf32> to vector<489x128xf32>
    %swap3A_64 = arith.constant 2 : index
    %swap3A_65 = arith.constant 512 : index
    %swap3A_66 = arith.constant 0 : index
    %swap3A_67 = vector.load %arg3[%swap3A_64, %swap3A_65, %swap3A_66] : memref<20x1001x128xf32, #tpu.memory_space<vmem>>, vector<1x489x128xf32>
    %swap3A_68 = vector.shape_cast %swap3A_67 : vector<1x489x128xf32> to vector<489x128xf32>
    %swap3A_69 = vector.shape_cast %slice3A_63 : vector<489x128xf32> to vector<1x489x128xf32>
    tpu.vector_store %arg3[%swap3A_64, %swap3A_65, %swap3A_66], %swap3A_69 {strides = array<i32>} : memref<20x1001x128xf32, #tpu.memory_space<vmem>>, vector<1x489x128xf32>,
    %slice3A_70 = vector.extract_strided_slice %reshape3A {offsets = [0, 3, 0], sizes = [128, 1, 512], strides = [1, 1, 1]} : vector<128x20x512xf32> to vector<128x1x512xf32>
    %squeeze3A_71 = vector.shape_cast %slice3A_70 : vector<128x1x512xf32> to vector<128x512xf32>
    %transpose3A_72 = tpu.transpose %squeeze3A_71, [1, 0] : vector<128x512xf32> -> vector<512x128xf32>
    %bitcast_convert_type3A_73 = tpu.bitcast %transpose3A_72 : vector<512x128xf32> -> vector<512x128xi32>
    %shift_left3A_74 = arith.constant 16 : i32
    %shift_left3A_75 = vector.broadcast %shift_left3A_74 : i32 to vector<512x128xi32>
    %shift_left3A_76 = arith.shli %bitcast_convert_type3A_73, %shift_left3A_75 : vector<512x128xi32>
    %bitcast_convert_type3A_77 = tpu.bitcast %shift_left3A_76 : vector<512x128xi32> -> vector<512x128xf32>
    %and3A_78 = arith.constant -65536 : i32
    %and3A_79 = vector.broadcast %and3A_78 : i32 to vector<512x128xi32>
    %and3A_80 = arith.andi %bitcast_convert_type3A_73, %and3A_79 : vector<512x128xi32>
    %bitcast_convert_type3A_81 = tpu.bitcast %and3A_80 : vector<512x128xi32> -> vector<512x128xf32>
    %swap3A_82 = arith.constant 3 : index
    %swap3A_83 = arith.constant 0 : index
    %swap3A_84 = arith.constant 0 : index
    %swap3A_85 = vector.load %arg3[%swap3A_82, %swap3A_83, %swap3A_84] : memref<20x1001x128xf32, #tpu.memory_space<vmem>>, vector<1x512x128xf32>
    %swap3A_86 = vector.shape_cast %swap3A_85 : vector<1x512x128xf32> to vector<512x128xf32>
    %swap3A_87 = vector.shape_cast %bitcast_convert_type3A_77 : vector<512x128xf32> to vector<1x512x128xf32>
    tpu.vector_store %arg3[%swap3A_82, %swap3A_83, %swap3A_84], %swap3A_87 {strides = array<i32>} : memref<20x1001x128xf32, #tpu.memory_space<vmem>>, vector<1x512x128xf32>,
    %slice3A_88 = vector.extract_strided_slice %bitcast_convert_type3A_81 {offsets = [0, 0], sizes = [489, 128], strides = [1, 1]} : vector<512x128xf32> to vector<489x128xf32>
    %swap3A_89 = arith.constant 3 : index
    %swap3A_90 = arith.constant 512 : index
    %swap3A_91 = arith.constant 0 : index
    %swap3A_92 = vector.load %arg3[%swap3A_89, %swap3A_90, %swap3A_91] : memref<20x1001x128xf32, #tpu.memory_space<vmem>>, vector<1x489x128xf32>
    %swap3A_93 = vector.shape_cast %swap3A_92 : vector<1x489x128xf32> to vector<489x128xf32>
    %swap3A_94 = vector.shape_cast %slice3A_88 : vector<489x128xf32> to vector<1x489x128xf32>
    tpu.vector_store %arg3[%swap3A_89, %swap3A_90, %swap3A_91], %swap3A_94 {strides = array<i32>} : memref<20x1001x128xf32, #tpu.memory_space<vmem>>, vector<1x489x128xf32>,
    %slice3A_95 = vector.extract_strided_slice %reshape3A {offsets = [0, 4, 0], sizes = [128, 1, 512], strides = [1, 1, 1]} : vector<128x20x512xf32> to vector<128x1x512xf32>
    %squeeze3A_96 = vector.shape_cast %slice3A_95 : vector<128x1x512xf32> to vector<128x512xf32>
    %transpose3A_97 = tpu.transpose %squeeze3A_96, [1, 0] : vector<128x512xf32> -> vector<512x128xf32>
    %bitcast_convert_type3A_98 = tpu.bitcast %transpose3A_97 : vector<512x128xf32> -> vector<512x128xi32>
    %shift_left3A_99 = arith.constant 16 : i32
    %shift_left3A_100 = vector.broadcast %shift_left3A_99 : i32 to vector<512x128xi32>
    %shift_left3A_101 = arith.shli %bitcast_convert_type3A_98, %shift_left3A_100 : vector<512x128xi32>
    %bitcast_convert_type3A_102 = tpu.bitcast %shift_left3A_101 : vector<512x128xi32> -> vector<512x128xf32>
    %and3A_103 = arith.constant -65536 : i32
    %and3A_104 = vector.broadcast %and3A_103 : i32 to vector<512x128xi32>
    %and3A_105 = arith.andi %bitcast_convert_type3A_98, %and3A_104 : vector<512x128xi32>
    %bitcast_convert_type3A_106 = tpu.bitcast %and3A_105 : vector<512x128xi32> -> vector<512x128xf32>
    %swap3A_107 = arith.constant 4 : index
    %swap3A_108 = arith.constant 0 : index
    %swap3A_109 = arith.constant 0 : index
    %swap3A_110 = vector.load %arg3[%swap3A_107, %swap3A_108, %swap3A_109] : memref<20x1001x128xf32, #tpu.memory_space<vmem>>, vector<1x512x128xf32>
    %swap3A_111 = vector.shape_cast %swap3A_110 : vector<1x512x128xf32> to vector<512x128xf32>
    %swap3A_112 = vector.shape_cast %bitcast_convert_type3A_102 : vector<512x128xf32> to vector<1x512x128xf32>
    tpu.vector_store %arg3[%swap3A_107, %swap3A_108, %swap3A_109], %swap3A_112 {strides = array<i32>} : memref<20x1001x128xf32, #tpu.memory_space<vmem>>, vector<1x512x128xf32>,
    %slice3A_113 = vector.extract_strided_slice %bitcast_convert_type3A_106 {offsets = [0, 0], sizes = [489, 128], strides = [1, 1]} : vector<512x128xf32> to vector<489x128xf32>
    %swap3A_114 = arith.constant 4 : index
    %swap3A_115 = arith.constant 512 : index
    %swap3A_116 = arith.constant 0 : index
    %swap3A_117 = vector.load %arg3[%swap3A_114, %swap3A_115, %swap3A_116] : memref<20x1001x128xf32, #tpu.memory_space<vmem>>, vector<1x489x128xf32>
    %swap3A_118 = vector.shape_cast %swap3A_117 : vector<1x489x128xf32> to vector<489x128xf32>
    %swap3A_119 = vector.shape_cast %slice3A_113 : vector<489x128xf32> to vector<1x489x128xf32>
    tpu.vector_store %arg3[%swap3A_114, %swap3A_115, %swap3A_116], %swap3A_119 {strides = array<i32>} : memref<20x1001x128xf32, #tpu.memory_space<vmem>>, vector<1x489x128xf32>,
    %slice3A_120 = vector.extract_strided_slice %reshape3A {offsets = [0, 5, 0], sizes = [128, 1, 512], strides = [1, 1, 1]} : vector<128x20x512xf32> to vector<128x1x512xf32>
    %squeeze3A_121 = vector.shape_cast %slice3A_120 : vector<128x1x512xf32> to vector<128x512xf32>
    %transpose3A_122 = tpu.transpose %squeeze3A_121, [1, 0] : vector<128x512xf32> -> vector<512x128xf32>
    %bitcast_convert_type3A_123 = tpu.bitcast %transpose3A_122 : vector<512x128xf32> -> vector<512x128xi32>
    %shift_left3A_124 = arith.constant 16 : i32
    %shift_left3A_125 = vector.broadcast %shift_left3A_124 : i32 to vector<512x128xi32>
    %shift_left3A_126 = arith.shli %bitcast_convert_type3A_123, %shift_left3A_125 : vector<512x128xi32>
    %bitcast_convert_type3A_127 = tpu.bitcast %shift_left3A_126 : vector<512x128xi32> -> vector<512x128xf32>
    %and3A_128 = arith.constant -65536 : i32
    %and3A_129 = vector.broadcast %and3A_128 : i32 to vector<512x128xi32>
    %and3A_130 = arith.andi %bitcast_convert_type3A_123, %and3A_129 : vector<512x128xi32>
    %bitcast_convert_type3A_131 = tpu.bitcast %and3A_130 : vector<512x128xi32> -> vector<512x128xf32>
    %swap3A_132 = arith.constant 5 : index
    %swap3A_133 = arith.constant 0 : index
    %swap3A_134 = arith.constant 0 : index
    %swap3A_135 = vector.load %arg3[%swap3A_132, %swap3A_133, %swap3A_134] : memref<20x1001x128xf32, #tpu.memory_space<vmem>>, vector<1x512x128xf32>
    %swap3A_136 = vector.shape_cast %swap3A_135 : vector<1x512x128xf32> to vector<512x128xf32>
    %swap3A_137 = vector.shape_cast %bitcast_convert_type3A_127 : vector<512x128xf32> to vector<1x512x128xf32>
    tpu.vector_store %arg3[%swap3A_132, %swap3A_133, %swap3A_134], %swap3A_137 {strides = array<i32>} : memref<20x1001x128xf32, #tpu.memory_space<vmem>>, vector<1x512x128xf32>,
    %slice3A_138 = vector.extract_strided_slice %bitcast_convert_type3A_131 {offsets = [0, 0], sizes = [489, 128], strides = [1, 1]} : vector<512x128xf32> to vector<489x128xf32>
    %swap3A_139 = arith.constant 5 : index
    %swap3A_140 = arith.constant 512 : index
    %swap3A_141 = arith.constant 0 : index
    %swap3A_142 = vector.load %arg3[%swap3A_139, %swap3A_140, %swap3A_141] : memref<20x1001x128xf32, #tpu.memory_space<vmem>>, vector<1x489x128xf32>
    %swap3A_143 = vector.shape_cast %swap3A_142 : vector<1x489x128xf32> to vector<489x128xf32>
    %swap3A_144 = vector.shape_cast %slice3A_138 : vector<489x128xf32> to vector<1x489x128xf32>
    tpu.vector_store %arg3[%swap3A_139, %swap3A_140, %swap3A_141], %swap3A_144 {strides = array<i32>} : memref<20x1001x128xf32, #tpu.memory_space<vmem>>, vector<1x489x128xf32>,
    %slice3A_145 = vector.extract_strided_slice %reshape3A {offsets = [0, 6, 0], sizes = [128, 1, 512], strides = [1, 1, 1]} : vector<128x20x512xf32> to vector<128x1x512xf32>
    %squeeze3A_146 = vector.shape_cast %slice3A_145 : vector<128x1x512xf32> to vector<128x512xf32>
    %transpose3A_147 = tpu.transpose %squeeze3A_146, [1, 0] : vector<128x512xf32> -> vector<512x128xf32>
    %bitcast_convert_type3A_148 = tpu.bitcast %transpose3A_147 : vector<512x128xf32> -> vector<512x128xi32>
    %shift_left3A_149 = arith.constant 16 : i32
    %shift_left3A_150 = vector.broadcast %shift_left3A_149 : i32 to vector<512x128xi32>
    %shift_left3A_151 = arith.shli %bitcast_convert_type3A_148, %shift_left3A_150 : vector<512x128xi32>
    %bitcast_convert_type3A_152 = tpu.bitcast %shift_left3A_151 : vector<512x128xi32> -> vector<512x128xf32>
    %and3A_153 = arith.constant -65536 : i32
    %and3A_154 = vector.broadcast %and3A_153 : i32 to vector<512x128xi32>
    %and3A_155 = arith.andi %bitcast_convert_type3A_148, %and3A_154 : vector<512x128xi32>
    %bitcast_convert_type3A_156 = tpu.bitcast %and3A_155 : vector<512x128xi32> -> vector<512x128xf32>
    %swap3A_157 = arith.constant 6 : index
    %swap3A_158 = arith.constant 0 : index
    %swap3A_159 = arith.constant 0 : index
    %swap3A_160 = vector.load %arg3[%swap3A_157, %swap3A_158, %swap3A_159] : memref<20x1001x128xf32, #tpu.memory_space<vmem>>, vector<1x512x128xf32>
    %swap3A_161 = vector.shape_cast %swap3A_160 : vector<1x512x128xf32> to vector<512x128xf32>
    %swap3A_162 = vector.shape_cast %bitcast_convert_type3A_152 : vector<512x128xf32> to vector<1x512x128xf32>
    tpu.vector_store %arg3[%swap3A_157, %swap3A_158, %swap3A_159], %swap3A_162 {strides = array<i32>} : memref<20x1001x128xf32, #tpu.memory_space<vmem>>, vector<1x512x128xf32>,
    %slice3A_163 = vector.extract_strided_slice %bitcast_convert_type3A_156 {offsets = [0, 0], sizes = [489, 128], strides = [1, 1]} : vector<512x128xf32> to vector<489x128xf32>
    %swap3A_164 = arith.constant 6 : index
    %swap3A_165 = arith.constant 512 : index
    %swap3A_166 = arith.constant 0 : index
    %swap3A_167 = vector.load %arg3[%swap3A_164, %swap3A_165, %swap3A_166] : memref<20x1001x128xf32, #tpu.memory_space<vmem>>, vector<1x489x128xf32>
    %swap3A_168 = vector.shape_cast %swap3A_167 : vector<1x489x128xf32> to vector<489x128xf32>
    %swap3A_169 = vector.shape_cast %slice3A_163 : vector<489x128xf32> to vector<1x489x128xf32>
    tpu.vector_store %arg3[%swap3A_164, %swap3A_165, %swap3A_166], %swap3A_169 {strides = array<i32>} : memref<20x1001x128xf32, #tpu.memory_space<vmem>>, vector<1x489x128xf32>,
    %slice3A_170 = vector.extract_strided_slice %reshape3A {offsets = [0, 7, 0], sizes = [128, 1, 512], strides = [1, 1, 1]} : vector<128x20x512xf32> to vector<128x1x512xf32>
    %squeeze3A_171 = vector.shape_cast %slice3A_170 : vector<128x1x512xf32> to vector<128x512xf32>
    %transpose3A_172 = tpu.transpose %squeeze3A_171, [1, 0] : vector<128x512xf32> -> vector<512x128xf32>
    %bitcast_convert_type3A_173 = tpu.bitcast %transpose3A_172 : vector<512x128xf32> -> vector<512x128xi32>
    %shift_left3A_174 = arith.constant 16 : i32
    %shift_left3A_175 = vector.broadcast %shift_left3A_174 : i32 to vector<512x128xi32>
    %shift_left3A_176 = arith.shli %bitcast_convert_type3A_173, %shift_left3A_175 : vector<512x128xi32>
    %bitcast_convert_type3A_177 = tpu.bitcast %shift_left3A_176 : vector<512x128xi32> -> vector<512x128xf32>
    %and3A_178 = arith.constant -65536 : i32
    %and3A_179 = vector.broadcast %and3A_178 : i32 to vector<512x128xi32>
    %and3A_180 = arith.andi %bitcast_convert_type3A_173, %and3A_179 : vector<512x128xi32>
    %bitcast_convert_type3A_181 = tpu.bitcast %and3A_180 : vector<512x128xi32> -> vector<512x128xf32>
    %swap3A_182 = arith.constant 7 : index
    %swap3A_183 = arith.constant 0 : index
    %swap3A_184 = arith.constant 0 : index
    %swap3A_185 = vector.load %arg3[%swap3A_182, %swap3A_183, %swap3A_184] : memref<20x1001x128xf32, #tpu.memory_space<vmem>>, vector<1x512x128xf32>
    %swap3A_186 = vector.shape_cast %swap3A_185 : vector<1x512x128xf32> to vector<512x128xf32>
    %swap3A_187 = vector.shape_cast %bitcast_convert_type3A_177 : vector<512x128xf32> to vector<1x512x128xf32>
    tpu.vector_store %arg3[%swap3A_182, %swap3A_183, %swap3A_184], %swap3A_187 {strides = array<i32>} : memref<20x1001x128xf32, #tpu.memory_space<vmem>>, vector<1x512x128xf32>,
    %slice3A_188 = vector.extract_strided_slice %bitcast_convert_type3A_181 {offsets = [0, 0], sizes = [489, 128], strides = [1, 1]} : vector<512x128xf32> to vector<489x128xf32>
    %swap3A_189 = arith.constant 7 : index
    %swap3A_190 = arith.constant 512 : index
    %swap3A_191 = arith.constant 0 : index
    %swap3A_192 = vector.load %arg3[%swap3A_189, %swap3A_190, %swap3A_191] : memref<20x1001x128xf32, #tpu.memory_space<vmem>>, vector<1x489x128xf32>
    %swap3A_193 = vector.shape_cast %swap3A_192 : vector<1x489x128xf32> to vector<489x128xf32>
    %swap3A_194 = vector.shape_cast %slice3A_188 : vector<489x128xf32> to vector<1x489x128xf32>
    tpu.vector_store %arg3[%swap3A_189, %swap3A_190, %swap3A_191], %swap3A_194 {strides = array<i32>} : memref<20x1001x128xf32, #tpu.memory_space<vmem>>, vector<1x489x128xf32>,
    %slice3A_195 = vector.extract_strided_slice %reshape3A {offsets = [0, 8, 0], sizes = [128, 1, 512], strides = [1, 1, 1]} : vector<128x20x512xf32> to vector<128x1x512xf32>
    %squeeze3A_196 = vector.shape_cast %slice3A_195 : vector<128x1x512xf32> to vector<128x512xf32>
    %transpose3A_197 = tpu.transpose %squeeze3A_196, [1, 0] : vector<128x512xf32> -> vector<512x128xf32>
    %bitcast_convert_type3A_198 = tpu.bitcast %transpose3A_197 : vector<512x128xf32> -> vector<512x128xi32>
    %shift_left3A_199 = arith.constant 16 : i32
    %shift_left3A_200 = vector.broadcast %shift_left3A_199 : i32 to vector<512x128xi32>
    %shift_left3A_201 = arith.shli %bitcast_convert_type3A_198, %shift_left3A_200 : vector<512x128xi32>
    %bitcast_convert_type3A_202 = tpu.bitcast %shift_left3A_201 : vector<512x128xi32> -> vector<512x128xf32>
    %and3A_203 = arith.constant -65536 : i32
    %and3A_204 = vector.broadcast %and3A_203 : i32 to vector<512x128xi32>
    %and3A_205 = arith.andi %bitcast_convert_type3A_198, %and3A_204 : vector<512x128xi32>
    %bitcast_convert_type3A_206 = tpu.bitcast %and3A_205 : vector<512x128xi32> -> vector<512x128xf32>
    %swap3A_207 = arith.constant 8 : index
    %swap3A_208 = arith.constant 0 : index
    %swap3A_209 = arith.constant 0 : index
    %swap3A_210 = vector.load %arg3[%swap3A_207, %swap3A_208, %swap3A_209] : memref<20x1001x128xf32, #tpu.memory_space<vmem>>, vector<1x512x128xf32>
    %swap3A_211 = vector.shape_cast %swap3A_210 : vector<1x512x128xf32> to vector<512x128xf32>
    %swap3A_212 = vector.shape_cast %bitcast_convert_type3A_202 : vector<512x128xf32> to vector<1x512x128xf32>
    tpu.vector_store %arg3[%swap3A_207, %swap3A_208, %swap3A_209], %swap3A_212 {strides = array<i32>} : memref<20x1001x128xf32, #tpu.memory_space<vmem>>, vector<1x512x128xf32>,
    %slice3A_213 = vector.extract_strided_slice %bitcast_convert_type3A_206 {offsets = [0, 0], sizes = [489, 128], strides = [1, 1]} : vector<512x128xf32> to vector<489x128xf32>
    %swap3A_214 = arith.constant 8 : index
    %swap3A_215 = arith.constant 512 : index
    %swap3A_216 = arith.constant 0 : index
    %swap3A_217 = vector.load %arg3[%swap3A_214, %swap3A_215, %swap3A_216] : memref<20x1001x128xf32, #tpu.memory_space<vmem>>, vector<1x489x128xf32>
    %swap3A_218 = vector.shape_cast %swap3A_217 : vector<1x489x128xf32> to vector<489x128xf32>
    %swap3A_219 = vector.shape_cast %slice3A_213 : vector<489x128xf32> to vector<1x489x128xf32>
    tpu.vector_store %arg3[%swap3A_214, %swap3A_215, %swap3A_216], %swap3A_219 {strides = array<i32>} : memref<20x1001x128xf32, #tpu.memory_space<vmem>>, vector<1x489x128xf32>,
    %slice3A_220 = vector.extract_strided_slice %reshape3A {offsets = [0, 9, 0], sizes = [128, 1, 512], strides = [1, 1, 1]} : vector<128x20x512xf32> to vector<128x1x512xf32>
    %squeeze3A_221 = vector.shape_cast %slice3A_220 : vector<128x1x512xf32> to vector<128x512xf32>
    %transpose3A_222 = tpu.transpose %squeeze3A_221, [1, 0] : vector<128x512xf32> -> vector<512x128xf32>
    %bitcast_convert_type3A_223 = tpu.bitcast %transpose3A_222 : vector<512x128xf32> -> vector<512x128xi32>
    %shift_left3A_224 = arith.constant 16 : i32
    %shift_left3A_225 = vector.broadcast %shift_left3A_224 : i32 to vector<512x128xi32>
    %shift_left3A_226 = arith.shli %bitcast_convert_type3A_223, %shift_left3A_225 : vector<512x128xi32>
    %bitcast_convert_type3A_227 = tpu.bitcast %shift_left3A_226 : vector<512x128xi32> -> vector<512x128xf32>
    %and3A_228 = arith.constant -65536 : i32
    %and3A_229 = vector.broadcast %and3A_228 : i32 to vector<512x128xi32>
    %and3A_230 = arith.andi %bitcast_convert_type3A_223, %and3A_229 : vector<512x128xi32>
    %bitcast_convert_type3A_231 = tpu.bitcast %and3A_230 : vector<512x128xi32> -> vector<512x128xf32>
    %swap3A_232 = arith.constant 9 : index
    %swap3A_233 = arith.constant 0 : index
    %swap3A_234 = arith.constant 0 : index
    %swap3A_235 = vector.load %arg3[%swap3A_232, %swap3A_233, %swap3A_234] : memref<20x1001x128xf32, #tpu.memory_space<vmem>>, vector<1x512x128xf32>
    %swap3A_236 = vector.shape_cast %swap3A_235 : vector<1x512x128xf32> to vector<512x128xf32>
    %swap3A_237 = vector.shape_cast %bitcast_convert_type3A_227 : vector<512x128xf32> to vector<1x512x128xf32>
    tpu.vector_store %arg3[%swap3A_232, %swap3A_233, %swap3A_234], %swap3A_237 {strides = array<i32>} : memref<20x1001x128xf32, #tpu.memory_space<vmem>>, vector<1x512x128xf32>,
    %slice3A_238 = vector.extract_strided_slice %bitcast_convert_type3A_231 {offsets = [0, 0], sizes = [489, 128], strides = [1, 1]} : vector<512x128xf32> to vector<489x128xf32>
    %swap3A_239 = arith.constant 9 : index
    %swap3A_240 = arith.constant 512 : index
    %swap3A_241 = arith.constant 0 : index
    %swap3A_242 = vector.load %arg3[%swap3A_239, %swap3A_240, %swap3A_241] : memref<20x1001x128xf32, #tpu.memory_space<vmem>>, vector<1x489x128xf32>
    %swap3A_243 = vector.shape_cast %swap3A_242 : vector<1x489x128xf32> to vector<489x128xf32>
    %swap3A_244 = vector.shape_cast %slice3A_238 : vector<489x128xf32> to vector<1x489x128xf32>
    tpu.vector_store %arg3[%swap3A_239, %swap3A_240, %swap3A_241], %swap3A_244 {strides = array<i32>} : memref<20x1001x128xf32, #tpu.memory_space<vmem>>, vector<1x489x128xf32>,
    %slice3A_245 = vector.extract_strided_slice %reshape3A {offsets = [0, 10, 0], sizes = [128, 1, 512], strides = [1, 1, 1]} : vector<128x20x512xf32> to vector<128x1x512xf32>
    %squeeze3A_246 = vector.shape_cast %slice3A_245 : vector<128x1x512xf32> to vector<128x512xf32>
    %transpose3A_247 = tpu.transpose %squeeze3A_246, [1, 0] : vector<128x512xf32> -> vector<512x128xf32>
    %bitcast_convert_type3A_248 = tpu.bitcast %transpose3A_247 : vector<512x128xf32> -> vector<512x128xi32>
    %shift_left3A_249 = arith.constant 16 : i32
    %shift_left3A_250 = vector.broadcast %shift_left3A_249 : i32 to vector<512x128xi32>
    %shift_left3A_251 = arith.shli %bitcast_convert_type3A_248, %shift_left3A_250 : vector<512x128xi32>
    %bitcast_convert_type3A_252 = tpu.bitcast %shift_left3A_251 : vector<512x128xi32> -> vector<512x128xf32>
    %and3A_253 = arith.constant -65536 : i32
    %and3A_254 = vector.broadcast %and3A_253 : i32 to vector<512x128xi32>
    %and3A_255 = arith.andi %bitcast_convert_type3A_248, %and3A_254 : vector<512x128xi32>
    %bitcast_convert_type3A_256 = tpu.bitcast %and3A_255 : vector<512x128xi32> -> vector<512x128xf32>
    %swap3A_257 = arith.constant 10 : index
    %swap3A_258 = arith.constant 0 : index
    %swap3A_259 = arith.constant 0 : index
    %swap3A_260 = vector.load %arg3[%swap3A_257, %swap3A_258, %swap3A_259] : memref<20x1001x128xf32, #tpu.memory_space<vmem>>, vector<1x512x128xf32>
    %swap3A_261 = vector.shape_cast %swap3A_260 : vector<1x512x128xf32> to vector<512x128xf32>
    %swap3A_262 = vector.shape_cast %bitcast_convert_type3A_252 : vector<512x128xf32> to vector<1x512x128xf32>
    tpu.vector_store %arg3[%swap3A_257, %swap3A_258, %swap3A_259], %swap3A_262 {strides = array<i32>} : memref<20x1001x128xf32, #tpu.memory_space<vmem>>, vector<1x512x128xf32>,
    %slice3A_263 = vector.extract_strided_slice %bitcast_convert_type3A_256 {offsets = [0, 0], sizes = [489, 128], strides = [1, 1]} : vector<512x128xf32> to vector<489x128xf32>
    %swap3A_264 = arith.constant 10 : index
    %swap3A_265 = arith.constant 512 : index
    %swap3A_266 = arith.constant 0 : index
    %swap3A_267 = vector.load %arg3[%swap3A_264, %swap3A_265, %swap3A_266] : memref<20x1001x128xf32, #tpu.memory_space<vmem>>, vector<1x489x128xf32>
    %swap3A_268 = vector.shape_cast %swap3A_267 : vector<1x489x128xf32> to vector<489x128xf32>
    %swap3A_269 = vector.shape_cast %slice3A_263 : vector<489x128xf32> to vector<1x489x128xf32>
    tpu.vector_store %arg3[%swap3A_264, %swap3A_265, %swap3A_266], %swap3A_269 {strides = array<i32>} : memref<20x1001x128xf32, #tpu.memory_space<vmem>>, vector<1x489x128xf32>,
    %slice3A_270 = vector.extract_strided_slice %reshape3A {offsets = [0, 11, 0], sizes = [128, 1, 512], strides = [1, 1, 1]} : vector<128x20x512xf32> to vector<128x1x512xf32>
    %squeeze3A_271 = vector.shape_cast %slice3A_270 : vector<128x1x512xf32> to vector<128x512xf32>
    %transpose3A_272 = tpu.transpose %squeeze3A_271, [1, 0] : vector<128x512xf32> -> vector<512x128xf32>
    %bitcast_convert_type3A_273 = tpu.bitcast %transpose3A_272 : vector<512x128xf32> -> vector<512x128xi32>
    %shift_left3A_274 = arith.constant 16 : i32
    %shift_left3A_275 = vector.broadcast %shift_left3A_274 : i32 to vector<512x128xi32>
    %shift_left3A_276 = arith.shli %bitcast_convert_type3A_273, %shift_left3A_275 : vector<512x128xi32>
    %bitcast_convert_type3A_277 = tpu.bitcast %shift_left3A_276 : vector<512x128xi32> -> vector<512x128xf32>
    %and3A_278 = arith.constant -65536 : i32
    %and3A_279 = vector.broadcast %and3A_278 : i32 to vector<512x128xi32>
    %and3A_280 = arith.andi %bitcast_convert_type3A_273, %and3A_279 : vector<512x128xi32>
    %bitcast_convert_type3A_281 = tpu.bitcast %and3A_280 : vector<512x128xi32> -> vector<512x128xf32>
    %swap3A_282 = arith.constant 11 : index
    %swap3A_283 = arith.constant 0 : index
    %swap3A_284 = arith.constant 0 : index
    %swap3A_285 = vector.load %arg3[%swap3A_282, %swap3A_283, %swap3A_284] : memref<20x1001x128xf32, #tpu.memory_space<vmem>>, vector<1x512x128xf32>
    %swap3A_286 = vector.shape_cast %swap3A_285 : vector<1x512x128xf32> to vector<512x128xf32>
    %swap3A_287 = vector.shape_cast %bitcast_convert_type3A_277 : vector<512x128xf32> to vector<1x512x128xf32>
    tpu.vector_store %arg3[%swap3A_282, %swap3A_283, %swap3A_284], %swap3A_287 {strides = array<i32>} : memref<20x1001x128xf32, #tpu.memory_space<vmem>>, vector<1x512x128xf32>,
    %slice3A_288 = vector.extract_strided_slice %bitcast_convert_type3A_281 {offsets = [0, 0], sizes = [489, 128], strides = [1, 1]} : vector<512x128xf32> to vector<489x128xf32>
    %swap3A_289 = arith.constant 11 : index
    %swap3A_290 = arith.constant 512 : index
    %swap3A_291 = arith.constant 0 : index
    %swap3A_292 = vector.load %arg3[%swap3A_289, %swap3A_290, %swap3A_291] : memref<20x1001x128xf32, #tpu.memory_space<vmem>>, vector<1x489x128xf32>
    %swap3A_293 = vector.shape_cast %swap3A_292 : vector<1x489x128xf32> to vector<489x128xf32>
    %swap3A_294 = vector.shape_cast %slice3A_288 : vector<489x128xf32> to vector<1x489x128xf32>
    tpu.vector_store %arg3[%swap3A_289, %swap3A_290, %swap3A_291], %swap3A_294 {strides = array<i32>} : memref<20x1001x128xf32, #tpu.memory_space<vmem>>, vector<1x489x128xf32>,
    %slice3A_295 = vector.extract_strided_slice %reshape3A {offsets = [0, 12, 0], sizes = [128, 1, 512], strides = [1, 1, 1]} : vector<128x20x512xf32> to vector<128x1x512xf32>
    %squeeze3A_296 = vector.shape_cast %slice3A_295 : vector<128x1x512xf32> to vector<128x512xf32>
    %transpose3A_297 = tpu.transpose %squeeze3A_296, [1, 0] : vector<128x512xf32> -> vector<512x128xf32>
    %bitcast_convert_type3A_298 = tpu.bitcast %transpose3A_297 : vector<512x128xf32> -> vector<512x128xi32>
    %shift_left3A_299 = arith.constant 16 : i32
    %shift_left3A_300 = vector.broadcast %shift_left3A_299 : i32 to vector<512x128xi32>
    %shift_left3A_301 = arith.shli %bitcast_convert_type3A_298, %shift_left3A_300 : vector<512x128xi32>
    %bitcast_convert_type3A_302 = tpu.bitcast %shift_left3A_301 : vector<512x128xi32> -> vector<512x128xf32>
    %and3A_303 = arith.constant -65536 : i32
    %and3A_304 = vector.broadcast %and3A_303 : i32 to vector<512x128xi32>
    %and3A_305 = arith.andi %bitcast_convert_type3A_298, %and3A_304 : vector<512x128xi32>
    %bitcast_convert_type3A_306 = tpu.bitcast %and3A_305 : vector<512x128xi32> -> vector<512x128xf32>
    %swap3A_307 = arith.constant 12 : index
    %swap3A_308 = arith.constant 0 : index
    %swap3A_309 = arith.constant 0 : index
    %swap3A_310 = vector.load %arg3[%swap3A_307, %swap3A_308, %swap3A_309] : memref<20x1001x128xf32, #tpu.memory_space<vmem>>, vector<1x512x128xf32>
    %swap3A_311 = vector.shape_cast %swap3A_310 : vector<1x512x128xf32> to vector<512x128xf32>
    %swap3A_312 = vector.shape_cast %bitcast_convert_type3A_302 : vector<512x128xf32> to vector<1x512x128xf32>
    tpu.vector_store %arg3[%swap3A_307, %swap3A_308, %swap3A_309], %swap3A_312 {strides = array<i32>} : memref<20x1001x128xf32, #tpu.memory_space<vmem>>, vector<1x512x128xf32>,
    %slice3A_313 = vector.extract_strided_slice %bitcast_convert_type3A_306 {offsets = [0, 0], sizes = [489, 128], strides = [1, 1]} : vector<512x128xf32> to vector<489x128xf32>
    %swap3A_314 = arith.constant 12 : index
    %swap3A_315 = arith.constant 512 : index
    %swap3A_316 = arith.constant 0 : index
    %swap3A_317 = vector.load %arg3[%swap3A_314, %swap3A_315, %swap3A_316] : memref<20x1001x128xf32, #tpu.memory_space<vmem>>, vector<1x489x128xf32>
    %swap3A_318 = vector.shape_cast %swap3A_317 : vector<1x489x128xf32> to vector<489x128xf32>
    %swap3A_319 = vector.shape_cast %slice3A_313 : vector<489x128xf32> to vector<1x489x128xf32>
    tpu.vector_store %arg3[%swap3A_314, %swap3A_315, %swap3A_316], %swap3A_319 {strides = array<i32>} : memref<20x1001x128xf32, #tpu.memory_space<vmem>>, vector<1x489x128xf32>,
    %slice3A_320 = vector.extract_strided_slice %reshape3A {offsets = [0, 13, 0], sizes = [128, 1, 512], strides = [1, 1, 1]} : vector<128x20x512xf32> to vector<128x1x512xf32>
    %squeeze3A_321 = vector.shape_cast %slice3A_320 : vector<128x1x512xf32> to vector<128x512xf32>
    %transpose3A_322 = tpu.transpose %squeeze3A_321, [1, 0] : vector<128x512xf32> -> vector<512x128xf32>
    %bitcast_convert_type3A_323 = tpu.bitcast %transpose3A_322 : vector<512x128xf32> -> vector<512x128xi32>
    %shift_left3A_324 = arith.constant 16 : i32
    %shift_left3A_325 = vector.broadcast %shift_left3A_324 : i32 to vector<512x128xi32>
    %shift_left3A_326 = arith.shli %bitcast_convert_type3A_323, %shift_left3A_325 : vector<512x128xi32>
    %bitcast_convert_type3A_327 = tpu.bitcast %shift_left3A_326 : vector<512x128xi32> -> vector<512x128xf32>
    %and3A_328 = arith.constant -65536 : i32
    %and3A_329 = vector.broadcast %and3A_328 : i32 to vector<512x128xi32>
    %and3A_330 = arith.andi %bitcast_convert_type3A_323, %and3A_329 : vector<512x128xi32>
    %bitcast_convert_type3A_331 = tpu.bitcast %and3A_330 : vector<512x128xi32> -> vector<512x128xf32>
    %swap3A_332 = arith.constant 13 : index
    %swap3A_333 = arith.constant 0 : index
    %swap3A_334 = arith.constant 0 : index
    %swap3A_335 = vector.load %arg3[%swap3A_332, %swap3A_333, %swap3A_334] : memref<20x1001x128xf32, #tpu.memory_space<vmem>>, vector<1x512x128xf32>
    %swap3A_336 = vector.shape_cast %swap3A_335 : vector<1x512x128xf32> to vector<512x128xf32>
    %swap3A_337 = vector.shape_cast %bitcast_convert_type3A_327 : vector<512x128xf32> to vector<1x512x128xf32>
    tpu.vector_store %arg3[%swap3A_332, %swap3A_333, %swap3A_334], %swap3A_337 {strides = array<i32>} : memref<20x1001x128xf32, #tpu.memory_space<vmem>>, vector<1x512x128xf32>,
    %slice3A_338 = vector.extract_strided_slice %bitcast_convert_type3A_331 {offsets = [0, 0], sizes = [489, 128], strides = [1, 1]} : vector<512x128xf32> to vector<489x128xf32>
    %swap3A_339 = arith.constant 13 : index
    %swap3A_340 = arith.constant 512 : index
    %swap3A_341 = arith.constant 0 : index
    %swap3A_342 = vector.load %arg3[%swap3A_339, %swap3A_340, %swap3A_341] : memref<20x1001x128xf32, #tpu.memory_space<vmem>>, vector<1x489x128xf32>
    %swap3A_343 = vector.shape_cast %swap3A_342 : vector<1x489x128xf32> to vector<489x128xf32>
    %swap3A_344 = vector.shape_cast %slice3A_338 : vector<489x128xf32> to vector<1x489x128xf32>
    tpu.vector_store %arg3[%swap3A_339, %swap3A_340, %swap3A_341], %swap3A_344 {strides = array<i32>} : memref<20x1001x128xf32, #tpu.memory_space<vmem>>, vector<1x489x128xf32>,
    %slice3A_345 = vector.extract_strided_slice %reshape3A {offsets = [0, 14, 0], sizes = [128, 1, 512], strides = [1, 1, 1]} : vector<128x20x512xf32> to vector<128x1x512xf32>
    %squeeze3A_346 = vector.shape_cast %slice3A_345 : vector<128x1x512xf32> to vector<128x512xf32>
    %transpose3A_347 = tpu.transpose %squeeze3A_346, [1, 0] : vector<128x512xf32> -> vector<512x128xf32>
    %bitcast_convert_type3A_348 = tpu.bitcast %transpose3A_347 : vector<512x128xf32> -> vector<512x128xi32>
    %shift_left3A_349 = arith.constant 16 : i32
    %shift_left3A_350 = vector.broadcast %shift_left3A_349 : i32 to vector<512x128xi32>
    %shift_left3A_351 = arith.shli %bitcast_convert_type3A_348, %shift_left3A_350 : vector<512x128xi32>
    %bitcast_convert_type3A_352 = tpu.bitcast %shift_left3A_351 : vector<512x128xi32> -> vector<512x128xf32>
    %and3A_353 = arith.constant -65536 : i32
    %and3A_354 = vector.broadcast %and3A_353 : i32 to vector<512x128xi32>
    %and3A_355 = arith.andi %bitcast_convert_type3A_348, %and3A_354 : vector<512x128xi32>
    %bitcast_convert_type3A_356 = tpu.bitcast %and3A_355 : vector<512x128xi32> -> vector<512x128xf32>
    %swap3A_357 = arith.constant 14 : index
    %swap3A_358 = arith.constant 0 : index
    %swap3A_359 = arith.constant 0 : index
    %swap3A_360 = vector.load %arg3[%swap3A_357, %swap3A_358, %swap3A_359] : memref<20x1001x128xf32, #tpu.memory_space<vmem>>, vector<1x512x128xf32>
    %swap3A_361 = vector.shape_cast %swap3A_360 : vector<1x512x128xf32> to vector<512x128xf32>
    %swap3A_362 = vector.shape_cast %bitcast_convert_type3A_352 : vector<512x128xf32> to vector<1x512x128xf32>
    tpu.vector_store %arg3[%swap3A_357, %swap3A_358, %swap3A_359], %swap3A_362 {strides = array<i32>} : memref<20x1001x128xf32, #tpu.memory_space<vmem>>, vector<1x512x128xf32>,
    %slice3A_363 = vector.extract_strided_slice %bitcast_convert_type3A_356 {offsets = [0, 0], sizes = [489, 128], strides = [1, 1]} : vector<512x128xf32> to vector<489x128xf32>
    %swap3A_364 = arith.constant 14 : index
    %swap3A_365 = arith.constant 512 : index
    %swap3A_366 = arith.constant 0 : index
    %swap3A_367 = vector.load %arg3[%swap3A_364, %swap3A_365, %swap3A_366] : memref<20x1001x128xf32, #tpu.memory_space<vmem>>, vector<1x489x128xf32>
    %swap3A_368 = vector.shape_cast %swap3A_367 : vector<1x489x128xf32> to vector<489x128xf32>
    %swap3A_369 = vector.shape_cast %slice3A_363 : vector<489x128xf32> to vector<1x489x128xf32>
    tpu.vector_store %arg3[%swap3A_364, %swap3A_365, %swap3A_366], %swap3A_369 {strides = array<i32>} : memref<20x1001x128xf32, #tpu.memory_space<vmem>>, vector<1x489x128xf32>,
    %slice3A_370 = vector.extract_strided_slice %reshape3A {offsets = [0, 15, 0], sizes = [128, 1, 512], strides = [1, 1, 1]} : vector<128x20x512xf32> to vector<128x1x512xf32>
    %squeeze3A_371 = vector.shape_cast %slice3A_370 : vector<128x1x512xf32> to vector<128x512xf32>
    %transpose3A_372 = tpu.transpose %squeeze3A_371, [1, 0] : vector<128x512xf32> -> vector<512x128xf32>
    %bitcast_convert_type3A_373 = tpu.bitcast %transpose3A_372 : vector<512x128xf32> -> vector<512x128xi32>
    %shift_left3A_374 = arith.constant 16 : i32
    %shift_left3A_375 = vector.broadcast %shift_left3A_374 : i32 to vector<512x128xi32>
    %shift_left3A_376 = arith.shli %bitcast_convert_type3A_373, %shift_left3A_375 : vector<512x128xi32>
    %bitcast_convert_type3A_377 = tpu.bitcast %shift_left3A_376 : vector<512x128xi32> -> vector<512x128xf32>
    %and3A_378 = arith.constant -65536 : i32
    %and3A_379 = vector.broadcast %and3A_378 : i32 to vector<512x128xi32>
    %and3A_380 = arith.andi %bitcast_convert_type3A_373, %and3A_379 : vector<512x128xi32>
    %bitcast_convert_type3A_381 = tpu.bitcast %and3A_380 : vector<512x128xi32> -> vector<512x128xf32>
    %swap3A_382 = arith.constant 15 : index
    %swap3A_383 = arith.constant 0 : index
    %swap3A_384 = arith.constant 0 : index
    %swap3A_385 = vector.load %arg3[%swap3A_382, %swap3A_383, %swap3A_384] : memref<20x1001x128xf32, #tpu.memory_space<vmem>>, vector<1x512x128xf32>
    %swap3A_386 = vector.shape_cast %swap3A_385 : vector<1x512x128xf32> to vector<512x128xf32>
    %swap3A_387 = vector.shape_cast %bitcast_convert_type3A_377 : vector<512x128xf32> to vector<1x512x128xf32>
    tpu.vector_store %arg3[%swap3A_382, %swap3A_383, %swap3A_384], %swap3A_387 {strides = array<i32>} : memref<20x1001x128xf32, #tpu.memory_space<vmem>>, vector<1x512x128xf32>,
    %slice3A_388 = vector.extract_strided_slice %bitcast_convert_type3A_381 {offsets = [0, 0], sizes = [489, 128], strides = [1, 1]} : vector<512x128xf32> to vector<489x128xf32>
    %swap3A_389 = arith.constant 15 : index
    %swap3A_390 = arith.constant 512 : index
    %swap3A_391 = arith.constant 0 : index
    %swap3A_392 = vector.load %arg3[%swap3A_389, %swap3A_390, %swap3A_391] : memref<20x1001x128xf32, #tpu.memory_space<vmem>>, vector<1x489x128xf32>
    %swap3A_393 = vector.shape_cast %swap3A_392 : vector<1x489x128xf32> to vector<489x128xf32>
    %swap3A_394 = vector.shape_cast %slice3A_388 : vector<489x128xf32> to vector<1x489x128xf32>
    tpu.vector_store %arg3[%swap3A_389, %swap3A_390, %swap3A_391], %swap3A_394 {strides = array<i32>} : memref<20x1001x128xf32, #tpu.memory_space<vmem>>, vector<1x489x128xf32>,
    %slice3A_395 = vector.extract_strided_slice %reshape3A {offsets = [0, 16, 0], sizes = [128, 1, 512], strides = [1, 1, 1]} : vector<128x20x512xf32> to vector<128x1x512xf32>
    %squeeze3A_396 = vector.shape_cast %slice3A_395 : vector<128x1x512xf32> to vector<128x512xf32>
    %transpose3A_397 = tpu.transpose %squeeze3A_396, [1, 0] : vector<128x512xf32> -> vector<512x128xf32>
    %bitcast_convert_type3A_398 = tpu.bitcast %transpose3A_397 : vector<512x128xf32> -> vector<512x128xi32>
    %shift_left3A_399 = arith.constant 16 : i32
    %shift_left3A_400 = vector.broadcast %shift_left3A_399 : i32 to vector<512x128xi32>
    %shift_left3A_401 = arith.shli %bitcast_convert_type3A_398, %shift_left3A_400 : vector<512x128xi32>
    %bitcast_convert_type3A_402 = tpu.bitcast %shift_left3A_401 : vector<512x128xi32> -> vector<512x128xf32>
    %and3A_403 = arith.constant -65536 : i32
    %and3A_404 = vector.broadcast %and3A_403 : i32 to vector<512x128xi32>
    %and3A_405 = arith.andi %bitcast_convert_type3A_398, %and3A_404 : vector<512x128xi32>
    %bitcast_convert_type3A_406 = tpu.bitcast %and3A_405 : vector<512x128xi32> -> vector<512x128xf32>
    %swap3A_407 = arith.constant 16 : index
    %swap3A_408 = arith.constant 0 : index
    %swap3A_409 = arith.constant 0 : index
    %swap3A_410 = vector.load %arg3[%swap3A_407, %swap3A_408, %swap3A_409] : memref<20x1001x128xf32, #tpu.memory_space<vmem>>, vector<1x512x128xf32>
    %swap3A_411 = vector.shape_cast %swap3A_410 : vector<1x512x128xf32> to vector<512x128xf32>
    %swap3A_412 = vector.shape_cast %bitcast_convert_type3A_402 : vector<512x128xf32> to vector<1x512x128xf32>
    tpu.vector_store %arg3[%swap3A_407, %swap3A_408, %swap3A_409], %swap3A_412 {strides = array<i32>} : memref<20x1001x128xf32, #tpu.memory_space<vmem>>, vector<1x512x128xf32>,
    %slice3A_413 = vector.extract_strided_slice %bitcast_convert_type3A_406 {offsets = [0, 0], sizes = [489, 128], strides = [1, 1]} : vector<512x128xf32> to vector<489x128xf32>
    %swap3A_414 = arith.constant 16 : index
    %swap3A_415 = arith.constant 512 : index
    %swap3A_416 = arith.constant 0 : index
    %swap3A_417 = vector.load %arg3[%swap3A_414, %swap3A_415, %swap3A_416] : memref<20x1001x128xf32, #tpu.memory_space<vmem>>, vector<1x489x128xf32>
    %swap3A_418 = vector.shape_cast %swap3A_417 : vector<1x489x128xf32> to vector<489x128xf32>
    %swap3A_419 = vector.shape_cast %slice3A_413 : vector<489x128xf32> to vector<1x489x128xf32>
    tpu.vector_store %arg3[%swap3A_414, %swap3A_415, %swap3A_416], %swap3A_419 {strides = array<i32>} : memref<20x1001x128xf32, #tpu.memory_space<vmem>>, vector<1x489x128xf32>,
    %slice3A_420 = vector.extract_strided_slice %reshape3A {offsets = [0, 17, 0], sizes = [128, 1, 512], strides = [1, 1, 1]} : vector<128x20x512xf32> to vector<128x1x512xf32>
    %squeeze3A_421 = vector.shape_cast %slice3A_420 : vector<128x1x512xf32> to vector<128x512xf32>
    %transpose3A_422 = tpu.transpose %squeeze3A_421, [1, 0] : vector<128x512xf32> -> vector<512x128xf32>
    %bitcast_convert_type3A_423 = tpu.bitcast %transpose3A_422 : vector<512x128xf32> -> vector<512x128xi32>
    %shift_left3A_424 = arith.constant 16 : i32
    %shift_left3A_425 = vector.broadcast %shift_left3A_424 : i32 to vector<512x128xi32>
    %shift_left3A_426 = arith.shli %bitcast_convert_type3A_423, %shift_left3A_425 : vector<512x128xi32>
    %bitcast_convert_type3A_427 = tpu.bitcast %shift_left3A_426 : vector<512x128xi32> -> vector<512x128xf32>
    %and3A_428 = arith.constant -65536 : i32
    %and3A_429 = vector.broadcast %and3A_428 : i32 to vector<512x128xi32>
    %and3A_430 = arith.andi %bitcast_convert_type3A_423, %and3A_429 : vector<512x128xi32>
    %bitcast_convert_type3A_431 = tpu.bitcast %and3A_430 : vector<512x128xi32> -> vector<512x128xf32>
    %swap3A_432 = arith.constant 17 : index
    %swap3A_433 = arith.constant 0 : index
    %swap3A_434 = arith.constant 0 : index
    %swap3A_435 = vector.load %arg3[%swap3A_432, %swap3A_433, %swap3A_434] : memref<20x1001x128xf32, #tpu.memory_space<vmem>>, vector<1x512x128xf32>
    %swap3A_436 = vector.shape_cast %swap3A_435 : vector<1x512x128xf32> to vector<512x128xf32>
    %swap3A_437 = vector.shape_cast %bitcast_convert_type3A_427 : vector<512x128xf32> to vector<1x512x128xf32>
    tpu.vector_store %arg3[%swap3A_432, %swap3A_433, %swap3A_434], %swap3A_437 {strides = array<i32>} : memref<20x1001x128xf32, #tpu.memory_space<vmem>>, vector<1x512x128xf32>,
    %slice3A_438 = vector.extract_strided_slice %bitcast_convert_type3A_431 {offsets = [0, 0], sizes = [489, 128], strides = [1, 1]} : vector<512x128xf32> to vector<489x128xf32>
    %swap3A_439 = arith.constant 17 : index
    %swap3A_440 = arith.constant 512 : index
    %swap3A_441 = arith.constant 0 : index
    %swap3A_442 = vector.load %arg3[%swap3A_439, %swap3A_440, %swap3A_441] : memref<20x1001x128xf32, #tpu.memory_space<vmem>>, vector<1x489x128xf32>
    %swap3A_443 = vector.shape_cast %swap3A_442 : vector<1x489x128xf32> to vector<489x128xf32>
    %swap3A_444 = vector.shape_cast %slice3A_438 : vector<489x128xf32> to vector<1x489x128xf32>
    tpu.vector_store %arg3[%swap3A_439, %swap3A_440, %swap3A_441], %swap3A_444 {strides = array<i32>} : memref<20x1001x128xf32, #tpu.memory_space<vmem>>, vector<1x489x128xf32>,
    %slice3A_445 = vector.extract_strided_slice %reshape3A {offsets = [0, 18, 0], sizes = [128, 1, 512], strides = [1, 1, 1]} : vector<128x20x512xf32> to vector<128x1x512xf32>
    %squeeze3A_446 = vector.shape_cast %slice3A_445 : vector<128x1x512xf32> to vector<128x512xf32>
    %transpose3A_447 = tpu.transpose %squeeze3A_446, [1, 0] : vector<128x512xf32> -> vector<512x128xf32>
    %bitcast_convert_type3A_448 = tpu.bitcast %transpose3A_447 : vector<512x128xf32> -> vector<512x128xi32>
    %shift_left3A_449 = arith.constant 16 : i32
    %shift_left3A_450 = vector.broadcast %shift_left3A_449 : i32 to vector<512x128xi32>
    %shift_left3A_451 = arith.shli %bitcast_convert_type3A_448, %shift_left3A_450 : vector<512x128xi32>
    %bitcast_convert_type3A_452 = tpu.bitcast %shift_left3A_451 : vector<512x128xi32> -> vector<512x128xf32>
    %and3A_453 = arith.constant -65536 : i32
    %and3A_454 = vector.broadcast %and3A_453 : i32 to vector<512x128xi32>
    %and3A_455 = arith.andi %bitcast_convert_type3A_448, %and3A_454 : vector<512x128xi32>
    %bitcast_convert_type3A_456 = tpu.bitcast %and3A_455 : vector<512x128xi32> -> vector<512x128xf32>
    %swap3A_457 = arith.constant 18 : index
    %swap3A_458 = arith.constant 0 : index
    %swap3A_459 = arith.constant 0 : index
    %swap3A_460 = vector.load %arg3[%swap3A_457, %swap3A_458, %swap3A_459] : memref<20x1001x128xf32, #tpu.memory_space<vmem>>, vector<1x512x128xf32>
    %swap3A_461 = vector.shape_cast %swap3A_460 : vector<1x512x128xf32> to vector<512x128xf32>
    %swap3A_462 = vector.shape_cast %bitcast_convert_type3A_452 : vector<512x128xf32> to vector<1x512x128xf32>
    tpu.vector_store %arg3[%swap3A_457, %swap3A_458, %swap3A_459], %swap3A_462 {strides = array<i32>} : memref<20x1001x128xf32, #tpu.memory_space<vmem>>, vector<1x512x128xf32>,
    %slice3A_463 = vector.extract_strided_slice %bitcast_convert_type3A_456 {offsets = [0, 0], sizes = [489, 128], strides = [1, 1]} : vector<512x128xf32> to vector<489x128xf32>
    %swap3A_464 = arith.constant 18 : index
    %swap3A_465 = arith.constant 512 : index
    %swap3A_466 = arith.constant 0 : index
    %swap3A_467 = vector.load %arg3[%swap3A_464, %swap3A_465, %swap3A_466] : memref<20x1001x128xf32, #tpu.memory_space<vmem>>, vector<1x489x128xf32>
    %swap3A_468 = vector.shape_cast %swap3A_467 : vector<1x489x128xf32> to vector<489x128xf32>
    %swap3A_469 = vector.shape_cast %slice3A_463 : vector<489x128xf32> to vector<1x489x128xf32>
    tpu.vector_store %arg3[%swap3A_464, %swap3A_465, %swap3A_466], %swap3A_469 {strides = array<i32>} : memref<20x1001x128xf32, #tpu.memory_space<vmem>>, vector<1x489x128xf32>,
    %slice3A_470 = vector.extract_strided_slice %reshape3A {offsets = [0, 19, 0], sizes = [128, 1, 512], strides = [1, 1, 1]} : vector<128x20x512xf32> to vector<128x1x512xf32>
    %squeeze3A_471 = vector.shape_cast %slice3A_470 : vector<128x1x512xf32> to vector<128x512xf32>
    %transpose3A_472 = tpu.transpose %squeeze3A_471, [1, 0] : vector<128x512xf32> -> vector<512x128xf32>
    %bitcast_convert_type3A_473 = tpu.bitcast %transpose3A_472 : vector<512x128xf32> -> vector<512x128xi32>
    %shift_left3A_474 = arith.constant 16 : i32
    %shift_left3A_475 = vector.broadcast %shift_left3A_474 : i32 to vector<512x128xi32>
    %shift_left3A_476 = arith.shli %bitcast_convert_type3A_473, %shift_left3A_475 : vector<512x128xi32>
    %bitcast_convert_type3A_477 = tpu.bitcast %shift_left3A_476 : vector<512x128xi32> -> vector<512x128xf32>
    %and3A_478 = arith.constant -65536 : i32
    %and3A_479 = vector.broadcast %and3A_478 : i32 to vector<512x128xi32>
    %and3A_480 = arith.andi %bitcast_convert_type3A_473, %and3A_479 : vector<512x128xi32>
    %bitcast_convert_type3A_481 = tpu.bitcast %and3A_480 : vector<512x128xi32> -> vector<512x128xf32>
    %swap3A_482 = arith.constant 19 : index
    %swap3A_483 = arith.constant 0 : index
    %swap3A_484 = arith.constant 0 : index
    %swap3A_485 = vector.load %arg3[%swap3A_482, %swap3A_483, %swap3A_484] : memref<20x1001x128xf32, #tpu.memory_space<vmem>>, vector<1x512x128xf32>
    %swap3A_486 = vector.shape_cast %swap3A_485 : vector<1x512x128xf32> to vector<512x128xf32>
    %swap3A_487 = vector.shape_cast %bitcast_convert_type3A_477 : vector<512x128xf32> to vector<1x512x128xf32>
    tpu.vector_store %arg3[%swap3A_482, %swap3A_483, %swap3A_484], %swap3A_487 {strides = array<i32>} : memref<20x1001x128xf32, #tpu.memory_space<vmem>>, vector<1x512x128xf32>,
    %slice3A_488 = vector.extract_strided_slice %bitcast_convert_type3A_481 {offsets = [0, 0], sizes = [489, 128], strides = [1, 1]} : vector<512x128xf32> to vector<489x128xf32>
    %swap3A_489 = arith.constant 19 : index
    %swap3A_490 = arith.constant 512 : index
    %swap3A_491 = arith.constant 0 : index
    %swap3A_492 = vector.load %arg3[%swap3A_489, %swap3A_490, %swap3A_491] : memref<20x1001x128xf32, #tpu.memory_space<vmem>>, vector<1x489x128xf32>
    %swap3A_493 = vector.shape_cast %swap3A_492 : vector<1x489x128xf32> to vector<489x128xf32>
    %swap3A_494 = vector.shape_cast %slice3A_488 : vector<489x128xf32> to vector<1x489x128xf32>
    tpu.vector_store %arg3[%swap3A_489, %swap3A_490, %swap3A_491], %swap3A_494 {strides = array<i32>} : memref<20x1001x128xf32, #tpu.memory_space<vmem>>, vector<1x489x128xf32>,
    return
  }
  func.func @transform_0(%arg0: i32) -> (i32, i32) {
    %c0_i32 = arith.constant 0 : i32
    %c0_i32_0 = arith.constant 0 : i32
    return %arg0, %c0_i32 : i32, i32
  }
  func.func @transform_2(%arg0: i32) -> (i32, i32, i32) {
    %add3A = arith.constant 16 : i32
    %add3A_0 = arith.addi %add3A, %arg0 : i32
    %c0_i32 = arith.constant 0 : i32
    %c0_i32_1 = arith.constant 0 : i32
    %c0_i32_2 = arith.constant 0 : i32
    return %c0_i32, %c0_i32_1, %add3A_0 : i32, i32, i32
  }
}

module attributes {stable_mosaic.version = 14 : i64} {
  func.func @_transpose_alias_body(%arg0: i32, %arg1: memref<2560x512xf32, #tpu.memory_space<vmem>>, %arg2: memref<20x1001x4096xf32, #tpu.memory_space<any>>, %arg3: memref<20x1001x128xf32, #tpu.memory_space<vmem>>) attributes {dimension_semantics = [#tpu.dimension_semantics<arbitrary>], iteration_bounds = array<i64: 8>, scalar_prefetch = 0 : i64, scratch_operands = 0 : i64, tpu.core_type = #tpu.core_type<tc>, window_params = [{transform_indices = @transform_0, window_bounds = array<i64: 2560, 512>}, {}, {transform_indices = @transform_2, window_bounds = array<i64: 20, 1001, 128>}]} {
    %get3A = arith.constant 0 : index
    %get3A_0 = arith.constant 0 : index
    %get3A_1 = vector.load %arg1[%get3A, %get3A_0] : memref<2560x512xf32, #tpu.memory_space<vmem>>, vector<2560x512xf32>
    %reshape3A = vector.shape_cast %get3A_1 : vector<2560x512xf32> to vector<128x20x512xf32>
    %slice3A = vector.extract_strided_slice %reshape3A {offsets = [0, 0, 0], sizes = [128, 1, 512], strides = [1, 1, 1]} : vector<128x20x512xf32> to vector<128x1x512xf32>
    %squeeze3A = vector.shape_cast %slice3A : vector<128x1x512xf32> to vector<128x512xf32>
    %transpose3A = tpu.transpose %squeeze3A, [1, 0] : vector<128x512xf32> -> vector<512x128xf32>
    %bitcast_convert_type3A = tpu.bitcast %transpose3A : vector<512x128xf32> -> vector<512x128xi32>
    %shift_left3A = arith.constant 16 : i32
    %shift_left3A_2 = vector.broadcast %shift_left3A : i32 to vector<512x128xi32>
    %shift_left3A_3 = arith.shli %bitcast_convert_type3A, %shift_left3A_2 : vector<512x128xi32>
    %bitcast_convert_type3A_4 = tpu.bitcast %shift_left3A_3 : vector<512x128xi32> -> vector<512x128xf32>
    %and3A = arith.constant -65536 : i32
    %and3A_5 = vector.broadcast %and3A : i32 to vector<512x128xi32>
    %and3A_6 = arith.andi %bitcast_convert_type3A, %and3A_5 : vector<512x128xi32>
    %bitcast_convert_type3A_7 = tpu.bitcast %and3A_6 : vector<512x128xi32> -> vector<512x128xf32>
    %swap3A = arith.constant 0 : index
    %swap3A_8 = arith.constant 0 : index
    %swap3A_9 = arith.constant 0 : index
    %swap3A_10 = vector.load %arg3[%swap3A, %swap3A_8, %swap3A_9] : memref<20x1001x128xf32, #tpu.memory_space<vmem>>, vector<1x512x128xf32>
    %swap3A_11 = vector.shape_cast %swap3A_10 : vector<1x512x128xf32> to vector<512x128xf32>
    %swap3A_12 = vector.shape_cast %bitcast_convert_type3A_4 : vector<512x128xf32> to vector<1x512x128xf32>
    tpu.vector_store %arg3[%swap3A, %swap3A_8, %swap3A_9], %swap3A_12 {strides = array<i32>} : memref<20x1001x128xf32, #tpu.memory_space<vmem>>, vector<1x512x128xf32>,
    %slice3A_13 = vector.extract_strided_slice %bitcast_convert_type3A_7 {offsets = [0, 0], sizes = [489, 128], strides = [1, 1]} : vector<512x128xf32> to vector<489x128xf32>
    %swap3A_14 = arith.constant 0 : index
    %swap3A_15 = arith.constant 512 : index
    %swap3A_16 = arith.constant 0 : index
    %swap3A_17 = vector.load %arg3[%swap3A_14, %swap3A_15, %swap3A_16] : memref<20x1001x128xf32, #tpu.memory_space<vmem>>, vector<1x489x128xf32>
    %swap3A_18 = vector.shape_cast %swap3A_17 : vector<1x489x128xf32> to vector<489x128xf32>
    %swap3A_19 = vector.shape_cast %slice3A_13 : vector<489x128xf32> to vector<1x489x128xf32>
    tpu.vector_store %arg3[%swap3A_14, %swap3A_15, %swap3A_16], %swap3A_19 {strides = array<i32>} : memref<20x1001x128xf32, #tpu.memory_space<vmem>>, vector<1x489x128xf32>,
    %slice3A_20 = vector.extract_strided_slice %reshape3A {offsets = [0, 1, 0], sizes = [128, 1, 512], strides = [1, 1, 1]} : vector<128x20x512xf32> to vector<128x1x512xf32>
    %squeeze3A_21 = vector.shape_cast %slice3A_20 : vector<128x1x512xf32> to vector<128x512xf32>
    %transpose3A_22 = tpu.transpose %squeeze3A_21, [1, 0] : vector<128x512xf32> -> vector<512x128xf32>
    %bitcast_convert_type3A_23 = tpu.bitcast %transpose3A_22 : vector<512x128xf32> -> vector<512x128xi32>
    %shift_left3A_24 = arith.constant 16 : i32
    %shift_left3A_25 = vector.broadcast %shift_left3A_24 : i32 to vector<512x128xi32>
    %shift_left3A_26 = arith.shli %bitcast_convert_type3A_23, %shift_left3A_25 : vector<512x128xi32>
    %bitcast_convert_type3A_27 = tpu.bitcast %shift_left3A_26 : vector<512x128xi32> -> vector<512x128xf32>
    %and3A_28 = arith.constant -65536 : i32
    %and3A_29 = vector.broadcast %and3A_28 : i32 to vector<512x128xi32>
    %and3A_30 = arith.andi %bitcast_convert_type3A_23, %and3A_29 : vector<512x128xi32>
    %bitcast_convert_type3A_31 = tpu.bitcast %and3A_30 : vector<512x128xi32> -> vector<512x128xf32>
    %swap3A_32 = arith.constant 1 : index
    %swap3A_33 = arith.constant 0 : index
    %swap3A_34 = arith.constant 0 : index
    %swap3A_35 = vector.load %arg3[%swap3A_32, %swap3A_33, %swap3A_34] : memref<20x1001x128xf32, #tpu.memory_space<vmem>>, vector<1x512x128xf32>
    %swap3A_36 = vector.shape_cast %swap3A_35 : vector<1x512x128xf32> to vector<512x128xf32>
    %swap3A_37 = vector.shape_cast %bitcast_convert_type3A_27 : vector<512x128xf32> to vector<1x512x128xf32>
    tpu.vector_store %arg3[%swap3A_32, %swap3A_33, %swap3A_34], %swap3A_37 {strides = array<i32>} : memref<20x1001x128xf32, #tpu.memory_space<vmem>>, vector<1x512x128xf32>,
    %slice3A_38 = vector.extract_strided_slice %bitcast_convert_type3A_31 {offsets = [0, 0], sizes = [489, 128], strides = [1, 1]} : vector<512x128xf32> to vector<489x128xf32>
    %swap3A_39 = arith.constant 1 : index
    %swap3A_40 = arith.constant 512 : index
    %swap3A_41 = arith.constant 0 : index
    %swap3A_42 = vector.load %arg3[%swap3A_39, %swap3A_40, %swap3A_41] : memref<20x1001x128xf32, #tpu.memory_space<vmem>>, vector<1x489x128xf32>
    %swap3A_43 = vector.shape_cast %swap3A_42 : vector<1x489x128xf32> to vector<489x128xf32>
    %swap3A_44 = vector.shape_cast %slice3A_38 : vector<489x128xf32> to vector<1x489x128xf32>
    tpu.vector_store %arg3[%swap3A_39, %swap3A_40, %swap3A_41], %swap3A_44 {strides = array<i32>} : memref<20x1001x128xf32, #tpu.memory_space<vmem>>, vector<1x489x128xf32>,
    %slice3A_45 = vector.extract_strided_slice %reshape3A {offsets = [0, 2, 0], sizes = [128, 1, 512], strides = [1, 1, 1]} : vector<128x20x512xf32> to vector<128x1x512xf32>
    %squeeze3A_46 = vector.shape_cast %slice3A_45 : vector<128x1x512xf32> to vector<128x512xf32>
    %transpose3A_47 = tpu.transpose %squeeze3A_46, [1, 0] : vector<128x512xf32> -> vector<512x128xf32>
    %bitcast_convert_type3A_48 = tpu.bitcast %transpose3A_47 : vector<512x128xf32> -> vector<512x128xi32>
    %shift_left3A_49 = arith.constant 16 : i32
    %shift_left3A_50 = vector.broadcast %shift_left3A_49 : i32 to vector<512x128xi32>
    %shift_left3A_51 = arith.shli %bitcast_convert_type3A_48, %shift_left3A_50 : vector<512x128xi32>
    %bitcast_convert_type3A_52 = tpu.bitcast %shift_left3A_51 : vector<512x128xi32> -> vector<512x128xf32>
    %and3A_53 = arith.constant -65536 : i32
    %and3A_54 = vector.broadcast %and3A_53 : i32 to vector<512x128xi32>
    %and3A_55 = arith.andi %bitcast_convert_type3A_48, %and3A_54 : vector<512x128xi32>
    %bitcast_convert_type3A_56 = tpu.bitcast %and3A_55 : vector<512x128xi32> -> vector<512x128xf32>
    %swap3A_57 = arith.constant 2 : index
    %swap3A_58 = arith.constant 0 : index
    %swap3A_59 = arith.constant 0 : index
    %swap3A_60 = vector.load %arg3[%swap3A_57, %swap3A_58, %swap3A_59] : memref<20x1001x128xf32, #tpu.memory_space<vmem>>, vector<1x512x128xf32>
    %swap3A_61 = vector.shape_cast %swap3A_60 : vector<1x512x128xf32> to vector<512x128xf32>
    %swap3A_62 = vector.shape_cast %bitcast_convert_type3A_52 : vector<512x128xf32> to vector<1x512x128xf32>
    tpu.vector_store %arg3[%swap3A_57, %swap3A_58, %swap3A_59], %swap3A_62 {strides = array<i32>} : memref<20x1001x128xf32, #tpu.memory_space<vmem>>, vector<1x512x128xf32>,
    %slice3A_63 = vector.extract_strided_slice %bitcast_convert_type3A_56 {offsets = [0, 0], sizes = [489, 128], strides = [1, 1]} : vector<512x128xf32> to vector<489x128xf32>
    %swap3A_64 = arith.constant 2 : index
    %swap3A_65 = arith.constant 512 : index
    %swap3A_66 = arith.constant 0 : index
    %swap3A_67 = vector.load %arg3[%swap3A_64, %swap3A_65, %swap3A_66] : memref<20x1001x128xf32, #tpu.memory_space<vmem>>, vector<1x489x128xf32>
    %swap3A_68 = vector.shape_cast %swap3A_67 : vector<1x489x128xf32> to vector<489x128xf32>
    %swap3A_69 = vector.shape_cast %slice3A_63 : vector<489x128xf32> to vector<1x489x128xf32>
    tpu.vector_store %arg3[%swap3A_64, %swap3A_65, %swap3A_66], %swap3A_69 {strides = array<i32>} : memref<20x1001x128xf32, #tpu.memory_space<vmem>>, vector<1x489x128xf32>,
    %slice3A_70 = vector.extract_strided_slice %reshape3A {offsets = [0, 3, 0], sizes = [128, 1, 512], strides = [1, 1, 1]} : vector<128x20x512xf32> to vector<128x1x512xf32>
    %squeeze3A_71 = vector.shape_cast %slice3A_70 : vector<128x1x512xf32> to vector<128x512xf32>
    %transpose3A_72 = tpu.transpose %squeeze3A_71, [1, 0] : vector<128x512xf32> -> vector<512x128xf32>
    %bitcast_convert_type3A_73 = tpu.bitcast %transpose3A_72 : vector<512x128xf32> -> vector<512x128xi32>
    %shift_left3A_74 = arith.constant 16 : i32
    %shift_left3A_75 = vector.broadcast %shift_left3A_74 : i32 to vector<512x128xi32>
    %shift_left3A_76 = arith.shli %bitcast_convert_type3A_73, %shift_left3A_75 : vector<512x128xi32>
    %bitcast_convert_type3A_77 = tpu.bitcast %shift_left3A_76 : vector<512x128xi32> -> vector<512x128xf32>
    %and3A_78 = arith.constant -65536 : i32
    %and3A_79 = vector.broadcast %and3A_78 : i32 to vector<512x128xi32>
    %and3A_80 = arith.andi %bitcast_convert_type3A_73, %and3A_79 : vector<512x128xi32>
    %bitcast_convert_type3A_81 = tpu.bitcast %and3A_80 : vector<512x128xi32> -> vector<512x128xf32>
    %swap3A_82 = arith.constant 3 : index
    %swap3A_83 = arith.constant 0 : index
    %swap3A_84 = arith.constant 0 : index
    %swap3A_85 = vector.load %arg3[%swap3A_82, %swap3A_83, %swap3A_84] : memref<20x1001x128xf32, #tpu.memory_space<vmem>>, vector<1x512x128xf32>
    %swap3A_86 = vector.shape_cast %swap3A_85 : vector<1x512x128xf32> to vector<512x128xf32>
    %swap3A_87 = vector.shape_cast %bitcast_convert_type3A_77 : vector<512x128xf32> to vector<1x512x128xf32>
    tpu.vector_store %arg3[%swap3A_82, %swap3A_83, %swap3A_84], %swap3A_87 {strides = array<i32>} : memref<20x1001x128xf32, #tpu.memory_space<vmem>>, vector<1x512x128xf32>,
    %slice3A_88 = vector.extract_strided_slice %bitcast_convert_type3A_81 {offsets = [0, 0], sizes = [489, 128], strides = [1, 1]} : vector<512x128xf32> to vector<489x128xf32>
    %swap3A_89 = arith.constant 3 : index
    %swap3A_90 = arith.constant 512 : index
    %swap3A_91 = arith.constant 0 : index
    %swap3A_92 = vector.load %arg3[%swap3A_89, %swap3A_90, %swap3A_91] : memref<20x1001x128xf32, #tpu.memory_space<vmem>>, vector<1x489x128xf32>
    %swap3A_93 = vector.shape_cast %swap3A_92 : vector<1x489x128xf32> to vector<489x128xf32>
    %swap3A_94 = vector.shape_cast %slice3A_88 : vector<489x128xf32> to vector<1x489x128xf32>
    tpu.vector_store %arg3[%swap3A_89, %swap3A_90, %swap3A_91], %swap3A_94 {strides = array<i32>} : memref<20x1001x128xf32, #tpu.memory_space<vmem>>, vector<1x489x128xf32>,
    %slice3A_95 = vector.extract_strided_slice %reshape3A {offsets = [0, 4, 0], sizes = [128, 1, 512], strides = [1, 1, 1]} : vector<128x20x512xf32> to vector<128x1x512xf32>
    %squeeze3A_96 = vector.shape_cast %slice3A_95 : vector<128x1x512xf32> to vector<128x512xf32>
    %transpose3A_97 = tpu.transpose %squeeze3A_96, [1, 0] : vector<128x512xf32> -> vector<512x128xf32>
    %bitcast_convert_type3A_98 = tpu.bitcast %transpose3A_97 : vector<512x128xf32> -> vector<512x128xi32>
    %shift_left3A_99 = arith.constant 16 : i32
    %shift_left3A_100 = vector.broadcast %shift_left3A_99 : i32 to vector<512x128xi32>
    %shift_left3A_101 = arith.shli %bitcast_convert_type3A_98, %shift_left3A_100 : vector<512x128xi32>
    %bitcast_convert_type3A_102 = tpu.bitcast %shift_left3A_101 : vector<512x128xi32> -> vector<512x128xf32>
    %and3A_103 = arith.constant -65536 : i32
    %and3A_104 = vector.broadcast %and3A_103 : i32 to vector<512x128xi32>
    %and3A_105 = arith.andi %bitcast_convert_type3A_98, %and3A_104 : vector<512x128xi32>
    %bitcast_convert_type3A_106 = tpu.bitcast %and3A_105 : vector<512x128xi32> -> vector<512x128xf32>
    %swap3A_107 = arith.constant 4 : index
    %swap3A_108 = arith.constant 0 : index
    %swap3A_109 = arith.constant 0 : index
    %swap3A_110 = vector.load %arg3[%swap3A_107, %swap3A_108, %swap3A_109] : memref<20x1001x128xf32, #tpu.memory_space<vmem>>, vector<1x512x128xf32>
    %swap3A_111 = vector.shape_cast %swap3A_110 : vector<1x512x128xf32> to vector<512x128xf32>
    %swap3A_112 = vector.shape_cast %bitcast_convert_type3A_102 : vector<512x128xf32> to vector<1x512x128xf32>
    tpu.vector_store %arg3[%swap3A_107, %swap3A_108, %swap3A_109], %swap3A_112 {strides = array<i32>} : memref<20x1001x128xf32, #tpu.memory_space<vmem>>, vector<1x512x128xf32>,
    %slice3A_113 = vector.extract_strided_slice %bitcast_convert_type3A_106 {offsets = [0, 0], sizes = [489, 128], strides = [1, 1]} : vector<512x128xf32> to vector<489x128xf32>
    %swap3A_114 = arith.constant 4 : index
    %swap3A_115 = arith.constant 512 : index
    %swap3A_116 = arith.constant 0 : index
    %swap3A_117 = vector.load %arg3[%swap3A_114, %swap3A_115, %swap3A_116] : memref<20x1001x128xf32, #tpu.memory_space<vmem>>, vector<1x489x128xf32>
    %swap3A_118 = vector.shape_cast %swap3A_117 : vector<1x489x128xf32> to vector<489x128xf32>
    %swap3A_119 = vector.shape_cast %slice3A_113 : vector<489x128xf32> to vector<1x489x128xf32>
    tpu.vector_store %arg3[%swap3A_114, %swap3A_115, %swap3A_116], %swap3A_119 {strides = array<i32>} : memref<20x1001x128xf32, #tpu.memory_space<vmem>>, vector<1x489x128xf32>,
    %slice3A_120 = vector.extract_strided_slice %reshape3A {offsets = [0, 5, 0], sizes = [128, 1, 512], strides = [1, 1, 1]} : vector<128x20x512xf32> to vector<128x1x512xf32>
    %squeeze3A_121 = vector.shape_cast %slice3A_120 : vector<128x1x512xf32> to vector<128x512xf32>
    %transpose3A_122 = tpu.transpose %squeeze3A_121, [1, 0] : vector<128x512xf32> -> vector<512x128xf32>
    %bitcast_convert_type3A_123 = tpu.bitcast %transpose3A_122 : vector<512x128xf32> -> vector<512x128xi32>
    %shift_left3A_124 = arith.constant 16 : i32
    %shift_left3A_125 = vector.broadcast %shift_left3A_124 : i32 to vector<512x128xi32>
    %shift_left3A_126 = arith.shli %bitcast_convert_type3A_123, %shift_left3A_125 : vector<512x128xi32>
    %bitcast_convert_type3A_127 = tpu.bitcast %shift_left3A_126 : vector<512x128xi32> -> vector<512x128xf32>
    %and3A_128 = arith.constant -65536 : i32
    %and3A_129 = vector.broadcast %and3A_128 : i32 to vector<512x128xi32>
    %and3A_130 = arith.andi %bitcast_convert_type3A_123, %and3A_129 : vector<512x128xi32>
    %bitcast_convert_type3A_131 = tpu.bitcast %and3A_130 : vector<512x128xi32> -> vector<512x128xf32>
    %swap3A_132 = arith.constant 5 : index
    %swap3A_133 = arith.constant 0 : index
    %swap3A_134 = arith.constant 0 : index
    %swap3A_135 = vector.load %arg3[%swap3A_132, %swap3A_133, %swap3A_134] : memref<20x1001x128xf32, #tpu.memory_space<vmem>>, vector<1x512x128xf32>
    %swap3A_136 = vector.shape_cast %swap3A_135 : vector<1x512x128xf32> to vector<512x128xf32>
    %swap3A_137 = vector.shape_cast %bitcast_convert_type3A_127 : vector<512x128xf32> to vector<1x512x128xf32>
    tpu.vector_store %arg3[%swap3A_132, %swap3A_133, %swap3A_134], %swap3A_137 {strides = array<i32>} : memref<20x1001x128xf32, #tpu.memory_space<vmem>>, vector<1x512x128xf32>,
    %slice3A_138 = vector.extract_strided_slice %bitcast_convert_type3A_131 {offsets = [0, 0], sizes = [489, 128], strides = [1, 1]} : vector<512x128xf32> to vector<489x128xf32>
    %swap3A_139 = arith.constant 5 : index
    %swap3A_140 = arith.constant 512 : index
    %swap3A_141 = arith.constant 0 : index
    %swap3A_142 = vector.load %arg3[%swap3A_139, %swap3A_140, %swap3A_141] : memref<20x1001x128xf32, #tpu.memory_space<vmem>>, vector<1x489x128xf32>
    %swap3A_143 = vector.shape_cast %swap3A_142 : vector<1x489x128xf32> to vector<489x128xf32>
    %swap3A_144 = vector.shape_cast %slice3A_138 : vector<489x128xf32> to vector<1x489x128xf32>
    tpu.vector_store %arg3[%swap3A_139, %swap3A_140, %swap3A_141], %swap3A_144 {strides = array<i32>} : memref<20x1001x128xf32, #tpu.memory_space<vmem>>, vector<1x489x128xf32>,
    %slice3A_145 = vector.extract_strided_slice %reshape3A {offsets = [0, 6, 0], sizes = [128, 1, 512], strides = [1, 1, 1]} : vector<128x20x512xf32> to vector<128x1x512xf32>
    %squeeze3A_146 = vector.shape_cast %slice3A_145 : vector<128x1x512xf32> to vector<128x512xf32>
    %transpose3A_147 = tpu.transpose %squeeze3A_146, [1, 0] : vector<128x512xf32> -> vector<512x128xf32>
    %bitcast_convert_type3A_148 = tpu.bitcast %transpose3A_147 : vector<512x128xf32> -> vector<512x128xi32>
    %shift_left3A_149 = arith.constant 16 : i32
    %shift_left3A_150 = vector.broadcast %shift_left3A_149 : i32 to vector<512x128xi32>
    %shift_left3A_151 = arith.shli %bitcast_convert_type3A_148, %shift_left3A_150 : vector<512x128xi32>
    %bitcast_convert_type3A_152 = tpu.bitcast %shift_left3A_151 : vector<512x128xi32> -> vector<512x128xf32>
    %and3A_153 = arith.constant -65536 : i32
    %and3A_154 = vector.broadcast %and3A_153 : i32 to vector<512x128xi32>
    %and3A_155 = arith.andi %bitcast_convert_type3A_148, %and3A_154 : vector<512x128xi32>
    %bitcast_convert_type3A_156 = tpu.bitcast %and3A_155 : vector<512x128xi32> -> vector<512x128xf32>
    %swap3A_157 = arith.constant 6 : index
    %swap3A_158 = arith.constant 0 : index
    %swap3A_159 = arith.constant 0 : index
    %swap3A_160 = vector.load %arg3[%swap3A_157, %swap3A_158, %swap3A_159] : memref<20x1001x128xf32, #tpu.memory_space<vmem>>, vector<1x512x128xf32>
    %swap3A_161 = vector.shape_cast %swap3A_160 : vector<1x512x128xf32> to vector<512x128xf32>
    %swap3A_162 = vector.shape_cast %bitcast_convert_type3A_152 : vector<512x128xf32> to vector<1x512x128xf32>
    tpu.vector_store %arg3[%swap3A_157, %swap3A_158, %swap3A_159], %swap3A_162 {strides = array<i32>} : memref<20x1001x128xf32, #tpu.memory_space<vmem>>, vector<1x512x128xf32>,
    %slice3A_163 = vector.extract_strided_slice %bitcast_convert_type3A_156 {offsets = [0, 0], sizes = [489, 128], strides = [1, 1]} : vector<512x128xf32> to vector<489x128xf32>
    %swap3A_164 = arith.constant 6 : index
    %swap3A_165 = arith.constant 512 : index
    %swap3A_166 = arith.constant 0 : index
    %swap3A_167 = vector.load %arg3[%swap3A_164, %swap3A_165, %swap3A_166] : memref<20x1001x128xf32, #tpu.memory_space<vmem>>, vector<1x489x128xf32>
    %swap3A_168 = vector.shape_cast %swap3A_167 : vector<1x489x128xf32> to vector<489x128xf32>
    %swap3A_169 = vector.shape_cast %slice3A_163 : vector<489x128xf32> to vector<1x489x128xf32>
    tpu.vector_store %arg3[%swap3A_164, %swap3A_165, %swap3A_166], %swap3A_169 {strides = array<i32>} : memref<20x1001x128xf32, #tpu.memory_space<vmem>>, vector<1x489x128xf32>,
    %slice3A_170 = vector.extract_strided_slice %reshape3A {offsets = [0, 7, 0], sizes = [128, 1, 512], strides = [1, 1, 1]} : vector<128x20x512xf32> to vector<128x1x512xf32>
    %squeeze3A_171 = vector.shape_cast %slice3A_170 : vector<128x1x512xf32> to vector<128x512xf32>
    %transpose3A_172 = tpu.transpose %squeeze3A_171, [1, 0] : vector<128x512xf32> -> vector<512x128xf32>
    %bitcast_convert_type3A_173 = tpu.bitcast %transpose3A_172 : vector<512x128xf32> -> vector<512x128xi32>
    %shift_left3A_174 = arith.constant 16 : i32
    %shift_left3A_175 = vector.broadcast %shift_left3A_174 : i32 to vector<512x128xi32>
    %shift_left3A_176 = arith.shli %bitcast_convert_type3A_173, %shift_left3A_175 : vector<512x128xi32>
    %bitcast_convert_type3A_177 = tpu.bitcast %shift_left3A_176 : vector<512x128xi32> -> vector<512x128xf32>
    %and3A_178 = arith.constant -65536 : i32
    %and3A_179 = vector.broadcast %and3A_178 : i32 to vector<512x128xi32>
    %and3A_180 = arith.andi %bitcast_convert_type3A_173, %and3A_179 : vector<512x128xi32>
    %bitcast_convert_type3A_181 = tpu.bitcast %and3A_180 : vector<512x128xi32> -> vector<512x128xf32>
    %swap3A_182 = arith.constant 7 : index
    %swap3A_183 = arith.constant 0 : index
    %swap3A_184 = arith.constant 0 : index
    %swap3A_185 = vector.load %arg3[%swap3A_182, %swap3A_183, %swap3A_184] : memref<20x1001x128xf32, #tpu.memory_space<vmem>>, vector<1x512x128xf32>
    %swap3A_186 = vector.shape_cast %swap3A_185 : vector<1x512x128xf32> to vector<512x128xf32>
    %swap3A_187 = vector.shape_cast %bitcast_convert_type3A_177 : vector<512x128xf32> to vector<1x512x128xf32>
    tpu.vector_store %arg3[%swap3A_182, %swap3A_183, %swap3A_184], %swap3A_187 {strides = array<i32>} : memref<20x1001x128xf32, #tpu.memory_space<vmem>>, vector<1x512x128xf32>,
    %slice3A_188 = vector.extract_strided_slice %bitcast_convert_type3A_181 {offsets = [0, 0], sizes = [489, 128], strides = [1, 1]} : vector<512x128xf32> to vector<489x128xf32>
    %swap3A_189 = arith.constant 7 : index
    %swap3A_190 = arith.constant 512 : index
    %swap3A_191 = arith.constant 0 : index
    %swap3A_192 = vector.load %arg3[%swap3A_189, %swap3A_190, %swap3A_191] : memref<20x1001x128xf32, #tpu.memory_space<vmem>>, vector<1x489x128xf32>
    %swap3A_193 = vector.shape_cast %swap3A_192 : vector<1x489x128xf32> to vector<489x128xf32>
    %swap3A_194 = vector.shape_cast %slice3A_188 : vector<489x128xf32> to vector<1x489x128xf32>
    tpu.vector_store %arg3[%swap3A_189, %swap3A_190, %swap3A_191], %swap3A_194 {strides = array<i32>} : memref<20x1001x128xf32, #tpu.memory_space<vmem>>, vector<1x489x128xf32>,
    %slice3A_195 = vector.extract_strided_slice %reshape3A {offsets = [0, 8, 0], sizes = [128, 1, 512], strides = [1, 1, 1]} : vector<128x20x512xf32> to vector<128x1x512xf32>
    %squeeze3A_196 = vector.shape_cast %slice3A_195 : vector<128x1x512xf32> to vector<128x512xf32>
    %transpose3A_197 = tpu.transpose %squeeze3A_196, [1, 0] : vector<128x512xf32> -> vector<512x128xf32>
    %bitcast_convert_type3A_198 = tpu.bitcast %transpose3A_197 : vector<512x128xf32> -> vector<512x128xi32>
    %shift_left3A_199 = arith.constant 16 : i32
    %shift_left3A_200 = vector.broadcast %shift_left3A_199 : i32 to vector<512x128xi32>
    %shift_left3A_201 = arith.shli %bitcast_convert_type3A_198, %shift_left3A_200 : vector<512x128xi32>
    %bitcast_convert_type3A_202 = tpu.bitcast %shift_left3A_201 : vector<512x128xi32> -> vector<512x128xf32>
    %and3A_203 = arith.constant -65536 : i32
    %and3A_204 = vector.broadcast %and3A_203 : i32 to vector<512x128xi32>
    %and3A_205 = arith.andi %bitcast_convert_type3A_198, %and3A_204 : vector<512x128xi32>
    %bitcast_convert_type3A_206 = tpu.bitcast %and3A_205 : vector<512x128xi32> -> vector<512x128xf32>
    %swap3A_207 = arith.constant 8 : index
    %swap3A_208 = arith.constant 0 : index
    %swap3A_209 = arith.constant 0 : index
    %swap3A_210 = vector.load %arg3[%swap3A_207, %swap3A_208, %swap3A_209] : memref<20x1001x128xf32, #tpu.memory_space<vmem>>, vector<1x512x128xf32>
    %swap3A_211 = vector.shape_cast %swap3A_210 : vector<1x512x128xf32> to vector<512x128xf32>
    %swap3A_212 = vector.shape_cast %bitcast_convert_type3A_202 : vector<512x128xf32> to vector<1x512x128xf32>
    tpu.vector_store %arg3[%swap3A_207, %swap3A_208, %swap3A_209], %swap3A_212 {strides = array<i32>} : memref<20x1001x128xf32, #tpu.memory_space<vmem>>, vector<1x512x128xf32>,
    %slice3A_213 = vector.extract_strided_slice %bitcast_convert_type3A_206 {offsets = [0, 0], sizes = [489, 128], strides = [1, 1]} : vector<512x128xf32> to vector<489x128xf32>
    %swap3A_214 = arith.constant 8 : index
    %swap3A_215 = arith.constant 512 : index
    %swap3A_216 = arith.constant 0 : index
    %swap3A_217 = vector.load %arg3[%swap3A_214, %swap3A_215, %swap3A_216] : memref<20x1001x128xf32, #tpu.memory_space<vmem>>, vector<1x489x128xf32>
    %swap3A_218 = vector.shape_cast %swap3A_217 : vector<1x489x128xf32> to vector<489x128xf32>
    %swap3A_219 = vector.shape_cast %slice3A_213 : vector<489x128xf32> to vector<1x489x128xf32>
    tpu.vector_store %arg3[%swap3A_214, %swap3A_215, %swap3A_216], %swap3A_219 {strides = array<i32>} : memref<20x1001x128xf32, #tpu.memory_space<vmem>>, vector<1x489x128xf32>,
    %slice3A_220 = vector.extract_strided_slice %reshape3A {offsets = [0, 9, 0], sizes = [128, 1, 512], strides = [1, 1, 1]} : vector<128x20x512xf32> to vector<128x1x512xf32>
    %squeeze3A_221 = vector.shape_cast %slice3A_220 : vector<128x1x512xf32> to vector<128x512xf32>
    %transpose3A_222 = tpu.transpose %squeeze3A_221, [1, 0] : vector<128x512xf32> -> vector<512x128xf32>
    %bitcast_convert_type3A_223 = tpu.bitcast %transpose3A_222 : vector<512x128xf32> -> vector<512x128xi32>
    %shift_left3A_224 = arith.constant 16 : i32
    %shift_left3A_225 = vector.broadcast %shift_left3A_224 : i32 to vector<512x128xi32>
    %shift_left3A_226 = arith.shli %bitcast_convert_type3A_223, %shift_left3A_225 : vector<512x128xi32>
    %bitcast_convert_type3A_227 = tpu.bitcast %shift_left3A_226 : vector<512x128xi32> -> vector<512x128xf32>
    %and3A_228 = arith.constant -65536 : i32
    %and3A_229 = vector.broadcast %and3A_228 : i32 to vector<512x128xi32>
    %and3A_230 = arith.andi %bitcast_convert_type3A_223, %and3A_229 : vector<512x128xi32>
    %bitcast_convert_type3A_231 = tpu.bitcast %and3A_230 : vector<512x128xi32> -> vector<512x128xf32>
    %swap3A_232 = arith.constant 9 : index
    %swap3A_233 = arith.constant 0 : index
    %swap3A_234 = arith.constant 0 : index
    %swap3A_235 = vector.load %arg3[%swap3A_232, %swap3A_233, %swap3A_234] : memref<20x1001x128xf32, #tpu.memory_space<vmem>>, vector<1x512x128xf32>
    %swap3A_236 = vector.shape_cast %swap3A_235 : vector<1x512x128xf32> to vector<512x128xf32>
    %swap3A_237 = vector.shape_cast %bitcast_convert_type3A_227 : vector<512x128xf32> to vector<1x512x128xf32>
    tpu.vector_store %arg3[%swap3A_232, %swap3A_233, %swap3A_234], %swap3A_237 {strides = array<i32>} : memref<20x1001x128xf32, #tpu.memory_space<vmem>>, vector<1x512x128xf32>,
    %slice3A_238 = vector.extract_strided_slice %bitcast_convert_type3A_231 {offsets = [0, 0], sizes = [489, 128], strides = [1, 1]} : vector<512x128xf32> to vector<489x128xf32>
    %swap3A_239 = arith.constant 9 : index
    %swap3A_240 = arith.constant 512 : index
    %swap3A_241 = arith.constant 0 : index
    %swap3A_242 = vector.load %arg3[%swap3A_239, %swap3A_240, %swap3A_241] : memref<20x1001x128xf32, #tpu.memory_space<vmem>>, vector<1x489x128xf32>
    %swap3A_243 = vector.shape_cast %swap3A_242 : vector<1x489x128xf32> to vector<489x128xf32>
    %swap3A_244 = vector.shape_cast %slice3A_238 : vector<489x128xf32> to vector<1x489x128xf32>
    tpu.vector_store %arg3[%swap3A_239, %swap3A_240, %swap3A_241], %swap3A_244 {strides = array<i32>} : memref<20x1001x128xf32, #tpu.memory_space<vmem>>, vector<1x489x128xf32>,
    %slice3A_245 = vector.extract_strided_slice %reshape3A {offsets = [0, 10, 0], sizes = [128, 1, 512], strides = [1, 1, 1]} : vector<128x20x512xf32> to vector<128x1x512xf32>
    %squeeze3A_246 = vector.shape_cast %slice3A_245 : vector<128x1x512xf32> to vector<128x512xf32>
    %transpose3A_247 = tpu.transpose %squeeze3A_246, [1, 0] : vector<128x512xf32> -> vector<512x128xf32>
    %bitcast_convert_type3A_248 = tpu.bitcast %transpose3A_247 : vector<512x128xf32> -> vector<512x128xi32>
    %shift_left3A_249 = arith.constant 16 : i32
    %shift_left3A_250 = vector.broadcast %shift_left3A_249 : i32 to vector<512x128xi32>
    %shift_left3A_251 = arith.shli %bitcast_convert_type3A_248, %shift_left3A_250 : vector<512x128xi32>
    %bitcast_convert_type3A_252 = tpu.bitcast %shift_left3A_251 : vector<512x128xi32> -> vector<512x128xf32>
    %and3A_253 = arith.constant -65536 : i32
    %and3A_254 = vector.broadcast %and3A_253 : i32 to vector<512x128xi32>
    %and3A_255 = arith.andi %bitcast_convert_type3A_248, %and3A_254 : vector<512x128xi32>
    %bitcast_convert_type3A_256 = tpu.bitcast %and3A_255 : vector<512x128xi32> -> vector<512x128xf32>
    %swap3A_257 = arith.constant 10 : index
    %swap3A_258 = arith.constant 0 : index
    %swap3A_259 = arith.constant 0 : index
    %swap3A_260 = vector.load %arg3[%swap3A_257, %swap3A_258, %swap3A_259] : memref<20x1001x128xf32, #tpu.memory_space<vmem>>, vector<1x512x128xf32>
    %swap3A_261 = vector.shape_cast %swap3A_260 : vector<1x512x128xf32> to vector<512x128xf32>
    %swap3A_262 = vector.shape_cast %bitcast_convert_type3A_252 : vector<512x128xf32> to vector<1x512x128xf32>
    tpu.vector_store %arg3[%swap3A_257, %swap3A_258, %swap3A_259], %swap3A_262 {strides = array<i32>} : memref<20x1001x128xf32, #tpu.memory_space<vmem>>, vector<1x512x128xf32>,
    %slice3A_263 = vector.extract_strided_slice %bitcast_convert_type3A_256 {offsets = [0, 0], sizes = [489, 128], strides = [1, 1]} : vector<512x128xf32> to vector<489x128xf32>
    %swap3A_264 = arith.constant 10 : index
    %swap3A_265 = arith.constant 512 : index
    %swap3A_266 = arith.constant 0 : index
    %swap3A_267 = vector.load %arg3[%swap3A_264, %swap3A_265, %swap3A_266] : memref<20x1001x128xf32, #tpu.memory_space<vmem>>, vector<1x489x128xf32>
    %swap3A_268 = vector.shape_cast %swap3A_267 : vector<1x489x128xf32> to vector<489x128xf32>
    %swap3A_269 = vector.shape_cast %slice3A_263 : vector<489x128xf32> to vector<1x489x128xf32>
    tpu.vector_store %arg3[%swap3A_264, %swap3A_265, %swap3A_266], %swap3A_269 {strides = array<i32>} : memref<20x1001x128xf32, #tpu.memory_space<vmem>>, vector<1x489x128xf32>,
    %slice3A_270 = vector.extract_strided_slice %reshape3A {offsets = [0, 11, 0], sizes = [128, 1, 512], strides = [1, 1, 1]} : vector<128x20x512xf32> to vector<128x1x512xf32>
    %squeeze3A_271 = vector.shape_cast %slice3A_270 : vector<128x1x512xf32> to vector<128x512xf32>
    %transpose3A_272 = tpu.transpose %squeeze3A_271, [1, 0] : vector<128x512xf32> -> vector<512x128xf32>
    %bitcast_convert_type3A_273 = tpu.bitcast %transpose3A_272 : vector<512x128xf32> -> vector<512x128xi32>
    %shift_left3A_274 = arith.constant 16 : i32
    %shift_left3A_275 = vector.broadcast %shift_left3A_274 : i32 to vector<512x128xi32>
    %shift_left3A_276 = arith.shli %bitcast_convert_type3A_273, %shift_left3A_275 : vector<512x128xi32>
    %bitcast_convert_type3A_277 = tpu.bitcast %shift_left3A_276 : vector<512x128xi32> -> vector<512x128xf32>
    %and3A_278 = arith.constant -65536 : i32
    %and3A_279 = vector.broadcast %and3A_278 : i32 to vector<512x128xi32>
    %and3A_280 = arith.andi %bitcast_convert_type3A_273, %and3A_279 : vector<512x128xi32>
    %bitcast_convert_type3A_281 = tpu.bitcast %and3A_280 : vector<512x128xi32> -> vector<512x128xf32>
    %swap3A_282 = arith.constant 11 : index
    %swap3A_283 = arith.constant 0 : index
    %swap3A_284 = arith.constant 0 : index
    %swap3A_285 = vector.load %arg3[%swap3A_282, %swap3A_283, %swap3A_284] : memref<20x1001x128xf32, #tpu.memory_space<vmem>>, vector<1x512x128xf32>
    %swap3A_286 = vector.shape_cast %swap3A_285 : vector<1x512x128xf32> to vector<512x128xf32>
    %swap3A_287 = vector.shape_cast %bitcast_convert_type3A_277 : vector<512x128xf32> to vector<1x512x128xf32>
    tpu.vector_store %arg3[%swap3A_282, %swap3A_283, %swap3A_284], %swap3A_287 {strides = array<i32>} : memref<20x1001x128xf32, #tpu.memory_space<vmem>>, vector<1x512x128xf32>,
    %slice3A_288 = vector.extract_strided_slice %bitcast_convert_type3A_281 {offsets = [0, 0], sizes = [489, 128], strides = [1, 1]} : vector<512x128xf32> to vector<489x128xf32>
    %swap3A_289 = arith.constant 11 : index
    %swap3A_290 = arith.constant 512 : index
    %swap3A_291 = arith.constant 0 : index
    %swap3A_292 = vector.load %arg3[%swap3A_289, %swap3A_290, %swap3A_291] : memref<20x1001x128xf32, #tpu.memory_space<vmem>>, vector<1x489x128xf32>
    %swap3A_293 = vector.shape_cast %swap3A_292 : vector<1x489x128xf32> to vector<489x128xf32>
    %swap3A_294 = vector.shape_cast %slice3A_288 : vector<489x128xf32> to vector<1x489x128xf32>
    tpu.vector_store %arg3[%swap3A_289, %swap3A_290, %swap3A_291], %swap3A_294 {strides = array<i32>} : memref<20x1001x128xf32, #tpu.memory_space<vmem>>, vector<1x489x128xf32>,
    %slice3A_295 = vector.extract_strided_slice %reshape3A {offsets = [0, 12, 0], sizes = [128, 1, 512], strides = [1, 1, 1]} : vector<128x20x512xf32> to vector<128x1x512xf32>
    %squeeze3A_296 = vector.shape_cast %slice3A_295 : vector<128x1x512xf32> to vector<128x512xf32>
    %transpose3A_297 = tpu.transpose %squeeze3A_296, [1, 0] : vector<128x512xf32> -> vector<512x128xf32>
    %bitcast_convert_type3A_298 = tpu.bitcast %transpose3A_297 : vector<512x128xf32> -> vector<512x128xi32>
    %shift_left3A_299 = arith.constant 16 : i32
    %shift_left3A_300 = vector.broadcast %shift_left3A_299 : i32 to vector<512x128xi32>
    %shift_left3A_301 = arith.shli %bitcast_convert_type3A_298, %shift_left3A_300 : vector<512x128xi32>
    %bitcast_convert_type3A_302 = tpu.bitcast %shift_left3A_301 : vector<512x128xi32> -> vector<512x128xf32>
    %and3A_303 = arith.constant -65536 : i32
    %and3A_304 = vector.broadcast %and3A_303 : i32 to vector<512x128xi32>
    %and3A_305 = arith.andi %bitcast_convert_type3A_298, %and3A_304 : vector<512x128xi32>
    %bitcast_convert_type3A_306 = tpu.bitcast %and3A_305 : vector<512x128xi32> -> vector<512x128xf32>
    %swap3A_307 = arith.constant 12 : index
    %swap3A_308 = arith.constant 0 : index
    %swap3A_309 = arith.constant 0 : index
    %swap3A_310 = vector.load %arg3[%swap3A_307, %swap3A_308, %swap3A_309] : memref<20x1001x128xf32, #tpu.memory_space<vmem>>, vector<1x512x128xf32>
    %swap3A_311 = vector.shape_cast %swap3A_310 : vector<1x512x128xf32> to vector<512x128xf32>
    %swap3A_312 = vector.shape_cast %bitcast_convert_type3A_302 : vector<512x128xf32> to vector<1x512x128xf32>
    tpu.vector_store %arg3[%swap3A_307, %swap3A_308, %swap3A_309], %swap3A_312 {strides = array<i32>} : memref<20x1001x128xf32, #tpu.memory_space<vmem>>, vector<1x512x128xf32>,
    %slice3A_313 = vector.extract_strided_slice %bitcast_convert_type3A_306 {offsets = [0, 0], sizes = [489, 128], strides = [1, 1]} : vector<512x128xf32> to vector<489x128xf32>
    %swap3A_314 = arith.constant 12 : index
    %swap3A_315 = arith.constant 512 : index
    %swap3A_316 = arith.constant 0 : index
    %swap3A_317 = vector.load %arg3[%swap3A_314, %swap3A_315, %swap3A_316] : memref<20x1001x128xf32, #tpu.memory_space<vmem>>, vector<1x489x128xf32>
    %swap3A_318 = vector.shape_cast %swap3A_317 : vector<1x489x128xf32> to vector<489x128xf32>
    %swap3A_319 = vector.shape_cast %slice3A_313 : vector<489x128xf32> to vector<1x489x128xf32>
    tpu.vector_store %arg3[%swap3A_314, %swap3A_315, %swap3A_316], %swap3A_319 {strides = array<i32>} : memref<20x1001x128xf32, #tpu.memory_space<vmem>>, vector<1x489x128xf32>,
    %slice3A_320 = vector.extract_strided_slice %reshape3A {offsets = [0, 13, 0], sizes = [128, 1, 512], strides = [1, 1, 1]} : vector<128x20x512xf32> to vector<128x1x512xf32>
    %squeeze3A_321 = vector.shape_cast %slice3A_320 : vector<128x1x512xf32> to vector<128x512xf32>
    %transpose3A_322 = tpu.transpose %squeeze3A_321, [1, 0] : vector<128x512xf32> -> vector<512x128xf32>
    %bitcast_convert_type3A_323 = tpu.bitcast %transpose3A_322 : vector<512x128xf32> -> vector<512x128xi32>
    %shift_left3A_324 = arith.constant 16 : i32
    %shift_left3A_325 = vector.broadcast %shift_left3A_324 : i32 to vector<512x128xi32>
    %shift_left3A_326 = arith.shli %bitcast_convert_type3A_323, %shift_left3A_325 : vector<512x128xi32>
    %bitcast_convert_type3A_327 = tpu.bitcast %shift_left3A_326 : vector<512x128xi32> -> vector<512x128xf32>
    %and3A_328 = arith.constant -65536 : i32
    %and3A_329 = vector.broadcast %and3A_328 : i32 to vector<512x128xi32>
    %and3A_330 = arith.andi %bitcast_convert_type3A_323, %and3A_329 : vector<512x128xi32>
    %bitcast_convert_type3A_331 = tpu.bitcast %and3A_330 : vector<512x128xi32> -> vector<512x128xf32>
    %swap3A_332 = arith.constant 13 : index
    %swap3A_333 = arith.constant 0 : index
    %swap3A_334 = arith.constant 0 : index
    %swap3A_335 = vector.load %arg3[%swap3A_332, %swap3A_333, %swap3A_334] : memref<20x1001x128xf32, #tpu.memory_space<vmem>>, vector<1x512x128xf32>
    %swap3A_336 = vector.shape_cast %swap3A_335 : vector<1x512x128xf32> to vector<512x128xf32>
    %swap3A_337 = vector.shape_cast %bitcast_convert_type3A_327 : vector<512x128xf32> to vector<1x512x128xf32>
    tpu.vector_store %arg3[%swap3A_332, %swap3A_333, %swap3A_334], %swap3A_337 {strides = array<i32>} : memref<20x1001x128xf32, #tpu.memory_space<vmem>>, vector<1x512x128xf32>,
    %slice3A_338 = vector.extract_strided_slice %bitcast_convert_type3A_331 {offsets = [0, 0], sizes = [489, 128], strides = [1, 1]} : vector<512x128xf32> to vector<489x128xf32>
    %swap3A_339 = arith.constant 13 : index
    %swap3A_340 = arith.constant 512 : index
    %swap3A_341 = arith.constant 0 : index
    %swap3A_342 = vector.load %arg3[%swap3A_339, %swap3A_340, %swap3A_341] : memref<20x1001x128xf32, #tpu.memory_space<vmem>>, vector<1x489x128xf32>
    %swap3A_343 = vector.shape_cast %swap3A_342 : vector<1x489x128xf32> to vector<489x128xf32>
    %swap3A_344 = vector.shape_cast %slice3A_338 : vector<489x128xf32> to vector<1x489x128xf32>
    tpu.vector_store %arg3[%swap3A_339, %swap3A_340, %swap3A_341], %swap3A_344 {strides = array<i32>} : memref<20x1001x128xf32, #tpu.memory_space<vmem>>, vector<1x489x128xf32>,
    %slice3A_345 = vector.extract_strided_slice %reshape3A {offsets = [0, 14, 0], sizes = [128, 1, 512], strides = [1, 1, 1]} : vector<128x20x512xf32> to vector<128x1x512xf32>
    %squeeze3A_346 = vector.shape_cast %slice3A_345 : vector<128x1x512xf32> to vector<128x512xf32>
    %transpose3A_347 = tpu.transpose %squeeze3A_346, [1, 0] : vector<128x512xf32> -> vector<512x128xf32>
    %bitcast_convert_type3A_348 = tpu.bitcast %transpose3A_347 : vector<512x128xf32> -> vector<512x128xi32>
    %shift_left3A_349 = arith.constant 16 : i32
    %shift_left3A_350 = vector.broadcast %shift_left3A_349 : i32 to vector<512x128xi32>
    %shift_left3A_351 = arith.shli %bitcast_convert_type3A_348, %shift_left3A_350 : vector<512x128xi32>
    %bitcast_convert_type3A_352 = tpu.bitcast %shift_left3A_351 : vector<512x128xi32> -> vector<512x128xf32>
    %and3A_353 = arith.constant -65536 : i32
    %and3A_354 = vector.broadcast %and3A_353 : i32 to vector<512x128xi32>
    %and3A_355 = arith.andi %bitcast_convert_type3A_348, %and3A_354 : vector<512x128xi32>
    %bitcast_convert_type3A_356 = tpu.bitcast %and3A_355 : vector<512x128xi32> -> vector<512x128xf32>
    %swap3A_357 = arith.constant 14 : index
    %swap3A_358 = arith.constant 0 : index
    %swap3A_359 = arith.constant 0 : index
    %swap3A_360 = vector.load %arg3[%swap3A_357, %swap3A_358, %swap3A_359] : memref<20x1001x128xf32, #tpu.memory_space<vmem>>, vector<1x512x128xf32>
    %swap3A_361 = vector.shape_cast %swap3A_360 : vector<1x512x128xf32> to vector<512x128xf32>
    %swap3A_362 = vector.shape_cast %bitcast_convert_type3A_352 : vector<512x128xf32> to vector<1x512x128xf32>
    tpu.vector_store %arg3[%swap3A_357, %swap3A_358, %swap3A_359], %swap3A_362 {strides = array<i32>} : memref<20x1001x128xf32, #tpu.memory_space<vmem>>, vector<1x512x128xf32>,
    %slice3A_363 = vector.extract_strided_slice %bitcast_convert_type3A_356 {offsets = [0, 0], sizes = [489, 128], strides = [1, 1]} : vector<512x128xf32> to vector<489x128xf32>
    %swap3A_364 = arith.constant 14 : index
    %swap3A_365 = arith.constant 512 : index
    %swap3A_366 = arith.constant 0 : index
    %swap3A_367 = vector.load %arg3[%swap3A_364, %swap3A_365, %swap3A_366] : memref<20x1001x128xf32, #tpu.memory_space<vmem>>, vector<1x489x128xf32>
    %swap3A_368 = vector.shape_cast %swap3A_367 : vector<1x489x128xf32> to vector<489x128xf32>
    %swap3A_369 = vector.shape_cast %slice3A_363 : vector<489x128xf32> to vector<1x489x128xf32>
    tpu.vector_store %arg3[%swap3A_364, %swap3A_365, %swap3A_366], %swap3A_369 {strides = array<i32>} : memref<20x1001x128xf32, #tpu.memory_space<vmem>>, vector<1x489x128xf32>,
    %slice3A_370 = vector.extract_strided_slice %reshape3A {offsets = [0, 15, 0], sizes = [128, 1, 512], strides = [1, 1, 1]} : vector<128x20x512xf32> to vector<128x1x512xf32>
    %squeeze3A_371 = vector.shape_cast %slice3A_370 : vector<128x1x512xf32> to vector<128x512xf32>
    %transpose3A_372 = tpu.transpose %squeeze3A_371, [1, 0] : vector<128x512xf32> -> vector<512x128xf32>
    %bitcast_convert_type3A_373 = tpu.bitcast %transpose3A_372 : vector<512x128xf32> -> vector<512x128xi32>
    %shift_left3A_374 = arith.constant 16 : i32
    %shift_left3A_375 = vector.broadcast %shift_left3A_374 : i32 to vector<512x128xi32>
    %shift_left3A_376 = arith.shli %bitcast_convert_type3A_373, %shift_left3A_375 : vector<512x128xi32>
    %bitcast_convert_type3A_377 = tpu.bitcast %shift_left3A_376 : vector<512x128xi32> -> vector<512x128xf32>
    %and3A_378 = arith.constant -65536 : i32
    %and3A_379 = vector.broadcast %and3A_378 : i32 to vector<512x128xi32>
    %and3A_380 = arith.andi %bitcast_convert_type3A_373, %and3A_379 : vector<512x128xi32>
    %bitcast_convert_type3A_381 = tpu.bitcast %and3A_380 : vector<512x128xi32> -> vector<512x128xf32>
    %swap3A_382 = arith.constant 15 : index
    %swap3A_383 = arith.constant 0 : index
    %swap3A_384 = arith.constant 0 : index
    %swap3A_385 = vector.load %arg3[%swap3A_382, %swap3A_383, %swap3A_384] : memref<20x1001x128xf32, #tpu.memory_space<vmem>>, vector<1x512x128xf32>
    %swap3A_386 = vector.shape_cast %swap3A_385 : vector<1x512x128xf32> to vector<512x128xf32>
    %swap3A_387 = vector.shape_cast %bitcast_convert_type3A_377 : vector<512x128xf32> to vector<1x512x128xf32>
    tpu.vector_store %arg3[%swap3A_382, %swap3A_383, %swap3A_384], %swap3A_387 {strides = array<i32>} : memref<20x1001x128xf32, #tpu.memory_space<vmem>>, vector<1x512x128xf32>,
    %slice3A_388 = vector.extract_strided_slice %bitcast_convert_type3A_381 {offsets = [0, 0], sizes = [489, 128], strides = [1, 1]} : vector<512x128xf32> to vector<489x128xf32>
    %swap3A_389 = arith.constant 15 : index
    %swap3A_390 = arith.constant 512 : index
    %swap3A_391 = arith.constant 0 : index
    %swap3A_392 = vector.load %arg3[%swap3A_389, %swap3A_390, %swap3A_391] : memref<20x1001x128xf32, #tpu.memory_space<vmem>>, vector<1x489x128xf32>
    %swap3A_393 = vector.shape_cast %swap3A_392 : vector<1x489x128xf32> to vector<489x128xf32>
    %swap3A_394 = vector.shape_cast %slice3A_388 : vector<489x128xf32> to vector<1x489x128xf32>
    tpu.vector_store %arg3[%swap3A_389, %swap3A_390, %swap3A_391], %swap3A_394 {strides = array<i32>} : memref<20x1001x128xf32, #tpu.memory_space<vmem>>, vector<1x489x128xf32>,
    %slice3A_395 = vector.extract_strided_slice %reshape3A {offsets = [0, 16, 0], sizes = [128, 1, 512], strides = [1, 1, 1]} : vector<128x20x512xf32> to vector<128x1x512xf32>
    %squeeze3A_396 = vector.shape_cast %slice3A_395 : vector<128x1x512xf32> to vector<128x512xf32>
    %transpose3A_397 = tpu.transpose %squeeze3A_396, [1, 0] : vector<128x512xf32> -> vector<512x128xf32>
    %bitcast_convert_type3A_398 = tpu.bitcast %transpose3A_397 : vector<512x128xf32> -> vector<512x128xi32>
    %shift_left3A_399 = arith.constant 16 : i32
    %shift_left3A_400 = vector.broadcast %shift_left3A_399 : i32 to vector<512x128xi32>
    %shift_left3A_401 = arith.shli %bitcast_convert_type3A_398, %shift_left3A_400 : vector<512x128xi32>
    %bitcast_convert_type3A_402 = tpu.bitcast %shift_left3A_401 : vector<512x128xi32> -> vector<512x128xf32>
    %and3A_403 = arith.constant -65536 : i32
    %and3A_404 = vector.broadcast %and3A_403 : i32 to vector<512x128xi32>
    %and3A_405 = arith.andi %bitcast_convert_type3A_398, %and3A_404 : vector<512x128xi32>
    %bitcast_convert_type3A_406 = tpu.bitcast %and3A_405 : vector<512x128xi32> -> vector<512x128xf32>
    %swap3A_407 = arith.constant 16 : index
    %swap3A_408 = arith.constant 0 : index
    %swap3A_409 = arith.constant 0 : index
    %swap3A_410 = vector.load %arg3[%swap3A_407, %swap3A_408, %swap3A_409] : memref<20x1001x128xf32, #tpu.memory_space<vmem>>, vector<1x512x128xf32>
    %swap3A_411 = vector.shape_cast %swap3A_410 : vector<1x512x128xf32> to vector<512x128xf32>
    %swap3A_412 = vector.shape_cast %bitcast_convert_type3A_402 : vector<512x128xf32> to vector<1x512x128xf32>
    tpu.vector_store %arg3[%swap3A_407, %swap3A_408, %swap3A_409], %swap3A_412 {strides = array<i32>} : memref<20x1001x128xf32, #tpu.memory_space<vmem>>, vector<1x512x128xf32>,
    %slice3A_413 = vector.extract_strided_slice %bitcast_convert_type3A_406 {offsets = [0, 0], sizes = [489, 128], strides = [1, 1]} : vector<512x128xf32> to vector<489x128xf32>
    %swap3A_414 = arith.constant 16 : index
    %swap3A_415 = arith.constant 512 : index
    %swap3A_416 = arith.constant 0 : index
    %swap3A_417 = vector.load %arg3[%swap3A_414, %swap3A_415, %swap3A_416] : memref<20x1001x128xf32, #tpu.memory_space<vmem>>, vector<1x489x128xf32>
    %swap3A_418 = vector.shape_cast %swap3A_417 : vector<1x489x128xf32> to vector<489x128xf32>
    %swap3A_419 = vector.shape_cast %slice3A_413 : vector<489x128xf32> to vector<1x489x128xf32>
    tpu.vector_store %arg3[%swap3A_414, %swap3A_415, %swap3A_416], %swap3A_419 {strides = array<i32>} : memref<20x1001x128xf32, #tpu.memory_space<vmem>>, vector<1x489x128xf32>,
    %slice3A_420 = vector.extract_strided_slice %reshape3A {offsets = [0, 17, 0], sizes = [128, 1, 512], strides = [1, 1, 1]} : vector<128x20x512xf32> to vector<128x1x512xf32>
    %squeeze3A_421 = vector.shape_cast %slice3A_420 : vector<128x1x512xf32> to vector<128x512xf32>
    %transpose3A_422 = tpu.transpose %squeeze3A_421, [1, 0] : vector<128x512xf32> -> vector<512x128xf32>
    %bitcast_convert_type3A_423 = tpu.bitcast %transpose3A_422 : vector<512x128xf32> -> vector<512x128xi32>
    %shift_left3A_424 = arith.constant 16 : i32
    %shift_left3A_425 = vector.broadcast %shift_left3A_424 : i32 to vector<512x128xi32>
    %shift_left3A_426 = arith.shli %bitcast_convert_type3A_423, %shift_left3A_425 : vector<512x128xi32>
    %bitcast_convert_type3A_427 = tpu.bitcast %shift_left3A_426 : vector<512x128xi32> -> vector<512x128xf32>
    %and3A_428 = arith.constant -65536 : i32
    %and3A_429 = vector.broadcast %and3A_428 : i32 to vector<512x128xi32>
    %and3A_430 = arith.andi %bitcast_convert_type3A_423, %and3A_429 : vector<512x128xi32>
    %bitcast_convert_type3A_431 = tpu.bitcast %and3A_430 : vector<512x128xi32> -> vector<512x128xf32>
    %swap3A_432 = arith.constant 17 : index
    %swap3A_433 = arith.constant 0 : index
    %swap3A_434 = arith.constant 0 : index
    %swap3A_435 = vector.load %arg3[%swap3A_432, %swap3A_433, %swap3A_434] : memref<20x1001x128xf32, #tpu.memory_space<vmem>>, vector<1x512x128xf32>
    %swap3A_436 = vector.shape_cast %swap3A_435 : vector<1x512x128xf32> to vector<512x128xf32>
    %swap3A_437 = vector.shape_cast %bitcast_convert_type3A_427 : vector<512x128xf32> to vector<1x512x128xf32>
    tpu.vector_store %arg3[%swap3A_432, %swap3A_433, %swap3A_434], %swap3A_437 {strides = array<i32>} : memref<20x1001x128xf32, #tpu.memory_space<vmem>>, vector<1x512x128xf32>,
    %slice3A_438 = vector.extract_strided_slice %bitcast_convert_type3A_431 {offsets = [0, 0], sizes = [489, 128], strides = [1, 1]} : vector<512x128xf32> to vector<489x128xf32>
    %swap3A_439 = arith.constant 17 : index
    %swap3A_440 = arith.constant 512 : index
    %swap3A_441 = arith.constant 0 : index
    %swap3A_442 = vector.load %arg3[%swap3A_439, %swap3A_440, %swap3A_441] : memref<20x1001x128xf32, #tpu.memory_space<vmem>>, vector<1x489x128xf32>
    %swap3A_443 = vector.shape_cast %swap3A_442 : vector<1x489x128xf32> to vector<489x128xf32>
    %swap3A_444 = vector.shape_cast %slice3A_438 : vector<489x128xf32> to vector<1x489x128xf32>
    tpu.vector_store %arg3[%swap3A_439, %swap3A_440, %swap3A_441], %swap3A_444 {strides = array<i32>} : memref<20x1001x128xf32, #tpu.memory_space<vmem>>, vector<1x489x128xf32>,
    %slice3A_445 = vector.extract_strided_slice %reshape3A {offsets = [0, 18, 0], sizes = [128, 1, 512], strides = [1, 1, 1]} : vector<128x20x512xf32> to vector<128x1x512xf32>
    %squeeze3A_446 = vector.shape_cast %slice3A_445 : vector<128x1x512xf32> to vector<128x512xf32>
    %transpose3A_447 = tpu.transpose %squeeze3A_446, [1, 0] : vector<128x512xf32> -> vector<512x128xf32>
    %bitcast_convert_type3A_448 = tpu.bitcast %transpose3A_447 : vector<512x128xf32> -> vector<512x128xi32>
    %shift_left3A_449 = arith.constant 16 : i32
    %shift_left3A_450 = vector.broadcast %shift_left3A_449 : i32 to vector<512x128xi32>
    %shift_left3A_451 = arith.shli %bitcast_convert_type3A_448, %shift_left3A_450 : vector<512x128xi32>
    %bitcast_convert_type3A_452 = tpu.bitcast %shift_left3A_451 : vector<512x128xi32> -> vector<512x128xf32>
    %and3A_453 = arith.constant -65536 : i32
    %and3A_454 = vector.broadcast %and3A_453 : i32 to vector<512x128xi32>
    %and3A_455 = arith.andi %bitcast_convert_type3A_448, %and3A_454 : vector<512x128xi32>
    %bitcast_convert_type3A_456 = tpu.bitcast %and3A_455 : vector<512x128xi32> -> vector<512x128xf32>
    %swap3A_457 = arith.constant 18 : index
    %swap3A_458 = arith.constant 0 : index
    %swap3A_459 = arith.constant 0 : index
    %swap3A_460 = vector.load %arg3[%swap3A_457, %swap3A_458, %swap3A_459] : memref<20x1001x128xf32, #tpu.memory_space<vmem>>, vector<1x512x128xf32>
    %swap3A_461 = vector.shape_cast %swap3A_460 : vector<1x512x128xf32> to vector<512x128xf32>
    %swap3A_462 = vector.shape_cast %bitcast_convert_type3A_452 : vector<512x128xf32> to vector<1x512x128xf32>
    tpu.vector_store %arg3[%swap3A_457, %swap3A_458, %swap3A_459], %swap3A_462 {strides = array<i32>} : memref<20x1001x128xf32, #tpu.memory_space<vmem>>, vector<1x512x128xf32>,
    %slice3A_463 = vector.extract_strided_slice %bitcast_convert_type3A_456 {offsets = [0, 0], sizes = [489, 128], strides = [1, 1]} : vector<512x128xf32> to vector<489x128xf32>
    %swap3A_464 = arith.constant 18 : index
    %swap3A_465 = arith.constant 512 : index
    %swap3A_466 = arith.constant 0 : index
    %swap3A_467 = vector.load %arg3[%swap3A_464, %swap3A_465, %swap3A_466] : memref<20x1001x128xf32, #tpu.memory_space<vmem>>, vector<1x489x128xf32>
    %swap3A_468 = vector.shape_cast %swap3A_467 : vector<1x489x128xf32> to vector<489x128xf32>
    %swap3A_469 = vector.shape_cast %slice3A_463 : vector<489x128xf32> to vector<1x489x128xf32>
    tpu.vector_store %arg3[%swap3A_464, %swap3A_465, %swap3A_466], %swap3A_469 {strides = array<i32>} : memref<20x1001x128xf32, #tpu.memory_space<vmem>>, vector<1x489x128xf32>,
    %slice3A_470 = vector.extract_strided_slice %reshape3A {offsets = [0, 19, 0], sizes = [128, 1, 512], strides = [1, 1, 1]} : vector<128x20x512xf32> to vector<128x1x512xf32>
    %squeeze3A_471 = vector.shape_cast %slice3A_470 : vector<128x1x512xf32> to vector<128x512xf32>
    %transpose3A_472 = tpu.transpose %squeeze3A_471, [1, 0] : vector<128x512xf32> -> vector<512x128xf32>
    %bitcast_convert_type3A_473 = tpu.bitcast %transpose3A_472 : vector<512x128xf32> -> vector<512x128xi32>
    %shift_left3A_474 = arith.constant 16 : i32
    %shift_left3A_475 = vector.broadcast %shift_left3A_474 : i32 to vector<512x128xi32>
    %shift_left3A_476 = arith.shli %bitcast_convert_type3A_473, %shift_left3A_475 : vector<512x128xi32>
    %bitcast_convert_type3A_477 = tpu.bitcast %shift_left3A_476 : vector<512x128xi32> -> vector<512x128xf32>
    %and3A_478 = arith.constant -65536 : i32
    %and3A_479 = vector.broadcast %and3A_478 : i32 to vector<512x128xi32>
    %and3A_480 = arith.andi %bitcast_convert_type3A_473, %and3A_479 : vector<512x128xi32>
    %bitcast_convert_type3A_481 = tpu.bitcast %and3A_480 : vector<512x128xi32> -> vector<512x128xf32>
    %swap3A_482 = arith.constant 19 : index
    %swap3A_483 = arith.constant 0 : index
    %swap3A_484 = arith.constant 0 : index
    %swap3A_485 = vector.load %arg3[%swap3A_482, %swap3A_483, %swap3A_484] : memref<20x1001x128xf32, #tpu.memory_space<vmem>>, vector<1x512x128xf32>
    %swap3A_486 = vector.shape_cast %swap3A_485 : vector<1x512x128xf32> to vector<512x128xf32>
    %swap3A_487 = vector.shape_cast %bitcast_convert_type3A_477 : vector<512x128xf32> to vector<1x512x128xf32>
    tpu.vector_store %arg3[%swap3A_482, %swap3A_483, %swap3A_484], %swap3A_487 {strides = array<i32>} : memref<20x1001x128xf32, #tpu.memory_space<vmem>>, vector<1x512x128xf32>,
    %slice3A_488 = vector.extract_strided_slice %bitcast_convert_type3A_481 {offsets = [0, 0], sizes = [489, 128], strides = [1, 1]} : vector<512x128xf32> to vector<489x128xf32>
    %swap3A_489 = arith.constant 19 : index
    %swap3A_490 = arith.constant 512 : index
    %swap3A_491 = arith.constant 0 : index
    %swap3A_492 = vector.load %arg3[%swap3A_489, %swap3A_490, %swap3A_491] : memref<20x1001x128xf32, #tpu.memory_space<vmem>>, vector<1x489x128xf32>
    %swap3A_493 = vector.shape_cast %swap3A_492 : vector<1x489x128xf32> to vector<489x128xf32>
    %swap3A_494 = vector.shape_cast %slice3A_488 : vector<489x128xf32> to vector<1x489x128xf32>
    tpu.vector_store %arg3[%swap3A_489, %swap3A_490, %swap3A_491], %swap3A_494 {strides = array<i32>} : memref<20x1001x128xf32, #tpu.memory_space<vmem>>, vector<1x489x128xf32>,
    return
  }
  func.func @transform_0(%arg0: i32) -> (i32, i32) {
    %c0_i32 = arith.constant 0 : i32
    %c0_i32_0 = arith.constant 0 : i32
    return %arg0, %c0_i32 : i32, i32
  }
  func.func @transform_2(%arg0: i32) -> (i32, i32, i32) {
    %add3A = arith.constant 24 : i32
    %add3A_0 = arith.addi %add3A, %arg0 : i32
    %c0_i32 = arith.constant 0 : i32
    %c0_i32_1 = arith.constant 0 : i32
    %c0_i32_2 = arith.constant 0 : i32
    return %c0_i32, %c0_i32_1, %add3A_0 : i32, i32, i32
  }
}

</mosaic_0001>

<sc_bundles>
// kernel: kernel.11.cloned.1.call-start
scs
__scs_entry_jumppad:
0x0: {  	(pc) =	sbr.rel $0x88, $3  }
0x1: {  	(tag) =	ssettag $0x0;
	lr =	simm.s32 $0x1  }
0x2: {  	[smem:$0x3F9D] =	sst lr;
	_ =	strace $0xD0000000  }
0x3: {  	_ = 	snop  }
0x4: {  	_ = 	snop  }
0x5: {  	_ = 	snop  }
0x6: {  	_ = 	snop  }
0x7: {  	_ = 	snop  }
__scs_overlays_trampoline_lowered:
0x8: {  	[smem:$0x3FAC] =	sst s0  }
0x9: {  	[smem:$0x3FAD] =	sst s1  }
0xa: {  	[smem:$0x3FAE] =	sst s2  }
0xb: {  	[smem:$0x3FAF] =	sst s3  }
0xc: {  	[smem:$0x3FB0] =	sst s4  }
0xd: {  	[smem:$0x3FB1] =	sst s5  }
0xe: {  	[smem:$0x3FB2] =	sst s6  }
0xf: {  	[smem:$0x3FB3] =	sst s7  }
0x10: {  	[smem:$0x3FB4] =	sst s8  }
0x11: {  	[smem:$0x3FB5] =	sst s9;
	s0 =	simm.s32 @!p0 $0x0  }
0x12: {  	s1 =	sld [smem:$0x3F9B];
	s0 =	simm.s32 @p0 $0x1  }
0x13: {  	[smem:$0x3FB6] =	sst s0;
	s0 =	simm.s32 @!p1 $0x0  }
0x14: {  	s2 =	sld [smem:$0x3F9A];
	s0 =	simm.s32 @p1 $0x1  }
0x15: {  	[smem:$0x3FB7] =	sst s0;
	s0 =	simm.s32 @!p2 $0x0  }
0x16: {  	s3 =	sld [smem:$0x3FDB];
	s0 =	simm.s32 @p2 $0x1  }
0x17: {  	s4 =	simm.s32 $0x1BF5;
	[smem:$0x3FB9] =	sst s0  }
0x18: {  	s0 =	sld [smem:$0x3F9C];
	_ =	swait.ge [sflag:s4], $0x0  }
0x19: {  	s7 =	sld [smem:$0x3F9D]  }
0x1a: {  	s8 =	sadd.s32 $0xFFFFE003, lr  }
0x1b: {  	s9 =	sadd.s32 $0xFFFFFEF7, lr;
	s5 =	simm.s32 $0xFFFFFFFF;
	p2 =	slt.u32 s8, $0xFFFFF086  }
0x1c: {  	p1 =	slt.u32 s9, $0xF7A;
	s5 =	simm.s32 @!p2 $0x0  }
0x1d: {  	s5 =	simm.s32 @p1 $0x1;
	p0 =	seq.s32 s7, s2  }
0x1e: {  	s7 =	smul.u32 @!p0 $0xF7A, s2;
	p2 =	seq.s32 @!p0 s5, $0x0  }
0x1f: {  	s9 =	smul.u32 $0xF7A, s1;
	s8 =	simm.s32 @!p0 $0x1BF5;
	p2 =	por !p2, p0  }
0x20: {  	[sflag:s8] =	ssyncset.s32 @!p0 $0xFFFFF086;
	s6 =	sadd.s32 @!p0 s3, s7;
	s7 =	simm.s32 @!p0 $0x108  }
0x21: {  	s3 =	sadd.s32 s3, s9;
	s6 =	sadd.s32 @!p0 $0x88, s6;
	s7 =	simm.s32 @p2 $0x1082  }
0x22: {  	[simem:s7], [sflag:s8] =	dma.local @!p0 [hbm:s6], $0xF7A  }
0x23: {  	s9 =	sor.u32 $0xD0000000, s2;
	s6 =	simm.s32 $0x108;
	_ =	swait.ge @!p0 [sflag:s8], $0x0  }
0x24: {  	s3 =	sadd.s32 $0x88, s3;
	s6 =	simm.s32 @!p1 $0x1082;
	[sflag:s4] =	ssyncset.s32 $0xFFFFF086  }
0x25: {  	[simem:s6], [sflag:s4] =	dma.local [hbm:s3], $0xF7A  }
0x26: {  	[smem:$0x3F9D] =	sst s1;
	(tag) =	ssettag s2;
	_ =	strace s9  }
0x27: {  	s1 =	sld [smem:$0x3FAD]  }
0x28: {  	s2 =	sld [smem:$0x3FAE]  }
0x29: {  	s4 =	sld [smem:$0x3FB0]  }
0x2a: {  	p0 =	seq.s32 s5, $0x0;
	s5 =	sld [smem:$0x3FB1]  }
0x2b: {  	s6 =	sld [smem:$0x3FB2]  }
0x2c: {  	s7 =	sld [smem:$0x3FB3]  }
0x2d: {  	s3 =	simm.s32 $0x108;
	s8 =	sld [smem:$0x3FB4]  }
0x2e: {  	s3 =	simm.s32 @!p0 $0x1082;
	s9 =	sld [smem:$0x3FB5]  }
0x2f: {  	lr =	sadd.s32 s0, s3;
	s0 =	sld [smem:$0x3FAC]  }
0x30: {  	s3 =	sld [smem:$0x3FAF]  }
0x31: {  	[smem:$0x3FB8] =	sst s10  }
0x32: {  	s10 =	sld [smem:$0x3FB6];
	_ =	sdelay $0x3  }
0x33: {  	p0 =	seq.s32 s10, $0x1;
	s10 =	sld [smem:$0x3FB8];
	_ =	sdelay $0x3  }
0x34: {  	[smem:$0x3FB8] =	sst s10  }
0x35: {  	s10 =	sld [smem:$0x3FB7];
	_ =	sdelay $0x3  }
0x36: {  	p1 =	seq.s32 s10, $0x1;
	s10 =	sld [smem:$0x3FB8];
	_ =	sdelay $0x3  }
0x37: {  	[smem:$0x3FB8] =	sst s10  }
0x38: {  	s10 =	sld [smem:$0x3FB9]  }
0x39: {  	_ = 	snop;
	(pc) =	sbr.ind lr, $3  }
0x3a: {  	_ = 	snop  }
0x3b: {  	_ = 	snop  }
0x3c: {  	p2 =	seq.s32 s10, $0x1;
	s10 =	sld [smem:$0x3FB8]  }
0x3d: {  	_ =	shalt  }
0x3e: {  	_ =	shalt  }
0x3f: {  	_ =	shalt  }
0x40: {  	_ =	shalt  }
0x41: {  	_ =	shalt  }
0x42: {  	_ =	shalt  }
0x43: {  	_ =	shalt  }
0x44: {  	_ =	shalt  }
0x45: {  	_ =	shalt  }
0x46: {  	_ =	shalt  }
0x47: {  	_ =	shalt  }
0x48: {  	_ =	shalt  }
0x49: {  	_ =	shalt  }
0x4a: {  	_ =	shalt  }
0x4b: {  	_ =	shalt  }
0x4c: {  	_ =	shalt  }
0x4d: {  	_ =	shalt  }
0x4e: {  	_ =	shalt  }
0x4f: {  	_ =	shalt  }
0x50: {  	_ =	shalt  }
0x51: {  	_ =	shalt  }
0x52: {  	_ =	shalt  }
0x53: {  	_ =	shalt  }
0x54: {  	_ =	shalt  }
0x55: {  	_ =	shalt  }
0x56: {  	_ =	shalt  }
0x57: {  	_ =	shalt  }
0x58: {  	_ =	shalt  }
0x59: {  	_ =	shalt  }
0x5a: {  	_ =	shalt  }
0x5b: {  	_ =	shalt  }
0x5c: {  	_ =	shalt  }
0x5d: {  	_ =	shalt  }
0x5e: {  	_ =	shalt  }
0x5f: {  	_ =	shalt  }
0x60: {  	_ =	shalt  }
0x61: {  	_ =	shalt  }
0x62: {  	_ =	shalt  }
0x63: {  	_ =	shalt  }
0x64: {  	_ =	shalt  }
0x65: {  	_ =	shalt  }
0x66: {  	_ =	shalt  }
0x67: {  	_ =	shalt  }
0x68: {  	_ =	shalt  }
0x69: {  	_ =	shalt  }
0x6a: {  	_ =	shalt  }
0x6b: {  	_ =	shalt  }
0x6c: {  	_ =	shalt  }
0x6d: {  	_ =	shalt  }
0x6e: {  	_ =	shalt  }
0x6f: {  	_ =	shalt  }
0x70: {  	_ =	shalt  }
0x71: {  	_ =	shalt  }
0x72: {  	_ =	shalt  }
0x73: {  	_ =	shalt  }
0x74: {  	_ =	shalt  }
0x75: {  	_ =	shalt  }
0x76: {  	_ =	shalt  }
0x77: {  	_ =	shalt  }
0x78: {  	_ =	shalt  }
0x79: {  	_ =	shalt  }
0x7a: {  	_ =	shalt  }
0x7b: {  	_ =	shalt  }
0x7c: {  	_ =	shalt  }
0x7d: {  	_ =	shalt  }
0x7e: {  	_ =	shalt  }
0x7f: {  	_ =	shalt  }
0x80: {  	_ =	shalt  }
0x81: {  	_ =	shalt  }
0x82: {  	_ =	shalt  }
0x83: {  	_ =	shalt  }
0x84: {  	_ =	shalt  }
0x85: {  	_ =	shalt  }
0x86: {  	_ =	shalt  }
0x87: {  	_ =	shalt  }
.Lfunc_end0:
.L_simem_size_0:
called_computation_lowered:
.L_overlay_start_0:
0x88: {  	s2 =	sld [smem:$0x3FD9]  }
0x89: {  	s3 =	sld [smem:$0x3FFE];
	_ =	sdelay $0x1  }
0x8a: {  	s1 =	srdreg.scid  }
0x8b: {  	s0 =	sand.u32 $0x1, s1  }
0x8c: {  	s17 =	sshll.u32 s0, $0xA;
	s2 =	sadd.s32 s3, s2  }
0x8d: {  	s2 =	sadd.s32 s2, s17  }
0x8e: {  	[smem:$0x3FC4] =	sst s2  }
0x8f: {  	_ = 	snop  }
0x90: {  	s2 =	sld [smem:$0x3FD0];
	(tm) =	ssettm $0x1  }
0x91: {  	s18 =	sld [smem:$0x3FFB];
	_ =	sdelay $0x3  }
0x92: {  	_ =	strace s18  }
0x93: {  	s3 =	sld [smem:$0x3FFC];
	_ =	sdelay $0x3  }
0x94: {  	_ =	strace s3  }
0x95: {  	s3 =	sld [smem:$0x3FFD];
	_ =	sdelay $0x3  }
0x96: {  	_ =	strace s3  }
0x97: {  	_ =	strace $0x8FFFFFFF  }
0x98: {  	s19 =	sld [smem:$0x3FDB];
	_ =	sdelay $0x1  }
0x99: {  	s4 =	simm.s32 $_scs_section_size  }
0x9a: {  	s5 =	simm.s32 $_size__tile_overlayer_lowered;
	s6 =	simm.s32 $_tile_overlayer_lowered  }
0x9b: {  	s22 =	simm.s32 $0x1BFF;
	s21 =	sshll.u32 s6, $0x1;
	s3 =	sadd.s32 s4, s19  }
0x9c: {  	s7 =	simm.s32 $0x0;
	s20 =	sshll.u32 s5, $0x1;
	s5 =	sadd.s32 s21, s3  }
0x9d: {  	[timem:s7], [sflag:s22] =	dma.local [hbm:s5], s20  }
0x9e: {  	_ =	swait.ge [sflag:s22], s20  }
0x9f: {  	s4 =	ssub.s32 $0x0, s20;
	[sflag:s22] =	ssyncset.done $0x0  }
0xa0: {  	[sflag:s22] =	ssyncadd.s32 s4;
	_ =	sdelay $0x1  }
0xa1: {  	s23 =	simm.s32 $0x1B8B  }
0xa2: {  	_ =	swait.ge [sflag:s23], $0x1  }
0xa3: {  	[sflag:s23] =	ssyncset.done $0x0  }
0xa4: {  	s25 =	simm.s32 $0x1B8E;
	s24 =	sld [smem:$0x3FFE];
	[sflag:s23] =	ssyncadd.s32 $0xFFFFFFFF  }
0xa5: {  	s26 =	simm.s32 $execute0_lowered;
	[smem:$0x3FD2] =	sst s25  }
0xa6: {  	s5 =	sshll.u32 s26, $0x1;
	_ =	strace $0x80000046;
	[dreg:$0x1] =	wrdreg $0xFFFFFFFF  }
0xa7: {  	s28 =	simm.s32 $_size_execute0_lowered;
	s3 =	sadd.s32 s3, s5;
	[dreg:$0x0] =	wrdreg $0x0  }
0xa8: {  	s5 =	sshll.u32 s28, $0x1;
	[dreg:$0x2] =	wrdreg s3  }
0xa9: {  	[dreg:$0x3] =	wrdreg s5  }
0xaa: {  	[dreg:$0x4] =	wrdreg $0xC0  }
0xab: {  	_ =	task [dreg:s7], $0x5FFFF  }
0xac: {  	[dreg:$0x1] =	wrdreg $0xFFFFFFFF  }
0xad: {  	[dreg:$0x0] =	wrdreg $0x60  }
0xae: {  	[dreg:$0x2] =	wrdreg s24  }
0xaf: {  	[dreg:$0x3] =	wrdreg s2  }
0xb0: {  	[dreg:$0x4] =	wrdreg $0x9  }
0xb1: {  	_ =	task.clear_ibuf [dreg:s7], $0x5FFFF;
	_ =	strace $0x90000046  }
0xb2: {  	s29 =	simm.s32 $0x9;
	_ =	strace $0x80000048  }
0xb3: {  	_ =	swait.ge [sflag:s29], $0x1  }
0xb4: {  	[sflag:s29] =	ssyncadd.s32 $0xFFFFFFFF  }
0xb5: {  	_ =	strace $0x90000048  }
0xb6: {  	_ =	sfence  }
0xb7: {  	s30 =	sld [smem:$0x0];
	_ =	sdelay $0x2  }
0xb8: {  	s31 =	sshll.u32 s1, $0xD;
	s1 =	sshrl.u32 s1, $0x2  }
0xb9: {  	s3 =	sand.u32 $0x4000, s31;
	s1 =	sadd.s32 s1, s30  }
0xba: {  	s0 =	sor.u32 s3, s0;
	s1 =	sshll.u32 s1, $0x11  }
0xbb: {  	s0 =	sor.u32 s1, s0  }
0xbc: {  	s0 =	sadd.s32 $0x8F2B, s0  }
0xbd: {  	[sflag:s0] =	ssyncadd.remote.s32 $0x1  }
0xbe: {  	_ =	sfence.sel $0xFFFF  }
0xbf: {  	[dreg:$0x0] =	wrdreg $0xFFFFFFFF;
	(pc) =	sbr.abs _section_cstart, $3  }
0xc0: {  	[dreg:$0x1] =	wrdreg $0xFFFFFFFF  }
0xc1: {  	_ =	task.clear_ibuf [dreg:s7], $0x2FFFF;
	_ =	strace $0x9FFFFFFF  }
0xc2: {  	(tm) =	ssettm $0x7FFFFFFF  }
0xc3: {  	_ =	shalt  }
tec
execute0_lowered:
.L_overlay_start_1:
0x0: {  	(tag) =	ssettag $0x1  }
0x1: {  	s0 =	rddreg [dreg:$0x0]  }
0x2: {  	s1 =	rddreg [dreg:$0x1]  }
0x3: {  	s2 =	simm.s32 $0x0;
	s3 =	srdreg.scid;
	s7 =	stileid.u32  }
0x4: {  	s14 =	simm.s32 $0x3000;
	s15 =	simm.s32 $0x3800;
	s16 =	simm.s32 $0x4000  }
0x5: {  	s17 =	simm.s32 $0x4800;
	s18 =	simm.s32 $0x5000;
	s19 =	simm.s32 $0x5800  }
0x6: {  	s20 =	simm.s32 $0x6000;
	s21 =	simm.s32 $0x6800;
	s22 =	simm.s32 $0x7000  }
0x7: {  	s23 =	simm.s32 $0x7800;
	s24 =	simm.s32 $0x8000;
	s28 =	simm.s32 $0x9800  }
0x8: {  	s29 =	simm.s32 $0xA000;
	s30 =	simm.s32 $0x1;
	s31 =	simm.s32 $0x2  }
0x9: {  	[smem:$0x7FF] =	sst s2;
	s4 =	sand.u32 $0x1, s3;
	s3 =	sadd.s32 $0x1800, s0  }
0xa: {  	s5 =	smul.u32 $0x14000, s7;
	s7 =	sshll.u32 s7, $0x9;
	_ =	strace $0x80000047  }
0xb: {  	s6 =	ssub.s32 $0x2, s4;
	s8 =	sshll.u32 s4, $0x8;
	s9 =	smul.u32 $0xA000, s4  }
.Ltmp0:
0xc: {  	s5 =	sadd.s32 s5, s0;
	s25 =	sshrl.u32 s6, $0x1;
	(pc) =	sbr.rel .LBB2_1-.Ltmp0, $4  }
0xd: {  	s7 =	sor.u32 s8, s7;
	s8 =	simm.s32 $0x3;
	s6 =	ssub.s32 s6, s25  }
0xe: {  	v2 =	vlaneseq.u32;
	s4 =	sadd.s32 s1, s7;
	s26 =	sadd.s32 s9, s5;
	s5 =	sadd.s32 $0x1900, s0  }
0xf: {  	vm0 =	vmmov $0xffff;
	v1 =	vshrl.u32 v2, $0x3;
	s9 =	simm.s32 $0x800;
	s25 =	simm.s32 $0x8800;
	s0 =	simm.s32 $0x0  }
0x10: {  	v0 =	vand.u32 $0x7, v2;
	v2 =	vor.u32 $0x8, v2;
	v1 =	vmul.u32 $0x8, v1;
	s6 =	smax.u32 s6, $0x1;
	s7 =	sadd.s32 $0x11200, s26;
	s26 =	simm.s32 $0x9000  }
.LBB2_4:
0x11: {  	s0 =	sadd.s32 $0x1, s0  }
0x12: {  	p0 =	sne.s32 s0, s6  }
.Ltmp1:
0x13: {  	_ = 	snop;
	(pc) =	sbr.rel @!p0 .LBB2_5-.Ltmp1, $1  }
0x14: {  	_ =	sdelay $0x3  }
.LBB2_1:
0x15: {  	[tilespmem:s2], [sflag:$0x3] =	stream.linear.gather [hbm4b:s4+s2], $0x800, $0x38;
	[tilespmem:$0xA800] =	vst v63  }
0x16: {  	_ =	swait.ge [sflag:s8], $0x800  }
0x17: {  	[sflag:s8] =	ssyncset.done $0x0  }
0x18: {  	[sflag:s8] =	ssyncadd.s32 $0xFFFFF800  }
0x19: {  	v3 =	vld [tilespmem:$0x0];
	_ =	sdelay $0x4  }
0x1a: {  	v4 =	vshll.u32 v3, $0x2  }
0x1b: {  	v3 =	vand.u32 $0x7, v3;
	v4 =	vand.u32 $0xFFFFFFE0, v4  }
0x1c: {  	v3 =	vor.u32 v3, v4  }
0x1d: {  	v4 =	vperm.xlane v3, v0;
	_ =	sdelay $0x1  }
0x1e: {  	v4 =	vadd.s32 v1, v4;
	_ =	sdelay $0x1  }
0x1f: {  	v3 =	vperm.xlane v3, v2;
	_ =	sdelay $0x1  }
0x20: {  	v3 =	vadd.s32 v1, v3  }
0x21: {  	[tilespmem:s9], [sflag:$0x1] =	stream.indirect_vreg.gather [hbm4b:s3+s2], $0x80, v4, vm0, $0xb8;
	[tilespmem:$0xA800] =	vst v63  }
0x22: {  	s1 =	simm.s32 $0x1000  }
0x23: {  	[tilespmem:s1], [sflag:$0x1] =	stream.indirect_vreg.gather [hbm4b:s5+s2], $0x80, v4, vm0, $0xb8;
	[tilespmem:$0xA800] =	vst v63  }
0x24: {  	s11 =	simm.s32 $0x1800  }
0x25: {  	[tilespmem:s11], [sflag:$0x1] =	stream.indirect_vreg.gather [hbm4b:s3+s2], $0x80, v3, vm0, $0xb8;
	[tilespmem:$0xA800] =	vst v63  }
0x26: {  	s12 =	simm.s32 $0x2000  }
0x27: {  	[tilespmem:s12], [sflag:$0x1] =	stream.indirect_vreg.gather [hbm4b:s5+s2], $0x80, v3, vm0, $0xb8;
	[tilespmem:$0xA800] =	vst v63  }
0x28: {  	v3 =	vld [tilespmem:$0x10];
	_ =	sdelay $0x4  }
0x29: {  	v59 =	vshll.u32 v3, $0x2  }
0x2a: {  	v3 =	vand.u32 $0x7, v3;
	v4 =	vand.u32 $0xFFFFFFE0, v59  }
0x2b: {  	v3 =	vor.u32 v3, v4  }
0x2c: {  	v4 =	vperm.xlane v3, v0;
	_ =	sdelay $0x1  }
0x2d: {  	v4 =	vadd.s32 v1, v4;
	_ =	sdelay $0x1  }
0x2e: {  	v3 =	vperm.xlane v3, v2;
	_ =	sdelay $0x1  }
0x2f: {  	s13 =	simm.s32 $0x2800;
	v3 =	vadd.s32 v1, v3  }
0x30: {  	[tilespmem:s13], [sflag:$0x1] =	stream.indirect_vreg.gather [hbm4b:s3+s2], $0x80, v4, vm0, $0xb8;
	[tilespmem:$0xA800] =	vst v63  }
0x31: {  	_ = 	snop  }
0x32: {  	[tilespmem:s14], [sflag:$0x1] =	stream.indirect_vreg.gather [hbm4b:s5+s2], $0x80, v4, vm0, $0xb8;
	[tilespmem:$0xA800] =	vst v63  }
0x33: {  	_ = 	snop  }
0x34: {  	[tilespmem:s15], [sflag:$0x1] =	stream.indirect_vreg.gather [hbm4b:s3+s2], $0x80, v3, vm0, $0xb8;
	[tilespmem:$0xA800] =	vst v63  }
0x35: {  	_ = 	snop  }
0x36: {  	[tilespmem:s16], [sflag:$0x1] =	stream.indirect_vreg.gather [hbm4b:s5+s2], $0x80, v3, vm0, $0xb8;
	[tilespmem:$0xA800] =	vst v63  }
0x37: {  	v3 =	vld.msk [tilespmem:$0x20], $0xff;
	_ =	sdelay $0x4  }
0x38: {  	v60 =	vshll.u32 v3, $0x2  }
0x39: {  	v3 =	vand.u32 $0x7, v3;
	v4 =	vand.u32 $0xFFFFFFE0, v60  }
0x3a: {  	v3 =	vor.u32 v3, v4  }
0x3b: {  	v3 =	vperm.xlane v3, v0;
	_ =	sdelay $0x1  }
0x3c: {  	v3 =	vadd.s32 v1, v3;
	_ =	sdelay $0x4  }
0x3d: {  	[tilespmem:s17], [sflag:$0x1] =	stream.indirect_vreg.gather [hbm4b:s3+s2], $0x80, v3, vm0, $0xb8;
	[tilespmem:$0xA800] =	vst v63  }
0x3e: {  	_ = 	snop  }
0x3f: {  	[tilespmem:s18], [sflag:$0x1] =	stream.indirect_vreg.gather [hbm4b:s5+s2], $0x80, v3, vm0, $0xb8;
	[tilespmem:$0xA800] =	vst v63  }
0x40: {  	v3 =	vld [tilespmem:$0x80];
	_ =	sdelay $0x4  }
0x41: {  	v61 =	vshll.u32 v3, $0x2  }
0x42: {  	v3 =	vand.u32 $0x7, v3;
	v4 =	vand.u32 $0xFFFFFFE0, v61  }
0x43: {  	v3 =	vor.u32 v3, v4  }
0x44: {  	v4 =	vperm.xlane v3, v0;
	_ =	sdelay $0x1  }
0x45: {  	v4 =	vadd.s32 v1, v4;
	_ =	sdelay $0x1  }
0x46: {  	v3 =	vperm.xlane v3, v2;
	_ =	sdelay $0x1  }
0x47: {  	v3 =	vadd.s32 v1, v3  }
0x48: {  	[tilespmem:s19], [sflag:$0x2] =	stream.indirect_vreg.gather [hbm4b:s3+s2], $0x80, v4, vm0, $0xb8;
	[tilespmem:$0xA800] =	vst v63  }
0x49: {  	_ = 	snop  }
0x4a: {  	[tilespmem:s20], [sflag:$0x2] =	stream.indirect_vreg.gather [hbm4b:s5+s2], $0x80, v4, vm0, $0xb8;
	[tilespmem:$0xA800] =	vst v63  }
0x4b: {  	_ = 	snop  }
0x4c: {  	[tilespmem:s21], [sflag:$0x2] =	stream.indirect_vreg.gather [hbm4b:s3+s2], $0x80, v3, vm0, $0xb8;
	[tilespmem:$0xA800] =	vst v63  }
0x4d: {  	_ = 	snop  }
0x4e: {  	[tilespmem:s22], [sflag:$0x2] =	stream.indirect_vreg.gather [hbm4b:s5+s2], $0x80, v3, vm0, $0xb8;
	[tilespmem:$0xA800] =	vst v63  }
0x4f: {  	v3 =	vld [tilespmem:$0x90];
	_ =	sdelay $0x4  }
0x50: {  	v62 =	vshll.u32 v3, $0x2  }
0x51: {  	v3 =	vand.u32 $0x7, v3;
	v4 =	vand.u32 $0xFFFFFFE0, v62  }
0x52: {  	v3 =	vor.u32 v3, v4  }
0x53: {  	v4 =	vperm.xlane v3, v0;
	_ =	sdelay $0x1  }
0x54: {  	v4 =	vadd.s32 v1, v4;
	_ =	sdelay $0x1  }
0x55: {  	v3 =	vperm.xlane v3, v2;
	_ =	sdelay $0x1  }
0x56: {  	v3 =	vadd.s32 v1, v3  }
0x57: {  	[tilespmem:s23], [sflag:$0x2] =	stream.indirect_vreg.gather [hbm4b:s3+s2], $0x80, v4, vm0, $0xb8;
	[tilespmem:$0xA800] =	vst v63  }
0x58: {  	_ = 	snop  }
0x59: {  	[tilespmem:s24], [sflag:$0x2] =	stream.indirect_vreg.gather [hbm4b:s5+s2], $0x80, v4, vm0, $0xb8;
	[tilespmem:$0xA800] =	vst v63  }
0x5a: {  	_ = 	snop  }
0x5b: {  	[tilespmem:s25], [sflag:$0x2] =	stream.indirect_vreg.gather [hbm4b:s3+s2], $0x80, v3, vm0, $0xb8;
	[tilespmem:$0xA800] =	vst v63  }
0x5c: {  	_ = 	snop  }
0x5d: {  	[tilespmem:s26], [sflag:$0x2] =	stream.indirect_vreg.gather [hbm4b:s5+s2], $0x80, v3, vm0, $0xb8;
	[tilespmem:$0xA800] =	vst v63  }
0x5e: {  	v3 =	vld.msk [tilespmem:$0xA0], $0xff;
	_ =	sdelay $0x4  }
0x5f: {  	v63 =	vshll.u32 v3, $0x2  }
0x60: {  	v3 =	vand.u32 $0x7, v3;
	v4 =	vand.u32 $0xFFFFFFE0, v63  }
0x61: {  	v3 =	vor.u32 v3, v4  }
0x62: {  	v3 =	vperm.xlane v3, v0;
	_ =	sdelay $0x1  }
0x63: {  	v3 =	vadd.s32 v1, v3;
	_ =	sdelay $0x4  }
0x64: {  	[tilespmem:s28], [sflag:$0x2] =	stream.indirect_vreg.gather [hbm4b:s3+s2], $0x80, v3, vm0, $0xb8;
	[tilespmem:$0xA800] =	vst v63  }
0x65: {  	s10 =	simm.s32 $0x0;
	s1 =	simm.s32 $0x1A0  }
0x66: {  	[tilespmem:s29], [sflag:$0x2] =	stream.indirect_vreg.gather [hbm4b:s5+s2], $0x80, v3, vm0, $0xb8;
	[tilespmem:$0xA800] =	vst v63  }
.LBB2_2:
0x67: {  	_ =	swait.ge [sflag:s30], $0x5000  }
0x68: {  	[sflag:s30] =	ssyncset.done $0x0  }
0x69: {  	s11 =	sadd.s32 s10, s7;
	[sflag:s30] =	ssyncadd.s32 $0xFFFFB000  }
0x6a: {  	[hbm4b:s11+s2] =	stream.linear.scatter [tilespmem:s9], [sflag:$0x3], $0x5000, $0x38;
	[tilespmem:$0xA800] =	vst v63  }
0x6b: {  	_ =	swait.ge [sflag:s8], $0x5000  }
0x6c: {  	[sflag:s8] =	ssyncset.done $0x0  }
0x6d: {  	p0 =	seq.s32 s10, $0x8C00;
	[sflag:s8] =	ssyncadd.s32 $0xFFFFB000  }
0x6e: {  	v3 =	vld @!p0 [tilespmem:s1+$0xFFFFFF60];
	_ =	sdelay $0x4  }
0x6f: {  	v4 =	vshll.u32 @!p0 v3, $0x2  }
0x70: {  	v5 =	vlaneseq.u32 @!p0;
	v3 =	vand.u32 @!p0 $0x7, v3;
	v4 =	vand.u32 @!p0 $0xFFFFFFE0, v4  }
0x71: {  	v6 =	vshrl.u32 @!p0 v5, $0x3;
	v3 =	vor.u32 @!p0 v3, v4;
	v4 =	vand.u32 @!p0 $0x7, v5  }
0x72: {  	v6 =	vmul.u32 @!p0 $0x8, v6;
	v7 =	vperm.xlane @!p0 v3, v4;
	_ =	sdelay $0x1  }
0x73: {  	v7 =	vadd.s32 @!p0 v6, v7  }
0x74: {  	v5 =	vor.u32 @!p0 $0x8, v5  }
0x75: {  	v3 =	vperm.xlane @!p0 v3, v5;
	_ =	sdelay $0x1  }
0x76: {  	vm1 =	vmmov @!p0 $0xffff;
	s12 =	simm.s32 @!p0 $0x0;
	s13 =	simm.s32 @!p0 $0x800;
	v3 =	vadd.s32 @!p0 v6, v3  }
0x77: {  	[tilespmem:s13], [sflag:$0x1] =	stream.indirect_vreg.gather @!p0 [hbm4b:s3+s12], $0x80, v7, vm1, $0xb8;
	[tilespmem:$0xA800] =	vst v63  }
0x78: {  	s13 =	simm.s32 @!p0 $0x1000  }
0x79: {  	[tilespmem:s13], [sflag:$0x1] =	stream.indirect_vreg.gather @!p0 [hbm4b:s5+s12], $0x80, v7, vm1, $0xb8;
	[tilespmem:$0xA800] =	vst v63  }
0x7a: {  	s13 =	simm.s32 @!p0 $0x1800  }
0x7b: {  	[tilespmem:s13], [sflag:$0x1] =	stream.indirect_vreg.gather @!p0 [hbm4b:s3+s12], $0x80, v3, vm1, $0xb8;
	[tilespmem:$0xA800] =	vst v63  }
0x7c: {  	s13 =	simm.s32 @!p0 $0x2000  }
0x7d: {  	[tilespmem:s13], [sflag:$0x1] =	stream.indirect_vreg.gather @!p0 [hbm4b:s5+s12], $0x80, v3, vm1, $0xb8;
	[tilespmem:$0xA800] =	vst v63  }
0x7e: {  	v3 =	vld @!p0 [tilespmem:s1+$0xFFFFFF70];
	_ =	sdelay $0x4  }
0x7f: {  	v7 =	vshll.u32 @!p0 v3, $0x2  }
0x80: {  	v3 =	vand.u32 @!p0 $0x7, v3;
	v7 =	vand.u32 @!p0 $0xFFFFFFE0, v7  }
0x81: {  	v3 =	vor.u32 @!p0 v3, v7  }
0x82: {  	v7 =	vperm.xlane @!p0 v3, v4;
	_ =	sdelay $0x1  }
0x83: {  	v7 =	vadd.s32 @!p0 v6, v7;
	_ =	sdelay $0x1  }
0x84: {  	v3 =	vperm.xlane @!p0 v3, v5;
	_ =	sdelay $0x1  }
0x85: {  	s13 =	simm.s32 @!p0 $0x2800;
	v3 =	vadd.s32 @!p0 v6, v3  }
0x86: {  	[tilespmem:s13], [sflag:$0x1] =	stream.indirect_vreg.gather @!p0 [hbm4b:s3+s12], $0x80, v7, vm1, $0xb8;
	[tilespmem:$0xA800] =	vst v63  }
0x87: {  	s13 =	simm.s32 @!p0 $0x3000  }
0x88: {  	[tilespmem:s13], [sflag:$0x1] =	stream.indirect_vreg.gather @!p0 [hbm4b:s5+s12], $0x80, v7, vm1, $0xb8;
	[tilespmem:$0xA800] =	vst v63  }
0x89: {  	s13 =	simm.s32 @!p0 $0x3800  }
0x8a: {  	[tilespmem:s13], [sflag:$0x1] =	stream.indirect_vreg.gather @!p0 [hbm4b:s3+s12], $0x80, v3, vm1, $0xb8;
	[tilespmem:$0xA800] =	vst v63  }
0x8b: {  	s13 =	simm.s32 @!p0 $0x4000  }
0x8c: {  	[tilespmem:s13], [sflag:$0x1] =	stream.indirect_vreg.gather @!p0 [hbm4b:s5+s12], $0x80, v3, vm1, $0xb8;
	[tilespmem:$0xA800] =	vst v63  }
0x8d: {  	v3 =	vld.msk @!p0 [tilespmem:s1+$0xFFFFFF80], $0xff;
	_ =	sdelay $0x4  }
0x8e: {  	v5 =	vshll.u32 @!p0 v3, $0x2  }
0x8f: {  	v3 =	vand.u32 @!p0 $0x7, v3;
	v5 =	vand.u32 @!p0 $0xFFFFFFE0, v5  }
0x90: {  	v3 =	vor.u32 @!p0 v3, v5  }
0x91: {  	v3 =	vperm.xlane @!p0 v3, v4;
	_ =	sdelay $0x1  }
0x92: {  	v3 =	vadd.s32 @!p0 v6, v3;
	_ =	sdelay $0x3  }
0x93: {  	s13 =	simm.s32 @!p0 $0x4800  }
0x94: {  	[tilespmem:s13], [sflag:$0x1] =	stream.indirect_vreg.gather @!p0 [hbm4b:s3+s12], $0x80, v3, vm1, $0xb8;
	[tilespmem:$0xA800] =	vst v63  }
0x95: {  	s13 =	simm.s32 @!p0 $0x5000  }
0x96: {  	[tilespmem:s13], [sflag:$0x1] =	stream.indirect_vreg.gather @!p0 [hbm4b:s5+s12], $0x80, v3, vm1, $0xb8;
	[tilespmem:$0xA800] =	vst v63  }
0x97: {  	_ =	swait.ge [sflag:s31], $0x5000  }
0x98: {  	[sflag:s31] =	ssyncset.done $0x0  }
.Ltmp2:
0x99: {  	s11 =	sadd.s32 $0xA00, s11;
	[sflag:s31] =	ssyncadd.s32 $0xFFFFB000;
	(pc) =	sbr.rel @p0 .LBB2_4-.Ltmp2, $4  }
0x9a: {  	[hbm4b:s11+s2] =	stream.linear.scatter [tilespmem:s19], [sflag:$0x3], $0x5000, $0x38;
	[tilespmem:$0xA800] =	vst v63  }
0x9b: {  	_ =	swait.ge [sflag:s8], $0x5000  }
0x9c: {  	[sflag:s8] =	ssyncset.done $0x0  }
0x9d: {  	[sflag:s8] =	ssyncadd.s32 $0xFFFFB000  }
0x9e: {  	v3 =	vld [tilespmem:s1+$0xFFFFFFE0];
	_ =	sdelay $0x4  }
0x9f: {  	v4 =	vshll.u32 v3, $0x2  }
0xa0: {  	v3 =	vand.u32 $0x7, v3;
	v4 =	vand.u32 $0xFFFFFFE0, v4  }
0xa1: {  	v3 =	vor.u32 v3, v4  }
0xa2: {  	v4 =	vperm.xlane v3, v0;
	_ =	sdelay $0x1  }
0xa3: {  	v4 =	vadd.s32 v1, v4;
	_ =	sdelay $0x1  }
0xa4: {  	v3 =	vperm.xlane v3, v2;
	_ =	sdelay $0x1  }
0xa5: {  	v3 =	vadd.s32 v1, v3  }
0xa6: {  	[tilespmem:s19], [sflag:$0x2] =	stream.indirect_vreg.gather [hbm4b:s3+s2], $0x80, v4, vm0, $0xb8;
	[tilespmem:$0xA800] =	vst v63  }
0xa7: {  	_ = 	snop  }
0xa8: {  	[tilespmem:s20], [sflag:$0x2] =	stream.indirect_vreg.gather [hbm4b:s5+s2], $0x80, v4, vm0, $0xb8;
	[tilespmem:$0xA800] =	vst v63  }
0xa9: {  	_ = 	snop  }
0xaa: {  	[tilespmem:s21], [sflag:$0x2] =	stream.indirect_vreg.gather [hbm4b:s3+s2], $0x80, v3, vm0, $0xb8;
	[tilespmem:$0xA800] =	vst v63  }
0xab: {  	_ = 	snop  }
0xac: {  	[tilespmem:s22], [sflag:$0x2] =	stream.indirect_vreg.gather [hbm4b:s5+s2], $0x80, v3, vm0, $0xb8;
	[tilespmem:$0xA800] =	vst v63  }
0xad: {  	v3 =	vld [tilespmem:s1+$0xFFFFFFF0];
	_ =	sdelay $0x4  }
0xae: {  	v62 =	vshll.u32 v3, $0x2  }
0xaf: {  	v3 =	vand.u32 $0x7, v3;
	v4 =	vand.u32 $0xFFFFFFE0, v62  }
0xb0: {  	v3 =	vor.u32 v3, v4  }
0xb1: {  	v4 =	vperm.xlane v3, v0;
	_ =	sdelay $0x1  }
0xb2: {  	v4 =	vadd.s32 v1, v4;
	_ =	sdelay $0x1  }
0xb3: {  	v3 =	vperm.xlane v3, v2;
	_ =	sdelay $0x1  }
0xb4: {  	v3 =	vadd.s32 v1, v3  }
0xb5: {  	[tilespmem:s23], [sflag:$0x2] =	stream.indirect_vreg.gather [hbm4b:s3+s2], $0x80, v4, vm0, $0xb8;
	[tilespmem:$0xA800] =	vst v63  }
0xb6: {  	_ = 	snop  }
0xb7: {  	[tilespmem:s24], [sflag:$0x2] =	stream.indirect_vreg.gather [hbm4b:s5+s2], $0x80, v4, vm0, $0xb8;
	[tilespmem:$0xA800] =	vst v63  }
0xb8: {  	_ = 	snop  }
0xb9: {  	[tilespmem:s25], [sflag:$0x2] =	stream.indirect_vreg.gather [hbm4b:s3+s2], $0x80, v3, vm0, $0xb8;
	[tilespmem:$0xA800] =	vst v63  }
0xba: {  	_ = 	snop  }
0xbb: {  	[tilespmem:s26], [sflag:$0x2] =	stream.indirect_vreg.gather [hbm4b:s5+s2], $0x80, v3, vm0, $0xb8;
	[tilespmem:$0xA800] =	vst v63  }
0xbc: {  	v3 =	vld.msk [tilespmem:s1+$0x0], $0xff;
	_ =	sdelay $0x4  }
0xbd: {  	v63 =	vshll.u32 v3, $0x2  }
0xbe: {  	v3 =	vand.u32 $0x7, v3;
	v4 =	vand.u32 $0xFFFFFFE0, v63  }
0xbf: {  	v3 =	vor.u32 v3, v4  }
0xc0: {  	v3 =	vperm.xlane v3, v0;
	_ =	sdelay $0x1  }
0xc1: {  	v3 =	vadd.s32 v1, v3;
	_ =	sdelay $0x2  }
.Ltmp3:
0xc2: {  	_ = 	snop;
	(pc) =	sbr.rel .LBB2_2-.Ltmp3, $4  }
0xc3: {  	_ = 	snop  }
0xc4: {  	[tilespmem:s28], [sflag:$0x2] =	stream.indirect_vreg.gather [hbm4b:s3+s2], $0x80, v3, vm0, $0xb8;
	[tilespmem:$0xA800] =	vst v63  }
0xc5: {  	s10 =	sadd.s32 $0x1400, s10;
	s1 =	sadd.s32 $0x100, s1  }
0xc6: {  	[tilespmem:s29], [sflag:$0x2] =	stream.indirect_vreg.gather [hbm4b:s5+s2], $0x80, v3, vm0, $0xb8;
	[tilespmem:$0xA800] =	vst v63  }
.LBB2_5:
0xc7: {  	_ =	sfence.sel $0x180000  }
0xc8: {  	[bflag:$0x0] =	sbarrier.arrive $0xFFFF  }
0xc9: {  	_ =	strace $0x90000047  }
0xca: {  	s0 =	stileid.u32;
	[bflag:$0x2] =	sbarrier.arrive $0xFFFF  }
0xcb: {  	p0 =	sne.s32 s0, $0x0;
	s0 =	rddreg [dreg:$0x2]  }
0xcc: {  	s0 =	sadd.s32 @!p0 $0x100000, s0  }
0xcd: {  	[sflag:s0] =	ssyncadd.tile.s32 @!p0 $0x1;
	_ =	shalt  }
.Lfunc_end2:
_tile_overlayer_lowered:
.L_overlay_start_2:
0xce: {  	(tag) =	ssettag $0x2  }
0xcf: {  	s0 =	rddreg [dreg:$0x0];
	s2 =	stileid.u32  }
0xd0: {  	s1 =	rddreg [dreg:$0x1];
	p0 =	sne.s32 s2, $0x0  }
0xd1: {  	s3 =	rddreg [dreg:$0x2];
	[bflag:$0x3] =	sbarrier.arrive $0xFFFF;
	s2 =	simm.s32 @!p0 $0x1C03  }
0xd2: {  	[timem:s3], [sflag:s2] =	dma.local @!p0 [hbm:s0], s1  }
0xd3: {  	s0 =	simm.s32 @!p0 $0x3  }
0xd4: {  	_ =	swait.ge @!p0 [sflag:s0], s1  }
0xd5: {  	s1 =	ssub.s32 @!p0 $0x0, s1;
	[sflag:s0] =	ssyncset.done @!p0 $0x0  }
0xd6: {  	[sflag:s0] =	ssyncadd.s32 @!p0 s1  }
0xd7: {  	[bflag:$0x3] =	sbarrier.arrive $0xFFFF  }
0xd8: {  	_ =	shalt  }

// kernel: kernel.14.cloned.1.call-start
scs
__scs_entry_jumppad:
0x0: {  	(pc) =	sbr.rel $0x88, $3  }
0x1: {  	(tag) =	ssettag $0x0;
	lr =	simm.s32 $0x1  }
0x2: {  	[smem:$0x3F9D] =	sst lr;
	_ =	strace $0xD0000000  }
0x3: {  	_ = 	snop  }
0x4: {  	_ = 	snop  }
0x5: {  	_ = 	snop  }
0x6: {  	_ = 	snop  }
0x7: {  	_ = 	snop  }
__scs_overlays_trampoline_lowered:
0x8: {  	[smem:$0x3FAC] =	sst s0  }
0x9: {  	[smem:$0x3FAD] =	sst s1  }
0xa: {  	[smem:$0x3FAE] =	sst s2  }
0xb: {  	[smem:$0x3FAF] =	sst s3  }
0xc: {  	[smem:$0x3FB0] =	sst s4  }
0xd: {  	[smem:$0x3FB1] =	sst s5  }
0xe: {  	[smem:$0x3FB2] =	sst s6  }
0xf: {  	[smem:$0x3FB3] =	sst s7  }
0x10: {  	[smem:$0x3FB4] =	sst s8  }
0x11: {  	[smem:$0x3FB5] =	sst s9;
	s0 =	simm.s32 @!p0 $0x0  }
0x12: {  	s1 =	sld [smem:$0x3F9B];
	s0 =	simm.s32 @p0 $0x1  }
0x13: {  	[smem:$0x3FB6] =	sst s0;
	s0 =	simm.s32 @!p1 $0x0  }
0x14: {  	s2 =	sld [smem:$0x3F9A];
	s0 =	simm.s32 @p1 $0x1  }
0x15: {  	[smem:$0x3FB7] =	sst s0;
	s0 =	simm.s32 @!p2 $0x0  }
0x16: {  	s3 =	sld [smem:$0x3FDB];
	s0 =	simm.s32 @p2 $0x1  }
0x17: {  	s4 =	simm.s32 $0x1BF5;
	[smem:$0x3FB9] =	sst s0  }
0x18: {  	s0 =	sld [smem:$0x3F9C];
	_ =	swait.ge [sflag:s4], $0x0  }
0x19: {  	s7 =	sld [smem:$0x3F9D]  }
0x1a: {  	s8 =	sadd.s32 $0xFFFFE003, lr  }
0x1b: {  	s9 =	sadd.s32 $0xFFFFFEF7, lr;
	s5 =	simm.s32 $0xFFFFFFFF;
	p2 =	slt.u32 s8, $0xFFFFF086  }
0x1c: {  	p1 =	slt.u32 s9, $0xF7A;
	s5 =	simm.s32 @!p2 $0x0  }
0x1d: {  	s5 =	simm.s32 @p1 $0x1;
	p0 =	seq.s32 s7, s2  }
0x1e: {  	s7 =	smul.u32 @!p0 $0xF7A, s2;
	p2 =	seq.s32 @!p0 s5, $0x0  }
0x1f: {  	s9 =	smul.u32 $0xF7A, s1;
	s8 =	simm.s32 @!p0 $0x1BF5;
	p2 =	por !p2, p0  }
0x20: {  	[sflag:s8] =	ssyncset.s32 @!p0 $0xFFFFF086;
	s6 =	sadd.s32 @!p0 s3, s7;
	s7 =	simm.s32 @!p0 $0x108  }
0x21: {  	s3 =	sadd.s32 s3, s9;
	s6 =	sadd.s32 @!p0 $0x88, s6;
	s7 =	simm.s32 @p2 $0x1082  }
0x22: {  	[simem:s7], [sflag:s8] =	dma.local @!p0 [hbm:s6], $0xF7A  }
0x23: {  	s9 =	sor.u32 $0xD0000000, s2;
	s6 =	simm.s32 $0x108;
	_ =	swait.ge @!p0 [sflag:s8], $0x0  }
0x24: {  	s3 =	sadd.s32 $0x88, s3;
	s6 =	simm.s32 @!p1 $0x1082;
	[sflag:s4] =	ssyncset.s32 $0xFFFFF086  }
0x25: {  	[simem:s6], [sflag:s4] =	dma.local [hbm:s3], $0xF7A  }
0x26: {  	[smem:$0x3F9D] =	sst s1;
	(tag) =	ssettag s2;
	_ =	strace s9  }
0x27: {  	s1 =	sld [smem:$0x3FAD]  }
0x28: {  	s2 =	sld [smem:$0x3FAE]  }
0x29: {  	s4 =	sld [smem:$0x3FB0]  }
0x2a: {  	p0 =	seq.s32 s5, $0x0;
	s5 =	sld [smem:$0x3FB1]  }
0x2b: {  	s6 =	sld [smem:$0x3FB2]  }
0x2c: {  	s7 =	sld [smem:$0x3FB3]  }
0x2d: {  	s3 =	simm.s32 $0x108;
	s8 =	sld [smem:$0x3FB4]  }
0x2e: {  	s3 =	simm.s32 @!p0 $0x1082;
	s9 =	sld [smem:$0x3FB5]  }
0x2f: {  	lr =	sadd.s32 s0, s3;
	s0 =	sld [smem:$0x3FAC]  }
0x30: {  	s3 =	sld [smem:$0x3FAF]  }
0x31: {  	[smem:$0x3FB8] =	sst s10  }
0x32: {  	s10 =	sld [smem:$0x3FB6];
	_ =	sdelay $0x3  }
0x33: {  	p0 =	seq.s32 s10, $0x1;
	s10 =	sld [smem:$0x3FB8];
	_ =	sdelay $0x3  }
0x34: {  	[smem:$0x3FB8] =	sst s10  }
0x35: {  	s10 =	sld [smem:$0x3FB7];
	_ =	sdelay $0x3  }
0x36: {  	p1 =	seq.s32 s10, $0x1;
	s10 =	sld [smem:$0x3FB8];
	_ =	sdelay $0x3  }
0x37: {  	[smem:$0x3FB8] =	sst s10  }
0x38: {  	s10 =	sld [smem:$0x3FB9]  }
0x39: {  	_ = 	snop;
	(pc) =	sbr.ind lr, $3  }
0x3a: {  	_ = 	snop  }
0x3b: {  	_ = 	snop  }
0x3c: {  	p2 =	seq.s32 s10, $0x1;
	s10 =	sld [smem:$0x3FB8]  }
0x3d: {  	_ =	shalt  }
0x3e: {  	_ =	shalt  }
0x3f: {  	_ =	shalt  }
0x40: {  	_ =	shalt  }
0x41: {  	_ =	shalt  }
0x42: {  	_ =	shalt  }
0x43: {  	_ =	shalt  }
0x44: {  	_ =	shalt  }
0x45: {  	_ =	shalt  }
0x46: {  	_ =	shalt  }
0x47: {  	_ =	shalt  }
0x48: {  	_ =	shalt  }
0x49: {  	_ =	shalt  }
0x4a: {  	_ =	shalt  }
0x4b: {  	_ =	shalt  }
0x4c: {  	_ =	shalt  }
0x4d: {  	_ =	shalt  }
0x4e: {  	_ =	shalt  }
0x4f: {  	_ =	shalt  }
0x50: {  	_ =	shalt  }
0x51: {  	_ =	shalt  }
0x52: {  	_ =	shalt  }
0x53: {  	_ =	shalt  }
0x54: {  	_ =	shalt  }
0x55: {  	_ =	shalt  }
0x56: {  	_ =	shalt  }
0x57: {  	_ =	shalt  }
0x58: {  	_ =	shalt  }
0x59: {  	_ =	shalt  }
0x5a: {  	_ =	shalt  }
0x5b: {  	_ =	shalt  }
0x5c: {  	_ =	shalt  }
0x5d: {  	_ =	shalt  }
0x5e: {  	_ =	shalt  }
0x5f: {  	_ =	shalt  }
0x60: {  	_ =	shalt  }
0x61: {  	_ =	shalt  }
0x62: {  	_ =	shalt  }
0x63: {  	_ =	shalt  }
0x64: {  	_ =	shalt  }
0x65: {  	_ =	shalt  }
0x66: {  	_ =	shalt  }
0x67: {  	_ =	shalt  }
0x68: {  	_ =	shalt  }
0x69: {  	_ =	shalt  }
0x6a: {  	_ =	shalt  }
0x6b: {  	_ =	shalt  }
0x6c: {  	_ =	shalt  }
0x6d: {  	_ =	shalt  }
0x6e: {  	_ =	shalt  }
0x6f: {  	_ =	shalt  }
0x70: {  	_ =	shalt  }
0x71: {  	_ =	shalt  }
0x72: {  	_ =	shalt  }
0x73: {  	_ =	shalt  }
0x74: {  	_ =	shalt  }
0x75: {  	_ =	shalt  }
0x76: {  	_ =	shalt  }
0x77: {  	_ =	shalt  }
0x78: {  	_ =	shalt  }
0x79: {  	_ =	shalt  }
0x7a: {  	_ =	shalt  }
0x7b: {  	_ =	shalt  }
0x7c: {  	_ =	shalt  }
0x7d: {  	_ =	shalt  }
0x7e: {  	_ =	shalt  }
0x7f: {  	_ =	shalt  }
0x80: {  	_ =	shalt  }
0x81: {  	_ =	shalt  }
0x82: {  	_ =	shalt  }
0x83: {  	_ =	shalt  }
0x84: {  	_ =	shalt  }
0x85: {  	_ =	shalt  }
0x86: {  	_ =	shalt  }
0x87: {  	_ =	shalt  }
.Lfunc_end0:
.L_simem_size_0:
called_computation.1_lowered:
.L_overlay_start_0:
0x88: {  	s2 =	sld [smem:$0x3FD9]  }
0x89: {  	s3 =	sld [smem:$0x3FFE];
	_ =	sdelay $0x1  }
0x8a: {  	s1 =	srdreg.scid  }
0x8b: {  	s0 =	sand.u32 $0x1, s1  }
0x8c: {  	s17 =	sshll.u32 s0, $0xA;
	s2 =	sadd.s32 s3, s2  }
0x8d: {  	s2 =	sadd.s32 s2, s17  }
0x8e: {  	[smem:$0x3FC4] =	sst s2  }
0x8f: {  	_ = 	snop  }
0x90: {  	(tm) =	ssettm $0x1  }
0x91: {  	s18 =	sld [smem:$0x3FFB];
	_ =	sdelay $0x3  }
0x92: {  	_ =	strace s18  }
0x93: {  	s2 =	sld [smem:$0x3FFC];
	_ =	sdelay $0x3  }
0x94: {  	_ =	strace s2  }
0x95: {  	s2 =	sld [smem:$0x3FFD];
	_ =	sdelay $0x3  }
0x96: {  	_ =	strace s2  }
0x97: {  	_ =	strace $0x8FFFFFFF  }
0x98: {  	s19 =	sld [smem:$0x3FDB];
	_ =	sdelay $0x1  }
0x99: {  	s20 =	simm.s32 $_scs_section_size  }
0x9a: {  	s4 =	simm.s32 $_size__tile_overlayer_lowered;
	s5 =	simm.s32 $_tile_overlayer_lowered  }
0x9b: {  	s6 =	simm.s32 $0x1BFF;
	s21 =	sshll.u32 s5, $0x1;
	s3 =	sadd.s32 s20, s19  }
0x9c: {  	s22 =	simm.s32 $0x0;
	s4 =	sshll.u32 s4, $0x1;
	s5 =	sadd.s32 s21, s3  }
0x9d: {  	[timem:s22], [sflag:s6] =	dma.local [hbm:s5], s4  }
0x9e: {  	_ =	swait.ge [sflag:s6], s4  }
0x9f: {  	s4 =	ssub.s32 $0x0, s4;
	[sflag:s6] =	ssyncset.done $0x0  }
0xa0: {  	[sflag:s6] =	ssyncadd.s32 s4;
	_ =	sdelay $0x1  }
0xa1: {  	s23 =	simm.s32 $0x1B8B  }
0xa2: {  	_ =	swait.ge [sflag:s23], $0x1  }
0xa3: {  	[sflag:s23] =	ssyncset.done $0x0  }
0xa4: {  	[sflag:s23] =	ssyncadd.s32 $0xFFFFFFFF  }
0xa5: {  	s4 =	sld [smem:$0x0]  }
0xa6: {  	s5 =	sand.u32 $0xFFFFFFFE, s1  }
0xa7: {  	p0 =	sne.s32 s1, s5  }
0xa8: {  	s5 =	sshll.u32 @p0 s5, $0xE  }
0xa9: {  	s5 =	sadd.s32 @p0 $0x11B8D, s5;
	s6 =	sshll.u32 @p0 s4, $0x11  }
0xaa: {  	s5 =	sor.u32 @p0 s6, s5  }
0xab: {  	[sflag:s5] =	ssyncadd.remote.s32 @p0 $0x1;
	_ =	sdelay $0x1  }
0xac: {  	s5 =	simm.s32 @p0 $0x1B8D  }
0xad: {  	_ =	swait.eq @p0 [sflag:s5], $0x1  }
0xae: {  	[sflag:s5] =	ssyncadd.s32 @p0 $0xFFFFFFFF  }
0xaf: {  	s6 =	sshll.u32 @!p0 s1, $0xE  }
0xb0: {  	s6 =	sor.u32 @!p0 $0x4000, s6;
	s5 =	simm.s32 @!p0 $0x1B8D  }
0xb1: {  	s4 =	sshll.u32 @!p0 s4, $0x11;
	s6 =	sadd.s32 @!p0 $0x11B8D, s6;
	_ =	swait.eq @!p0 [sflag:s5], $0x1  }
0xb2: {  	s4 =	sor.u32 @!p0 s4, s6;
	[sflag:s5] =	ssyncadd.s32 @!p0 $0xFFFFFFFF  }
0xb3: {  	s25 =	simm.s32 $0x1B8E;
	s24 =	sld [smem:$0x3FFE];
	[sflag:s4] =	ssyncadd.remote.s32 @!p0 $0x1  }
0xb4: {  	s26 =	simm.s32 $execute0_lowered;
	[smem:$0x3FD2] =	sst s25  }
0xb5: {  	s5 =	sshll.u32 s26, $0x1;
	_ =	strace $0x80000049;
	[dreg:$0x1] =	wrdreg $0xFFFFFFFF  }
0xb6: {  	s28 =	simm.s32 $_size_execute0_lowered;
	s3 =	sadd.s32 s3, s5;
	[dreg:$0x0] =	wrdreg $0x0  }
0xb7: {  	s5 =	sshll.u32 s28, $0x1;
	[dreg:$0x2] =	wrdreg s3  }
0xb8: {  	[dreg:$0x3] =	wrdreg s5  }
0xb9: {  	[dreg:$0x4] =	wrdreg $0xC0  }
0xba: {  	_ =	task [dreg:s22], $0x5FFFF  }
0xbb: {  	[dreg:$0x1] =	wrdreg $0xFFFFFFFF  }
0xbc: {  	[dreg:$0x0] =	wrdreg $0x60  }
0xbd: {  	[dreg:$0x2] =	wrdreg s24  }
0xbe: {  	[dreg:$0x3] =	wrdreg $0xA  }
0xbf: {  	_ =	task.clear_ibuf [dreg:s22], $0x4FFFF;
	_ =	strace $0x90000049  }
0xc0: {  	s29 =	simm.s32 $0xA;
	_ =	strace $0x8000004B  }
0xc1: {  	_ =	swait.ge [sflag:s29], $0x1  }
0xc2: {  	[sflag:s29] =	ssyncadd.s32 $0xFFFFFFFF  }
0xc3: {  	_ =	strace $0x9000004B  }
0xc4: {  	_ =	sfence  }
0xc5: {  	s30 =	sld [smem:$0x0];
	_ =	sdelay $0x2  }
0xc6: {  	s31 =	sshll.u32 s1, $0xD;
	s1 =	sshrl.u32 s1, $0x2  }
0xc7: {  	s4 =	sand.u32 $0x4000, s31;
	s1 =	sadd.s32 s1, s30  }
0xc8: {  	s0 =	sor.u32 s4, s0;
	s1 =	sshll.u32 s1, $0x11  }
0xc9: {  	s0 =	sor.u32 s1, s0  }
0xca: {  	s0 =	sadd.s32 $0x8F2B, s0  }
0xcb: {  	[sflag:s0] =	ssyncadd.remote.s32 $0x1  }
0xcc: {  	_ =	sfence.sel $0xFFFF  }
0xcd: {  	[dreg:$0x0] =	wrdreg $0xFFFFFFFF;
	(pc) =	sbr.abs _section_cstart, $3  }
0xce: {  	[dreg:$0x1] =	wrdreg $0xFFFFFFFF  }
0xcf: {  	_ =	task.clear_ibuf [dreg:s22], $0x2FFFF;
	_ =	strace $0x9FFFFFFF  }
0xd0: {  	(tm) =	ssettm $0x7FFFFFFF  }
0xd1: {  	_ =	shalt  }
tec
execute0_lowered:
.L_overlay_start_1:
0x0: {  	(tag) =	ssettag $0x1  }
0x1: {  	s0 =	rddreg [dreg:$0x0];
	s1 =	simm.s32 $0x0  }
0x2: {  	s2 =	srdreg.scid;
	s6 =	stileid.u32;
	s8 =	simm.s32 $0x3  }
0x3: {  	s9 =	simm.s32 $0x800;
	s14 =	simm.s32 $0x3000;
	s15 =	simm.s32 $0x3800  }
0x4: {  	s16 =	simm.s32 $0x4000;
	s17 =	simm.s32 $0x4800;
	s18 =	simm.s32 $0x5000  }
0x5: {  	s19 =	simm.s32 $0x5800;
	s20 =	simm.s32 $0x6000;
	s21 =	simm.s32 $0x6800  }
0x6: {  	s22 =	simm.s32 $0x7000;
	s23 =	simm.s32 $0x7800;
	s24 =	simm.s32 $0x8000  }
0x7: {  	s25 =	simm.s32 $0x8800;
	s28 =	simm.s32 $0x9800;
	s29 =	simm.s32 $0xA000  }
0x8: {  	s30 =	simm.s32 $0x1;
	s31 =	simm.s32 $0x2;
	[smem:$0x7FF] =	sst s1  }
0x9: {  	s2 =	sand.u32 $0x1, s2;
	s4 =	sshll.u32 s6, $0x9;
	s6 =	smul.u32 $0x14000, s6  }
0xa: {  	s5 =	sshll.u32 s2, $0x8;
	s26 =	ssub.s32 $0x2, s2;
	s2 =	smul.u32 $0xA000, s2  }
.Ltmp0:
0xb: {  	s3 =	sadd.s32 $0x1800, s0;
	_ =	strace $0x8000004A;
	(pc) =	sbr.rel .LBB2_1-.Ltmp0, $4  }
0xc: {  	s4 =	sor.u32 s5, s4;
	s6 =	sadd.s32 s6, s0;
	s7 =	sshrl.u32 s26, $0x1  }
0xd: {  	v2 =	vlaneseq.u32;
	s5 =	sadd.s32 $0x1900, s0;
	s4 =	sadd.s32 s4, s0;
	s7 =	ssub.s32 s26, s7  }
0xe: {  	vm0 =	vmmov $0xffff;
	v1 =	vshrl.u32 v2, $0x3;
	s2 =	sadd.s32 s2, s6;
	s26 =	simm.s32 $0x9000;
	s0 =	simm.s32 $0x0  }
0xf: {  	v0 =	vand.u32 $0x7, v2;
	v2 =	vor.u32 $0x8, v2;
	v1 =	vmul.u32 $0x8, v1;
	s4 =	sadd.s32 $0x151200, s4;
	s6 =	smax.u32 s7, $0x1;
	s7 =	sadd.s32 $0x157200, s2  }
.LBB2_4:
0x10: {  	s0 =	sadd.s32 $0x1, s0  }
0x11: {  	p0 =	sne.s32 s0, s6  }
.Ltmp1:
0x12: {  	_ = 	snop;
	(pc) =	sbr.rel @!p0 .LBB2_5-.Ltmp1, $1  }
0x13: {  	_ =	sdelay $0x3  }
.LBB2_1:
0x14: {  	[tilespmem:s1], [sflag:$0x3] =	stream.linear.gather [hbm4b:s4+s1], $0x800, $0x38;
	[tilespmem:$0xA800] =	vst v63  }
0x15: {  	_ =	swait.ge [sflag:s8], $0x800  }
0x16: {  	[sflag:s8] =	ssyncset.done $0x0  }
0x17: {  	[sflag:s8] =	ssyncadd.s32 $0xFFFFF800  }
0x18: {  	v3 =	vld [tilespmem:$0x0];
	_ =	sdelay $0x4  }
0x19: {  	v4 =	vshll.u32 v3, $0x2  }
0x1a: {  	v3 =	vand.u32 $0x7, v3;
	v4 =	vand.u32 $0xFFFFFFE0, v4  }
0x1b: {  	v3 =	vor.u32 v3, v4  }
0x1c: {  	v4 =	vperm.xlane v3, v0;
	_ =	sdelay $0x1  }
0x1d: {  	v4 =	vadd.s32 v1, v4;
	_ =	sdelay $0x1  }
0x1e: {  	v3 =	vperm.xlane v3, v2;
	_ =	sdelay $0x1  }
0x1f: {  	v3 =	vadd.s32 v1, v3  }
0x20: {  	[tilespmem:s9], [sflag:$0x1] =	stream.indirect_vreg.gather [hbm4b:s3+s1], $0x80, v4, vm0, $0xb8;
	[tilespmem:$0xA800] =	vst v63  }
0x21: {  	s2 =	simm.s32 $0x1000  }
0x22: {  	[tilespmem:s2], [sflag:$0x1] =	stream.indirect_vreg.gather [hbm4b:s5+s1], $0x80, v4, vm0, $0xb8;
	[tilespmem:$0xA800] =	vst v63  }
0x23: {  	s11 =	simm.s32 $0x1800  }
0x24: {  	[tilespmem:s11], [sflag:$0x1] =	stream.indirect_vreg.gather [hbm4b:s3+s1], $0x80, v3, vm0, $0xb8;
	[tilespmem:$0xA800] =	vst v63  }
0x25: {  	s12 =	simm.s32 $0x2000  }
0x26: {  	[tilespmem:s12], [sflag:$0x1] =	stream.indirect_vreg.gather [hbm4b:s5+s1], $0x80, v3, vm0, $0xb8;
	[tilespmem:$0xA800] =	vst v63  }
0x27: {  	v3 =	vld [tilespmem:$0x10];
	_ =	sdelay $0x4  }
0x28: {  	v59 =	vshll.u32 v3, $0x2  }
0x29: {  	v3 =	vand.u32 $0x7, v3;
	v4 =	vand.u32 $0xFFFFFFE0, v59  }
0x2a: {  	v3 =	vor.u32 v3, v4  }
0x2b: {  	v4 =	vperm.xlane v3, v0;
	_ =	sdelay $0x1  }
0x2c: {  	v4 =	vadd.s32 v1, v4;
	_ =	sdelay $0x1  }
0x2d: {  	v3 =	vperm.xlane v3, v2;
	_ =	sdelay $0x1  }
0x2e: {  	s13 =	simm.s32 $0x2800;
	v3 =	vadd.s32 v1, v3  }
0x2f: {  	[tilespmem:s13], [sflag:$0x1] =	stream.indirect_vreg.gather [hbm4b:s3+s1], $0x80, v4, vm0, $0xb8;
	[tilespmem:$0xA800] =	vst v63  }
0x30: {  	_ = 	snop  }
0x31: {  	[tilespmem:s14], [sflag:$0x1] =	stream.indirect_vreg.gather [hbm4b:s5+s1], $0x80, v4, vm0, $0xb8;
	[tilespmem:$0xA800] =	vst v63  }
0x32: {  	_ = 	snop  }
0x33: {  	[tilespmem:s15], [sflag:$0x1] =	stream.indirect_vreg.gather [hbm4b:s3+s1], $0x80, v3, vm0, $0xb8;
	[tilespmem:$0xA800] =	vst v63  }
0x34: {  	_ = 	snop  }
0x35: {  	[tilespmem:s16], [sflag:$0x1] =	stream.indirect_vreg.gather [hbm4b:s5+s1], $0x80, v3, vm0, $0xb8;
	[tilespmem:$0xA800] =	vst v63  }
0x36: {  	v3 =	vld.msk [tilespmem:$0x20], $0xff;
	_ =	sdelay $0x4  }
0x37: {  	v60 =	vshll.u32 v3, $0x2  }
0x38: {  	v3 =	vand.u32 $0x7, v3;
	v4 =	vand.u32 $0xFFFFFFE0, v60  }
0x39: {  	v3 =	vor.u32 v3, v4  }
0x3a: {  	v3 =	vperm.xlane v3, v0;
	_ =	sdelay $0x1  }
0x3b: {  	v3 =	vadd.s32 v1, v3;
	_ =	sdelay $0x4  }
0x3c: {  	[tilespmem:s17], [sflag:$0x1] =	stream.indirect_vreg.gather [hbm4b:s3+s1], $0x80, v3, vm0, $0xb8;
	[tilespmem:$0xA800] =	vst v63  }
0x3d: {  	_ = 	snop  }
0x3e: {  	[tilespmem:s18], [sflag:$0x1] =	stream.indirect_vreg.gather [hbm4b:s5+s1], $0x80, v3, vm0, $0xb8;
	[tilespmem:$0xA800] =	vst v63  }
0x3f: {  	v3 =	vld [tilespmem:$0x80];
	_ =	sdelay $0x4  }
0x40: {  	v61 =	vshll.u32 v3, $0x2  }
0x41: {  	v3 =	vand.u32 $0x7, v3;
	v4 =	vand.u32 $0xFFFFFFE0, v61  }
0x42: {  	v3 =	vor.u32 v3, v4  }
0x43: {  	v4 =	vperm.xlane v3, v0;
	_ =	sdelay $0x1  }
0x44: {  	v4 =	vadd.s32 v1, v4;
	_ =	sdelay $0x1  }
0x45: {  	v3 =	vperm.xlane v3, v2;
	_ =	sdelay $0x1  }
0x46: {  	v3 =	vadd.s32 v1, v3  }
0x47: {  	[tilespmem:s19], [sflag:$0x2] =	stream.indirect_vreg.gather [hbm4b:s3+s1], $0x80, v4, vm0, $0xb8;
	[tilespmem:$0xA800] =	vst v63  }
0x48: {  	_ = 	snop  }
0x49: {  	[tilespmem:s20], [sflag:$0x2] =	stream.indirect_vreg.gather [hbm4b:s5+s1], $0x80, v4, vm0, $0xb8;
	[tilespmem:$0xA800] =	vst v63  }
0x4a: {  	_ = 	snop  }
0x4b: {  	[tilespmem:s21], [sflag:$0x2] =	stream.indirect_vreg.gather [hbm4b:s3+s1], $0x80, v3, vm0, $0xb8;
	[tilespmem:$0xA800] =	vst v63  }
0x4c: {  	_ = 	snop  }
0x4d: {  	[tilespmem:s22], [sflag:$0x2] =	stream.indirect_vreg.gather [hbm4b:s5+s1], $0x80, v3, vm0, $0xb8;
	[tilespmem:$0xA800] =	vst v63  }
0x4e: {  	v3 =	vld [tilespmem:$0x90];
	_ =	sdelay $0x4  }
0x4f: {  	v62 =	vshll.u32 v3, $0x2  }
0x50: {  	v3 =	vand.u32 $0x7, v3;
	v4 =	vand.u32 $0xFFFFFFE0, v62  }
0x51: {  	v3 =	vor.u32 v3, v4  }
0x52: {  	v4 =	vperm.xlane v3, v0;
	_ =	sdelay $0x1  }
0x53: {  	v4 =	vadd.s32 v1, v4;
	_ =	sdelay $0x1  }
0x54: {  	v3 =	vperm.xlane v3, v2;
	_ =	sdelay $0x1  }
0x55: {  	v3 =	vadd.s32 v1, v3  }
0x56: {  	[tilespmem:s23], [sflag:$0x2] =	stream.indirect_vreg.gather [hbm4b:s3+s1], $0x80, v4, vm0, $0xb8;
	[tilespmem:$0xA800] =	vst v63  }
0x57: {  	_ = 	snop  }
0x58: {  	[tilespmem:s24], [sflag:$0x2] =	stream.indirect_vreg.gather [hbm4b:s5+s1], $0x80, v4, vm0, $0xb8;
	[tilespmem:$0xA800] =	vst v63  }
0x59: {  	_ = 	snop  }
0x5a: {  	[tilespmem:s25], [sflag:$0x2] =	stream.indirect_vreg.gather [hbm4b:s3+s1], $0x80, v3, vm0, $0xb8;
	[tilespmem:$0xA800] =	vst v63  }
0x5b: {  	_ = 	snop  }
0x5c: {  	[tilespmem:s26], [sflag:$0x2] =	stream.indirect_vreg.gather [hbm4b:s5+s1], $0x80, v3, vm0, $0xb8;
	[tilespmem:$0xA800] =	vst v63  }
0x5d: {  	v3 =	vld.msk [tilespmem:$0xA0], $0xff;
	_ =	sdelay $0x4  }
0x5e: {  	v63 =	vshll.u32 v3, $0x2  }
0x5f: {  	v3 =	vand.u32 $0x7, v3;
	v4 =	vand.u32 $0xFFFFFFE0, v63  }
0x60: {  	v3 =	vor.u32 v3, v4  }
0x61: {  	v3 =	vperm.xlane v3, v0;
	_ =	sdelay $0x1  }
0x62: {  	v3 =	vadd.s32 v1, v3;
	_ =	sdelay $0x4  }
0x63: {  	[tilespmem:s28], [sflag:$0x2] =	stream.indirect_vreg.gather [hbm4b:s3+s1], $0x80, v3, vm0, $0xb8;
	[tilespmem:$0xA800] =	vst v63  }
0x64: {  	s10 =	simm.s32 $0x0;
	s2 =	simm.s32 $0x1A0  }
0x65: {  	[tilespmem:s29], [sflag:$0x2] =	stream.indirect_vreg.gather [hbm4b:s5+s1], $0x80, v3, vm0, $0xb8;
	[tilespmem:$0xA800] =	vst v63  }
.LBB2_2:
0x66: {  	_ =	swait.ge [sflag:s30], $0x5000  }
0x67: {  	[sflag:s30] =	ssyncset.done $0x0  }
0x68: {  	s11 =	sadd.s32 s10, s7;
	[sflag:s30] =	ssyncadd.s32 $0xFFFFB000  }
0x69: {  	[hbm4b:s11+s1] =	stream.linear.scatter [tilespmem:s9], [sflag:$0x3], $0x5000, $0x38;
	[tilespmem:$0xA800] =	vst v63  }
0x6a: {  	_ =	swait.ge [sflag:s8], $0x5000  }
0x6b: {  	[sflag:s8] =	ssyncset.done $0x0  }
0x6c: {  	p0 =	seq.s32 s10, $0x8C00;
	[sflag:s8] =	ssyncadd.s32 $0xFFFFB000  }
0x6d: {  	v3 =	vld @!p0 [tilespmem:s2+$0xFFFFFF60];
	_ =	sdelay $0x4  }
0x6e: {  	v4 =	vshll.u32 @!p0 v3, $0x2  }
0x6f: {  	v5 =	vlaneseq.u32 @!p0;
	v3 =	vand.u32 @!p0 $0x7, v3;
	v4 =	vand.u32 @!p0 $0xFFFFFFE0, v4  }
0x70: {  	v6 =	vshrl.u32 @!p0 v5, $0x3;
	v3 =	vor.u32 @!p0 v3, v4;
	v4 =	vand.u32 @!p0 $0x7, v5  }
0x71: {  	v6 =	vmul.u32 @!p0 $0x8, v6;
	v7 =	vperm.xlane @!p0 v3, v4;
	_ =	sdelay $0x1  }
0x72: {  	v7 =	vadd.s32 @!p0 v6, v7  }
0x73: {  	v5 =	vor.u32 @!p0 $0x8, v5  }
0x74: {  	v3 =	vperm.xlane @!p0 v3, v5;
	_ =	sdelay $0x1  }
0x75: {  	vm1 =	vmmov @!p0 $0xffff;
	s12 =	simm.s32 @!p0 $0x0;
	s13 =	simm.s32 @!p0 $0x800;
	v3 =	vadd.s32 @!p0 v6, v3  }
0x76: {  	[tilespmem:s13], [sflag:$0x1] =	stream.indirect_vreg.gather @!p0 [hbm4b:s3+s12], $0x80, v7, vm1, $0xb8;
	[tilespmem:$0xA800] =	vst v63  }
0x77: {  	s13 =	simm.s32 @!p0 $0x1000  }
0x78: {  	[tilespmem:s13], [sflag:$0x1] =	stream.indirect_vreg.gather @!p0 [hbm4b:s5+s12], $0x80, v7, vm1, $0xb8;
	[tilespmem:$0xA800] =	vst v63  }
0x79: {  	s13 =	simm.s32 @!p0 $0x1800  }
0x7a: {  	[tilespmem:s13], [sflag:$0x1] =	stream.indirect_vreg.gather @!p0 [hbm4b:s3+s12], $0x80, v3, vm1, $0xb8;
	[tilespmem:$0xA800] =	vst v63  }
0x7b: {  	s13 =	simm.s32 @!p0 $0x2000  }
0x7c: {  	[tilespmem:s13], [sflag:$0x1] =	stream.indirect_vreg.gather @!p0 [hbm4b:s5+s12], $0x80, v3, vm1, $0xb8;
	[tilespmem:$0xA800] =	vst v63  }
0x7d: {  	v3 =	vld @!p0 [tilespmem:s2+$0xFFFFFF70];
	_ =	sdelay $0x4  }
0x7e: {  	v7 =	vshll.u32 @!p0 v3, $0x2  }
0x7f: {  	v3 =	vand.u32 @!p0 $0x7, v3;
	v7 =	vand.u32 @!p0 $0xFFFFFFE0, v7  }
0x80: {  	v3 =	vor.u32 @!p0 v3, v7  }
0x81: {  	v7 =	vperm.xlane @!p0 v3, v4;
	_ =	sdelay $0x1  }
0x82: {  	v7 =	vadd.s32 @!p0 v6, v7;
	_ =	sdelay $0x1  }
0x83: {  	v3 =	vperm.xlane @!p0 v3, v5;
	_ =	sdelay $0x1  }
0x84: {  	s13 =	simm.s32 @!p0 $0x2800;
	v3 =	vadd.s32 @!p0 v6, v3  }
0x85: {  	[tilespmem:s13], [sflag:$0x1] =	stream.indirect_vreg.gather @!p0 [hbm4b:s3+s12], $0x80, v7, vm1, $0xb8;
	[tilespmem:$0xA800] =	vst v63  }
0x86: {  	s13 =	simm.s32 @!p0 $0x3000  }
0x87: {  	[tilespmem:s13], [sflag:$0x1] =	stream.indirect_vreg.gather @!p0 [hbm4b:s5+s12], $0x80, v7, vm1, $0xb8;
	[tilespmem:$0xA800] =	vst v63  }
0x88: {  	s13 =	simm.s32 @!p0 $0x3800  }
0x89: {  	[tilespmem:s13], [sflag:$0x1] =	stream.indirect_vreg.gather @!p0 [hbm4b:s3+s12], $0x80, v3, vm1, $0xb8;
	[tilespmem:$0xA800] =	vst v63  }
0x8a: {  	s13 =	simm.s32 @!p0 $0x4000  }
0x8b: {  	[tilespmem:s13], [sflag:$0x1] =	stream.indirect_vreg.gather @!p0 [hbm4b:s5+s12], $0x80, v3, vm1, $0xb8;
	[tilespmem:$0xA800] =	vst v63  }
0x8c: {  	v3 =	vld.msk @!p0 [tilespmem:s2+$0xFFFFFF80], $0xff;
	_ =	sdelay $0x4  }
0x8d: {  	v5 =	vshll.u32 @!p0 v3, $0x2  }
0x8e: {  	v3 =	vand.u32 @!p0 $0x7, v3;
	v5 =	vand.u32 @!p0 $0xFFFFFFE0, v5  }
0x8f: {  	v3 =	vor.u32 @!p0 v3, v5  }
0x90: {  	v3 =	vperm.xlane @!p0 v3, v4;
	_ =	sdelay $0x1  }
0x91: {  	v3 =	vadd.s32 @!p0 v6, v3;
	_ =	sdelay $0x3  }
0x92: {  	s13 =	simm.s32 @!p0 $0x4800  }
0x93: {  	[tilespmem:s13], [sflag:$0x1] =	stream.indirect_vreg.gather @!p0 [hbm4b:s3+s12], $0x80, v3, vm1, $0xb8;
	[tilespmem:$0xA800] =	vst v63  }
0x94: {  	s13 =	simm.s32 @!p0 $0x5000  }
0x95: {  	[tilespmem:s13], [sflag:$0x1] =	stream.indirect_vreg.gather @!p0 [hbm4b:s5+s12], $0x80, v3, vm1, $0xb8;
	[tilespmem:$0xA800] =	vst v63  }
0x96: {  	_ =	swait.ge [sflag:s31], $0x5000  }
0x97: {  	[sflag:s31] =	ssyncset.done $0x0  }
.Ltmp2:
0x98: {  	s11 =	sadd.s32 $0xA00, s11;
	[sflag:s31] =	ssyncadd.s32 $0xFFFFB000;
	(pc) =	sbr.rel @p0 .LBB2_4-.Ltmp2, $4  }
0x99: {  	[hbm4b:s11+s1] =	stream.linear.scatter [tilespmem:s19], [sflag:$0x3], $0x5000, $0x38;
	[tilespmem:$0xA800] =	vst v63  }
0x9a: {  	_ =	swait.ge [sflag:s8], $0x5000  }
0x9b: {  	[sflag:s8] =	ssyncset.done $0x0  }
0x9c: {  	[sflag:s8] =	ssyncadd.s32 $0xFFFFB000  }
0x9d: {  	v3 =	vld [tilespmem:s2+$0xFFFFFFE0];
	_ =	sdelay $0x4  }
0x9e: {  	v4 =	vshll.u32 v3, $0x2  }
0x9f: {  	v3 =	vand.u32 $0x7, v3;
	v4 =	vand.u32 $0xFFFFFFE0, v4  }
0xa0: {  	v3 =	vor.u32 v3, v4  }
0xa1: {  	v4 =	vperm.xlane v3, v0;
	_ =	sdelay $0x1  }
0xa2: {  	v4 =	vadd.s32 v1, v4;
	_ =	sdelay $0x1  }
0xa3: {  	v3 =	vperm.xlane v3, v2;
	_ =	sdelay $0x1  }
0xa4: {  	v3 =	vadd.s32 v1, v3  }
0xa5: {  	[tilespmem:s19], [sflag:$0x2] =	stream.indirect_vreg.gather [hbm4b:s3+s1], $0x80, v4, vm0, $0xb8;
	[tilespmem:$0xA800] =	vst v63  }
0xa6: {  	_ = 	snop  }
0xa7: {  	[tilespmem:s20], [sflag:$0x2] =	stream.indirect_vreg.gather [hbm4b:s5+s1], $0x80, v4, vm0, $0xb8;
	[tilespmem:$0xA800] =	vst v63  }
0xa8: {  	_ = 	snop  }
0xa9: {  	[tilespmem:s21], [sflag:$0x2] =	stream.indirect_vreg.gather [hbm4b:s3+s1], $0x80, v3, vm0, $0xb8;
	[tilespmem:$0xA800] =	vst v63  }
0xaa: {  	_ = 	snop  }
0xab: {  	[tilespmem:s22], [sflag:$0x2] =	stream.indirect_vreg.gather [hbm4b:s5+s1], $0x80, v3, vm0, $0xb8;
	[tilespmem:$0xA800] =	vst v63  }
0xac: {  	v3 =	vld [tilespmem:s2+$0xFFFFFFF0];
	_ =	sdelay $0x4  }
0xad: {  	v62 =	vshll.u32 v3, $0x2  }
0xae: {  	v3 =	vand.u32 $0x7, v3;
	v4 =	vand.u32 $0xFFFFFFE0, v62  }
0xaf: {  	v3 =	vor.u32 v3, v4  }
0xb0: {  	v4 =	vperm.xlane v3, v0;
	_ =	sdelay $0x1  }
0xb1: {  	v4 =	vadd.s32 v1, v4;
	_ =	sdelay $0x1  }
0xb2: {  	v3 =	vperm.xlane v3, v2;
	_ =	sdelay $0x1  }
0xb3: {  	v3 =	vadd.s32 v1, v3  }
0xb4: {  	[tilespmem:s23], [sflag:$0x2] =	stream.indirect_vreg.gather [hbm4b:s3+s1], $0x80, v4, vm0, $0xb8;
	[tilespmem:$0xA800] =	vst v63  }
0xb5: {  	_ = 	snop  }
0xb6: {  	[tilespmem:s24], [sflag:$0x2] =	stream.indirect_vreg.gather [hbm4b:s5+s1], $0x80, v4, vm0, $0xb8;
	[tilespmem:$0xA800] =	vst v63  }
0xb7: {  	_ = 	snop  }
0xb8: {  	[tilespmem:s25], [sflag:$0x2] =	stream.indirect_vreg.gather [hbm4b:s3+s1], $0x80, v3, vm0, $0xb8;
	[tilespmem:$0xA800] =	vst v63  }
0xb9: {  	_ = 	snop  }
0xba: {  	[tilespmem:s26], [sflag:$0x2] =	stream.indirect_vreg.gather [hbm4b:s5+s1], $0x80, v3, vm0, $0xb8;
	[tilespmem:$0xA800] =	vst v63  }
0xbb: {  	v3 =	vld.msk [tilespmem:s2+$0x0], $0xff;
	_ =	sdelay $0x4  }
0xbc: {  	v63 =	vshll.u32 v3, $0x2  }
0xbd: {  	v3 =	vand.u32 $0x7, v3;
	v4 =	vand.u32 $0xFFFFFFE0, v63  }
0xbe: {  	v3 =	vor.u32 v3, v4  }
0xbf: {  	v3 =	vperm.xlane v3, v0;
	_ =	sdelay $0x1  }
0xc0: {  	v3 =	vadd.s32 v1, v3;
	_ =	sdelay $0x2  }
.Ltmp3:
0xc1: {  	_ = 	snop;
	(pc) =	sbr.rel .LBB2_2-.Ltmp3, $4  }
0xc2: {  	_ = 	snop  }
0xc3: {  	[tilespmem:s28], [sflag:$0x2] =	stream.indirect_vreg.gather [hbm4b:s3+s1], $0x80, v3, vm0, $0xb8;
	[tilespmem:$0xA800] =	vst v63  }
0xc4: {  	s10 =	sadd.s32 $0x1400, s10;
	s2 =	sadd.s32 $0x100, s2  }
0xc5: {  	[tilespmem:s29], [sflag:$0x2] =	stream.indirect_vreg.gather [hbm4b:s5+s1], $0x80, v3, vm0, $0xb8;
	[tilespmem:$0xA800] =	vst v63  }
.LBB2_5:
0xc6: {  	_ =	sfence.sel $0x180000  }
0xc7: {  	[bflag:$0x0] =	sbarrier.arrive $0xFFFF  }
0xc8: {  	_ =	strace $0x9000004A  }
0xc9: {  	s0 =	stileid.u32;
	[bflag:$0x2] =	sbarrier.arrive $0xFFFF  }
0xca: {  	p0 =	sne.s32 s0, $0x0;
	s0 =	rddreg [dreg:$0x1]  }
0xcb: {  	s0 =	sadd.s32 @!p0 $0x100000, s0  }
0xcc: {  	[sflag:s0] =	ssyncadd.tile.s32 @!p0 $0x1;
	_ =	shalt  }
.Lfunc_end2:
_tile_overlayer_lowered:
.L_overlay_start_2:
0xcd: {  	(tag) =	ssettag $0x2  }
0xce: {  	s0 =	rddreg [dreg:$0x0];
	s2 =	stileid.u32  }
0xcf: {  	s1 =	rddreg [dreg:$0x1];
	p0 =	sne.s32 s2, $0x0  }
0xd0: {  	s3 =	rddreg [dreg:$0x2];
	[bflag:$0x3] =	sbarrier.arrive $0xFFFF;
	s2 =	simm.s32 @!p0 $0x1C03  }
0xd1: {  	[timem:s3], [sflag:s2] =	dma.local @!p0 [hbm:s0], s1  }
0xd2: {  	s0 =	simm.s32 @!p0 $0x3  }
0xd3: {  	_ =	swait.ge @!p0 [sflag:s0], s1  }
0xd4: {  	s1 =	ssub.s32 @!p0 $0x0, s1;
	[sflag:s0] =	ssyncset.done @!p0 $0x0  }
0xd5: {  	[sflag:s0] =	ssyncadd.s32 @!p0 s1  }
0xd6: {  	[bflag:$0x3] =	sbarrier.arrive $0xFFFF  }
0xd7: {  	_ =	shalt  }

// kernel: kernel.17.cloned.1.call-start
scs
__scs_entry_jumppad:
0x0: {  	(pc) =	sbr.rel $0x88, $3  }
0x1: {  	(tag) =	ssettag $0x0;
	lr =	simm.s32 $0x1  }
0x2: {  	[smem:$0x3F9D] =	sst lr;
	_ =	strace $0xD0000000  }
0x3: {  	_ = 	snop  }
0x4: {  	_ = 	snop  }
0x5: {  	_ = 	snop  }
0x6: {  	_ = 	snop  }
0x7: {  	_ = 	snop  }
__scs_overlays_trampoline_lowered:
0x8: {  	[smem:$0x3FAC] =	sst s0  }
0x9: {  	[smem:$0x3FAD] =	sst s1  }
0xa: {  	[smem:$0x3FAE] =	sst s2  }
0xb: {  	[smem:$0x3FAF] =	sst s3  }
0xc: {  	[smem:$0x3FB0] =	sst s4  }
0xd: {  	[smem:$0x3FB1] =	sst s5  }
0xe: {  	[smem:$0x3FB2] =	sst s6  }
0xf: {  	[smem:$0x3FB3] =	sst s7  }
0x10: {  	[smem:$0x3FB4] =	sst s8  }
0x11: {  	[smem:$0x3FB5] =	sst s9;
	s0 =	simm.s32 @!p0 $0x0  }
0x12: {  	s1 =	sld [smem:$0x3F9B];
	s0 =	simm.s32 @p0 $0x1  }
0x13: {  	[smem:$0x3FB6] =	sst s0;
	s0 =	simm.s32 @!p1 $0x0  }
0x14: {  	s2 =	sld [smem:$0x3F9A];
	s0 =	simm.s32 @p1 $0x1  }
0x15: {  	[smem:$0x3FB7] =	sst s0;
	s0 =	simm.s32 @!p2 $0x0  }
0x16: {  	s3 =	sld [smem:$0x3FDB];
	s0 =	simm.s32 @p2 $0x1  }
0x17: {  	s4 =	simm.s32 $0x1BF5;
	[smem:$0x3FB9] =	sst s0  }
0x18: {  	s0 =	sld [smem:$0x3F9C];
	_ =	swait.ge [sflag:s4], $0x0  }
0x19: {  	s7 =	sld [smem:$0x3F9D]  }
0x1a: {  	s8 =	sadd.s32 $0xFFFFE003, lr  }
0x1b: {  	s9 =	sadd.s32 $0xFFFFFEF7, lr;
	s5 =	simm.s32 $0xFFFFFFFF;
	p2 =	slt.u32 s8, $0xFFFFF086  }
0x1c: {  	p1 =	slt.u32 s9, $0xF7A;
	s5 =	simm.s32 @!p2 $0x0  }
0x1d: {  	s5 =	simm.s32 @p1 $0x1;
	p0 =	seq.s32 s7, s2  }
0x1e: {  	s7 =	smul.u32 @!p0 $0xF7A, s2;
	p2 =	seq.s32 @!p0 s5, $0x0  }
0x1f: {  	s9 =	smul.u32 $0xF7A, s1;
	s8 =	simm.s32 @!p0 $0x1BF5;
	p2 =	por !p2, p0  }
0x20: {  	[sflag:s8] =	ssyncset.s32 @!p0 $0xFFFFF086;
	s6 =	sadd.s32 @!p0 s3, s7;
	s7 =	simm.s32 @!p0 $0x108  }
0x21: {  	s3 =	sadd.s32 s3, s9;
	s6 =	sadd.s32 @!p0 $0x88, s6;
	s7 =	simm.s32 @p2 $0x1082  }
0x22: {  	[simem:s7], [sflag:s8] =	dma.local @!p0 [hbm:s6], $0xF7A  }
0x23: {  	s9 =	sor.u32 $0xD0000000, s2;
	s6 =	simm.s32 $0x108;
	_ =	swait.ge @!p0 [sflag:s8], $0x0  }
0x24: {  	s3 =	sadd.s32 $0x88, s3;
	s6 =	simm.s32 @!p1 $0x1082;
	[sflag:s4] =	ssyncset.s32 $0xFFFFF086  }
0x25: {  	[simem:s6], [sflag:s4] =	dma.local [hbm:s3], $0xF7A  }
0x26: {  	[smem:$0x3F9D] =	sst s1;
	(tag) =	ssettag s2;
	_ =	strace s9  }
0x27: {  	s1 =	sld [smem:$0x3FAD]  }
0x28: {  	s2 =	sld [smem:$0x3FAE]  }
0x29: {  	s4 =	sld [smem:$0x3FB0]  }
0x2a: {  	p0 =	seq.s32 s5, $0x0;
	s5 =	sld [smem:$0x3FB1]  }
0x2b: {  	s6 =	sld [smem:$0x3FB2]  }
0x2c: {  	s7 =	sld [smem:$0x3FB3]  }
0x2d: {  	s3 =	simm.s32 $0x108;
	s8 =	sld [smem:$0x3FB4]  }
0x2e: {  	s3 =	simm.s32 @!p0 $0x1082;
	s9 =	sld [smem:$0x3FB5]  }
0x2f: {  	lr =	sadd.s32 s0, s3;
	s0 =	sld [smem:$0x3FAC]  }
0x30: {  	s3 =	sld [smem:$0x3FAF]  }
0x31: {  	[smem:$0x3FB8] =	sst s10  }
0x32: {  	s10 =	sld [smem:$0x3FB6];
	_ =	sdelay $0x3  }
0x33: {  	p0 =	seq.s32 s10, $0x1;
	s10 =	sld [smem:$0x3FB8];
	_ =	sdelay $0x3  }
0x34: {  	[smem:$0x3FB8] =	sst s10  }
0x35: {  	s10 =	sld [smem:$0x3FB7];
	_ =	sdelay $0x3  }
0x36: {  	p1 =	seq.s32 s10, $0x1;
	s10 =	sld [smem:$0x3FB8];
	_ =	sdelay $0x3  }
0x37: {  	[smem:$0x3FB8] =	sst s10  }
0x38: {  	s10 =	sld [smem:$0x3FB9]  }
0x39: {  	_ = 	snop;
	(pc) =	sbr.ind lr, $3  }
0x3a: {  	_ = 	snop  }
0x3b: {  	_ = 	snop  }
0x3c: {  	p2 =	seq.s32 s10, $0x1;
	s10 =	sld [smem:$0x3FB8]  }
0x3d: {  	_ =	shalt  }
0x3e: {  	_ =	shalt  }
0x3f: {  	_ =	shalt  }
0x40: {  	_ =	shalt  }
0x41: {  	_ =	shalt  }
0x42: {  	_ =	shalt  }
0x43: {  	_ =	shalt  }
0x44: {  	_ =	shalt  }
0x45: {  	_ =	shalt  }
0x46: {  	_ =	shalt  }
0x47: {  	_ =	shalt  }
0x48: {  	_ =	shalt  }
0x49: {  	_ =	shalt  }
0x4a: {  	_ =	shalt  }
0x4b: {  	_ =	shalt  }
0x4c: {  	_ =	shalt  }
0x4d: {  	_ =	shalt  }
0x4e: {  	_ =	shalt  }
0x4f: {  	_ =	shalt  }
0x50: {  	_ =	shalt  }
0x51: {  	_ =	shalt  }
0x52: {  	_ =	shalt  }
0x53: {  	_ =	shalt  }
0x54: {  	_ =	shalt  }
0x55: {  	_ =	shalt  }
0x56: {  	_ =	shalt  }
0x57: {  	_ =	shalt  }
0x58: {  	_ =	shalt  }
0x59: {  	_ =	shalt  }
0x5a: {  	_ =	shalt  }
0x5b: {  	_ =	shalt  }
0x5c: {  	_ =	shalt  }
0x5d: {  	_ =	shalt  }
0x5e: {  	_ =	shalt  }
0x5f: {  	_ =	shalt  }
0x60: {  	_ =	shalt  }
0x61: {  	_ =	shalt  }
0x62: {  	_ =	shalt  }
0x63: {  	_ =	shalt  }
0x64: {  	_ =	shalt  }
0x65: {  	_ =	shalt  }
0x66: {  	_ =	shalt  }
0x67: {  	_ =	shalt  }
0x68: {  	_ =	shalt  }
0x69: {  	_ =	shalt  }
0x6a: {  	_ =	shalt  }
0x6b: {  	_ =	shalt  }
0x6c: {  	_ =	shalt  }
0x6d: {  	_ =	shalt  }
0x6e: {  	_ =	shalt  }
0x6f: {  	_ =	shalt  }
0x70: {  	_ =	shalt  }
0x71: {  	_ =	shalt  }
0x72: {  	_ =	shalt  }
0x73: {  	_ =	shalt  }
0x74: {  	_ =	shalt  }
0x75: {  	_ =	shalt  }
0x76: {  	_ =	shalt  }
0x77: {  	_ =	shalt  }
0x78: {  	_ =	shalt  }
0x79: {  	_ =	shalt  }
0x7a: {  	_ =	shalt  }
0x7b: {  	_ =	shalt  }
0x7c: {  	_ =	shalt  }
0x7d: {  	_ =	shalt  }
0x7e: {  	_ =	shalt  }
0x7f: {  	_ =	shalt  }
0x80: {  	_ =	shalt  }
0x81: {  	_ =	shalt  }
0x82: {  	_ =	shalt  }
0x83: {  	_ =	shalt  }
0x84: {  	_ =	shalt  }
0x85: {  	_ =	shalt  }
0x86: {  	_ =	shalt  }
0x87: {  	_ =	shalt  }
.Lfunc_end0:
.L_simem_size_0:
called_computation.2_lowered:
.L_overlay_start_0:
0x88: {  	s2 =	sld [smem:$0x3FD9]  }
0x89: {  	s3 =	sld [smem:$0x3FFE];
	_ =	sdelay $0x1  }
0x8a: {  	s1 =	srdreg.scid  }
0x8b: {  	s0 =	sand.u32 $0x1, s1  }
0x8c: {  	s17 =	sshll.u32 s0, $0xA;
	s2 =	sadd.s32 s3, s2  }
0x8d: {  	s2 =	sadd.s32 s2, s17  }
0x8e: {  	[smem:$0x3FC4] =	sst s2  }
0x8f: {  	_ = 	snop  }
0x90: {  	(tm) =	ssettm $0x1  }
0x91: {  	s18 =	sld [smem:$0x3FFB];
	_ =	sdelay $0x3  }
0x92: {  	_ =	strace s18  }
0x93: {  	s2 =	sld [smem:$0x3FFC];
	_ =	sdelay $0x3  }
0x94: {  	_ =	strace s2  }
0x95: {  	s2 =	sld [smem:$0x3FFD];
	_ =	sdelay $0x3  }
0x96: {  	_ =	strace s2  }
0x97: {  	_ =	strace $0x8FFFFFFF  }
0x98: {  	s19 =	sld [smem:$0x3FDB];
	_ =	sdelay $0x1  }
0x99: {  	s20 =	simm.s32 $_scs_section_size  }
0x9a: {  	s4 =	simm.s32 $_size__tile_overlayer_lowered;
	s5 =	simm.s32 $_tile_overlayer_lowered  }
0x9b: {  	s6 =	simm.s32 $0x1BFF;
	s21 =	sshll.u32 s5, $0x1;
	s3 =	sadd.s32 s20, s19  }
0x9c: {  	s22 =	simm.s32 $0x0;
	s4 =	sshll.u32 s4, $0x1;
	s5 =	sadd.s32 s21, s3  }
0x9d: {  	[timem:s22], [sflag:s6] =	dma.local [hbm:s5], s4  }
0x9e: {  	_ =	swait.ge [sflag:s6], s4  }
0x9f: {  	s4 =	ssub.s32 $0x0, s4;
	[sflag:s6] =	ssyncset.done $0x0  }
0xa0: {  	[sflag:s6] =	ssyncadd.s32 s4;
	_ =	sdelay $0x1  }
0xa1: {  	s23 =	simm.s32 $0x1B8B  }
0xa2: {  	_ =	swait.ge [sflag:s23], $0x1  }
0xa3: {  	[sflag:s23] =	ssyncset.done $0x0  }
0xa4: {  	[sflag:s23] =	ssyncadd.s32 $0xFFFFFFFF  }
0xa5: {  	s4 =	sld [smem:$0x0]  }
0xa6: {  	s5 =	sand.u32 $0xFFFFFFFE, s1  }
0xa7: {  	p0 =	sne.s32 s1, s5  }
0xa8: {  	s5 =	sshll.u32 @p0 s5, $0xE  }
0xa9: {  	s5 =	sadd.s32 @p0 $0x11B8D, s5;
	s6 =	sshll.u32 @p0 s4, $0x11  }
0xaa: {  	s5 =	sor.u32 @p0 s6, s5  }
0xab: {  	[sflag:s5] =	ssyncadd.remote.s32 @p0 $0x1;
	_ =	sdelay $0x1  }
0xac: {  	s5 =	simm.s32 @p0 $0x1B8D  }
0xad: {  	_ =	swait.eq @p0 [sflag:s5], $0x1  }
0xae: {  	[sflag:s5] =	ssyncadd.s32 @p0 $0xFFFFFFFF  }
0xaf: {  	s6 =	sshll.u32 @!p0 s1, $0xE  }
0xb0: {  	s6 =	sor.u32 @!p0 $0x4000, s6;
	s5 =	simm.s32 @!p0 $0x1B8D  }
0xb1: {  	s4 =	sshll.u32 @!p0 s4, $0x11;
	s6 =	sadd.s32 @!p0 $0x11B8D, s6;
	_ =	swait.eq @!p0 [sflag:s5], $0x1  }
0xb2: {  	s4 =	sor.u32 @!p0 s4, s6;
	[sflag:s5] =	ssyncadd.s32 @!p0 $0xFFFFFFFF  }
0xb3: {  	s25 =	simm.s32 $0x1B8E;
	s24 =	sld [smem:$0x3FFE];
	[sflag:s4] =	ssyncadd.remote.s32 @!p0 $0x1  }
0xb4: {  	s26 =	simm.s32 $execute0_lowered;
	[smem:$0x3FD2] =	sst s25  }
0xb5: {  	s5 =	sshll.u32 s26, $0x1;
	_ =	strace $0x8000004C;
	[dreg:$0x1] =	wrdreg $0xFFFFFFFF  }
0xb6: {  	s28 =	simm.s32 $_size_execute0_lowered;
	s3 =	sadd.s32 s3, s5;
	[dreg:$0x0] =	wrdreg $0x0  }
0xb7: {  	s5 =	sshll.u32 s28, $0x1;
	[dreg:$0x2] =	wrdreg s3  }
0xb8: {  	[dreg:$0x3] =	wrdreg s5  }
0xb9: {  	[dreg:$0x4] =	wrdreg $0xC0  }
0xba: {  	_ =	task [dreg:s22], $0x5FFFF  }
0xbb: {  	[dreg:$0x1] =	wrdreg $0xFFFFFFFF  }
0xbc: {  	[dreg:$0x0] =	wrdreg $0x60  }
0xbd: {  	[dreg:$0x2] =	wrdreg s24  }
0xbe: {  	[dreg:$0x3] =	wrdreg $0xB  }
0xbf: {  	_ =	task.clear_ibuf [dreg:s22], $0x4FFFF;
	_ =	strace $0x9000004C  }
0xc0: {  	s29 =	simm.s32 $0xB;
	_ =	strace $0x8000004E  }
0xc1: {  	_ =	swait.ge [sflag:s29], $0x1  }
0xc2: {  	[sflag:s29] =	ssyncadd.s32 $0xFFFFFFFF  }
0xc3: {  	_ =	strace $0x9000004E  }
0xc4: {  	_ =	sfence  }
0xc5: {  	s30 =	sld [smem:$0x0];
	_ =	sdelay $0x2  }
0xc6: {  	s31 =	sshll.u32 s1, $0xD;
	s1 =	sshrl.u32 s1, $0x2  }
0xc7: {  	s4 =	sand.u32 $0x4000, s31;
	s1 =	sadd.s32 s1, s30  }
0xc8: {  	s0 =	sor.u32 s4, s0;
	s1 =	sshll.u32 s1, $0x11  }
0xc9: {  	s0 =	sor.u32 s1, s0  }
0xca: {  	s0 =	sadd.s32 $0x8F2B, s0  }
0xcb: {  	[sflag:s0] =	ssyncadd.remote.s32 $0x1  }
0xcc: {  	_ =	sfence.sel $0xFFFF  }
0xcd: {  	[dreg:$0x0] =	wrdreg $0xFFFFFFFF;
	(pc) =	sbr.abs _section_cstart, $3  }
0xce: {  	[dreg:$0x1] =	wrdreg $0xFFFFFFFF  }
0xcf: {  	_ =	task.clear_ibuf [dreg:s22], $0x2FFFF;
	_ =	strace $0x9FFFFFFF  }
0xd0: {  	(tm) =	ssettm $0x7FFFFFFF  }
0xd1: {  	_ =	shalt  }
tec
execute0_lowered:
.L_overlay_start_1:
0x0: {  	(tag) =	ssettag $0x1  }
0x1: {  	s0 =	rddreg [dreg:$0x0];
	s1 =	simm.s32 $0x0  }
0x2: {  	s2 =	srdreg.scid;
	s6 =	stileid.u32;
	s8 =	simm.s32 $0x3  }
0x3: {  	s9 =	simm.s32 $0x800;
	s14 =	simm.s32 $0x3000;
	s15 =	simm.s32 $0x3800  }
0x4: {  	s16 =	simm.s32 $0x4000;
	s17 =	simm.s32 $0x4800;
	s18 =	simm.s32 $0x5000  }
0x5: {  	s19 =	simm.s32 $0x5800;
	s20 =	simm.s32 $0x6000;
	s21 =	simm.s32 $0x6800  }
0x6: {  	s22 =	simm.s32 $0x7000;
	s23 =	simm.s32 $0x7800;
	s24 =	simm.s32 $0x8000  }
0x7: {  	s25 =	simm.s32 $0x8800;
	s28 =	simm.s32 $0x9800;
	s29 =	simm.s32 $0xA000  }
0x8: {  	s30 =	simm.s32 $0x1;
	s31 =	simm.s32 $0x2;
	[smem:$0x7FF] =	sst s1  }
0x9: {  	s2 =	sand.u32 $0x1, s2;
	s4 =	sshll.u32 s6, $0x9;
	s6 =	smul.u32 $0x14000, s6  }
0xa: {  	s5 =	sshll.u32 s2, $0x8;
	s26 =	ssub.s32 $0x2, s2;
	s2 =	smul.u32 $0xA000, s2  }
.Ltmp0:
0xb: {  	s3 =	sadd.s32 $0x1800, s0;
	_ =	strace $0x8000004D;
	(pc) =	sbr.rel .LBB2_1-.Ltmp0, $4  }
0xc: {  	s4 =	sor.u32 s5, s4;
	s6 =	sadd.s32 s6, s0;
	s7 =	sshrl.u32 s26, $0x1  }
0xd: {  	v2 =	vlaneseq.u32;
	s5 =	sadd.s32 $0x1900, s0;
	s4 =	sadd.s32 s4, s0;
	s7 =	ssub.s32 s26, s7  }
0xe: {  	vm0 =	vmmov $0xffff;
	v1 =	vshrl.u32 v2, $0x3;
	s2 =	sadd.s32 s2, s6;
	s26 =	simm.s32 $0x9000;
	s0 =	simm.s32 $0x0  }
0xf: {  	v0 =	vand.u32 $0x7, v2;
	v2 =	vor.u32 $0x8, v2;
	v1 =	vmul.u32 $0x8, v1;
	s4 =	sadd.s32 $0x153200, s4;
	s6 =	smax.u32 s7, $0x1;
	s7 =	sadd.s32 $0x297200, s2  }
.LBB2_4:
0x10: {  	s0 =	sadd.s32 $0x1, s0  }
0x11: {  	p0 =	sne.s32 s0, s6  }
.Ltmp1:
0x12: {  	_ = 	snop;
	(pc) =	sbr.rel @!p0 .LBB2_5-.Ltmp1, $1  }
0x13: {  	_ =	sdelay $0x3  }
.LBB2_1:
0x14: {  	[tilespmem:s1], [sflag:$0x3] =	stream.linear.gather [hbm4b:s4+s1], $0x800, $0x38;
	[tilespmem:$0xA800] =	vst v63  }
0x15: {  	_ =	swait.ge [sflag:s8], $0x800  }
0x16: {  	[sflag:s8] =	ssyncset.done $0x0  }
0x17: {  	[sflag:s8] =	ssyncadd.s32 $0xFFFFF800  }
0x18: {  	v3 =	vld [tilespmem:$0x0];
	_ =	sdelay $0x4  }
0x19: {  	v4 =	vshll.u32 v3, $0x2  }
0x1a: {  	v3 =	vand.u32 $0x7, v3;
	v4 =	vand.u32 $0xFFFFFFE0, v4  }
0x1b: {  	v3 =	vor.u32 v3, v4  }
0x1c: {  	v4 =	vperm.xlane v3, v0;
	_ =	sdelay $0x1  }
0x1d: {  	v4 =	vadd.s32 v1, v4;
	_ =	sdelay $0x1  }
0x1e: {  	v3 =	vperm.xlane v3, v2;
	_ =	sdelay $0x1  }
0x1f: {  	v3 =	vadd.s32 v1, v3  }
0x20: {  	[tilespmem:s9], [sflag:$0x1] =	stream.indirect_vreg.gather [hbm4b:s3+s1], $0x80, v4, vm0, $0xb8;
	[tilespmem:$0xA800] =	vst v63  }
0x21: {  	s2 =	simm.s32 $0x1000  }
0x22: {  	[tilespmem:s2], [sflag:$0x1] =	stream.indirect_vreg.gather [hbm4b:s5+s1], $0x80, v4, vm0, $0xb8;
	[tilespmem:$0xA800] =	vst v63  }
0x23: {  	s11 =	simm.s32 $0x1800  }
0x24: {  	[tilespmem:s11], [sflag:$0x1] =	stream.indirect_vreg.gather [hbm4b:s3+s1], $0x80, v3, vm0, $0xb8;
	[tilespmem:$0xA800] =	vst v63  }
0x25: {  	s12 =	simm.s32 $0x2000  }
0x26: {  	[tilespmem:s12], [sflag:$0x1] =	stream.indirect_vreg.gather [hbm4b:s5+s1], $0x80, v3, vm0, $0xb8;
	[tilespmem:$0xA800] =	vst v63  }
0x27: {  	v3 =	vld [tilespmem:$0x10];
	_ =	sdelay $0x4  }
0x28: {  	v59 =	vshll.u32 v3, $0x2  }
0x29: {  	v3 =	vand.u32 $0x7, v3;
	v4 =	vand.u32 $0xFFFFFFE0, v59  }
0x2a: {  	v3 =	vor.u32 v3, v4  }
0x2b: {  	v4 =	vperm.xlane v3, v0;
	_ =	sdelay $0x1  }
0x2c: {  	v4 =	vadd.s32 v1, v4;
	_ =	sdelay $0x1  }
0x2d: {  	v3 =	vperm.xlane v3, v2;
	_ =	sdelay $0x1  }
0x2e: {  	s13 =	simm.s32 $0x2800;
	v3 =	vadd.s32 v1, v3  }
0x2f: {  	[tilespmem:s13], [sflag:$0x1] =	stream.indirect_vreg.gather [hbm4b:s3+s1], $0x80, v4, vm0, $0xb8;
	[tilespmem:$0xA800] =	vst v63  }
0x30: {  	_ = 	snop  }
0x31: {  	[tilespmem:s14], [sflag:$0x1] =	stream.indirect_vreg.gather [hbm4b:s5+s1], $0x80, v4, vm0, $0xb8;
	[tilespmem:$0xA800] =	vst v63  }
0x32: {  	_ = 	snop  }
0x33: {  	[tilespmem:s15], [sflag:$0x1] =	stream.indirect_vreg.gather [hbm4b:s3+s1], $0x80, v3, vm0, $0xb8;
	[tilespmem:$0xA800] =	vst v63  }
0x34: {  	_ = 	snop  }
0x35: {  	[tilespmem:s16], [sflag:$0x1] =	stream.indirect_vreg.gather [hbm4b:s5+s1], $0x80, v3, vm0, $0xb8;
	[tilespmem:$0xA800] =	vst v63  }
0x36: {  	v3 =	vld.msk [tilespmem:$0x20], $0xff;
	_ =	sdelay $0x4  }
0x37: {  	v60 =	vshll.u32 v3, $0x2  }
0x38: {  	v3 =	vand.u32 $0x7, v3;
	v4 =	vand.u32 $0xFFFFFFE0, v60  }
0x39: {  	v3 =	vor.u32 v3, v4  }
0x3a: {  	v3 =	vperm.xlane v3, v0;
	_ =	sdelay $0x1  }
0x3b: {  	v3 =	vadd.s32 v1, v3;
	_ =	sdelay $0x4  }
0x3c: {  	[tilespmem:s17], [sflag:$0x1] =	stream.indirect_vreg.gather [hbm4b:s3+s1], $0x80, v3, vm0, $0xb8;
	[tilespmem:$0xA800] =	vst v63  }
0x3d: {  	_ = 	snop  }
0x3e: {  	[tilespmem:s18], [sflag:$0x1] =	stream.indirect_vreg.gather [hbm4b:s5+s1], $0x80, v3, vm0, $0xb8;
	[tilespmem:$0xA800] =	vst v63  }
0x3f: {  	v3 =	vld [tilespmem:$0x80];
	_ =	sdelay $0x4  }
0x40: {  	v61 =	vshll.u32 v3, $0x2  }
0x41: {  	v3 =	vand.u32 $0x7, v3;
	v4 =	vand.u32 $0xFFFFFFE0, v61  }
0x42: {  	v3 =	vor.u32 v3, v4  }
0x43: {  	v4 =	vperm.xlane v3, v0;
	_ =	sdelay $0x1  }
0x44: {  	v4 =	vadd.s32 v1, v4;
	_ =	sdelay $0x1  }
0x45: {  	v3 =	vperm.xlane v3, v2;
	_ =	sdelay $0x1  }
0x46: {  	v3 =	vadd.s32 v1, v3  }
0x47: {  	[tilespmem:s19], [sflag:$0x2] =	stream.indirect_vreg.gather [hbm4b:s3+s1], $0x80, v4, vm0, $0xb8;
	[tilespmem:$0xA800] =	vst v63  }
0x48: {  	_ = 	snop  }
0x49: {  	[tilespmem:s20], [sflag:$0x2] =	stream.indirect_vreg.gather [hbm4b:s5+s1], $0x80, v4, vm0, $0xb8;
	[tilespmem:$0xA800] =	vst v63  }
0x4a: {  	_ = 	snop  }
0x4b: {  	[tilespmem:s21], [sflag:$0x2] =	stream.indirect_vreg.gather [hbm4b:s3+s1], $0x80, v3, vm0, $0xb8;
	[tilespmem:$0xA800] =	vst v63  }
0x4c: {  	_ = 	snop  }
0x4d: {  	[tilespmem:s22], [sflag:$0x2] =	stream.indirect_vreg.gather [hbm4b:s5+s1], $0x80, v3, vm0, $0xb8;
	[tilespmem:$0xA800] =	vst v63  }
0x4e: {  	v3 =	vld [tilespmem:$0x90];
	_ =	sdelay $0x4  }
0x4f: {  	v62 =	vshll.u32 v3, $0x2  }
0x50: {  	v3 =	vand.u32 $0x7, v3;
	v4 =	vand.u32 $0xFFFFFFE0, v62  }
0x51: {  	v3 =	vor.u32 v3, v4  }
0x52: {  	v4 =	vperm.xlane v3, v0;
	_ =	sdelay $0x1  }
0x53: {  	v4 =	vadd.s32 v1, v4;
	_ =	sdelay $0x1  }
0x54: {  	v3 =	vperm.xlane v3, v2;
	_ =	sdelay $0x1  }
0x55: {  	v3 =	vadd.s32 v1, v3  }
0x56: {  	[tilespmem:s23], [sflag:$0x2] =	stream.indirect_vreg.gather [hbm4b:s3+s1], $0x80, v4, vm0, $0xb8;
	[tilespmem:$0xA800] =	vst v63  }
0x57: {  	_ = 	snop  }
0x58: {  	[tilespmem:s24], [sflag:$0x2] =	stream.indirect_vreg.gather [hbm4b:s5+s1], $0x80, v4, vm0, $0xb8;
	[tilespmem:$0xA800] =	vst v63  }
0x59: {  	_ = 	snop  }
0x5a: {  	[tilespmem:s25], [sflag:$0x2] =	stream.indirect_vreg.gather [hbm4b:s3+s1], $0x80, v3, vm0, $0xb8;
	[tilespmem:$0xA800] =	vst v63  }
0x5b: {  	_ = 	snop  }
0x5c: {  	[tilespmem:s26], [sflag:$0x2] =	stream.indirect_vreg.gather [hbm4b:s5+s1], $0x80, v3, vm0, $0xb8;
	[tilespmem:$0xA800] =	vst v63  }
0x5d: {  	v3 =	vld.msk [tilespmem:$0xA0], $0xff;
	_ =	sdelay $0x4  }
0x5e: {  	v63 =	vshll.u32 v3, $0x2  }
0x5f: {  	v3 =	vand.u32 $0x7, v3;
	v4 =	vand.u32 $0xFFFFFFE0, v63  }
0x60: {  	v3 =	vor.u32 v3, v4  }
0x61: {  	v3 =	vperm.xlane v3, v0;
	_ =	sdelay $0x1  }
0x62: {  	v3 =	vadd.s32 v1, v3;
	_ =	sdelay $0x4  }
0x63: {  	[tilespmem:s28], [sflag:$0x2] =	stream.indirect_vreg.gather [hbm4b:s3+s1], $0x80, v3, vm0, $0xb8;
	[tilespmem:$0xA800] =	vst v63  }
0x64: {  	s10 =	simm.s32 $0x0;
	s2 =	simm.s32 $0x1A0  }
0x65: {  	[tilespmem:s29], [sflag:$0x2] =	stream.indirect_vreg.gather [hbm4b:s5+s1], $0x80, v3, vm0, $0xb8;
	[tilespmem:$0xA800] =	vst v63  }
.LBB2_2:
0x66: {  	_ =	swait.ge [sflag:s30], $0x5000  }
0x67: {  	[sflag:s30] =	ssyncset.done $0x0  }
0x68: {  	s11 =	sadd.s32 s10, s7;
	[sflag:s30] =	ssyncadd.s32 $0xFFFFB000  }
0x69: {  	[hbm4b:s11+s1] =	stream.linear.scatter [tilespmem:s9], [sflag:$0x3], $0x5000, $0x38;
	[tilespmem:$0xA800] =	vst v63  }
0x6a: {  	_ =	swait.ge [sflag:s8], $0x5000  }
0x6b: {  	[sflag:s8] =	ssyncset.done $0x0  }
0x6c: {  	p0 =	seq.s32 s10, $0x8C00;
	[sflag:s8] =	ssyncadd.s32 $0xFFFFB000  }
0x6d: {  	v3 =	vld @!p0 [tilespmem:s2+$0xFFFFFF60];
	_ =	sdelay $0x4  }
0x6e: {  	v4 =	vshll.u32 @!p0 v3, $0x2  }
0x6f: {  	v5 =	vlaneseq.u32 @!p0;
	v3 =	vand.u32 @!p0 $0x7, v3;
	v4 =	vand.u32 @!p0 $0xFFFFFFE0, v4  }
0x70: {  	v6 =	vshrl.u32 @!p0 v5, $0x3;
	v3 =	vor.u32 @!p0 v3, v4;
	v4 =	vand.u32 @!p0 $0x7, v5  }
0x71: {  	v6 =	vmul.u32 @!p0 $0x8, v6;
	v7 =	vperm.xlane @!p0 v3, v4;
	_ =	sdelay $0x1  }
0x72: {  	v7 =	vadd.s32 @!p0 v6, v7  }
0x73: {  	v5 =	vor.u32 @!p0 $0x8, v5  }
0x74: {  	v3 =	vperm.xlane @!p0 v3, v5;
	_ =	sdelay $0x1  }
0x75: {  	vm1 =	vmmov @!p0 $0xffff;
	s12 =	simm.s32 @!p0 $0x0;
	s13 =	simm.s32 @!p0 $0x800;
	v3 =	vadd.s32 @!p0 v6, v3  }
0x76: {  	[tilespmem:s13], [sflag:$0x1] =	stream.indirect_vreg.gather @!p0 [hbm4b:s3+s12], $0x80, v7, vm1, $0xb8;
	[tilespmem:$0xA800] =	vst v63  }
0x77: {  	s13 =	simm.s32 @!p0 $0x1000  }
0x78: {  	[tilespmem:s13], [sflag:$0x1] =	stream.indirect_vreg.gather @!p0 [hbm4b:s5+s12], $0x80, v7, vm1, $0xb8;
	[tilespmem:$0xA800] =	vst v63  }
0x79: {  	s13 =	simm.s32 @!p0 $0x1800  }
0x7a: {  	[tilespmem:s13], [sflag:$0x1] =	stream.indirect_vreg.gather @!p0 [hbm4b:s3+s12], $0x80, v3, vm1, $0xb8;
	[tilespmem:$0xA800] =	vst v63  }
0x7b: {  	s13 =	simm.s32 @!p0 $0x2000  }
0x7c: {  	[tilespmem:s13], [sflag:$0x1] =	stream.indirect_vreg.gather @!p0 [hbm4b:s5+s12], $0x80, v3, vm1, $0xb8;
	[tilespmem:$0xA800] =	vst v63  }
0x7d: {  	v3 =	vld @!p0 [tilespmem:s2+$0xFFFFFF70];
	_ =	sdelay $0x4  }
0x7e: {  	v7 =	vshll.u32 @!p0 v3, $0x2  }
0x7f: {  	v3 =	vand.u32 @!p0 $0x7, v3;
	v7 =	vand.u32 @!p0 $0xFFFFFFE0, v7  }
0x80: {  	v3 =	vor.u32 @!p0 v3, v7  }
0x81: {  	v7 =	vperm.xlane @!p0 v3, v4;
	_ =	sdelay $0x1  }
0x82: {  	v7 =	vadd.s32 @!p0 v6, v7;
	_ =	sdelay $0x1  }
0x83: {  	v3 =	vperm.xlane @!p0 v3, v5;
	_ =	sdelay $0x1  }
0x84: {  	s13 =	simm.s32 @!p0 $0x2800;
	v3 =	vadd.s32 @!p0 v6, v3  }
0x85: {  	[tilespmem:s13], [sflag:$0x1] =	stream.indirect_vreg.gather @!p0 [hbm4b:s3+s12], $0x80, v7, vm1, $0xb8;
	[tilespmem:$0xA800] =	vst v63  }
0x86: {  	s13 =	simm.s32 @!p0 $0x3000  }
0x87: {  	[tilespmem:s13], [sflag:$0x1] =	stream.indirect_vreg.gather @!p0 [hbm4b:s5+s12], $0x80, v7, vm1, $0xb8;
	[tilespmem:$0xA800] =	vst v63  }
0x88: {  	s13 =	simm.s32 @!p0 $0x3800  }
0x89: {  	[tilespmem:s13], [sflag:$0x1] =	stream.indirect_vreg.gather @!p0 [hbm4b:s3+s12], $0x80, v3, vm1, $0xb8;
	[tilespmem:$0xA800] =	vst v63  }
0x8a: {  	s13 =	simm.s32 @!p0 $0x4000  }
0x8b: {  	[tilespmem:s13], [sflag:$0x1] =	stream.indirect_vreg.gather @!p0 [hbm4b:s5+s12], $0x80, v3, vm1, $0xb8;
	[tilespmem:$0xA800] =	vst v63  }
0x8c: {  	v3 =	vld.msk @!p0 [tilespmem:s2+$0xFFFFFF80], $0xff;
	_ =	sdelay $0x4  }
0x8d: {  	v5 =	vshll.u32 @!p0 v3, $0x2  }
0x8e: {  	v3 =	vand.u32 @!p0 $0x7, v3;
	v5 =	vand.u32 @!p0 $0xFFFFFFE0, v5  }
0x8f: {  	v3 =	vor.u32 @!p0 v3, v5  }
0x90: {  	v3 =	vperm.xlane @!p0 v3, v4;
	_ =	sdelay $0x1  }
0x91: {  	v3 =	vadd.s32 @!p0 v6, v3;
	_ =	sdelay $0x3  }
0x92: {  	s13 =	simm.s32 @!p0 $0x4800  }
0x93: {  	[tilespmem:s13], [sflag:$0x1] =	stream.indirect_vreg.gather @!p0 [hbm4b:s3+s12], $0x80, v3, vm1, $0xb8;
	[tilespmem:$0xA800] =	vst v63  }
0x94: {  	s13 =	simm.s32 @!p0 $0x5000  }
0x95: {  	[tilespmem:s13], [sflag:$0x1] =	stream.indirect_vreg.gather @!p0 [hbm4b:s5+s12], $0x80, v3, vm1, $0xb8;
	[tilespmem:$0xA800] =	vst v63  }
0x96: {  	_ =	swait.ge [sflag:s31], $0x5000  }
0x97: {  	[sflag:s31] =	ssyncset.done $0x0  }
.Ltmp2:
0x98: {  	s11 =	sadd.s32 $0xA00, s11;
	[sflag:s31] =	ssyncadd.s32 $0xFFFFB000;
	(pc) =	sbr.rel @p0 .LBB2_4-.Ltmp2, $4  }
0x99: {  	[hbm4b:s11+s1] =	stream.linear.scatter [tilespmem:s19], [sflag:$0x3], $0x5000, $0x38;
	[tilespmem:$0xA800] =	vst v63  }
0x9a: {  	_ =	swait.ge [sflag:s8], $0x5000  }
0x9b: {  	[sflag:s8] =	ssyncset.done $0x0  }
0x9c: {  	[sflag:s8] =	ssyncadd.s32 $0xFFFFB000  }
0x9d: {  	v3 =	vld [tilespmem:s2+$0xFFFFFFE0];
	_ =	sdelay $0x4  }
0x9e: {  	v4 =	vshll.u32 v3, $0x2  }
0x9f: {  	v3 =	vand.u32 $0x7, v3;
	v4 =	vand.u32 $0xFFFFFFE0, v4  }
0xa0: {  	v3 =	vor.u32 v3, v4  }
0xa1: {  	v4 =	vperm.xlane v3, v0;
	_ =	sdelay $0x1  }
0xa2: {  	v4 =	vadd.s32 v1, v4;
	_ =	sdelay $0x1  }
0xa3: {  	v3 =	vperm.xlane v3, v2;
	_ =	sdelay $0x1  }
0xa4: {  	v3 =	vadd.s32 v1, v3  }
0xa5: {  	[tilespmem:s19], [sflag:$0x2] =	stream.indirect_vreg.gather [hbm4b:s3+s1], $0x80, v4, vm0, $0xb8;
	[tilespmem:$0xA800] =	vst v63  }
0xa6: {  	_ = 	snop  }
0xa7: {  	[tilespmem:s20], [sflag:$0x2] =	stream.indirect_vreg.gather [hbm4b:s5+s1], $0x80, v4, vm0, $0xb8;
	[tilespmem:$0xA800] =	vst v63  }
0xa8: {  	_ = 	snop  }
0xa9: {  	[tilespmem:s21], [sflag:$0x2] =	stream.indirect_vreg.gather [hbm4b:s3+s1], $0x80, v3, vm0, $0xb8;
	[tilespmem:$0xA800] =	vst v63  }
0xaa: {  	_ = 	snop  }
0xab: {  	[tilespmem:s22], [sflag:$0x2] =	stream.indirect_vreg.gather [hbm4b:s5+s1], $0x80, v3, vm0, $0xb8;
	[tilespmem:$0xA800] =	vst v63  }
0xac: {  	v3 =	vld [tilespmem:s2+$0xFFFFFFF0];
	_ =	sdelay $0x4  }
0xad: {  	v62 =	vshll.u32 v3, $0x2  }
0xae: {  	v3 =	vand.u32 $0x7, v3;
	v4 =	vand.u32 $0xFFFFFFE0, v62  }
0xaf: {  	v3 =	vor.u32 v3, v4  }
0xb0: {  	v4 =	vperm.xlane v3, v0;
	_ =	sdelay $0x1  }
0xb1: {  	v4 =	vadd.s32 v1, v4;
	_ =	sdelay $0x1  }
0xb2: {  	v3 =	vperm.xlane v3, v2;
	_ =	sdelay $0x1  }
0xb3: {  	v3 =	vadd.s32 v1, v3  }
0xb4: {  	[tilespmem:s23], [sflag:$0x2] =	stream.indirect_vreg.gather [hbm4b:s3+s1], $0x80, v4, vm0, $0xb8;
	[tilespmem:$0xA800] =	vst v63  }
0xb5: {  	_ = 	snop  }
0xb6: {  	[tilespmem:s24], [sflag:$0x2] =	stream.indirect_vreg.gather [hbm4b:s5+s1], $0x80, v4, vm0, $0xb8;
	[tilespmem:$0xA800] =	vst v63  }
0xb7: {  	_ = 	snop  }
0xb8: {  	[tilespmem:s25], [sflag:$0x2] =	stream.indirect_vreg.gather [hbm4b:s3+s1], $0x80, v3, vm0, $0xb8;
	[tilespmem:$0xA800] =	vst v63  }
0xb9: {  	_ = 	snop  }
0xba: {  	[tilespmem:s26], [sflag:$0x2] =	stream.indirect_vreg.gather [hbm4b:s5+s1], $0x80, v3, vm0, $0xb8;
	[tilespmem:$0xA800] =	vst v63  }
0xbb: {  	v3 =	vld.msk [tilespmem:s2+$0x0], $0xff;
	_ =	sdelay $0x4  }
0xbc: {  	v63 =	vshll.u32 v3, $0x2  }
0xbd: {  	v3 =	vand.u32 $0x7, v3;
	v4 =	vand.u32 $0xFFFFFFE0, v63  }
0xbe: {  	v3 =	vor.u32 v3, v4  }
0xbf: {  	v3 =	vperm.xlane v3, v0;
	_ =	sdelay $0x1  }
0xc0: {  	v3 =	vadd.s32 v1, v3;
	_ =	sdelay $0x2  }
.Ltmp3:
0xc1: {  	_ = 	snop;
	(pc) =	sbr.rel .LBB2_2-.Ltmp3, $4  }
0xc2: {  	_ = 	snop  }
0xc3: {  	[tilespmem:s28], [sflag:$0x2] =	stream.indirect_vreg.gather [hbm4b:s3+s1], $0x80, v3, vm0, $0xb8;
	[tilespmem:$0xA800] =	vst v63  }
0xc4: {  	s10 =	sadd.s32 $0x1400, s10;
	s2 =	sadd.s32 $0x100, s2  }
0xc5: {  	[tilespmem:s29], [sflag:$0x2] =	stream.indirect_vreg.gather [hbm4b:s5+s1], $0x80, v3, vm0, $0xb8;
	[tilespmem:$0xA800] =	vst v63  }
.LBB2_5:
0xc6: {  	_ =	sfence.sel $0x180000  }
0xc7: {  	[bflag:$0x0] =	sbarrier.arrive $0xFFFF  }
0xc8: {  	_ =	strace $0x9000004D  }
0xc9: {  	s0 =	stileid.u32;
	[bflag:$0x2] =	sbarrier.arrive $0xFFFF  }
0xca: {  	p0 =	sne.s32 s0, $0x0;
	s0 =	rddreg [dreg:$0x1]  }
0xcb: {  	s0 =	sadd.s32 @!p0 $0x100000, s0  }
0xcc: {  	[sflag:s0] =	ssyncadd.tile.s32 @!p0 $0x1;
	_ =	shalt  }
.Lfunc_end2:
_tile_overlayer_lowered:
.L_overlay_start_2:
0xcd: {  	(tag) =	ssettag $0x2  }
0xce: {  	s0 =	rddreg [dreg:$0x0];
	s2 =	stileid.u32  }
0xcf: {  	s1 =	rddreg [dreg:$0x1];
	p0 =	sne.s32 s2, $0x0  }
0xd0: {  	s3 =	rddreg [dreg:$0x2];
	[bflag:$0x3] =	sbarrier.arrive $0xFFFF;
	s2 =	simm.s32 @!p0 $0x1C03  }
0xd1: {  	[timem:s3], [sflag:s2] =	dma.local @!p0 [hbm:s0], s1  }
0xd2: {  	s0 =	simm.s32 @!p0 $0x3  }
0xd3: {  	_ =	swait.ge @!p0 [sflag:s0], s1  }
0xd4: {  	s1 =	ssub.s32 @!p0 $0x0, s1;
	[sflag:s0] =	ssyncset.done @!p0 $0x0  }
0xd5: {  	[sflag:s0] =	ssyncadd.s32 @!p0 s1  }
0xd6: {  	[bflag:$0x3] =	sbarrier.arrive $0xFFFF  }
0xd7: {  	_ =	shalt  }

// kernel: kernel.20.cloned.1.call-start
scs
__scs_entry_jumppad:
0x0: {  	(pc) =	sbr.rel $0x88, $3  }
0x1: {  	(tag) =	ssettag $0x0;
	lr =	simm.s32 $0x1  }
0x2: {  	[smem:$0x3F9D] =	sst lr;
	_ =	strace $0xD0000000  }
0x3: {  	_ = 	snop  }
0x4: {  	_ = 	snop  }
0x5: {  	_ = 	snop  }
0x6: {  	_ = 	snop  }
0x7: {  	_ = 	snop  }
__scs_overlays_trampoline_lowered:
0x8: {  	[smem:$0x3FAC] =	sst s0  }
0x9: {  	[smem:$0x3FAD] =	sst s1  }
0xa: {  	[smem:$0x3FAE] =	sst s2  }
0xb: {  	[smem:$0x3FAF] =	sst s3  }
0xc: {  	[smem:$0x3FB0] =	sst s4  }
0xd: {  	[smem:$0x3FB1] =	sst s5  }
0xe: {  	[smem:$0x3FB2] =	sst s6  }
0xf: {  	[smem:$0x3FB3] =	sst s7  }
0x10: {  	[smem:$0x3FB4] =	sst s8  }
0x11: {  	[smem:$0x3FB5] =	sst s9;
	s0 =	simm.s32 @!p0 $0x0  }
0x12: {  	s1 =	sld [smem:$0x3F9B];
	s0 =	simm.s32 @p0 $0x1  }
0x13: {  	[smem:$0x3FB6] =	sst s0;
	s0 =	simm.s32 @!p1 $0x0  }
0x14: {  	s2 =	sld [smem:$0x3F9A];
	s0 =	simm.s32 @p1 $0x1  }
0x15: {  	[smem:$0x3FB7] =	sst s0;
	s0 =	simm.s32 @!p2 $0x0  }
0x16: {  	s3 =	sld [smem:$0x3FDB];
	s0 =	simm.s32 @p2 $0x1  }
0x17: {  	s4 =	simm.s32 $0x1BF5;
	[smem:$0x3FB9] =	sst s0  }
0x18: {  	s0 =	sld [smem:$0x3F9C];
	_ =	swait.ge [sflag:s4], $0x0  }
0x19: {  	s7 =	sld [smem:$0x3F9D]  }
0x1a: {  	s8 =	sadd.s32 $0xFFFFE003, lr  }
0x1b: {  	s9 =	sadd.s32 $0xFFFFFEF7, lr;
	s5 =	simm.s32 $0xFFFFFFFF;
	p2 =	slt.u32 s8, $0xFFFFF086  }
0x1c: {  	p1 =	slt.u32 s9, $0xF7A;
	s5 =	simm.s32 @!p2 $0x0  }
0x1d: {  	s5 =	simm.s32 @p1 $0x1;
	p0 =	seq.s32 s7, s2  }
0x1e: {  	s7 =	smul.u32 @!p0 $0xF7A, s2;
	p2 =	seq.s32 @!p0 s5, $0x0  }
0x1f: {  	s9 =	smul.u32 $0xF7A, s1;
	s8 =	simm.s32 @!p0 $0x1BF5;
	p2 =	por !p2, p0  }
0x20: {  	[sflag:s8] =	ssyncset.s32 @!p0 $0xFFFFF086;
	s6 =	sadd.s32 @!p0 s3, s7;
	s7 =	simm.s32 @!p0 $0x108  }
0x21: {  	s3 =	sadd.s32 s3, s9;
	s6 =	sadd.s32 @!p0 $0x88, s6;
	s7 =	simm.s32 @p2 $0x1082  }
0x22: {  	[simem:s7], [sflag:s8] =	dma.local @!p0 [hbm:s6], $0xF7A  }
0x23: {  	s9 =	sor.u32 $0xD0000000, s2;
	s6 =	simm.s32 $0x108;
	_ =	swait.ge @!p0 [sflag:s8], $0x0  }
0x24: {  	s3 =	sadd.s32 $0x88, s3;
	s6 =	simm.s32 @!p1 $0x1082;
	[sflag:s4] =	ssyncset.s32 $0xFFFFF086  }
0x25: {  	[simem:s6], [sflag:s4] =	dma.local [hbm:s3], $0xF7A  }
0x26: {  	[smem:$0x3F9D] =	sst s1;
	(tag) =	ssettag s2;
	_ =	strace s9  }
0x27: {  	s1 =	sld [smem:$0x3FAD]  }
0x28: {  	s2 =	sld [smem:$0x3FAE]  }
0x29: {  	s4 =	sld [smem:$0x3FB0]  }
0x2a: {  	p0 =	seq.s32 s5, $0x0;
	s5 =	sld [smem:$0x3FB1]  }
0x2b: {  	s6 =	sld [smem:$0x3FB2]  }
0x2c: {  	s7 =	sld [smem:$0x3FB3]  }
0x2d: {  	s3 =	simm.s32 $0x108;
	s8 =	sld [smem:$0x3FB4]  }
0x2e: {  	s3 =	simm.s32 @!p0 $0x1082;
	s9 =	sld [smem:$0x3FB5]  }
0x2f: {  	lr =	sadd.s32 s0, s3;
	s0 =	sld [smem:$0x3FAC]  }
0x30: {  	s3 =	sld [smem:$0x3FAF]  }
0x31: {  	[smem:$0x3FB8] =	sst s10  }
0x32: {  	s10 =	sld [smem:$0x3FB6];
	_ =	sdelay $0x3  }
0x33: {  	p0 =	seq.s32 s10, $0x1;
	s10 =	sld [smem:$0x3FB8];
	_ =	sdelay $0x3  }
0x34: {  	[smem:$0x3FB8] =	sst s10  }
0x35: {  	s10 =	sld [smem:$0x3FB7];
	_ =	sdelay $0x3  }
0x36: {  	p1 =	seq.s32 s10, $0x1;
	s10 =	sld [smem:$0x3FB8];
	_ =	sdelay $0x3  }
0x37: {  	[smem:$0x3FB8] =	sst s10  }
0x38: {  	s10 =	sld [smem:$0x3FB9]  }
0x39: {  	_ = 	snop;
	(pc) =	sbr.ind lr, $3  }
0x3a: {  	_ = 	snop  }
0x3b: {  	_ = 	snop  }
0x3c: {  	p2 =	seq.s32 s10, $0x1;
	s10 =	sld [smem:$0x3FB8]  }
0x3d: {  	_ =	shalt  }
0x3e: {  	_ =	shalt  }
0x3f: {  	_ =	shalt  }
0x40: {  	_ =	shalt  }
0x41: {  	_ =	shalt  }
0x42: {  	_ =	shalt  }
0x43: {  	_ =	shalt  }
0x44: {  	_ =	shalt  }
0x45: {  	_ =	shalt  }
0x46: {  	_ =	shalt  }
0x47: {  	_ =	shalt  }
0x48: {  	_ =	shalt  }
0x49: {  	_ =	shalt  }
0x4a: {  	_ =	shalt  }
0x4b: {  	_ =	shalt  }
0x4c: {  	_ =	shalt  }
0x4d: {  	_ =	shalt  }
0x4e: {  	_ =	shalt  }
0x4f: {  	_ =	shalt  }
0x50: {  	_ =	shalt  }
0x51: {  	_ =	shalt  }
0x52: {  	_ =	shalt  }
0x53: {  	_ =	shalt  }
0x54: {  	_ =	shalt  }
0x55: {  	_ =	shalt  }
0x56: {  	_ =	shalt  }
0x57: {  	_ =	shalt  }
0x58: {  	_ =	shalt  }
0x59: {  	_ =	shalt  }
0x5a: {  	_ =	shalt  }
0x5b: {  	_ =	shalt  }
0x5c: {  	_ =	shalt  }
0x5d: {  	_ =	shalt  }
0x5e: {  	_ =	shalt  }
0x5f: {  	_ =	shalt  }
0x60: {  	_ =	shalt  }
0x61: {  	_ =	shalt  }
0x62: {  	_ =	shalt  }
0x63: {  	_ =	shalt  }
0x64: {  	_ =	shalt  }
0x65: {  	_ =	shalt  }
0x66: {  	_ =	shalt  }
0x67: {  	_ =	shalt  }
0x68: {  	_ =	shalt  }
0x69: {  	_ =	shalt  }
0x6a: {  	_ =	shalt  }
0x6b: {  	_ =	shalt  }
0x6c: {  	_ =	shalt  }
0x6d: {  	_ =	shalt  }
0x6e: {  	_ =	shalt  }
0x6f: {  	_ =	shalt  }
0x70: {  	_ =	shalt  }
0x71: {  	_ =	shalt  }
0x72: {  	_ =	shalt  }
0x73: {  	_ =	shalt  }
0x74: {  	_ =	shalt  }
0x75: {  	_ =	shalt  }
0x76: {  	_ =	shalt  }
0x77: {  	_ =	shalt  }
0x78: {  	_ =	shalt  }
0x79: {  	_ =	shalt  }
0x7a: {  	_ =	shalt  }
0x7b: {  	_ =	shalt  }
0x7c: {  	_ =	shalt  }
0x7d: {  	_ =	shalt  }
0x7e: {  	_ =	shalt  }
0x7f: {  	_ =	shalt  }
0x80: {  	_ =	shalt  }
0x81: {  	_ =	shalt  }
0x82: {  	_ =	shalt  }
0x83: {  	_ =	shalt  }
0x84: {  	_ =	shalt  }
0x85: {  	_ =	shalt  }
0x86: {  	_ =	shalt  }
0x87: {  	_ =	shalt  }
.Lfunc_end0:
.L_simem_size_0:
called_computation.3_lowered:
.L_overlay_start_0:
0x88: {  	s2 =	sld [smem:$0x3FD9]  }
0x89: {  	s3 =	sld [smem:$0x3FFE];
	_ =	sdelay $0x1  }
0x8a: {  	s1 =	srdreg.scid  }
0x8b: {  	s0 =	sand.u32 $0x1, s1  }
0x8c: {  	s17 =	sshll.u32 s0, $0xA;
	s2 =	sadd.s32 s3, s2  }
0x8d: {  	s2 =	sadd.s32 s2, s17  }
0x8e: {  	[smem:$0x3FC4] =	sst s2  }
0x8f: {  	_ = 	snop  }
0x90: {  	(tm) =	ssettm $0x1  }
0x91: {  	s18 =	sld [smem:$0x3FFB];
	_ =	sdelay $0x3  }
0x92: {  	_ =	strace s18  }
0x93: {  	s2 =	sld [smem:$0x3FFC];
	_ =	sdelay $0x3  }
0x94: {  	_ =	strace s2  }
0x95: {  	s2 =	sld [smem:$0x3FFD];
	_ =	sdelay $0x3  }
0x96: {  	_ =	strace s2  }
0x97: {  	_ =	strace $0x8FFFFFFF  }
0x98: {  	s19 =	sld [smem:$0x3FDB];
	_ =	sdelay $0x1  }
0x99: {  	s20 =	simm.s32 $_scs_section_size  }
0x9a: {  	s4 =	simm.s32 $_size__tile_overlayer_lowered;
	s5 =	simm.s32 $_tile_overlayer_lowered  }
0x9b: {  	s6 =	simm.s32 $0x1BFF;
	s21 =	sshll.u32 s5, $0x1;
	s3 =	sadd.s32 s20, s19  }
0x9c: {  	s22 =	simm.s32 $0x0;
	s4 =	sshll.u32 s4, $0x1;
	s5 =	sadd.s32 s21, s3  }
0x9d: {  	[timem:s22], [sflag:s6] =	dma.local [hbm:s5], s4  }
0x9e: {  	_ =	swait.ge [sflag:s6], s4  }
0x9f: {  	s4 =	ssub.s32 $0x0, s4;
	[sflag:s6] =	ssyncset.done $0x0  }
0xa0: {  	[sflag:s6] =	ssyncadd.s32 s4;
	_ =	sdelay $0x1  }
0xa1: {  	s23 =	simm.s32 $0x1B8B  }
0xa2: {  	_ =	swait.ge [sflag:s23], $0x1  }
0xa3: {  	[sflag:s23] =	ssyncset.done $0x0  }
0xa4: {  	[sflag:s23] =	ssyncadd.s32 $0xFFFFFFFF  }
0xa5: {  	s4 =	sld [smem:$0x0]  }
0xa6: {  	s5 =	sand.u32 $0xFFFFFFFE, s1  }
0xa7: {  	p0 =	sne.s32 s1, s5  }
0xa8: {  	s5 =	sshll.u32 @p0 s5, $0xE  }
0xa9: {  	s5 =	sadd.s32 @p0 $0x11B8D, s5;
	s6 =	sshll.u32 @p0 s4, $0x11  }
0xaa: {  	s5 =	sor.u32 @p0 s6, s5  }
0xab: {  	[sflag:s5] =	ssyncadd.remote.s32 @p0 $0x1;
	_ =	sdelay $0x1  }
0xac: {  	s5 =	simm.s32 @p0 $0x1B8D  }
0xad: {  	_ =	swait.eq @p0 [sflag:s5], $0x1  }
0xae: {  	[sflag:s5] =	ssyncadd.s32 @p0 $0xFFFFFFFF  }
0xaf: {  	s6 =	sshll.u32 @!p0 s1, $0xE  }
0xb0: {  	s6 =	sor.u32 @!p0 $0x4000, s6;
	s5 =	simm.s32 @!p0 $0x1B8D  }
0xb1: {  	s4 =	sshll.u32 @!p0 s4, $0x11;
	s6 =	sadd.s32 @!p0 $0x11B8D, s6;
	_ =	swait.eq @!p0 [sflag:s5], $0x1  }
0xb2: {  	s4 =	sor.u32 @!p0 s4, s6;
	[sflag:s5] =	ssyncadd.s32 @!p0 $0xFFFFFFFF  }
0xb3: {  	s25 =	simm.s32 $0x1B8E;
	s24 =	sld [smem:$0x3FFE];
	[sflag:s4] =	ssyncadd.remote.s32 @!p0 $0x1  }
0xb4: {  	s26 =	simm.s32 $execute0_lowered;
	[smem:$0x3FD2] =	sst s25  }
0xb5: {  	s5 =	sshll.u32 s26, $0x1;
	_ =	strace $0x8000004F;
	[dreg:$0x1] =	wrdreg $0xFFFFFFFF  }
0xb6: {  	s28 =	simm.s32 $_size_execute0_lowered;
	s3 =	sadd.s32 s3, s5;
	[dreg:$0x0] =	wrdreg $0x0  }
0xb7: {  	s5 =	sshll.u32 s28, $0x1;
	[dreg:$0x2] =	wrdreg s3  }
0xb8: {  	[dreg:$0x3] =	wrdreg s5  }
0xb9: {  	[dreg:$0x4] =	wrdreg $0xC0  }
0xba: {  	_ =	task [dreg:s22], $0x5FFFF  }
0xbb: {  	[dreg:$0x1] =	wrdreg $0xFFFFFFFF  }
0xbc: {  	[dreg:$0x0] =	wrdreg $0x60  }
0xbd: {  	[dreg:$0x2] =	wrdreg s24  }
0xbe: {  	[dreg:$0x3] =	wrdreg $0xC  }
0xbf: {  	_ =	task.clear_ibuf [dreg:s22], $0x4FFFF;
	_ =	strace $0x9000004F  }
0xc0: {  	s29 =	simm.s32 $0xC;
	_ =	strace $0x80000051  }
0xc1: {  	_ =	swait.ge [sflag:s29], $0x1  }
0xc2: {  	[sflag:s29] =	ssyncadd.s32 $0xFFFFFFFF  }
0xc3: {  	_ =	strace $0x90000051  }
0xc4: {  	_ =	sfence  }
0xc5: {  	s30 =	sld [smem:$0x0];
	_ =	sdelay $0x2  }
0xc6: {  	s31 =	sshll.u32 s1, $0xD;
	s1 =	sshrl.u32 s1, $0x2  }
0xc7: {  	s4 =	sand.u32 $0x4000, s31;
	s1 =	sadd.s32 s1, s30  }
0xc8: {  	s0 =	sor.u32 s4, s0;
	s1 =	sshll.u32 s1, $0x11  }
0xc9: {  	s0 =	sor.u32 s1, s0  }
0xca: {  	s0 =	sadd.s32 $0x8F2B, s0  }
0xcb: {  	[sflag:s0] =	ssyncadd.remote.s32 $0x1  }
0xcc: {  	_ =	sfence.sel $0xFFFF  }
0xcd: {  	[dreg:$0x0] =	wrdreg $0xFFFFFFFF;
	(pc) =	sbr.abs _section_cstart, $3  }
0xce: {  	[dreg:$0x1] =	wrdreg $0xFFFFFFFF  }
0xcf: {  	_ =	task.clear_ibuf [dreg:s22], $0x2FFFF;
	_ =	strace $0x9FFFFFFF  }
0xd0: {  	(tm) =	ssettm $0x7FFFFFFF  }
0xd1: {  	_ =	shalt  }
tec
execute0_lowered:
.L_overlay_start_1:
0x0: {  	(tag) =	ssettag $0x1  }
0x1: {  	s0 =	rddreg [dreg:$0x0];
	s1 =	simm.s32 $0x0  }
0x2: {  	s2 =	srdreg.scid;
	s6 =	stileid.u32;
	s8 =	simm.s32 $0x3  }
0x3: {  	s9 =	simm.s32 $0x800;
	s14 =	simm.s32 $0x3000;
	s15 =	simm.s32 $0x3800  }
0x4: {  	s16 =	simm.s32 $0x4000;
	s17 =	simm.s32 $0x4800;
	s18 =	simm.s32 $0x5000  }
0x5: {  	s19 =	simm.s32 $0x5800;
	s20 =	simm.s32 $0x6000;
	s21 =	simm.s32 $0x6800  }
0x6: {  	s22 =	simm.s32 $0x7000;
	s23 =	simm.s32 $0x7800;
	s24 =	simm.s32 $0x8000  }
0x7: {  	s25 =	simm.s32 $0x8800;
	s28 =	simm.s32 $0x9800;
	s29 =	simm.s32 $0xA000  }
0x8: {  	s30 =	simm.s32 $0x1;
	s31 =	simm.s32 $0x2;
	[smem:$0x7FF] =	sst s1  }
0x9: {  	s2 =	sand.u32 $0x1, s2;
	s4 =	sshll.u32 s6, $0x9;
	s6 =	smul.u32 $0x14000, s6  }
0xa: {  	s5 =	sshll.u32 s2, $0x8;
	s26 =	ssub.s32 $0x2, s2;
	s2 =	smul.u32 $0xA000, s2  }
.Ltmp0:
0xb: {  	s3 =	sadd.s32 $0x1800, s0;
	_ =	strace $0x80000050;
	(pc) =	sbr.rel .LBB2_1-.Ltmp0, $4  }
0xc: {  	s4 =	sor.u32 s5, s4;
	s6 =	sadd.s32 s6, s0;
	s7 =	sshrl.u32 s26, $0x1  }
0xd: {  	v2 =	vlaneseq.u32;
	s5 =	sadd.s32 $0x1900, s0;
	s4 =	sadd.s32 s4, s0;
	s7 =	ssub.s32 s26, s7  }
0xe: {  	vm0 =	vmmov $0xffff;
	v1 =	vshrl.u32 v2, $0x3;
	s2 =	sadd.s32 s2, s6;
	s26 =	simm.s32 $0x9000;
	s0 =	simm.s32 $0x0  }
0xf: {  	v0 =	vand.u32 $0x7, v2;
	v2 =	vor.u32 $0x8, v2;
	v1 =	vmul.u32 $0x8, v1;
	s4 =	sadd.s32 $0x155200, s4;
	s6 =	smax.u32 s7, $0x1;
	s7 =	sadd.s32 $0x3D7200, s2  }
.LBB2_4:
0x10: {  	s0 =	sadd.s32 $0x1, s0  }
0x11: {  	p0 =	sne.s32 s0, s6  }
.Ltmp1:
0x12: {  	_ = 	snop;
	(pc) =	sbr.rel @!p0 .LBB2_5-.Ltmp1, $1  }
0x13: {  	_ =	sdelay $0x3  }
.LBB2_1:
0x14: {  	[tilespmem:s1], [sflag:$0x3] =	stream.linear.gather [hbm4b:s4+s1], $0x800, $0x38;
	[tilespmem:$0xA800] =	vst v63  }
0x15: {  	_ =	swait.ge [sflag:s8], $0x800  }
0x16: {  	[sflag:s8] =	ssyncset.done $0x0  }
0x17: {  	[sflag:s8] =	ssyncadd.s32 $0xFFFFF800  }
0x18: {  	v3 =	vld [tilespmem:$0x0];
	_ =	sdelay $0x4  }
0x19: {  	v4 =	vshll.u32 v3, $0x2  }
0x1a: {  	v3 =	vand.u32 $0x7, v3;
	v4 =	vand.u32 $0xFFFFFFE0, v4  }
0x1b: {  	v3 =	vor.u32 v3, v4  }
0x1c: {  	v4 =	vperm.xlane v3, v0;
	_ =	sdelay $0x1  }
0x1d: {  	v4 =	vadd.s32 v1, v4;
	_ =	sdelay $0x1  }
0x1e: {  	v3 =	vperm.xlane v3, v2;
	_ =	sdelay $0x1  }
0x1f: {  	v3 =	vadd.s32 v1, v3  }
0x20: {  	[tilespmem:s9], [sflag:$0x1] =	stream.indirect_vreg.gather [hbm4b:s3+s1], $0x80, v4, vm0, $0xb8;
	[tilespmem:$0xA800] =	vst v63  }
0x21: {  	s2 =	simm.s32 $0x1000  }
0x22: {  	[tilespmem:s2], [sflag:$0x1] =	stream.indirect_vreg.gather [hbm4b:s5+s1], $0x80, v4, vm0, $0xb8;
	[tilespmem:$0xA800] =	vst v63  }
0x23: {  	s11 =	simm.s32 $0x1800  }
0x24: {  	[tilespmem:s11], [sflag:$0x1] =	stream.indirect_vreg.gather [hbm4b:s3+s1], $0x80, v3, vm0, $0xb8;
	[tilespmem:$0xA800] =	vst v63  }
0x25: {  	s12 =	simm.s32 $0x2000  }
0x26: {  	[tilespmem:s12], [sflag:$0x1] =	stream.indirect_vreg.gather [hbm4b:s5+s1], $0x80, v3, vm0, $0xb8;
	[tilespmem:$0xA800] =	vst v63  }
0x27: {  	v3 =	vld [tilespmem:$0x10];
	_ =	sdelay $0x4  }
0x28: {  	v59 =	vshll.u32 v3, $0x2  }
0x29: {  	v3 =	vand.u32 $0x7, v3;
	v4 =	vand.u32 $0xFFFFFFE0, v59  }
0x2a: {  	v3 =	vor.u32 v3, v4  }
0x2b: {  	v4 =	vperm.xlane v3, v0;
	_ =	sdelay $0x1  }
0x2c: {  	v4 =	vadd.s32 v1, v4;
	_ =	sdelay $0x1  }
0x2d: {  	v3 =	vperm.xlane v3, v2;
	_ =	sdelay $0x1  }
0x2e: {  	s13 =	simm.s32 $0x2800;
	v3 =	vadd.s32 v1, v3  }
0x2f: {  	[tilespmem:s13], [sflag:$0x1] =	stream.indirect_vreg.gather [hbm4b:s3+s1], $0x80, v4, vm0, $0xb8;
	[tilespmem:$0xA800] =	vst v63  }
0x30: {  	_ = 	snop  }
0x31: {  	[tilespmem:s14], [sflag:$0x1] =	stream.indirect_vreg.gather [hbm4b:s5+s1], $0x80, v4, vm0, $0xb8;
	[tilespmem:$0xA800] =	vst v63  }
0x32: {  	_ = 	snop  }
0x33: {  	[tilespmem:s15], [sflag:$0x1] =	stream.indirect_vreg.gather [hbm4b:s3+s1], $0x80, v3, vm0, $0xb8;
	[tilespmem:$0xA800] =	vst v63  }
0x34: {  	_ = 	snop  }
0x35: {  	[tilespmem:s16], [sflag:$0x1] =	stream.indirect_vreg.gather [hbm4b:s5+s1], $0x80, v3, vm0, $0xb8;
	[tilespmem:$0xA800] =	vst v63  }
0x36: {  	v3 =	vld.msk [tilespmem:$0x20], $0xff;
	_ =	sdelay $0x4  }
0x37: {  	v60 =	vshll.u32 v3, $0x2  }
0x38: {  	v3 =	vand.u32 $0x7, v3;
	v4 =	vand.u32 $0xFFFFFFE0, v60  }
0x39: {  	v3 =	vor.u32 v3, v4  }
0x3a: {  	v3 =	vperm.xlane v3, v0;
	_ =	sdelay $0x1  }
0x3b: {  	v3 =	vadd.s32 v1, v3;
	_ =	sdelay $0x4  }
0x3c: {  	[tilespmem:s17], [sflag:$0x1] =	stream.indirect_vreg.gather [hbm4b:s3+s1], $0x80, v3, vm0, $0xb8;
	[tilespmem:$0xA800] =	vst v63  }
0x3d: {  	_ = 	snop  }
0x3e: {  	[tilespmem:s18], [sflag:$0x1] =	stream.indirect_vreg.gather [hbm4b:s5+s1], $0x80, v3, vm0, $0xb8;
	[tilespmem:$0xA800] =	vst v63  }
0x3f: {  	v3 =	vld [tilespmem:$0x80];
	_ =	sdelay $0x4  }
0x40: {  	v61 =	vshll.u32 v3, $0x2  }
0x41: {  	v3 =	vand.u32 $0x7, v3;
	v4 =	vand.u32 $0xFFFFFFE0, v61  }
0x42: {  	v3 =	vor.u32 v3, v4  }
0x43: {  	v4 =	vperm.xlane v3, v0;
	_ =	sdelay $0x1  }
0x44: {  	v4 =	vadd.s32 v1, v4;
	_ =	sdelay $0x1  }
0x45: {  	v3 =	vperm.xlane v3, v2;
	_ =	sdelay $0x1  }
0x46: {  	v3 =	vadd.s32 v1, v3  }
0x47: {  	[tilespmem:s19], [sflag:$0x2] =	stream.indirect_vreg.gather [hbm4b:s3+s1], $0x80, v4, vm0, $0xb8;
	[tilespmem:$0xA800] =	vst v63  }
0x48: {  	_ = 	snop  }
0x49: {  	[tilespmem:s20], [sflag:$0x2] =	stream.indirect_vreg.gather [hbm4b:s5+s1], $0x80, v4, vm0, $0xb8;
	[tilespmem:$0xA800] =	vst v63  }
0x4a: {  	_ = 	snop  }
0x4b: {  	[tilespmem:s21], [sflag:$0x2] =	stream.indirect_vreg.gather [hbm4b:s3+s1], $0x80, v3, vm0, $0xb8;
	[tilespmem:$0xA800] =	vst v63  }
0x4c: {  	_ = 	snop  }
0x4d: {  	[tilespmem:s22], [sflag:$0x2] =	stream.indirect_vreg.gather [hbm4b:s5+s1], $0x80, v3, vm0, $0xb8;
	[tilespmem:$0xA800] =	vst v63  }
0x4e: {  	v3 =	vld [tilespmem:$0x90];
	_ =	sdelay $0x4  }
0x4f: {  	v62 =	vshll.u32 v3, $0x2  }
0x50: {  	v3 =	vand.u32 $0x7, v3;
	v4 =	vand.u32 $0xFFFFFFE0, v62  }
0x51: {  	v3 =	vor.u32 v3, v4  }
0x52: {  	v4 =	vperm.xlane v3, v0;
	_ =	sdelay $0x1  }
0x53: {  	v4 =	vadd.s32 v1, v4;
	_ =	sdelay $0x1  }
0x54: {  	v3 =	vperm.xlane v3, v2;
	_ =	sdelay $0x1  }
0x55: {  	v3 =	vadd.s32 v1, v3  }
0x56: {  	[tilespmem:s23], [sflag:$0x2] =	stream.indirect_vreg.gather [hbm4b:s3+s1], $0x80, v4, vm0, $0xb8;
	[tilespmem:$0xA800] =	vst v63  }
0x57: {  	_ = 	snop  }
0x58: {  	[tilespmem:s24], [sflag:$0x2] =	stream.indirect_vreg.gather [hbm4b:s5+s1], $0x80, v4, vm0, $0xb8;
	[tilespmem:$0xA800] =	vst v63  }
0x59: {  	_ = 	snop  }
0x5a: {  	[tilespmem:s25], [sflag:$0x2] =	stream.indirect_vreg.gather [hbm4b:s3+s1], $0x80, v3, vm0, $0xb8;
	[tilespmem:$0xA800] =	vst v63  }
0x5b: {  	_ = 	snop  }
0x5c: {  	[tilespmem:s26], [sflag:$0x2] =	stream.indirect_vreg.gather [hbm4b:s5+s1], $0x80, v3, vm0, $0xb8;
	[tilespmem:$0xA800] =	vst v63  }
0x5d: {  	v3 =	vld.msk [tilespmem:$0xA0], $0xff;
	_ =	sdelay $0x4  }
0x5e: {  	v63 =	vshll.u32 v3, $0x2  }
0x5f: {  	v3 =	vand.u32 $0x7, v3;
	v4 =	vand.u32 $0xFFFFFFE0, v63  }
0x60: {  	v3 =	vor.u32 v3, v4  }
0x61: {  	v3 =	vperm.xlane v3, v0;
	_ =	sdelay $0x1  }
0x62: {  	v3 =	vadd.s32 v1, v3;
	_ =	sdelay $0x4  }
0x63: {  	[tilespmem:s28], [sflag:$0x2] =	stream.indirect_vreg.gather [hbm4b:s3+s1], $0x80, v3, vm0, $0xb8;
	[tilespmem:$0xA800] =	vst v63  }
0x64: {  	s10 =	simm.s32 $0x0;
	s2 =	simm.s32 $0x1A0  }
0x65: {  	[tilespmem:s29], [sflag:$0x2] =	stream.indirect_vreg.gather [hbm4b:s5+s1], $0x80, v3, vm0, $0xb8;
	[tilespmem:$0xA800] =	vst v63  }
.LBB2_2:
0x66: {  	_ =	swait.ge [sflag:s30], $0x5000  }
0x67: {  	[sflag:s30] =	ssyncset.done $0x0  }
0x68: {  	s11 =	sadd.s32 s10, s7;
	[sflag:s30] =	ssyncadd.s32 $0xFFFFB000  }
0x69: {  	[hbm4b:s11+s1] =	stream.linear.scatter [tilespmem:s9], [sflag:$0x3], $0x5000, $0x38;
	[tilespmem:$0xA800] =	vst v63  }
0x6a: {  	_ =	swait.ge [sflag:s8], $0x5000  }
0x6b: {  	[sflag:s8] =	ssyncset.done $0x0  }
0x6c: {  	p0 =	seq.s32 s10, $0x8C00;
	[sflag:s8] =	ssyncadd.s32 $0xFFFFB000  }
0x6d: {  	v3 =	vld @!p0 [tilespmem:s2+$0xFFFFFF60];
	_ =	sdelay $0x4  }
0x6e: {  	v4 =	vshll.u32 @!p0 v3, $0x2  }
0x6f: {  	v5 =	vlaneseq.u32 @!p0;
	v3 =	vand.u32 @!p0 $0x7, v3;
	v4 =	vand.u32 @!p0 $0xFFFFFFE0, v4  }
0x70: {  	v6 =	vshrl.u32 @!p0 v5, $0x3;
	v3 =	vor.u32 @!p0 v3, v4;
	v4 =	vand.u32 @!p0 $0x7, v5  }
0x71: {  	v6 =	vmul.u32 @!p0 $0x8, v6;
	v7 =	vperm.xlane @!p0 v3, v4;
	_ =	sdelay $0x1  }
0x72: {  	v7 =	vadd.s32 @!p0 v6, v7  }
0x73: {  	v5 =	vor.u32 @!p0 $0x8, v5  }
0x74: {  	v3 =	vperm.xlane @!p0 v3, v5;
	_ =	sdelay $0x1  }
0x75: {  	vm1 =	vmmov @!p0 $0xffff;
	s12 =	simm.s32 @!p0 $0x0;
	s13 =	simm.s32 @!p0 $0x800;
	v3 =	vadd.s32 @!p0 v6, v3  }
0x76: {  	[tilespmem:s13], [sflag:$0x1] =	stream.indirect_vreg.gather @!p0 [hbm4b:s3+s12], $0x80, v7, vm1, $0xb8;
	[tilespmem:$0xA800] =	vst v63  }
0x77: {  	s13 =	simm.s32 @!p0 $0x1000  }
0x78: {  	[tilespmem:s13], [sflag:$0x1] =	stream.indirect_vreg.gather @!p0 [hbm4b:s5+s12], $0x80, v7, vm1, $0xb8;
	[tilespmem:$0xA800] =	vst v63  }
0x79: {  	s13 =	simm.s32 @!p0 $0x1800  }
0x7a: {  	[tilespmem:s13], [sflag:$0x1] =	stream.indirect_vreg.gather @!p0 [hbm4b:s3+s12], $0x80, v3, vm1, $0xb8;
	[tilespmem:$0xA800] =	vst v63  }
0x7b: {  	s13 =	simm.s32 @!p0 $0x2000  }
0x7c: {  	[tilespmem:s13], [sflag:$0x1] =	stream.indirect_vreg.gather @!p0 [hbm4b:s5+s12], $0x80, v3, vm1, $0xb8;
	[tilespmem:$0xA800] =	vst v63  }
0x7d: {  	v3 =	vld @!p0 [tilespmem:s2+$0xFFFFFF70];
	_ =	sdelay $0x4  }
0x7e: {  	v7 =	vshll.u32 @!p0 v3, $0x2  }
0x7f: {  	v3 =	vand.u32 @!p0 $0x7, v3;
	v7 =	vand.u32 @!p0 $0xFFFFFFE0, v7  }
0x80: {  	v3 =	vor.u32 @!p0 v3, v7  }
0x81: {  	v7 =	vperm.xlane @!p0 v3, v4;
	_ =	sdelay $0x1  }
0x82: {  	v7 =	vadd.s32 @!p0 v6, v7;
	_ =	sdelay $0x1  }
0x83: {  	v3 =	vperm.xlane @!p0 v3, v5;
	_ =	sdelay $0x1  }
0x84: {  	s13 =	simm.s32 @!p0 $0x2800;
	v3 =	vadd.s32 @!p0 v6, v3  }
0x85: {  	[tilespmem:s13], [sflag:$0x1] =	stream.indirect_vreg.gather @!p0 [hbm4b:s3+s12], $0x80, v7, vm1, $0xb8;
	[tilespmem:$0xA800] =	vst v63  }
0x86: {  	s13 =	simm.s32 @!p0 $0x3000  }
0x87: {  	[tilespmem:s13], [sflag:$0x1] =	stream.indirect_vreg.gather @!p0 [hbm4b:s5+s12], $0x80, v7, vm1, $0xb8;
	[tilespmem:$0xA800] =	vst v63  }
0x88: {  	s13 =	simm.s32 @!p0 $0x3800  }
0x89: {  	[tilespmem:s13], [sflag:$0x1] =	stream.indirect_vreg.gather @!p0 [hbm4b:s3+s12], $0x80, v3, vm1, $0xb8;
	[tilespmem:$0xA800] =	vst v63  }
0x8a: {  	s13 =	simm.s32 @!p0 $0x4000  }
0x8b: {  	[tilespmem:s13], [sflag:$0x1] =	stream.indirect_vreg.gather @!p0 [hbm4b:s5+s12], $0x80, v3, vm1, $0xb8;
	[tilespmem:$0xA800] =	vst v63  }
0x8c: {  	v3 =	vld.msk @!p0 [tilespmem:s2+$0xFFFFFF80], $0xff;
	_ =	sdelay $0x4  }
0x8d: {  	v5 =	vshll.u32 @!p0 v3, $0x2  }
0x8e: {  	v3 =	vand.u32 @!p0 $0x7, v3;
	v5 =	vand.u32 @!p0 $0xFFFFFFE0, v5  }
0x8f: {  	v3 =	vor.u32 @!p0 v3, v5  }
0x90: {  	v3 =	vperm.xlane @!p0 v3, v4;
	_ =	sdelay $0x1  }
0x91: {  	v3 =	vadd.s32 @!p0 v6, v3;
	_ =	sdelay $0x3  }
0x92: {  	s13 =	simm.s32 @!p0 $0x4800  }
0x93: {  	[tilespmem:s13], [sflag:$0x1] =	stream.indirect_vreg.gather @!p0 [hbm4b:s3+s12], $0x80, v3, vm1, $0xb8;
	[tilespmem:$0xA800] =	vst v63  }
0x94: {  	s13 =	simm.s32 @!p0 $0x5000  }
0x95: {  	[tilespmem:s13], [sflag:$0x1] =	stream.indirect_vreg.gather @!p0 [hbm4b:s5+s12], $0x80, v3, vm1, $0xb8;
	[tilespmem:$0xA800] =	vst v63  }
0x96: {  	_ =	swait.ge [sflag:s31], $0x5000  }
0x97: {  	[sflag:s31] =	ssyncset.done $0x0  }
.Ltmp2:
0x98: {  	s11 =	sadd.s32 $0xA00, s11;
	[sflag:s31] =	ssyncadd.s32 $0xFFFFB000;
	(pc) =	sbr.rel @p0 .LBB2_4-.Ltmp2, $4  }
0x99: {  	[hbm4b:s11+s1] =	stream.linear.scatter [tilespmem:s19], [sflag:$0x3], $0x5000, $0x38;
	[tilespmem:$0xA800] =	vst v63  }
0x9a: {  	_ =	swait.ge [sflag:s8], $0x5000  }
0x9b: {  	[sflag:s8] =	ssyncset.done $0x0  }
0x9c: {  	[sflag:s8] =	ssyncadd.s32 $0xFFFFB000  }
0x9d: {  	v3 =	vld [tilespmem:s2+$0xFFFFFFE0];
	_ =	sdelay $0x4  }
0x9e: {  	v4 =	vshll.u32 v3, $0x2  }
0x9f: {  	v3 =	vand.u32 $0x7, v3;
	v4 =	vand.u32 $0xFFFFFFE0, v4  }
0xa0: {  	v3 =	vor.u32 v3, v4  }
0xa1: {  	v4 =	vperm.xlane v3, v0;
	_ =	sdelay $0x1  }
0xa2: {  	v4 =	vadd.s32 v1, v4;
	_ =	sdelay $0x1  }
0xa3: {  	v3 =	vperm.xlane v3, v2;
	_ =	sdelay $0x1  }
0xa4: {  	v3 =	vadd.s32 v1, v3  }
0xa5: {  	[tilespmem:s19], [sflag:$0x2] =	stream.indirect_vreg.gather [hbm4b:s3+s1], $0x80, v4, vm0, $0xb8;
	[tilespmem:$0xA800] =	vst v63  }
0xa6: {  	_ = 	snop  }
0xa7: {  	[tilespmem:s20], [sflag:$0x2] =	stream.indirect_vreg.gather [hbm4b:s5+s1], $0x80, v4, vm0, $0xb8;
	[tilespmem:$0xA800] =	vst v63  }
0xa8: {  	_ = 	snop  }
0xa9: {  	[tilespmem:s21], [sflag:$0x2] =	stream.indirect_vreg.gather [hbm4b:s3+s1], $0x80, v3, vm0, $0xb8;
	[tilespmem:$0xA800] =	vst v63  }
0xaa: {  	_ = 	snop  }
0xab: {  	[tilespmem:s22], [sflag:$0x2] =	stream.indirect_vreg.gather [hbm4b:s5+s1], $0x80, v3, vm0, $0xb8;
	[tilespmem:$0xA800] =	vst v63  }
0xac: {  	v3 =	vld [tilespmem:s2+$0xFFFFFFF0];
	_ =	sdelay $0x4  }
0xad: {  	v62 =	vshll.u32 v3, $0x2  }
0xae: {  	v3 =	vand.u32 $0x7, v3;
	v4 =	vand.u32 $0xFFFFFFE0, v62  }
0xaf: {  	v3 =	vor.u32 v3, v4  }
0xb0: {  	v4 =	vperm.xlane v3, v0;
	_ =	sdelay $0x1  }
0xb1: {  	v4 =	vadd.s32 v1, v4;
	_ =	sdelay $0x1  }
0xb2: {  	v3 =	vperm.xlane v3, v2;
	_ =	sdelay $0x1  }
0xb3: {  	v3 =	vadd.s32 v1, v3  }
0xb4: {  	[tilespmem:s23], [sflag:$0x2] =	stream.indirect_vreg.gather [hbm4b:s3+s1], $0x80, v4, vm0, $0xb8;
	[tilespmem:$0xA800] =	vst v63  }
0xb5: {  	_ = 	snop  }
0xb6: {  	[tilespmem:s24], [sflag:$0x2] =	stream.indirect_vreg.gather [hbm4b:s5+s1], $0x80, v4, vm0, $0xb8;
	[tilespmem:$0xA800] =	vst v63  }
0xb7: {  	_ = 	snop  }
0xb8: {  	[tilespmem:s25], [sflag:$0x2] =	stream.indirect_vreg.gather [hbm4b:s3+s1], $0x80, v3, vm0, $0xb8;
	[tilespmem:$0xA800] =	vst v63  }
0xb9: {  	_ = 	snop  }
0xba: {  	[tilespmem:s26], [sflag:$0x2] =	stream.indirect_vreg.gather [hbm4b:s5+s1], $0x80, v3, vm0, $0xb8;
	[tilespmem:$0xA800] =	vst v63  }
0xbb: {  	v3 =	vld.msk [tilespmem:s2+$0x0], $0xff;
	_ =	sdelay $0x4  }
0xbc: {  	v63 =	vshll.u32 v3, $0x2  }
0xbd: {  	v3 =	vand.u32 $0x7, v3;
	v4 =	vand.u32 $0xFFFFFFE0, v63  }
0xbe: {  	v3 =	vor.u32 v3, v4  }
0xbf: {  	v3 =	vperm.xlane v3, v0;
	_ =	sdelay $0x1  }
0xc0: {  	v3 =	vadd.s32 v1, v3;
	_ =	sdelay $0x2  }
.Ltmp3:
0xc1: {  	_ = 	snop;
	(pc) =	sbr.rel .LBB2_2-.Ltmp3, $4  }
0xc2: {  	_ = 	snop  }
0xc3: {  	[tilespmem:s28], [sflag:$0x2] =	stream.indirect_vreg.gather [hbm4b:s3+s1], $0x80, v3, vm0, $0xb8;
	[tilespmem:$0xA800] =	vst v63  }
0xc4: {  	s10 =	sadd.s32 $0x1400, s10;
	s2 =	sadd.s32 $0x100, s2  }
0xc5: {  	[tilespmem:s29], [sflag:$0x2] =	stream.indirect_vreg.gather [hbm4b:s5+s1], $0x80, v3, vm0, $0xb8;
	[tilespmem:$0xA800] =	vst v63  }
.LBB2_5:
0xc6: {  	_ =	sfence.sel $0x180000  }
0xc7: {  	[bflag:$0x0] =	sbarrier.arrive $0xFFFF  }
0xc8: {  	_ =	strace $0x90000050  }
0xc9: {  	s0 =	stileid.u32;
	[bflag:$0x2] =	sbarrier.arrive $0xFFFF  }
0xca: {  	p0 =	sne.s32 s0, $0x0;
	s0 =	rddreg [dreg:$0x1]  }
0xcb: {  	s0 =	sadd.s32 @!p0 $0x100000, s0  }
0xcc: {  	[sflag:s0] =	ssyncadd.tile.s32 @!p0 $0x1;
	_ =	shalt  }
.Lfunc_end2:
_tile_overlayer_lowered:
.L_overlay_start_2:
0xcd: {  	(tag) =	ssettag $0x2  }
0xce: {  	s0 =	rddreg [dreg:$0x0];
	s2 =	stileid.u32  }
0xcf: {  	s1 =	rddreg [dreg:$0x1];
	p0 =	sne.s32 s2, $0x0  }
0xd0: {  	s3 =	rddreg [dreg:$0x2];
	[bflag:$0x3] =	sbarrier.arrive $0xFFFF;
	s2 =	simm.s32 @!p0 $0x1C03  }
0xd1: {  	[timem:s3], [sflag:s2] =	dma.local @!p0 [hbm:s0], s1  }
0xd2: {  	s0 =	simm.s32 @!p0 $0x3  }
0xd3: {  	_ =	swait.ge @!p0 [sflag:s0], s1  }
0xd4: {  	s1 =	ssub.s32 @!p0 $0x0, s1;
	[sflag:s0] =	ssyncset.done @!p0 $0x0  }
0xd5: {  	[sflag:s0] =	ssyncadd.s32 @!p0 s1  }
0xd6: {  	[bflag:$0x3] =	sbarrier.arrive $0xFFFF  }
0xd7: {  	_ =	shalt  }

</sc_bundles>
